<compile_context>
chip_gen: v7x
topology: tpu7x:2x2x1
jax: 0.10.2.dev20260603
libtpu: 0.0.44.dev20260713+nightly
codegen_flags: <defaults>
</compile_context>

<pallas_src>
import functools

import jax
import jax.numpy as jnp
from jax import lax
from jax.experimental import pallas as pl
from jax.experimental.pallas import tpu as pltpu
from jax.experimental.pallas import tpu_sc as plsc

NC = 2
NS = 16
CB = 128


def _tc_matmul_split(x, w):
  m = x.shape[0]
  h = w.shape[1]
  hh = h // 2

  def body(x_ref, w_ref, o1_ref, o2_ref):
    xw = jnp.dot(x_ref[...], w_ref[...], preferred_element_type=jnp.float32)
    o1_ref[...] = xw[:, :hh]
    o2_ref[...] = xw[:, hh:]

  return pl.pallas_call(
      body,
      out_shape=[jax.ShapeDtypeStruct((m, hh), jnp.float32),
                 jax.ShapeDtypeStruct((m, hh), jnp.float32)],
  )(x, w)


def _tc_relu_matmul_split(p, w):
  _, n_pad, k = p.shape
  h = w.shape[1]
  hh = h // 2

  def body(p_ref, w_ref, o1_ref, o2_ref):
    h1l = jnp.maximum(p_ref[0], 0.0)
    h1r = jnp.maximum(p_ref[1], 0.0)
    y = (jnp.dot(h1l, w_ref[:k], preferred_element_type=jnp.float32)
         + jnp.dot(h1r, w_ref[k:], preferred_element_type=jnp.float32))
    o1_ref[...] = y[:, :hh]
    o2_ref[...] = y[:, hh:]

  return pl.pallas_call(
      body,
      out_shape=[jax.ShapeDtypeStruct((n_pad, hh), jnp.float32),
                 jax.ShapeDtypeStruct((n_pad, hh), jnp.float32)],
  )(p, w)


@functools.lru_cache(maxsize=None)
def _make_spmm_col(n_pad, h, ept, tanh_out):
  rows_pt = n_pad // NS
  bpt = ept // CB
  mesh = plsc.VectorSubcoreMesh(core_axis_name="c", subcore_axis_name="s")

  @functools.partial(
      pl.kernel,
      out_type=(jax.ShapeDtypeStruct((n_pad, NC * h), jnp.float32)
                if tanh_out else
                jax.ShapeDtypeStruct((NC, n_pad, h), jnp.float32)),
      mesh=mesh,
      compiler_params=pltpu.CompilerParams(use_tc_tiling_on_sc=False),
      scratch_types=[
          pltpu.VMEM_SHARED((n_pad, h), jnp.float32),
          pltpu.VMEM_SHARED((n_pad, h), jnp.float32),
          pltpu.VMEM((3, CB, h), jnp.float32),
          pltpu.VMEM((bpt, CB), jnp.int32),
          pltpu.VMEM((bpt, CB), jnp.int32),
          pltpu.VMEM((ept,), jnp.float32),
          pltpu.SemaphoreType.DMA,
          pltpu.SemaphoreType.DMA,
          pltpu.SemaphoreType.DMA,
          pltpu.SemaphoreType.DMA,
          pltpu.SemaphoreType.DMA,
          pltpu.SemaphoreType.DMA,
          pltpu.SemaphoreType.DMA,
      ],
  )
  def spmm(feat0_hbm, feat1_hbm, edge_hbm, w_hbm, out_hbm,
           acc, sfeat, rows, sidx, didx, wbuf, lsem, gs0, gs1, gs2,
           ss0, ss1, ss2):
    c = lax.axis_index("c")
    s = lax.axis_index("s")

    bb = s * bpt
    ld_s = pltpu.async_copy(edge_hbm.at[0, pl.ds(bb, bpt)], sidx, lsem)
    ld_d = pltpu.async_copy(edge_hbm.at[1, pl.ds(bb, bpt)], didx, lsem)
    ld_w = pltpu.async_copy(w_hbm.at[pl.ds(s * ept, ept)], wbuf, lsem)

    @pl.loop(0, CB)
    def _(r):
      for cb in range(h // 16):
        rows[0, r, pl.ds(cb * 16, 16)] = jnp.zeros((16,), jnp.float32)

    @pl.loop(0, rows_pt // CB)
    def _(j):
      rb = s * rows_pt + j * CB
      pltpu.sync_copy(rows.at[0], acc.at[pl.ds(rb, CB)])

      @pl.when(c == 0)
      def _():
        pltpu.sync_copy(feat0_hbm.at[pl.ds(rb, CB)],
                        sfeat.at[pl.ds(rb, CB)])

      @pl.when(c == 1)
      def _():
        pltpu.sync_copy(feat1_hbm.at[pl.ds(rb, CB)],
                        sfeat.at[pl.ds(rb, CB)])

    ld_s.wait()
    ld_d.wait()
    ld_w.wait()

    gsems = (gs0, gs1, gs2)
    ssems = (ss0, ss1, ss2)

    def start_gather(it, b):
      pltpu.async_copy(sfeat.at[sidx.at[it]], rows.at[b], gsems[b])

    def wait_gather(it, b):
      pltpu.make_async_copy(sfeat.at[sidx.at[it]], rows.at[b],
                            gsems[b]).wait()

    def scale(it, b):
      @pl.loop(0, CB // 16)
      def _(g):
        w16 = wbuf[pl.ds(it * CB + g * 16, 16)]
        ews = []
        for j in range(16):
          ews.append(lax.gather(
              w16, jnp.full((16, 1), j, jnp.int32),
              lax.GatherDimensionNumbers(
                  offset_dims=(), collapsed_slice_dims=(0,),
                  start_index_map=(0,)),
              slice_sizes=(1,),
              mode=lax.GatherScatterMode.PROMISE_IN_BOUNDS))
        for cb in range(h // 16):
          sl = pl.ds(cb * 16, 16)
          vals = [rows[b, g * 16 + j, sl] * ews[j] for j in range(16)]
          for j in range(16):
            rows[b, g * 16 + j, sl] = vals[j]

    def start_scatter(it, b):
      pltpu.async_copy(rows.at[b], acc.at[didx.at[it]], ssems[b], add=True)

    def drain_scatter(it, b):
      pltpu.make_async_copy(rows.at[b], acc.at[didx.at[it]],
                            ssems[b]).wait()

    plsc.subcore_barrier()
    start_gather(0, 0)
    start_gather(1, 1)

    n3 = bpt // 3

    @pl.loop(0, n3)
    def _(i3):
      for b in range(3):
        k = i3 * 3 + b
        wait_gather(k, b)
        scale(k, b)
        start_scatter(k, b)
        b2 = (b + 2) % 3
        if b == 0:
          @pl.when(i3 >= 1)
          def _():
            drain_scatter(k - 1, b2)
          start_gather(k + 2, b2)
        else:
          @pl.when(i3 < n3 - 1)
          def _():
            drain_scatter(k - 1, b2)
            start_gather(k + 2, b2)

    drain_scatter(bpt - 3, 0)
    drain_scatter(bpt - 2, 1)
    drain_scatter(bpt - 1, 2)
    plsc.subcore_barrier()

    @pl.loop(0, rows_pt // CB)
    def _(j):
      rb = s * rows_pt + j * CB
      if tanh_out:
        pltpu.sync_copy(acc.at[pl.ds(rb, CB)], rows.at[0])

        @pl.loop(0, CB // 8)
        def _(r8):
          for dr in range(8):
            r = r8 * 8 + dr
            for cb in range(h // 16):
              sl = pl.ds(cb * 16, 16)
              v = rows[0, r, sl]
              e2 = jnp.exp(v * 2.0)
              rows[0, r, sl] = 1.0 - 2.0 / (e2 + 1.0)

        pltpu.sync_copy(rows.at[0],
                        out_hbm.at[pl.ds(rb, CB), pl.ds(c * h, h)])
      else:
        pltpu.sync_copy(acc.at[pl.ds(rb, CB)], out_hbm.at[c, pl.ds(rb, CB)])

  return spmm


def kernel(x, edge_index, edge_weight, W1, W2):
  n = x.shape[0]
  e = edge_index.shape[1]

  ept = -(-e // (NS * CB * 3)) * (CB * 3)
  e_pad = NS * ept
  n_pad = -(-n // (NS * CB)) * (NS * CB)

  eidx = edge_index.astype(jnp.int32)
  w = edge_weight.astype(jnp.float32)
  if e_pad != e:
    eidx = jnp.pad(eidx, ((0, 0), (0, e_pad - e)))
    w = jnp.concatenate([w, jnp.zeros((e_pad - e,), jnp.float32)])
  eidx = eidx.reshape(2, e_pad // CB, CB)

  if n_pad != n:
    x = jnp.concatenate(
        [x, jnp.zeros((n_pad - n, x.shape[1]), jnp.float32)])

  h1w = W1.shape[1]
  h2w = W2.shape[1]

  xw_l, xw_r = _tc_matmul_split(x, W1)
  p = _make_spmm_col(n_pad, h1w // 2, ept, False)(
      xw_l, xw_r, eidx, w)
  y2_l, y2_r = _tc_relu_matmul_split(p, W2)
  q = _make_spmm_col(n_pad, h2w // 2, ept, True)(
      y2_l, y2_r, eidx, w)
  return q[:n]

# --- scband reference (transcript-rebuilt; emitter-appended) ---
"""Pipeline reference for scband-time-invariant-node-2233382994132 (READ-ONLY COPY).

The authoritative reference and input builder live on the scoring server;
editing this copy changes nothing except your own understanding.
"""

import jax, jax.numpy as jnp
import numpy as np

N = 10000
E = 320000
D = 128
H1 = 64
H2 = 32


def setup_inputs(seed: int = 0) -> dict:
    key = jax.random.key(seed)
    k1, k2, k3, k4, k5 = jax.random.split(key, 5)
    x = jax.random.normal(k1, (N, D), dtype=jnp.float32)
    edge_index = jax.random.randint(k2, (2, E), 0, N, dtype=jnp.int64)
    edge_weight = jax.random.uniform(k3, (E,), dtype=jnp.float32)
    W1 = jax.random.normal(k4, (D, H1), dtype=jnp.float32) * 0.05
    W2 = jax.random.normal(k5, (H1, H2), dtype=jnp.float32) * 0.05
    return {"x": x, "edge_index": edge_index, "edge_weight": edge_weight, "W1": W1, "W2": W2}


def reference(x, edge_index, edge_weight, W1, W2):
    # TimeInvariantNode forward (dropout=0 at inference):
    #   first_embeds  = relu(A @ (x @ W1))   (GraphConvolutionSparseMulti)
    #   second_embeds = tanh(A @ (h1 @ W2))  (GraphConvolutionMulti)
    src = edge_index[0]
    dst = edge_index[1]
    num_nodes = x.shape[0]

    def spmm(vals):
        # sparse A (weighted edges) times dense matrix: gather + scatter-add
        msgs = jnp.take(vals, src, axis=0) * edge_weight[:, None]
        return jax.ops.segment_sum(msgs, dst, num_segments=num_nodes)

    h1 = jax.nn.relu(spmm(x @ W1))
    h2 = jnp.tanh(spmm(h1 @ W2))
    return h2

if __name__ == "__main__":
    import jax
    _d = setup_inputs()
    print(jax.jit(kernel)(*tuple(_d.values())))

</pallas_src>

<mosaic_0001>
#map = affine_map<(d0, d1) -> (0, 0)>
#map1 = affine_map<(d0, d1) -> (0, 0, 0)>
#map2 = affine_map<(d0, d1) -> (0)>
module attributes {stable_mosaic.version = 14 : i64} {
  func.func @spmm(%arg0: i32, %arg1: i32, %arg2: memref<10240x32xf32, #tpu.memory_space<hbm>>, %arg3: memref<10240x32xf32, #tpu.memory_space<hbm>>, %arg4: memref<2x2544x128xi32, #tpu.memory_space<hbm>>, %arg5: memref<325632xf32, #tpu.memory_space<hbm>>, %arg6: memref<2x10240x32xf32, #tpu.memory_space<hbm>>, %arg7: memref<10240x32xf32, #tpu.memory_space<vmem_shared>>, %arg8: memref<10240x32xf32, #tpu.memory_space<vmem_shared>>, %arg9: memref<3x128x32xf32, #tpu.memory_space<vmem>>, %arg10: memref<159x128xi32, #tpu.memory_space<vmem>>, %arg11: memref<159x128xi32, #tpu.memory_space<vmem>>, %arg12: memref<20352xf32, #tpu.memory_space<vmem>>, %arg13: memref<!tpu.dma_semaphore, #tpu.memory_space<semaphore_mem>>, %arg14: memref<!tpu.dma_semaphore, #tpu.memory_space<semaphore_mem>>, %arg15: memref<!tpu.dma_semaphore, #tpu.memory_space<semaphore_mem>>, %arg16: memref<!tpu.dma_semaphore, #tpu.memory_space<semaphore_mem>>, %arg17: memref<!tpu.dma_semaphore, #tpu.memory_space<semaphore_mem>>, %arg18: memref<!tpu.dma_semaphore, #tpu.memory_space<semaphore_mem>>, %arg19: memref<!tpu.dma_semaphore, #tpu.memory_space<semaphore_mem>>) attributes {dimension_semantics = [#tpu.dimension_semantics<core_parallel>, #tpu.dimension_semantics<subcore_parallel>], iteration_bounds = array<i64: 2, 16>, scalar_prefetch = 0 : i64, scratch_operands = 13 : i64, tpu.core_type = #tpu.core_type<sc_vector_subcore>, window_params = [{transform_indices = #map}, {transform_indices = #map}, {transform_indices = #map1}, {transform_indices = #map2}, {transform_indices = #map1}]} {
    %mul3A = arith.constant 159 : i32
    %mul3A_0 = arith.muli %arg1, %mul3A : i32
    %dma_start3A = arith.constant 0 : i32
    %dma_start3A_1 = arith.constant 0 : i32
    %dma_start3A_2 = tpu.memref_slice %arg4[%dma_start3A, %mul3A_0, %dma_start3A_1] : memref<2x2544x128xi32, #tpu.memory_space<hbm>> -> memref<1x159x128xi32, #tpu.memory_space<hbm>>
    %dma_start3A_3 = tpu.memref_squeeze %dma_start3A_2 : memref<1x159x128xi32, #tpu.memory_space<hbm>> -> memref<159x128xi32, #tpu.memory_space<hbm>>
    %dma_start3A_4 = arith.constant 0 : i32
    %dma_start3A_5 = tpu.memref_slice %arg4[%dma_start3A, %mul3A_0, %dma_start3A_4] : memref<2x2544x128xi32, #tpu.memory_space<hbm>> -> memref<1x159x128xi32, #tpu.memory_space<hbm>>
    %dma_start3A_6 = tpu.memref_squeeze %dma_start3A_5 : memref<1x159x128xi32, #tpu.memory_space<hbm>> -> memref<159x128xi32, #tpu.memory_space<hbm>>
    tpu.enqueue_dma source(%dma_start3A_6 : memref<159x128xi32, #tpu.memory_space<hbm>>) target(%arg10 : memref<159x128xi32, #tpu.memory_space<vmem>>) target_semaphore(%arg13 : memref<!tpu.dma_semaphore, #tpu.memory_space<semaphore_mem>>)
    %dma_start3A_7 = arith.constant 1 : i32
    %dma_start3A_8 = arith.constant 0 : i32
    %dma_start3A_9 = tpu.memref_slice %arg4[%dma_start3A_7, %mul3A_0, %dma_start3A_8] : memref<2x2544x128xi32, #tpu.memory_space<hbm>> -> memref<1x159x128xi32, #tpu.memory_space<hbm>>
    %dma_start3A_10 = tpu.memref_squeeze %dma_start3A_9 : memref<1x159x128xi32, #tpu.memory_space<hbm>> -> memref<159x128xi32, #tpu.memory_space<hbm>>
    %dma_start3A_11 = arith.constant 0 : i32
    %dma_start3A_12 = tpu.memref_slice %arg4[%dma_start3A_7, %mul3A_0, %dma_start3A_11] : memref<2x2544x128xi32, #tpu.memory_space<hbm>> -> memref<1x159x128xi32, #tpu.memory_space<hbm>>
    %dma_start3A_13 = tpu.memref_squeeze %dma_start3A_12 : memref<1x159x128xi32, #tpu.memory_space<hbm>> -> memref<159x128xi32, #tpu.memory_space<hbm>>
    tpu.enqueue_dma source(%dma_start3A_13 : memref<159x128xi32, #tpu.memory_space<hbm>>) target(%arg11 : memref<159x128xi32, #tpu.memory_space<vmem>>) target_semaphore(%arg13 : memref<!tpu.dma_semaphore, #tpu.memory_space<semaphore_mem>>)
    %mul3A_14 = arith.constant 20352 : i32
    %mul3A_15 = arith.muli %arg1, %mul3A_14 : i32
    %dma_start3A_16 = tpu.memref_slice %arg5[%mul3A_15] : memref<325632xf32, #tpu.memory_space<hbm>> -> memref<20352xf32, #tpu.memory_space<hbm>>
    %dma_start3A_17 = tpu.memref_slice %arg5[%mul3A_15] : memref<325632xf32, #tpu.memory_space<hbm>> -> memref<20352xf32, #tpu.memory_space<hbm>>
    tpu.enqueue_dma source(%dma_start3A_17 : memref<20352xf32, #tpu.memory_space<hbm>>) target(%arg12 : memref<20352xf32, #tpu.memory_space<vmem>>) target_semaphore(%arg13 : memref<!tpu.dma_semaphore, #tpu.memory_space<semaphore_mem>>)
    %scan3A = arith.constant 0 : i32
    %scan3A_18 = arith.constant 128 : i32
    %scan3A_19 = arith.addi %scan3A, %scan3A_18 : i32
    %scan3A_20 = arith.constant 1 : i32
    scf.for %scan3A_113 = %scan3A to %scan3A_19 step %scan3A_20  : i32 {
      %mul3A_114 = arith.constant 1 : i32
      %mul3A_115 = arith.muli %scan3A_113, %mul3A_114 : i32
      %add3A = arith.constant 0 : i32
      %add3A_116 = arith.addi %add3A, %mul3A_115 : i32
      %broadcast_in_dim3A = arith.constant 0.000000e+00 : f32
      %broadcast_in_dim3A_117 = vector.broadcast %broadcast_in_dim3A : f32 to vector<16xf32>
      %swap3A = arith.constant 0 : i32
      %swap3A_118 = arith.index_cast %swap3A : i32 to index
      %swap3A_119 = arith.index_cast %add3A_116 : i32 to index
      %swap3A_120 = arith.constant 0 : index
      %swap3A_121 = tpu.vector_load %arg9[%swap3A_118, %swap3A_119, %swap3A_120] {strides = array<i32>} : memref<3x128x32xf32, #tpu.memory_space<vmem>>, vector<1x1x16xf32>,
      %swap3A_122 = vector.shape_cast %swap3A_121 : vector<1x1x16xf32> to vector<16xf32>
      %swap3A_123 = vector.shape_cast %broadcast_in_dim3A_117 : vector<16xf32> to vector<1x1x16xf32>
      tpu.vector_store %arg9[%swap3A_118, %swap3A_119, %swap3A_120], %swap3A_123 {strides = array<i32>} : memref<3x128x32xf32, #tpu.memory_space<vmem>>, vector<1x1x16xf32>,
      %broadcast_in_dim3A_124 = arith.constant 0.000000e+00 : f32
      %broadcast_in_dim3A_125 = vector.broadcast %broadcast_in_dim3A_124 : f32 to vector<16xf32>
      %swap3A_126 = arith.constant 0 : i32
      %swap3A_127 = arith.index_cast %swap3A_126 : i32 to index
      %swap3A_128 = arith.index_cast %add3A_116 : i32 to index
      %swap3A_129 = arith.constant 16 : index
      %swap3A_130 = tpu.vector_load %arg9[%swap3A_127, %swap3A_128, %swap3A_129] {strides = array<i32>} : memref<3x128x32xf32, #tpu.memory_space<vmem>>, vector<1x1x16xf32>,
      %swap3A_131 = vector.shape_cast %swap3A_130 : vector<1x1x16xf32> to vector<16xf32>
      %swap3A_132 = vector.shape_cast %broadcast_in_dim3A_125 : vector<16xf32> to vector<1x1x16xf32>
      tpu.vector_store %arg9[%swap3A_127, %swap3A_128, %swap3A_129], %swap3A_132 {strides = array<i32>} : memref<3x128x32xf32, #tpu.memory_space<vmem>>, vector<1x1x16xf32>,
    }
    %scan3A_21 = arith.constant 128 : i32
    %scan3A_22 = arith.constant 0 : i32
    %scan3A_23 = arith.constant 5 : i32
    %scan3A_24 = arith.addi %scan3A_22, %scan3A_23 : i32
    %scan3A_25 = arith.constant 1 : i32
    scf.for %scan3A_113 = %scan3A_22 to %scan3A_24 step %scan3A_25  : i32 {
      %mul3A_114 = arith.constant 1 : i32
      %mul3A_115 = arith.muli %scan3A_113, %mul3A_114 : i32
      %add3A = arith.constant 0 : i32
      %add3A_116 = arith.addi %add3A, %mul3A_115 : i32
      %mul3A_117 = arith.constant 640 : i32
      %mul3A_118 = arith.muli %arg1, %mul3A_117 : i32
      %mul3A_119 = arith.constant 128 : i32
      %mul3A_120 = arith.muli %add3A_116, %mul3A_119 : i32
      %add3A_121 = arith.addi %mul3A_118, %mul3A_120 : i32
      %run_scoped3A = arith.constant 0 : i32
      "tpu.region"() ({
        %run_scoped3A_129 = tpu.sem_alloc : memref<!tpu.dma_semaphore, #tpu.memory_space<semaphore_mem>>
        %dma_start3A_130 = arith.constant 0 : i32
        %dma_start3A_131 = arith.constant 0 : i32
        %dma_start3A_132 = tpu.memref_slice %arg9[%run_scoped3A, %dma_start3A_130, %dma_start3A_131] : memref<3x128x32xf32, #tpu.memory_space<vmem>> -> memref<1x128x32xf32, #tpu.memory_space<vmem>>
        %dma_start3A_133 = tpu.memref_squeeze %dma_start3A_132 : memref<1x128x32xf32, #tpu.memory_space<vmem>> -> memref<128x32xf32, #tpu.memory_space<vmem>>
        %dma_start3A_134 = arith.constant 0 : i32
        %dma_start3A_135 = tpu.memref_slice %arg7[%add3A_121, %dma_start3A_134] : memref<10240x32xf32, #tpu.memory_space<vmem_shared>> -> memref<128x32xf32, #tpu.memory_space<vmem_shared>>
        %dma_start3A_136 = arith.constant 0 : i32
        %dma_start3A_137 = tpu.memref_slice %arg7[%add3A_121, %dma_start3A_136] : memref<10240x32xf32, #tpu.memory_space<vmem_shared>> -> memref<128x32xf32, #tpu.memory_space<vmem_shared>>
        %dma_start3A_138 = arith.constant 0 : i32
        %dma_start3A_139 = arith.constant 0 : i32
        %dma_start3A_140 = tpu.memref_slice %arg9[%run_scoped3A, %dma_start3A_138, %dma_start3A_139] : memref<3x128x32xf32, #tpu.memory_space<vmem>> -> memref<1x128x32xf32, #tpu.memory_space<vmem>>
        %dma_start3A_141 = tpu.memref_squeeze %dma_start3A_140 : memref<1x128x32xf32, #tpu.memory_space<vmem>> -> memref<128x32xf32, #tpu.memory_space<vmem>>
        tpu.enqueue_dma source(%dma_start3A_141 : memref<128x32xf32, #tpu.memory_space<vmem>>) target(%dma_start3A_137 : memref<128x32xf32, #tpu.memory_space<vmem_shared>>) target_semaphore(%run_scoped3A_129 : memref<!tpu.dma_semaphore, #tpu.memory_space<semaphore_mem>>)
        %dma_wait3A_142 = arith.constant 0 : i32
        %dma_wait3A_143 = arith.constant 0 : i32
        %dma_wait3A_144 = tpu.memref_slice %arg9[%run_scoped3A, %dma_wait3A_142, %dma_wait3A_143] : memref<3x128x32xf32, #tpu.memory_space<vmem>> -> memref<1x128x32xf32, #tpu.memory_space<vmem>>
        %dma_wait3A_145 = tpu.memref_squeeze %dma_wait3A_144 : memref<1x128x32xf32, #tpu.memory_space<vmem>> -> memref<128x32xf32, #tpu.memory_space<vmem>>
        %dma_wait3A_146 = arith.constant 0 : i32
        %dma_wait3A_147 = tpu.memref_slice %arg7[%add3A_121, %dma_wait3A_146] : memref<10240x32xf32, #tpu.memory_space<vmem_shared>> -> memref<128x32xf32, #tpu.memory_space<vmem_shared>>
        %dma_wait3A_148 = arith.constant 0 : i32
        %dma_wait3A_149 = tpu.memref_slice %arg7[%add3A_121, %dma_wait3A_148] : memref<10240x32xf32, #tpu.memory_space<vmem_shared>> -> memref<128x32xf32, #tpu.memory_space<vmem_shared>>
        %dma_wait3A_150 = arith.constant 0 : i32
        %dma_wait3A_151 = arith.constant 0 : i32
        %dma_wait3A_152 = tpu.memref_slice %arg9[%run_scoped3A, %dma_wait3A_150, %dma_wait3A_151] : memref<3x128x32xf32, #tpu.memory_space<vmem>> -> memref<1x128x32xf32, #tpu.memory_space<vmem>>
        %dma_wait3A_153 = tpu.memref_squeeze %dma_wait3A_152 : memref<1x128x32xf32, #tpu.memory_space<vmem>> -> memref<128x32xf32, #tpu.memory_space<vmem>>
        tpu.wait_dma2 semaphore(%run_scoped3A_129 : memref<!tpu.dma_semaphore, #tpu.memory_space<semaphore_mem>>) src(%dma_wait3A_153 : memref<128x32xf32, #tpu.memory_space<vmem>>) dst(%dma_wait3A_149 : memref<128x32xf32, #tpu.memory_space<vmem_shared>>)
        tpu.yield
      }) : () -> ()
      %eq3A = arith.constant 0 : i32
      %eq3A_122 = arith.cmpi eq, %arg0, %eq3A : i32
      %convert_element_type3A = arith.extui %eq3A_122 : i1 to i32
      %cond3A = arith.constant 0 : i32
      %cond3A_123 = arith.cmpi ne, %convert_element_type3A, %cond3A : i32
      scf.if %cond3A_123 {
        "tpu.region"() ({
          %run_scoped3A_129 = tpu.sem_alloc : memref<!tpu.dma_semaphore, #tpu.memory_space<semaphore_mem>>
          %dma_start3A_130 = arith.constant 0 : i32
          %dma_start3A_131 = tpu.memref_slice %arg8[%add3A_121, %dma_start3A_130] : memref<10240x32xf32, #tpu.memory_space<vmem_shared>> -> memref<128x32xf32, #tpu.memory_space<vmem_shared>>
          %dma_start3A_132 = arith.constant 0 : i32
          %dma_start3A_133 = tpu.memref_slice %arg2[%add3A_121, %dma_start3A_132] : memref<10240x32xf32, #tpu.memory_space<hbm>> -> memref<128x32xf32, #tpu.memory_space<hbm>>
          tpu.enqueue_dma source(%dma_start3A_133 : memref<128x32xf32, #tpu.memory_space<hbm>>) target(%dma_start3A_131 : memref<128x32xf32, #tpu.memory_space<vmem_shared>>) target_semaphore(%run_scoped3A_129 : memref<!tpu.dma_semaphore, #tpu.memory_space<semaphore_mem>>)
          %dma_wait3A_134 = arith.constant 0 : i32
          %dma_wait3A_135 = tpu.memref_slice %arg8[%add3A_121, %dma_wait3A_134] : memref<10240x32xf32, #tpu.memory_space<vmem_shared>> -> memref<128x32xf32, #tpu.memory_space<vmem_shared>>
          %dma_wait3A_136 = arith.constant 0 : i32
          %dma_wait3A_137 = tpu.memref_slice %arg2[%add3A_121, %dma_wait3A_136] : memref<10240x32xf32, #tpu.memory_space<hbm>> -> memref<128x32xf32, #tpu.memory_space<hbm>>
          tpu.wait_dma2 semaphore(%run_scoped3A_129 : memref<!tpu.dma_semaphore, #tpu.memory_space<semaphore_mem>>) src(%dma_wait3A_137 : memref<128x32xf32, #tpu.memory_space<hbm>>) dst(%dma_wait3A_135 : memref<128x32xf32, #tpu.memory_space<vmem_shared>>)
          tpu.yield
        }) : () -> ()
      } else {
      }
      %eq3A_124 = arith.constant 1 : i32
      %eq3A_125 = arith.cmpi eq, %arg0, %eq3A_124 : i32
      %convert_element_type3A_126 = arith.extui %eq3A_125 : i1 to i32
      %cond3A_127 = arith.constant 0 : i32
      %cond3A_128 = arith.cmpi ne, %convert_element_type3A_126, %cond3A_127 : i32
      scf.if %cond3A_128 {
        "tpu.region"() ({
          %run_scoped3A_129 = tpu.sem_alloc : memref<!tpu.dma_semaphore, #tpu.memory_space<semaphore_mem>>
          %dma_start3A_130 = arith.constant 0 : i32
          %dma_start3A_131 = tpu.memref_slice %arg8[%add3A_121, %dma_start3A_130] : memref<10240x32xf32, #tpu.memory_space<vmem_shared>> -> memref<128x32xf32, #tpu.memory_space<vmem_shared>>
          %dma_start3A_132 = arith.constant 0 : i32
          %dma_start3A_133 = tpu.memref_slice %arg3[%add3A_121, %dma_start3A_132] : memref<10240x32xf32, #tpu.memory_space<hbm>> -> memref<128x32xf32, #tpu.memory_space<hbm>>
          tpu.enqueue_dma source(%dma_start3A_133 : memref<128x32xf32, #tpu.memory_space<hbm>>) target(%dma_start3A_131 : memref<128x32xf32, #tpu.memory_space<vmem_shared>>) target_semaphore(%run_scoped3A_129 : memref<!tpu.dma_semaphore, #tpu.memory_space<semaphore_mem>>)
          %dma_wait3A_134 = arith.constant 0 : i32
          %dma_wait3A_135 = tpu.memref_slice %arg8[%add3A_121, %dma_wait3A_134] : memref<10240x32xf32, #tpu.memory_space<vmem_shared>> -> memref<128x32xf32, #tpu.memory_space<vmem_shared>>
          %dma_wait3A_136 = arith.constant 0 : i32
          %dma_wait3A_137 = tpu.memref_slice %arg3[%add3A_121, %dma_wait3A_136] : memref<10240x32xf32, #tpu.memory_space<hbm>> -> memref<128x32xf32, #tpu.memory_space<hbm>>
          tpu.wait_dma2 semaphore(%run_scoped3A_129 : memref<!tpu.dma_semaphore, #tpu.memory_space<semaphore_mem>>) src(%dma_wait3A_137 : memref<128x32xf32, #tpu.memory_space<hbm>>) dst(%dma_wait3A_135 : memref<128x32xf32, #tpu.memory_space<vmem_shared>>)
          tpu.yield
        }) : () -> ()
      } else {
      }
    }
    %scan3A_26 = arith.constant 5 : i32
    %dma_wait3A = arith.constant 0 : i32
    %dma_wait3A_27 = arith.constant 0 : i32
    %dma_wait3A_28 = tpu.memref_slice %arg4[%dma_wait3A, %mul3A_0, %dma_wait3A_27] : memref<2x2544x128xi32, #tpu.memory_space<hbm>> -> memref<1x159x128xi32, #tpu.memory_space<hbm>>
    %dma_wait3A_29 = tpu.memref_squeeze %dma_wait3A_28 : memref<1x159x128xi32, #tpu.memory_space<hbm>> -> memref<159x128xi32, #tpu.memory_space<hbm>>
    %dma_wait3A_30 = arith.constant 0 : i32
    %dma_wait3A_31 = tpu.memref_slice %arg4[%dma_wait3A, %mul3A_0, %dma_wait3A_30] : memref<2x2544x128xi32, #tpu.memory_space<hbm>> -> memref<1x159x128xi32, #tpu.memory_space<hbm>>
    %dma_wait3A_32 = tpu.memref_squeeze %dma_wait3A_31 : memref<1x159x128xi32, #tpu.memory_space<hbm>> -> memref<159x128xi32, #tpu.memory_space<hbm>>
    tpu.wait_dma2 semaphore(%arg13 : memref<!tpu.dma_semaphore, #tpu.memory_space<semaphore_mem>>) src(%dma_wait3A_32 : memref<159x128xi32, #tpu.memory_space<hbm>>) dst(%arg10 : memref<159x128xi32, #tpu.memory_space<vmem>>)
    %dma_wait3A_33 = arith.constant 1 : i32
    %dma_wait3A_34 = arith.constant 0 : i32
    %dma_wait3A_35 = tpu.memref_slice %arg4[%dma_wait3A_33, %mul3A_0, %dma_wait3A_34] : memref<2x2544x128xi32, #tpu.memory_space<hbm>> -> memref<1x159x128xi32, #tpu.memory_space<hbm>>
    %dma_wait3A_36 = tpu.memref_squeeze %dma_wait3A_35 : memref<1x159x128xi32, #tpu.memory_space<hbm>> -> memref<159x128xi32, #tpu.memory_space<hbm>>
    %dma_wait3A_37 = arith.constant 0 : i32
    %dma_wait3A_38 = tpu.memref_slice %arg4[%dma_wait3A_33, %mul3A_0, %dma_wait3A_37] : memref<2x2544x128xi32, #tpu.memory_space<hbm>> -> memref<1x159x128xi32, #tpu.memory_space<hbm>>
    %dma_wait3A_39 = tpu.memref_squeeze %dma_wait3A_38 : memref<1x159x128xi32, #tpu.memory_space<hbm>> -> memref<159x128xi32, #tpu.memory_space<hbm>>
    tpu.wait_dma2 semaphore(%arg13 : memref<!tpu.dma_semaphore, #tpu.memory_space<semaphore_mem>>) src(%dma_wait3A_39 : memref<159x128xi32, #tpu.memory_space<hbm>>) dst(%arg11 : memref<159x128xi32, #tpu.memory_space<vmem>>)
    %dma_wait3A_40 = tpu.memref_slice %arg5[%mul3A_15] : memref<325632xf32, #tpu.memory_space<hbm>> -> memref<20352xf32, #tpu.memory_space<hbm>>
    %dma_wait3A_41 = tpu.memref_slice %arg5[%mul3A_15] : memref<325632xf32, #tpu.memory_space<hbm>> -> memref<20352xf32, #tpu.memory_space<hbm>>
    tpu.wait_dma2 semaphore(%arg13 : memref<!tpu.dma_semaphore, #tpu.memory_space<semaphore_mem>>) src(%dma_wait3A_41 : memref<20352xf32, #tpu.memory_space<hbm>>) dst(%arg12 : memref<20352xf32, #tpu.memory_space<vmem>>)
    %barrier3A = arith.constant 0 : index
    tpu.barrier barrier_id(%barrier3A)
    %dma_start3A_42 = arith.constant 0 : i32
    %dma_start3A_43 = arith.constant 0 : i32
    %dma_start3A_44 = arith.constant 0 : i32
    %dma_start3A_45 = arith.constant 0 : i32
    %dma_start3A_46 = tpu.memref_slice %arg9[%dma_start3A_43, %dma_start3A_44, %dma_start3A_45] : memref<3x128x32xf32, #tpu.memory_space<vmem>> -> memref<1x128x32xf32, #tpu.memory_space<vmem>>
    %dma_start3A_47 = tpu.memref_squeeze %dma_start3A_46 : memref<1x128x32xf32, #tpu.memory_space<vmem>> -> memref<128x32xf32, #tpu.memory_space<vmem>>
    %dma_start3A_48 = arith.constant 0 : i32
    %dma_start3A_49 = tpu.memref_slice %arg10[%dma_start3A_42, %dma_start3A_48] : memref<159x128xi32, #tpu.memory_space<vmem>> -> memref<1x128xi32, #tpu.memory_space<vmem>>
    %dma_start3A_50 = tpu.memref_squeeze %dma_start3A_49 : memref<1x128xi32, #tpu.memory_space<vmem>> -> memref<128xi32, #tpu.memory_space<vmem>>
    %dma_start3A_51 = arith.constant 0 : i32
    %dma_start3A_52 = arith.constant 0 : i32
    %dma_start3A_53 = tpu.memref_slice %arg8[%dma_start3A_51, %dma_start3A_52] : memref<10240x32xf32, #tpu.memory_space<vmem_shared>> -> memref<10240x32xf32, #tpu.memory_space<vmem_shared>>
    tpu.enqueue_indirect_dma source(%dma_start3A_53 : memref<10240x32xf32, #tpu.memory_space<vmem_shared>>) target(%dma_start3A_47 : memref<128x32xf32, #tpu.memory_space<vmem>>) offsets(%dma_start3A_50 : memref<128xi32, #tpu.memory_space<vmem>>) semaphore(%arg14 : memref<!tpu.dma_semaphore, #tpu.memory_space<semaphore_mem>>)
    %dma_start3A_54 = arith.constant 1 : i32
    %dma_start3A_55 = arith.constant 1 : i32
    %dma_start3A_56 = arith.constant 0 : i32
    %dma_start3A_57 = arith.constant 0 : i32
    %dma_start3A_58 = tpu.memref_slice %arg9[%dma_start3A_55, %dma_start3A_56, %dma_start3A_57] : memref<3x128x32xf32, #tpu.memory_space<vmem>> -> memref<1x128x32xf32, #tpu.memory_space<vmem>>
    %dma_start3A_59 = tpu.memref_squeeze %dma_start3A_58 : memref<1x128x32xf32, #tpu.memory_space<vmem>> -> memref<128x32xf32, #tpu.memory_space<vmem>>
    %dma_start3A_60 = arith.constant 0 : i32
    %dma_start3A_61 = tpu.memref_slice %arg10[%dma_start3A_54, %dma_start3A_60] : memref<159x128xi32, #tpu.memory_space<vmem>> -> memref<1x128xi32, #tpu.memory_space<vmem>>
    %dma_start3A_62 = tpu.memref_squeeze %dma_start3A_61 : memref<1x128xi32, #tpu.memory_space<vmem>> -> memref<128xi32, #tpu.memory_space<vmem>>
    %dma_start3A_63 = arith.constant 0 : i32
    %dma_start3A_64 = arith.constant 0 : i32
    %dma_start3A_65 = tpu.memref_slice %arg8[%dma_start3A_63, %dma_start3A_64] : memref<10240x32xf32, #tpu.memory_space<vmem_shared>> -> memref<10240x32xf32, #tpu.memory_space<vmem_shared>>
    tpu.enqueue_indirect_dma source(%dma_start3A_65 : memref<10240x32xf32, #tpu.memory_space<vmem_shared>>) target(%dma_start3A_59 : memref<128x32xf32, #tpu.memory_space<vmem>>) offsets(%dma_start3A_62 : memref<128xi32, #tpu.memory_space<vmem>>) semaphore(%arg15 : memref<!tpu.dma_semaphore, #tpu.memory_space<semaphore_mem>>)
    %scan3A_66 = arith.constant 0 : i32
    %scan3A_67 = arith.constant 53 : i32
    %scan3A_68 = arith.addi %scan3A_66, %scan3A_67 : i32
    %scan3A_69 = arith.constant 1 : i32
    scf.for %scan3A_113 = %scan3A_66 to %scan3A_68 step %scan3A_69  : i32 {
      %mul3A_114 = arith.constant 1 : i32
      %mul3A_115 = arith.muli %scan3A_113, %mul3A_114 : i32
      %add3A = arith.constant 0 : i32
      %add3A_116 = arith.addi %add3A, %mul3A_115 : i32
      %mul3A_117 = arith.constant 3 : i32
      %mul3A_118 = arith.muli %add3A_116, %mul3A_117 : i32
      %add3A_119 = arith.constant 0 : i32
      %add3A_120 = arith.addi %mul3A_118, %add3A_119 : i32
      %dma_wait3A_121 = arith.constant 0 : i32
      %dma_wait3A_122 = arith.constant 0 : i32
      %dma_wait3A_123 = arith.constant 0 : i32
      %dma_wait3A_124 = tpu.memref_slice %arg9[%dma_wait3A_121, %dma_wait3A_122, %dma_wait3A_123] : memref<3x128x32xf32, #tpu.memory_space<vmem>> -> memref<1x128x32xf32, #tpu.memory_space<vmem>>
      %dma_wait3A_125 = tpu.memref_squeeze %dma_wait3A_124 : memref<1x128x32xf32, #tpu.memory_space<vmem>> -> memref<128x32xf32, #tpu.memory_space<vmem>>
      %dma_wait3A_126 = arith.constant 0 : i32
      %dma_wait3A_127 = tpu.memref_slice %arg10[%add3A_120, %dma_wait3A_126] : memref<159x128xi32, #tpu.memory_space<vmem>> -> memref<1x128xi32, #tpu.memory_space<vmem>>
      %dma_wait3A_128 = tpu.memref_squeeze %dma_wait3A_127 : memref<1x128xi32, #tpu.memory_space<vmem>> -> memref<128xi32, #tpu.memory_space<vmem>>
      %dma_wait3A_129 = arith.constant 0 : i32
      %dma_wait3A_130 = arith.constant 0 : i32
      %dma_wait3A_131 = tpu.memref_slice %arg8[%dma_wait3A_129, %dma_wait3A_130] : memref<10240x32xf32, #tpu.memory_space<vmem_shared>> -> memref<10240x32xf32, #tpu.memory_space<vmem_shared>>
      tpu.wait_indirect_dma semaphore(%arg14 : memref<!tpu.dma_semaphore, #tpu.memory_space<semaphore_mem>>) src(%dma_wait3A_131 : memref<10240x32xf32, #tpu.memory_space<vmem_shared>>) dst(%dma_wait3A_125 : memref<128x32xf32, #tpu.memory_space<vmem>>)
      %scan3A_132 = arith.constant 0 : i32
      %scan3A_133 = arith.constant 8 : i32
      %scan3A_134 = arith.addi %scan3A_132, %scan3A_133 : i32
      %scan3A_135 = arith.constant 1 : i32
      scf.for %scan3A_234 = %scan3A_132 to %scan3A_134 step %scan3A_135  : i32 {
        %mul3A_235 = arith.constant 1 : i32
        %mul3A_236 = arith.muli %scan3A_234, %mul3A_235 : i32
        %add3A_237 = arith.constant 0 : i32
        %add3A_238 = arith.addi %add3A_237, %mul3A_236 : i32
        %mul3A_239 = arith.constant 128 : i32
        %mul3A_240 = arith.muli %add3A_120, %mul3A_239 : i32
        %mul3A_241 = arith.constant 16 : i32
        %mul3A_242 = arith.muli %add3A_238, %mul3A_241 : i32
        %add3A_243 = arith.addi %mul3A_240, %mul3A_242 : i32
        %get3A = arith.index_cast %add3A_243 : i32 to index
        %get3A_244 = tpu.vector_load %arg12[%get3A] {strides = array<i32>} : memref<20352xf32, #tpu.memory_space<vmem>>, vector<16xf32>,
        %get3A_245 = vector.shape_cast %get3A_244 : vector<16xf32> to vector<16xf32>
        %broadcast_in_dim3A = arith.constant 0 : i32
        %broadcast_in_dim3A_246 = vector.broadcast %broadcast_in_dim3A : i32 to vector<16x1xi32>
        %gather3A = vector.shape_cast %broadcast_in_dim3A_246 : vector<16x1xi32> to vector<16xi32>
        %gather3A_247 = tpu.dynamic_gather %get3A_245[%gather3A] in [0] : vector<16xf32>, vector<16xi32> -> vector<16xf32>
        %broadcast_in_dim3A_248 = arith.constant 1 : i32
        %broadcast_in_dim3A_249 = vector.broadcast %broadcast_in_dim3A_248 : i32 to vector<16x1xi32>
        %gather3A_250 = vector.shape_cast %broadcast_in_dim3A_249 : vector<16x1xi32> to vector<16xi32>
        %gather3A_251 = tpu.dynamic_gather %get3A_245[%gather3A_250] in [0] : vector<16xf32>, vector<16xi32> -> vector<16xf32>
        %broadcast_in_dim3A_252 = arith.constant 2 : i32
        %broadcast_in_dim3A_253 = vector.broadcast %broadcast_in_dim3A_252 : i32 to vector<16x1xi32>
        %gather3A_254 = vector.shape_cast %broadcast_in_dim3A_253 : vector<16x1xi32> to vector<16xi32>
        %gather3A_255 = tpu.dynamic_gather %get3A_245[%gather3A_254] in [0] : vector<16xf32>, vector<16xi32> -> vector<16xf32>
        %broadcast_in_dim3A_256 = arith.constant 3 : i32
        %broadcast_in_dim3A_257 = vector.broadcast %broadcast_in_dim3A_256 : i32 to vector<16x1xi32>
        %gather3A_258 = vector.shape_cast %broadcast_in_dim3A_257 : vector<16x1xi32> to vector<16xi32>
        %gather3A_259 = tpu.dynamic_gather %get3A_245[%gather3A_258] in [0] : vector<16xf32>, vector<16xi32> -> vector<16xf32>
        %broadcast_in_dim3A_260 = arith.constant 4 : i32
        %broadcast_in_dim3A_261 = vector.broadcast %broadcast_in_dim3A_260 : i32 to vector<16x1xi32>
        %gather3A_262 = vector.shape_cast %broadcast_in_dim3A_261 : vector<16x1xi32> to vector<16xi32>
        %gather3A_263 = tpu.dynamic_gather %get3A_245[%gather3A_262] in [0] : vector<16xf32>, vector<16xi32> -> vector<16xf32>
        %broadcast_in_dim3A_264 = arith.constant 5 : i32
        %broadcast_in_dim3A_265 = vector.broadcast %broadcast_in_dim3A_264 : i32 to vector<16x1xi32>
        %gather3A_266 = vector.shape_cast %broadcast_in_dim3A_265 : vector<16x1xi32> to vector<16xi32>
        %gather3A_267 = tpu.dynamic_gather %get3A_245[%gather3A_266] in [0] : vector<16xf32>, vector<16xi32> -> vector<16xf32>
        %broadcast_in_dim3A_268 = arith.constant 6 : i32
        %broadcast_in_dim3A_269 = vector.broadcast %broadcast_in_dim3A_268 : i32 to vector<16x1xi32>
        %gather3A_270 = vector.shape_cast %broadcast_in_dim3A_269 : vector<16x1xi32> to vector<16xi32>
        %gather3A_271 = tpu.dynamic_gather %get3A_245[%gather3A_270] in [0] : vector<16xf32>, vector<16xi32> -> vector<16xf32>
        %broadcast_in_dim3A_272 = arith.constant 7 : i32
        %broadcast_in_dim3A_273 = vector.broadcast %broadcast_in_dim3A_272 : i32 to vector<16x1xi32>
        %gather3A_274 = vector.shape_cast %broadcast_in_dim3A_273 : vector<16x1xi32> to vector<16xi32>
        %gather3A_275 = tpu.dynamic_gather %get3A_245[%gather3A_274] in [0] : vector<16xf32>, vector<16xi32> -> vector<16xf32>
        %broadcast_in_dim3A_276 = arith.constant 8 : i32
        %broadcast_in_dim3A_277 = vector.broadcast %broadcast_in_dim3A_276 : i32 to vector<16x1xi32>
        %gather3A_278 = vector.shape_cast %broadcast_in_dim3A_277 : vector<16x1xi32> to vector<16xi32>
        %gather3A_279 = tpu.dynamic_gather %get3A_245[%gather3A_278] in [0] : vector<16xf32>, vector<16xi32> -> vector<16xf32>
        %broadcast_in_dim3A_280 = arith.constant 9 : i32
        %broadcast_in_dim3A_281 = vector.broadcast %broadcast_in_dim3A_280 : i32 to vector<16x1xi32>
        %gather3A_282 = vector.shape_cast %broadcast_in_dim3A_281 : vector<16x1xi32> to vector<16xi32>
        %gather3A_283 = tpu.dynamic_gather %get3A_245[%gather3A_282] in [0] : vector<16xf32>, vector<16xi32> -> vector<16xf32>
        %broadcast_in_dim3A_284 = arith.constant 10 : i32
        %broadcast_in_dim3A_285 = vector.broadcast %broadcast_in_dim3A_284 : i32 to vector<16x1xi32>
        %gather3A_286 = vector.shape_cast %broadcast_in_dim3A_285 : vector<16x1xi32> to vector<16xi32>
        %gather3A_287 = tpu.dynamic_gather %get3A_245[%gather3A_286] in [0] : vector<16xf32>, vector<16xi32> -> vector<16xf32>
        %broadcast_in_dim3A_288 = arith.constant 11 : i32
        %broadcast_in_dim3A_289 = vector.broadcast %broadcast_in_dim3A_288 : i32 to vector<16x1xi32>
        %gather3A_290 = vector.shape_cast %broadcast_in_dim3A_289 : vector<16x1xi32> to vector<16xi32>
        %gather3A_291 = tpu.dynamic_gather %get3A_245[%gather3A_290] in [0] : vector<16xf32>, vector<16xi32> -> vector<16xf32>
        %broadcast_in_dim3A_292 = arith.constant 12 : i32
        %broadcast_in_dim3A_293 = vector.broadcast %broadcast_in_dim3A_292 : i32 to vector<16x1xi32>
        %gather3A_294 = vector.shape_cast %broadcast_in_dim3A_293 : vector<16x1xi32> to vector<16xi32>
        %gather3A_295 = tpu.dynamic_gather %get3A_245[%gather3A_294] in [0] : vector<16xf32>, vector<16xi32> -> vector<16xf32>
        %broadcast_in_dim3A_296 = arith.constant 13 : i32
        %broadcast_in_dim3A_297 = vector.broadcast %broadcast_in_dim3A_296 : i32 to vector<16x1xi32>
        %gather3A_298 = vector.shape_cast %broadcast_in_dim3A_297 : vector<16x1xi32> to vector<16xi32>
        %gather3A_299 = tpu.dynamic_gather %get3A_245[%gather3A_298] in [0] : vector<16xf32>, vector<16xi32> -> vector<16xf32>
        %broadcast_in_dim3A_300 = arith.constant 14 : i32
        %broadcast_in_dim3A_301 = vector.broadcast %broadcast_in_dim3A_300 : i32 to vector<16x1xi32>
        %gather3A_302 = vector.shape_cast %broadcast_in_dim3A_301 : vector<16x1xi32> to vector<16xi32>
        %gather3A_303 = tpu.dynamic_gather %get3A_245[%gather3A_302] in [0] : vector<16xf32>, vector<16xi32> -> vector<16xf32>
        %broadcast_in_dim3A_304 = arith.constant 15 : i32
        %broadcast_in_dim3A_305 = vector.broadcast %broadcast_in_dim3A_304 : i32 to vector<16x1xi32>
        %gather3A_306 = vector.shape_cast %broadcast_in_dim3A_305 : vector<16x1xi32> to vector<16xi32>
        %gather3A_307 = tpu.dynamic_gather %get3A_245[%gather3A_306] in [0] : vector<16xf32>, vector<16xi32> -> vector<16xf32>
        %mul3A_308 = arith.constant 16 : i32
        %mul3A_309 = arith.muli %add3A_238, %mul3A_308 : i32
        %add3A_310 = arith.constant 0 : i32
        %add3A_311 = arith.addi %mul3A_309, %add3A_310 : i32
        %get3A_312 = arith.constant 0 : i32
        %get3A_313 = arith.index_cast %get3A_312 : i32 to index
        %get3A_314 = arith.index_cast %add3A_311 : i32 to index
        %get3A_315 = arith.constant 0 : index
        %get3A_316 = tpu.vector_load %arg9[%get3A_313, %get3A_314, %get3A_315] {strides = array<i32>} : memref<3x128x32xf32, #tpu.memory_space<vmem>>, vector<1x1x16xf32>,
        %get3A_317 = vector.shape_cast %get3A_316 : vector<1x1x16xf32> to vector<16xf32>
        %mul3A_318 = arith.mulf %get3A_317, %gather3A_247 : vector<16xf32>
        %mul3A_319 = arith.constant 16 : i32
        %mul3A_320 = arith.muli %add3A_238, %mul3A_319 : i32
        %add3A_321 = arith.constant 1 : i32
        %add3A_322 = arith.addi %mul3A_320, %add3A_321 : i32
        %get3A_323 = arith.constant 0 : i32
        %get3A_324 = arith.index_cast %get3A_323 : i32 to index
        %get3A_325 = arith.index_cast %add3A_322 : i32 to index
        %get3A_326 = arith.constant 0 : index
        %get3A_327 = tpu.vector_load %arg9[%get3A_324, %get3A_325, %get3A_326] {strides = array<i32>} : memref<3x128x32xf32, #tpu.memory_space<vmem>>, vector<1x1x16xf32>,
        %get3A_328 = vector.shape_cast %get3A_327 : vector<1x1x16xf32> to vector<16xf32>
        %mul3A_329 = arith.mulf %get3A_328, %gather3A_251 : vector<16xf32>
        %mul3A_330 = arith.constant 16 : i32
        %mul3A_331 = arith.muli %add3A_238, %mul3A_330 : i32
        %add3A_332 = arith.constant 2 : i32
        %add3A_333 = arith.addi %mul3A_331, %add3A_332 : i32
        %get3A_334 = arith.constant 0 : i32
        %get3A_335 = arith.index_cast %get3A_334 : i32 to index
        %get3A_336 = arith.index_cast %add3A_333 : i32 to index
        %get3A_337 = arith.constant 0 : index
        %get3A_338 = tpu.vector_load %arg9[%get3A_335, %get3A_336, %get3A_337] {strides = array<i32>} : memref<3x128x32xf32, #tpu.memory_space<vmem>>, vector<1x1x16xf32>,
        %get3A_339 = vector.shape_cast %get3A_338 : vector<1x1x16xf32> to vector<16xf32>
        %mul3A_340 = arith.mulf %get3A_339, %gather3A_255 : vector<16xf32>
        %mul3A_341 = arith.constant 16 : i32
        %mul3A_342 = arith.muli %add3A_238, %mul3A_341 : i32
        %add3A_343 = arith.constant 3 : i32
        %add3A_344 = arith.addi %mul3A_342, %add3A_343 : i32
        %get3A_345 = arith.constant 0 : i32
        %get3A_346 = arith.index_cast %get3A_345 : i32 to index
        %get3A_347 = arith.index_cast %add3A_344 : i32 to index
        %get3A_348 = arith.constant 0 : index
        %get3A_349 = tpu.vector_load %arg9[%get3A_346, %get3A_347, %get3A_348] {strides = array<i32>} : memref<3x128x32xf32, #tpu.memory_space<vmem>>, vector<1x1x16xf32>,
        %get3A_350 = vector.shape_cast %get3A_349 : vector<1x1x16xf32> to vector<16xf32>
        %mul3A_351 = arith.mulf %get3A_350, %gather3A_259 : vector<16xf32>
        %mul3A_352 = arith.constant 16 : i32
        %mul3A_353 = arith.muli %add3A_238, %mul3A_352 : i32
        %add3A_354 = arith.constant 4 : i32
        %add3A_355 = arith.addi %mul3A_353, %add3A_354 : i32
        %get3A_356 = arith.constant 0 : i32
        %get3A_357 = arith.index_cast %get3A_356 : i32 to index
        %get3A_358 = arith.index_cast %add3A_355 : i32 to index
        %get3A_359 = arith.constant 0 : index
        %get3A_360 = tpu.vector_load %arg9[%get3A_357, %get3A_358, %get3A_359] {strides = array<i32>} : memref<3x128x32xf32, #tpu.memory_space<vmem>>, vector<1x1x16xf32>,
        %get3A_361 = vector.shape_cast %get3A_360 : vector<1x1x16xf32> to vector<16xf32>
        %mul3A_362 = arith.mulf %get3A_361, %gather3A_263 : vector<16xf32>
        %mul3A_363 = arith.constant 16 : i32
        %mul3A_364 = arith.muli %add3A_238, %mul3A_363 : i32
        %add3A_365 = arith.constant 5 : i32
        %add3A_366 = arith.addi %mul3A_364, %add3A_365 : i32
        %get3A_367 = arith.constant 0 : i32
        %get3A_368 = arith.index_cast %get3A_367 : i32 to index
        %get3A_369 = arith.index_cast %add3A_366 : i32 to index
        %get3A_370 = arith.constant 0 : index
        %get3A_371 = tpu.vector_load %arg9[%get3A_368, %get3A_369, %get3A_370] {strides = array<i32>} : memref<3x128x32xf32, #tpu.memory_space<vmem>>, vector<1x1x16xf32>,
        %get3A_372 = vector.shape_cast %get3A_371 : vector<1x1x16xf32> to vector<16xf32>
        %mul3A_373 = arith.mulf %get3A_372, %gather3A_267 : vector<16xf32>
        %mul3A_374 = arith.constant 16 : i32
        %mul3A_375 = arith.muli %add3A_238, %mul3A_374 : i32
        %add3A_376 = arith.constant 6 : i32
        %add3A_377 = arith.addi %mul3A_375, %add3A_376 : i32
        %get3A_378 = arith.constant 0 : i32
        %get3A_379 = arith.index_cast %get3A_378 : i32 to index
        %get3A_380 = arith.index_cast %add3A_377 : i32 to index
        %get3A_381 = arith.constant 0 : index
        %get3A_382 = tpu.vector_load %arg9[%get3A_379, %get3A_380, %get3A_381] {strides = array<i32>} : memref<3x128x32xf32, #tpu.memory_space<vmem>>, vector<1x1x16xf32>,
        %get3A_383 = vector.shape_cast %get3A_382 : vector<1x1x16xf32> to vector<16xf32>
        %mul3A_384 = arith.mulf %get3A_383, %gather3A_271 : vector<16xf32>
        %mul3A_385 = arith.constant 16 : i32
        %mul3A_386 = arith.muli %add3A_238, %mul3A_385 : i32
        %add3A_387 = arith.constant 7 : i32
        %add3A_388 = arith.addi %mul3A_386, %add3A_387 : i32
        %get3A_389 = arith.constant 0 : i32
        %get3A_390 = arith.index_cast %get3A_389 : i32 to index
        %get3A_391 = arith.index_cast %add3A_388 : i32 to index
        %get3A_392 = arith.constant 0 : index
        %get3A_393 = tpu.vector_load %arg9[%get3A_390, %get3A_391, %get3A_392] {strides = array<i32>} : memref<3x128x32xf32, #tpu.memory_space<vmem>>, vector<1x1x16xf32>,
        %get3A_394 = vector.shape_cast %get3A_393 : vector<1x1x16xf32> to vector<16xf32>
        %mul3A_395 = arith.mulf %get3A_394, %gather3A_275 : vector<16xf32>
        %mul3A_396 = arith.constant 16 : i32
        %mul3A_397 = arith.muli %add3A_238, %mul3A_396 : i32
        %add3A_398 = arith.constant 8 : i32
        %add3A_399 = arith.addi %mul3A_397, %add3A_398 : i32
        %get3A_400 = arith.constant 0 : i32
        %get3A_401 = arith.index_cast %get3A_400 : i32 to index
        %get3A_402 = arith.index_cast %add3A_399 : i32 to index
        %get3A_403 = arith.constant 0 : index
        %get3A_404 = tpu.vector_load %arg9[%get3A_401, %get3A_402, %get3A_403] {strides = array<i32>} : memref<3x128x32xf32, #tpu.memory_space<vmem>>, vector<1x1x16xf32>,
        %get3A_405 = vector.shape_cast %get3A_404 : vector<1x1x16xf32> to vector<16xf32>
        %mul3A_406 = arith.mulf %get3A_405, %gather3A_279 : vector<16xf32>
        %mul3A_407 = arith.constant 16 : i32
        %mul3A_408 = arith.muli %add3A_238, %mul3A_407 : i32
        %add3A_409 = arith.constant 9 : i32
        %add3A_410 = arith.addi %mul3A_408, %add3A_409 : i32
        %get3A_411 = arith.constant 0 : i32
        %get3A_412 = arith.index_cast %get3A_411 : i32 to index
        %get3A_413 = arith.index_cast %add3A_410 : i32 to index
        %get3A_414 = arith.constant 0 : index
        %get3A_415 = tpu.vector_load %arg9[%get3A_412, %get3A_413, %get3A_414] {strides = array<i32>} : memref<3x128x32xf32, #tpu.memory_space<vmem>>, vector<1x1x16xf32>,
        %get3A_416 = vector.shape_cast %get3A_415 : vector<1x1x16xf32> to vector<16xf32>
        %mul3A_417 = arith.mulf %get3A_416, %gather3A_283 : vector<16xf32>
        %mul3A_418 = arith.constant 16 : i32
        %mul3A_419 = arith.muli %add3A_238, %mul3A_418 : i32
        %add3A_420 = arith.constant 10 : i32
        %add3A_421 = arith.addi %mul3A_419, %add3A_420 : i32
        %get3A_422 = arith.constant 0 : i32
        %get3A_423 = arith.index_cast %get3A_422 : i32 to index
        %get3A_424 = arith.index_cast %add3A_421 : i32 to index
        %get3A_425 = arith.constant 0 : index
        %get3A_426 = tpu.vector_load %arg9[%get3A_423, %get3A_424, %get3A_425] {strides = array<i32>} : memref<3x128x32xf32, #tpu.memory_space<vmem>>, vector<1x1x16xf32>,
        %get3A_427 = vector.shape_cast %get3A_426 : vector<1x1x16xf32> to vector<16xf32>
        %mul3A_428 = arith.mulf %get3A_427, %gather3A_287 : vector<16xf32>
        %mul3A_429 = arith.constant 16 : i32
        %mul3A_430 = arith.muli %add3A_238, %mul3A_429 : i32
        %add3A_431 = arith.constant 11 : i32
        %add3A_432 = arith.addi %mul3A_430, %add3A_431 : i32
        %get3A_433 = arith.constant 0 : i32
        %get3A_434 = arith.index_cast %get3A_433 : i32 to index
        %get3A_435 = arith.index_cast %add3A_432 : i32 to index
        %get3A_436 = arith.constant 0 : index
        %get3A_437 = tpu.vector_load %arg9[%get3A_434, %get3A_435, %get3A_436] {strides = array<i32>} : memref<3x128x32xf32, #tpu.memory_space<vmem>>, vector<1x1x16xf32>,
        %get3A_438 = vector.shape_cast %get3A_437 : vector<1x1x16xf32> to vector<16xf32>
        %mul3A_439 = arith.mulf %get3A_438, %gather3A_291 : vector<16xf32>
        %mul3A_440 = arith.constant 16 : i32
        %mul3A_441 = arith.muli %add3A_238, %mul3A_440 : i32
        %add3A_442 = arith.constant 12 : i32
        %add3A_443 = arith.addi %mul3A_441, %add3A_442 : i32
        %get3A_444 = arith.constant 0 : i32
        %get3A_445 = arith.index_cast %get3A_444 : i32 to index
        %get3A_446 = arith.index_cast %add3A_443 : i32 to index
        %get3A_447 = arith.constant 0 : index
        %get3A_448 = tpu.vector_load %arg9[%get3A_445, %get3A_446, %get3A_447] {strides = array<i32>} : memref<3x128x32xf32, #tpu.memory_space<vmem>>, vector<1x1x16xf32>,
        %get3A_449 = vector.shape_cast %get3A_448 : vector<1x1x16xf32> to vector<16xf32>
        %mul3A_450 = arith.mulf %get3A_449, %gather3A_295 : vector<16xf32>
        %mul3A_451 = arith.constant 16 : i32
        %mul3A_452 = arith.muli %add3A_238, %mul3A_451 : i32
        %add3A_453 = arith.constant 13 : i32
        %add3A_454 = arith.addi %mul3A_452, %add3A_453 : i32
        %get3A_455 = arith.constant 0 : i32
        %get3A_456 = arith.index_cast %get3A_455 : i32 to index
        %get3A_457 = arith.index_cast %add3A_454 : i32 to index
        %get3A_458 = arith.constant 0 : index
        %get3A_459 = tpu.vector_load %arg9[%get3A_456, %get3A_457, %get3A_458] {strides = array<i32>} : memref<3x128x32xf32, #tpu.memory_space<vmem>>, vector<1x1x16xf32>,
        %get3A_460 = vector.shape_cast %get3A_459 : vector<1x1x16xf32> to vector<16xf32>
        %mul3A_461 = arith.mulf %get3A_460, %gather3A_299 : vector<16xf32>
        %mul3A_462 = arith.constant 16 : i32
        %mul3A_463 = arith.muli %add3A_238, %mul3A_462 : i32
        %add3A_464 = arith.constant 14 : i32
        %add3A_465 = arith.addi %mul3A_463, %add3A_464 : i32
        %get3A_466 = arith.constant 0 : i32
        %get3A_467 = arith.index_cast %get3A_466 : i32 to index
        %get3A_468 = arith.index_cast %add3A_465 : i32 to index
        %get3A_469 = arith.constant 0 : index
        %get3A_470 = tpu.vector_load %arg9[%get3A_467, %get3A_468, %get3A_469] {strides = array<i32>} : memref<3x128x32xf32, #tpu.memory_space<vmem>>, vector<1x1x16xf32>,
        %get3A_471 = vector.shape_cast %get3A_470 : vector<1x1x16xf32> to vector<16xf32>
        %mul3A_472 = arith.mulf %get3A_471, %gather3A_303 : vector<16xf32>
        %mul3A_473 = arith.constant 16 : i32
        %mul3A_474 = arith.muli %add3A_238, %mul3A_473 : i32
        %add3A_475 = arith.constant 15 : i32
        %add3A_476 = arith.addi %mul3A_474, %add3A_475 : i32
        %get3A_477 = arith.constant 0 : i32
        %get3A_478 = arith.index_cast %get3A_477 : i32 to index
        %get3A_479 = arith.index_cast %add3A_476 : i32 to index
        %get3A_480 = arith.constant 0 : index
        %get3A_481 = tpu.vector_load %arg9[%get3A_478, %get3A_479, %get3A_480] {strides = array<i32>} : memref<3x128x32xf32, #tpu.memory_space<vmem>>, vector<1x1x16xf32>,
        %get3A_482 = vector.shape_cast %get3A_481 : vector<1x1x16xf32> to vector<16xf32>
        %mul3A_483 = arith.mulf %get3A_482, %gather3A_307 : vector<16xf32>
        %mul3A_484 = arith.constant 16 : i32
        %mul3A_485 = arith.muli %add3A_238, %mul3A_484 : i32
        %add3A_486 = arith.constant 0 : i32
        %add3A_487 = arith.addi %mul3A_485, %add3A_486 : i32
        %swap3A = arith.constant 0 : i32
        %swap3A_488 = arith.index_cast %swap3A : i32 to index
        %swap3A_489 = arith.index_cast %add3A_487 : i32 to index
        %swap3A_490 = arith.constant 0 : index
        %swap3A_491 = tpu.vector_load %arg9[%swap3A_488, %swap3A_489, %swap3A_490] {strides = array<i32>} : memref<3x128x32xf32, #tpu.memory_space<vmem>>, vector<1x1x16xf32>,
        %swap3A_492 = vector.shape_cast %swap3A_491 : vector<1x1x16xf32> to vector<16xf32>
        %swap3A_493 = vector.shape_cast %mul3A_318 : vector<16xf32> to vector<1x1x16xf32>
        tpu.vector_store %arg9[%swap3A_488, %swap3A_489, %swap3A_490], %swap3A_493 {strides = array<i32>} : memref<3x128x32xf32, #tpu.memory_space<vmem>>, vector<1x1x16xf32>,
        %mul3A_494 = arith.constant 16 : i32
        %mul3A_495 = arith.muli %add3A_238, %mul3A_494 : i32
        %add3A_496 = arith.constant 1 : i32
        %add3A_497 = arith.addi %mul3A_495, %add3A_496 : i32
        %swap3A_498 = arith.constant 0 : i32
        %swap3A_499 = arith.index_cast %swap3A_498 : i32 to index
        %swap3A_500 = arith.index_cast %add3A_497 : i32 to index
        %swap3A_501 = arith.constant 0 : index
        %swap3A_502 = tpu.vector_load %arg9[%swap3A_499, %swap3A_500, %swap3A_501] {strides = array<i32>} : memref<3x128x32xf32, #tpu.memory_space<vmem>>, vector<1x1x16xf32>,
        %swap3A_503 = vector.shape_cast %swap3A_502 : vector<1x1x16xf32> to vector<16xf32>
        %swap3A_504 = vector.shape_cast %mul3A_329 : vector<16xf32> to vector<1x1x16xf32>
        tpu.vector_store %arg9[%swap3A_499, %swap3A_500, %swap3A_501], %swap3A_504 {strides = array<i32>} : memref<3x128x32xf32, #tpu.memory_space<vmem>>, vector<1x1x16xf32>,
        %mul3A_505 = arith.constant 16 : i32
        %mul3A_506 = arith.muli %add3A_238, %mul3A_505 : i32
        %add3A_507 = arith.constant 2 : i32
        %add3A_508 = arith.addi %mul3A_506, %add3A_507 : i32
        %swap3A_509 = arith.constant 0 : i32
        %swap3A_510 = arith.index_cast %swap3A_509 : i32 to index
        %swap3A_511 = arith.index_cast %add3A_508 : i32 to index
        %swap3A_512 = arith.constant 0 : index
        %swap3A_513 = tpu.vector_load %arg9[%swap3A_510, %swap3A_511, %swap3A_512] {strides = array<i32>} : memref<3x128x32xf32, #tpu.memory_space<vmem>>, vector<1x1x16xf32>,
        %swap3A_514 = vector.shape_cast %swap3A_513 : vector<1x1x16xf32> to vector<16xf32>
        %swap3A_515 = vector.shape_cast %mul3A_340 : vector<16xf32> to vector<1x1x16xf32>
        tpu.vector_store %arg9[%swap3A_510, %swap3A_511, %swap3A_512], %swap3A_515 {strides = array<i32>} : memref<3x128x32xf32, #tpu.memory_space<vmem>>, vector<1x1x16xf32>,
        %mul3A_516 = arith.constant 16 : i32
        %mul3A_517 = arith.muli %add3A_238, %mul3A_516 : i32
        %add3A_518 = arith.constant 3 : i32
        %add3A_519 = arith.addi %mul3A_517, %add3A_518 : i32
        %swap3A_520 = arith.constant 0 : i32
        %swap3A_521 = arith.index_cast %swap3A_520 : i32 to index
        %swap3A_522 = arith.index_cast %add3A_519 : i32 to index
        %swap3A_523 = arith.constant 0 : index
        %swap3A_524 = tpu.vector_load %arg9[%swap3A_521, %swap3A_522, %swap3A_523] {strides = array<i32>} : memref<3x128x32xf32, #tpu.memory_space<vmem>>, vector<1x1x16xf32>,
        %swap3A_525 = vector.shape_cast %swap3A_524 : vector<1x1x16xf32> to vector<16xf32>
        %swap3A_526 = vector.shape_cast %mul3A_351 : vector<16xf32> to vector<1x1x16xf32>
        tpu.vector_store %arg9[%swap3A_521, %swap3A_522, %swap3A_523], %swap3A_526 {strides = array<i32>} : memref<3x128x32xf32, #tpu.memory_space<vmem>>, vector<1x1x16xf32>,
        %mul3A_527 = arith.constant 16 : i32
        %mul3A_528 = arith.muli %add3A_238, %mul3A_527 : i32
        %add3A_529 = arith.constant 4 : i32
        %add3A_530 = arith.addi %mul3A_528, %add3A_529 : i32
        %swap3A_531 = arith.constant 0 : i32
        %swap3A_532 = arith.index_cast %swap3A_531 : i32 to index
        %swap3A_533 = arith.index_cast %add3A_530 : i32 to index
        %swap3A_534 = arith.constant 0 : index
        %swap3A_535 = tpu.vector_load %arg9[%swap3A_532, %swap3A_533, %swap3A_534] {strides = array<i32>} : memref<3x128x32xf32, #tpu.memory_space<vmem>>, vector<1x1x16xf32>,
        %swap3A_536 = vector.shape_cast %swap3A_535 : vector<1x1x16xf32> to vector<16xf32>
        %swap3A_537 = vector.shape_cast %mul3A_362 : vector<16xf32> to vector<1x1x16xf32>
        tpu.vector_store %arg9[%swap3A_532, %swap3A_533, %swap3A_534], %swap3A_537 {strides = array<i32>} : memref<3x128x32xf32, #tpu.memory_space<vmem>>, vector<1x1x16xf32>,
        %mul3A_538 = arith.constant 16 : i32
        %mul3A_539 = arith.muli %add3A_238, %mul3A_538 : i32
        %add3A_540 = arith.constant 5 : i32
        %add3A_541 = arith.addi %mul3A_539, %add3A_540 : i32
        %swap3A_542 = arith.constant 0 : i32
        %swap3A_543 = arith.index_cast %swap3A_542 : i32 to index
        %swap3A_544 = arith.index_cast %add3A_541 : i32 to index
        %swap3A_545 = arith.constant 0 : index
        %swap3A_546 = tpu.vector_load %arg9[%swap3A_543, %swap3A_544, %swap3A_545] {strides = array<i32>} : memref<3x128x32xf32, #tpu.memory_space<vmem>>, vector<1x1x16xf32>,
        %swap3A_547 = vector.shape_cast %swap3A_546 : vector<1x1x16xf32> to vector<16xf32>
        %swap3A_548 = vector.shape_cast %mul3A_373 : vector<16xf32> to vector<1x1x16xf32>
        tpu.vector_store %arg9[%swap3A_543, %swap3A_544, %swap3A_545], %swap3A_548 {strides = array<i32>} : memref<3x128x32xf32, #tpu.memory_space<vmem>>, vector<1x1x16xf32>,
        %mul3A_549 = arith.constant 16 : i32
        %mul3A_550 = arith.muli %add3A_238, %mul3A_549 : i32
        %add3A_551 = arith.constant 6 : i32
        %add3A_552 = arith.addi %mul3A_550, %add3A_551 : i32
        %swap3A_553 = arith.constant 0 : i32
        %swap3A_554 = arith.index_cast %swap3A_553 : i32 to index
        %swap3A_555 = arith.index_cast %add3A_552 : i32 to index
        %swap3A_556 = arith.constant 0 : index
        %swap3A_557 = tpu.vector_load %arg9[%swap3A_554, %swap3A_555, %swap3A_556] {strides = array<i32>} : memref<3x128x32xf32, #tpu.memory_space<vmem>>, vector<1x1x16xf32>,
        %swap3A_558 = vector.shape_cast %swap3A_557 : vector<1x1x16xf32> to vector<16xf32>
        %swap3A_559 = vector.shape_cast %mul3A_384 : vector<16xf32> to vector<1x1x16xf32>
        tpu.vector_store %arg9[%swap3A_554, %swap3A_555, %swap3A_556], %swap3A_559 {strides = array<i32>} : memref<3x128x32xf32, #tpu.memory_space<vmem>>, vector<1x1x16xf32>,
        %mul3A_560 = arith.constant 16 : i32
        %mul3A_561 = arith.muli %add3A_238, %mul3A_560 : i32
        %add3A_562 = arith.constant 7 : i32
        %add3A_563 = arith.addi %mul3A_561, %add3A_562 : i32
        %swap3A_564 = arith.constant 0 : i32
        %swap3A_565 = arith.index_cast %swap3A_564 : i32 to index
        %swap3A_566 = arith.index_cast %add3A_563 : i32 to index
        %swap3A_567 = arith.constant 0 : index
        %swap3A_568 = tpu.vector_load %arg9[%swap3A_565, %swap3A_566, %swap3A_567] {strides = array<i32>} : memref<3x128x32xf32, #tpu.memory_space<vmem>>, vector<1x1x16xf32>,
        %swap3A_569 = vector.shape_cast %swap3A_568 : vector<1x1x16xf32> to vector<16xf32>
        %swap3A_570 = vector.shape_cast %mul3A_395 : vector<16xf32> to vector<1x1x16xf32>
        tpu.vector_store %arg9[%swap3A_565, %swap3A_566, %swap3A_567], %swap3A_570 {strides = array<i32>} : memref<3x128x32xf32, #tpu.memory_space<vmem>>, vector<1x1x16xf32>,
        %mul3A_571 = arith.constant 16 : i32
        %mul3A_572 = arith.muli %add3A_238, %mul3A_571 : i32
        %add3A_573 = arith.constant 8 : i32
        %add3A_574 = arith.addi %mul3A_572, %add3A_573 : i32
        %swap3A_575 = arith.constant 0 : i32
        %swap3A_576 = arith.index_cast %swap3A_575 : i32 to index
        %swap3A_577 = arith.index_cast %add3A_574 : i32 to index
        %swap3A_578 = arith.constant 0 : index
        %swap3A_579 = tpu.vector_load %arg9[%swap3A_576, %swap3A_577, %swap3A_578] {strides = array<i32>} : memref<3x128x32xf32, #tpu.memory_space<vmem>>, vector<1x1x16xf32>,
        %swap3A_580 = vector.shape_cast %swap3A_579 : vector<1x1x16xf32> to vector<16xf32>
        %swap3A_581 = vector.shape_cast %mul3A_406 : vector<16xf32> to vector<1x1x16xf32>
        tpu.vector_store %arg9[%swap3A_576, %swap3A_577, %swap3A_578], %swap3A_581 {strides = array<i32>} : memref<3x128x32xf32, #tpu.memory_space<vmem>>, vector<1x1x16xf32>,
        %mul3A_582 = arith.constant 16 : i32
        %mul3A_583 = arith.muli %add3A_238, %mul3A_582 : i32
        %add3A_584 = arith.constant 9 : i32
        %add3A_585 = arith.addi %mul3A_583, %add3A_584 : i32
        %swap3A_586 = arith.constant 0 : i32
        %swap3A_587 = arith.index_cast %swap3A_586 : i32 to index
        %swap3A_588 = arith.index_cast %add3A_585 : i32 to index
        %swap3A_589 = arith.constant 0 : index
        %swap3A_590 = tpu.vector_load %arg9[%swap3A_587, %swap3A_588, %swap3A_589] {strides = array<i32>} : memref<3x128x32xf32, #tpu.memory_space<vmem>>, vector<1x1x16xf32>,
        %swap3A_591 = vector.shape_cast %swap3A_590 : vector<1x1x16xf32> to vector<16xf32>
        %swap3A_592 = vector.shape_cast %mul3A_417 : vector<16xf32> to vector<1x1x16xf32>
        tpu.vector_store %arg9[%swap3A_587, %swap3A_588, %swap3A_589], %swap3A_592 {strides = array<i32>} : memref<3x128x32xf32, #tpu.memory_space<vmem>>, vector<1x1x16xf32>,
        %mul3A_593 = arith.constant 16 : i32
        %mul3A_594 = arith.muli %add3A_238, %mul3A_593 : i32
        %add3A_595 = arith.constant 10 : i32
        %add3A_596 = arith.addi %mul3A_594, %add3A_595 : i32
        %swap3A_597 = arith.constant 0 : i32
        %swap3A_598 = arith.index_cast %swap3A_597 : i32 to index
        %swap3A_599 = arith.index_cast %add3A_596 : i32 to index
        %swap3A_600 = arith.constant 0 : index
        %swap3A_601 = tpu.vector_load %arg9[%swap3A_598, %swap3A_599, %swap3A_600] {strides = array<i32>} : memref<3x128x32xf32, #tpu.memory_space<vmem>>, vector<1x1x16xf32>,
        %swap3A_602 = vector.shape_cast %swap3A_601 : vector<1x1x16xf32> to vector<16xf32>
        %swap3A_603 = vector.shape_cast %mul3A_428 : vector<16xf32> to vector<1x1x16xf32>
        tpu.vector_store %arg9[%swap3A_598, %swap3A_599, %swap3A_600], %swap3A_603 {strides = array<i32>} : memref<3x128x32xf32, #tpu.memory_space<vmem>>, vector<1x1x16xf32>,
        %mul3A_604 = arith.constant 16 : i32
        %mul3A_605 = arith.muli %add3A_238, %mul3A_604 : i32
        %add3A_606 = arith.constant 11 : i32
        %add3A_607 = arith.addi %mul3A_605, %add3A_606 : i32
        %swap3A_608 = arith.constant 0 : i32
        %swap3A_609 = arith.index_cast %swap3A_608 : i32 to index
        %swap3A_610 = arith.index_cast %add3A_607 : i32 to index
        %swap3A_611 = arith.constant 0 : index
        %swap3A_612 = tpu.vector_load %arg9[%swap3A_609, %swap3A_610, %swap3A_611] {strides = array<i32>} : memref<3x128x32xf32, #tpu.memory_space<vmem>>, vector<1x1x16xf32>,
        %swap3A_613 = vector.shape_cast %swap3A_612 : vector<1x1x16xf32> to vector<16xf32>
        %swap3A_614 = vector.shape_cast %mul3A_439 : vector<16xf32> to vector<1x1x16xf32>
        tpu.vector_store %arg9[%swap3A_609, %swap3A_610, %swap3A_611], %swap3A_614 {strides = array<i32>} : memref<3x128x32xf32, #tpu.memory_space<vmem>>, vector<1x1x16xf32>,
        %mul3A_615 = arith.constant 16 : i32
        %mul3A_616 = arith.muli %add3A_238, %mul3A_615 : i32
        %add3A_617 = arith.constant 12 : i32
        %add3A_618 = arith.addi %mul3A_616, %add3A_617 : i32
        %swap3A_619 = arith.constant 0 : i32
        %swap3A_620 = arith.index_cast %swap3A_619 : i32 to index
        %swap3A_621 = arith.index_cast %add3A_618 : i32 to index
        %swap3A_622 = arith.constant 0 : index
        %swap3A_623 = tpu.vector_load %arg9[%swap3A_620, %swap3A_621, %swap3A_622] {strides = array<i32>} : memref<3x128x32xf32, #tpu.memory_space<vmem>>, vector<1x1x16xf32>,
        %swap3A_624 = vector.shape_cast %swap3A_623 : vector<1x1x16xf32> to vector<16xf32>
        %swap3A_625 = vector.shape_cast %mul3A_450 : vector<16xf32> to vector<1x1x16xf32>
        tpu.vector_store %arg9[%swap3A_620, %swap3A_621, %swap3A_622], %swap3A_625 {strides = array<i32>} : memref<3x128x32xf32, #tpu.memory_space<vmem>>, vector<1x1x16xf32>,
        %mul3A_626 = arith.constant 16 : i32
        %mul3A_627 = arith.muli %add3A_238, %mul3A_626 : i32
        %add3A_628 = arith.constant 13 : i32
        %add3A_629 = arith.addi %mul3A_627, %add3A_628 : i32
        %swap3A_630 = arith.constant 0 : i32
        %swap3A_631 = arith.index_cast %swap3A_630 : i32 to index
        %swap3A_632 = arith.index_cast %add3A_629 : i32 to index
        %swap3A_633 = arith.constant 0 : index
        %swap3A_634 = tpu.vector_load %arg9[%swap3A_631, %swap3A_632, %swap3A_633] {strides = array<i32>} : memref<3x128x32xf32, #tpu.memory_space<vmem>>, vector<1x1x16xf32>,
        %swap3A_635 = vector.shape_cast %swap3A_634 : vector<1x1x16xf32> to vector<16xf32>
        %swap3A_636 = vector.shape_cast %mul3A_461 : vector<16xf32> to vector<1x1x16xf32>
        tpu.vector_store %arg9[%swap3A_631, %swap3A_632, %swap3A_633], %swap3A_636 {strides = array<i32>} : memref<3x128x32xf32, #tpu.memory_space<vmem>>, vector<1x1x16xf32>,
        %mul3A_637 = arith.constant 16 : i32
        %mul3A_638 = arith.muli %add3A_238, %mul3A_637 : i32
        %add3A_639 = arith.constant 14 : i32
        %add3A_640 = arith.addi %mul3A_638, %add3A_639 : i32
        %swap3A_641 = arith.constant 0 : i32
        %swap3A_642 = arith.index_cast %swap3A_641 : i32 to index
        %swap3A_643 = arith.index_cast %add3A_640 : i32 to index
        %swap3A_644 = arith.constant 0 : index
        %swap3A_645 = tpu.vector_load %arg9[%swap3A_642, %swap3A_643, %swap3A_644] {strides = array<i32>} : memref<3x128x32xf32, #tpu.memory_space<vmem>>, vector<1x1x16xf32>,
        %swap3A_646 = vector.shape_cast %swap3A_645 : vector<1x1x16xf32> to vector<16xf32>
        %swap3A_647 = vector.shape_cast %mul3A_472 : vector<16xf32> to vector<1x1x16xf32>
        tpu.vector_store %arg9[%swap3A_642, %swap3A_643, %swap3A_644], %swap3A_647 {strides = array<i32>} : memref<3x128x32xf32, #tpu.memory_space<vmem>>, vector<1x1x16xf32>,
        %mul3A_648 = arith.constant 16 : i32
        %mul3A_649 = arith.muli %add3A_238, %mul3A_648 : i32
        %add3A_650 = arith.constant 15 : i32
        %add3A_651 = arith.addi %mul3A_649, %add3A_650 : i32
        %swap3A_652 = arith.constant 0 : i32
        %swap3A_653 = arith.index_cast %swap3A_652 : i32 to index
        %swap3A_654 = arith.index_cast %add3A_651 : i32 to index
        %swap3A_655 = arith.constant 0 : index
        %swap3A_656 = tpu.vector_load %arg9[%swap3A_653, %swap3A_654, %swap3A_655] {strides = array<i32>} : memref<3x128x32xf32, #tpu.memory_space<vmem>>, vector<1x1x16xf32>,
        %swap3A_657 = vector.shape_cast %swap3A_656 : vector<1x1x16xf32> to vector<16xf32>
        %swap3A_658 = vector.shape_cast %mul3A_483 : vector<16xf32> to vector<1x1x16xf32>
        tpu.vector_store %arg9[%swap3A_653, %swap3A_654, %swap3A_655], %swap3A_658 {strides = array<i32>} : memref<3x128x32xf32, #tpu.memory_space<vmem>>, vector<1x1x16xf32>,
        %mul3A_659 = arith.constant 16 : i32
        %mul3A_660 = arith.muli %add3A_238, %mul3A_659 : i32
        %add3A_661 = arith.constant 0 : i32
        %add3A_662 = arith.addi %mul3A_660, %add3A_661 : i32
        %get3A_663 = arith.constant 0 : i32
        %get3A_664 = arith.index_cast %get3A_663 : i32 to index
        %get3A_665 = arith.index_cast %add3A_662 : i32 to index
        %get3A_666 = arith.constant 16 : index
        %get3A_667 = tpu.vector_load %arg9[%get3A_664, %get3A_665, %get3A_666] {strides = array<i32>} : memref<3x128x32xf32, #tpu.memory_space<vmem>>, vector<1x1x16xf32>,
        %get3A_668 = vector.shape_cast %get3A_667 : vector<1x1x16xf32> to vector<16xf32>
        %mul3A_669 = arith.mulf %get3A_668, %gather3A_247 : vector<16xf32>
        %mul3A_670 = arith.constant 16 : i32
        %mul3A_671 = arith.muli %add3A_238, %mul3A_670 : i32
        %add3A_672 = arith.constant 1 : i32
        %add3A_673 = arith.addi %mul3A_671, %add3A_672 : i32
        %get3A_674 = arith.constant 0 : i32
        %get3A_675 = arith.index_cast %get3A_674 : i32 to index
        %get3A_676 = arith.index_cast %add3A_673 : i32 to index
        %get3A_677 = arith.constant 16 : index
        %get3A_678 = tpu.vector_load %arg9[%get3A_675, %get3A_676, %get3A_677] {strides = array<i32>} : memref<3x128x32xf32, #tpu.memory_space<vmem>>, vector<1x1x16xf32>,
        %get3A_679 = vector.shape_cast %get3A_678 : vector<1x1x16xf32> to vector<16xf32>
        %mul3A_680 = arith.mulf %get3A_679, %gather3A_251 : vector<16xf32>
        %mul3A_681 = arith.constant 16 : i32
        %mul3A_682 = arith.muli %add3A_238, %mul3A_681 : i32
        %add3A_683 = arith.constant 2 : i32
        %add3A_684 = arith.addi %mul3A_682, %add3A_683 : i32
        %get3A_685 = arith.constant 0 : i32
        %get3A_686 = arith.index_cast %get3A_685 : i32 to index
        %get3A_687 = arith.index_cast %add3A_684 : i32 to index
        %get3A_688 = arith.constant 16 : index
        %get3A_689 = tpu.vector_load %arg9[%get3A_686, %get3A_687, %get3A_688] {strides = array<i32>} : memref<3x128x32xf32, #tpu.memory_space<vmem>>, vector<1x1x16xf32>,
        %get3A_690 = vector.shape_cast %get3A_689 : vector<1x1x16xf32> to vector<16xf32>
        %mul3A_691 = arith.mulf %get3A_690, %gather3A_255 : vector<16xf32>
        %mul3A_692 = arith.constant 16 : i32
        %mul3A_693 = arith.muli %add3A_238, %mul3A_692 : i32
        %add3A_694 = arith.constant 3 : i32
        %add3A_695 = arith.addi %mul3A_693, %add3A_694 : i32
        %get3A_696 = arith.constant 0 : i32
        %get3A_697 = arith.index_cast %get3A_696 : i32 to index
        %get3A_698 = arith.index_cast %add3A_695 : i32 to index
        %get3A_699 = arith.constant 16 : index
        %get3A_700 = tpu.vector_load %arg9[%get3A_697, %get3A_698, %get3A_699] {strides = array<i32>} : memref<3x128x32xf32, #tpu.memory_space<vmem>>, vector<1x1x16xf32>,
        %get3A_701 = vector.shape_cast %get3A_700 : vector<1x1x16xf32> to vector<16xf32>
        %mul3A_702 = arith.mulf %get3A_701, %gather3A_259 : vector<16xf32>
        %mul3A_703 = arith.constant 16 : i32
        %mul3A_704 = arith.muli %add3A_238, %mul3A_703 : i32
        %add3A_705 = arith.constant 4 : i32
        %add3A_706 = arith.addi %mul3A_704, %add3A_705 : i32
        %get3A_707 = arith.constant 0 : i32
        %get3A_708 = arith.index_cast %get3A_707 : i32 to index
        %get3A_709 = arith.index_cast %add3A_706 : i32 to index
        %get3A_710 = arith.constant 16 : index
        %get3A_711 = tpu.vector_load %arg9[%get3A_708, %get3A_709, %get3A_710] {strides = array<i32>} : memref<3x128x32xf32, #tpu.memory_space<vmem>>, vector<1x1x16xf32>,
        %get3A_712 = vector.shape_cast %get3A_711 : vector<1x1x16xf32> to vector<16xf32>
        %mul3A_713 = arith.mulf %get3A_712, %gather3A_263 : vector<16xf32>
        %mul3A_714 = arith.constant 16 : i32
        %mul3A_715 = arith.muli %add3A_238, %mul3A_714 : i32
        %add3A_716 = arith.constant 5 : i32
        %add3A_717 = arith.addi %mul3A_715, %add3A_716 : i32
        %get3A_718 = arith.constant 0 : i32
        %get3A_719 = arith.index_cast %get3A_718 : i32 to index
        %get3A_720 = arith.index_cast %add3A_717 : i32 to index
        %get3A_721 = arith.constant 16 : index
        %get3A_722 = tpu.vector_load %arg9[%get3A_719, %get3A_720, %get3A_721] {strides = array<i32>} : memref<3x128x32xf32, #tpu.memory_space<vmem>>, vector<1x1x16xf32>,
        %get3A_723 = vector.shape_cast %get3A_722 : vector<1x1x16xf32> to vector<16xf32>
        %mul3A_724 = arith.mulf %get3A_723, %gather3A_267 : vector<16xf32>
        %mul3A_725 = arith.constant 16 : i32
        %mul3A_726 = arith.muli %add3A_238, %mul3A_725 : i32
        %add3A_727 = arith.constant 6 : i32
        %add3A_728 = arith.addi %mul3A_726, %add3A_727 : i32
        %get3A_729 = arith.constant 0 : i32
        %get3A_730 = arith.index_cast %get3A_729 : i32 to index
        %get3A_731 = arith.index_cast %add3A_728 : i32 to index
        %get3A_732 = arith.constant 16 : index
        %get3A_733 = tpu.vector_load %arg9[%get3A_730, %get3A_731, %get3A_732] {strides = array<i32>} : memref<3x128x32xf32, #tpu.memory_space<vmem>>, vector<1x1x16xf32>,
        %get3A_734 = vector.shape_cast %get3A_733 : vector<1x1x16xf32> to vector<16xf32>
        %mul3A_735 = arith.mulf %get3A_734, %gather3A_271 : vector<16xf32>
        %mul3A_736 = arith.constant 16 : i32
        %mul3A_737 = arith.muli %add3A_238, %mul3A_736 : i32
        %add3A_738 = arith.constant 7 : i32
        %add3A_739 = arith.addi %mul3A_737, %add3A_738 : i32
        %get3A_740 = arith.constant 0 : i32
        %get3A_741 = arith.index_cast %get3A_740 : i32 to index
        %get3A_742 = arith.index_cast %add3A_739 : i32 to index
        %get3A_743 = arith.constant 16 : index
        %get3A_744 = tpu.vector_load %arg9[%get3A_741, %get3A_742, %get3A_743] {strides = array<i32>} : memref<3x128x32xf32, #tpu.memory_space<vmem>>, vector<1x1x16xf32>,
        %get3A_745 = vector.shape_cast %get3A_744 : vector<1x1x16xf32> to vector<16xf32>
        %mul3A_746 = arith.mulf %get3A_745, %gather3A_275 : vector<16xf32>
        %mul3A_747 = arith.constant 16 : i32
        %mul3A_748 = arith.muli %add3A_238, %mul3A_747 : i32
        %add3A_749 = arith.constant 8 : i32
        %add3A_750 = arith.addi %mul3A_748, %add3A_749 : i32
        %get3A_751 = arith.constant 0 : i32
        %get3A_752 = arith.index_cast %get3A_751 : i32 to index
        %get3A_753 = arith.index_cast %add3A_750 : i32 to index
        %get3A_754 = arith.constant 16 : index
        %get3A_755 = tpu.vector_load %arg9[%get3A_752, %get3A_753, %get3A_754] {strides = array<i32>} : memref<3x128x32xf32, #tpu.memory_space<vmem>>, vector<1x1x16xf32>,
        %get3A_756 = vector.shape_cast %get3A_755 : vector<1x1x16xf32> to vector<16xf32>
        %mul3A_757 = arith.mulf %get3A_756, %gather3A_279 : vector<16xf32>
        %mul3A_758 = arith.constant 16 : i32
        %mul3A_759 = arith.muli %add3A_238, %mul3A_758 : i32
        %add3A_760 = arith.constant 9 : i32
        %add3A_761 = arith.addi %mul3A_759, %add3A_760 : i32
        %get3A_762 = arith.constant 0 : i32
        %get3A_763 = arith.index_cast %get3A_762 : i32 to index
        %get3A_764 = arith.index_cast %add3A_761 : i32 to index
        %get3A_765 = arith.constant 16 : index
        %get3A_766 = tpu.vector_load %arg9[%get3A_763, %get3A_764, %get3A_765] {strides = array<i32>} : memref<3x128x32xf32, #tpu.memory_space<vmem>>, vector<1x1x16xf32>,
        %get3A_767 = vector.shape_cast %get3A_766 : vector<1x1x16xf32> to vector<16xf32>
        %mul3A_768 = arith.mulf %get3A_767, %gather3A_283 : vector<16xf32>
        %mul3A_769 = arith.constant 16 : i32
        %mul3A_770 = arith.muli %add3A_238, %mul3A_769 : i32
        %add3A_771 = arith.constant 10 : i32
        %add3A_772 = arith.addi %mul3A_770, %add3A_771 : i32
        %get3A_773 = arith.constant 0 : i32
        %get3A_774 = arith.index_cast %get3A_773 : i32 to index
        %get3A_775 = arith.index_cast %add3A_772 : i32 to index
        %get3A_776 = arith.constant 16 : index
        %get3A_777 = tpu.vector_load %arg9[%get3A_774, %get3A_775, %get3A_776] {strides = array<i32>} : memref<3x128x32xf32, #tpu.memory_space<vmem>>, vector<1x1x16xf32>,
        %get3A_778 = vector.shape_cast %get3A_777 : vector<1x1x16xf32> to vector<16xf32>
        %mul3A_779 = arith.mulf %get3A_778, %gather3A_287 : vector<16xf32>
        %mul3A_780 = arith.constant 16 : i32
        %mul3A_781 = arith.muli %add3A_238, %mul3A_780 : i32
        %add3A_782 = arith.constant 11 : i32
        %add3A_783 = arith.addi %mul3A_781, %add3A_782 : i32
        %get3A_784 = arith.constant 0 : i32
        %get3A_785 = arith.index_cast %get3A_784 : i32 to index
        %get3A_786 = arith.index_cast %add3A_783 : i32 to index
        %get3A_787 = arith.constant 16 : index
        %get3A_788 = tpu.vector_load %arg9[%get3A_785, %get3A_786, %get3A_787] {strides = array<i32>} : memref<3x128x32xf32, #tpu.memory_space<vmem>>, vector<1x1x16xf32>,
        %get3A_789 = vector.shape_cast %get3A_788 : vector<1x1x16xf32> to vector<16xf32>
        %mul3A_790 = arith.mulf %get3A_789, %gather3A_291 : vector<16xf32>
        %mul3A_791 = arith.constant 16 : i32
        %mul3A_792 = arith.muli %add3A_238, %mul3A_791 : i32
        %add3A_793 = arith.constant 12 : i32
        %add3A_794 = arith.addi %mul3A_792, %add3A_793 : i32
        %get3A_795 = arith.constant 0 : i32
        %get3A_796 = arith.index_cast %get3A_795 : i32 to index
        %get3A_797 = arith.index_cast %add3A_794 : i32 to index
        %get3A_798 = arith.constant 16 : index
        %get3A_799 = tpu.vector_load %arg9[%get3A_796, %get3A_797, %get3A_798] {strides = array<i32>} : memref<3x128x32xf32, #tpu.memory_space<vmem>>, vector<1x1x16xf32>,
        %get3A_800 = vector.shape_cast %get3A_799 : vector<1x1x16xf32> to vector<16xf32>
        %mul3A_801 = arith.mulf %get3A_800, %gather3A_295 : vector<16xf32>
        %mul3A_802 = arith.constant 16 : i32
        %mul3A_803 = arith.muli %add3A_238, %mul3A_802 : i32
        %add3A_804 = arith.constant 13 : i32
        %add3A_805 = arith.addi %mul3A_803, %add3A_804 : i32
        %get3A_806 = arith.constant 0 : i32
        %get3A_807 = arith.index_cast %get3A_806 : i32 to index
        %get3A_808 = arith.index_cast %add3A_805 : i32 to index
        %get3A_809 = arith.constant 16 : index
        %get3A_810 = tpu.vector_load %arg9[%get3A_807, %get3A_808, %get3A_809] {strides = array<i32>} : memref<3x128x32xf32, #tpu.memory_space<vmem>>, vector<1x1x16xf32>,
        %get3A_811 = vector.shape_cast %get3A_810 : vector<1x1x16xf32> to vector<16xf32>
        %mul3A_812 = arith.mulf %get3A_811, %gather3A_299 : vector<16xf32>
        %mul3A_813 = arith.constant 16 : i32
        %mul3A_814 = arith.muli %add3A_238, %mul3A_813 : i32
        %add3A_815 = arith.constant 14 : i32
        %add3A_816 = arith.addi %mul3A_814, %add3A_815 : i32
        %get3A_817 = arith.constant 0 : i32
        %get3A_818 = arith.index_cast %get3A_817 : i32 to index
        %get3A_819 = arith.index_cast %add3A_816 : i32 to index
        %get3A_820 = arith.constant 16 : index
        %get3A_821 = tpu.vector_load %arg9[%get3A_818, %get3A_819, %get3A_820] {strides = array<i32>} : memref<3x128x32xf32, #tpu.memory_space<vmem>>, vector<1x1x16xf32>,
        %get3A_822 = vector.shape_cast %get3A_821 : vector<1x1x16xf32> to vector<16xf32>
        %mul3A_823 = arith.mulf %get3A_822, %gather3A_303 : vector<16xf32>
        %mul3A_824 = arith.constant 16 : i32
        %mul3A_825 = arith.muli %add3A_238, %mul3A_824 : i32
        %add3A_826 = arith.constant 15 : i32
        %add3A_827 = arith.addi %mul3A_825, %add3A_826 : i32
        %get3A_828 = arith.constant 0 : i32
        %get3A_829 = arith.index_cast %get3A_828 : i32 to index
        %get3A_830 = arith.index_cast %add3A_827 : i32 to index
        %get3A_831 = arith.constant 16 : index
        %get3A_832 = tpu.vector_load %arg9[%get3A_829, %get3A_830, %get3A_831] {strides = array<i32>} : memref<3x128x32xf32, #tpu.memory_space<vmem>>, vector<1x1x16xf32>,
        %get3A_833 = vector.shape_cast %get3A_832 : vector<1x1x16xf32> to vector<16xf32>
        %mul3A_834 = arith.mulf %get3A_833, %gather3A_307 : vector<16xf32>
        %mul3A_835 = arith.constant 16 : i32
        %mul3A_836 = arith.muli %add3A_238, %mul3A_835 : i32
        %add3A_837 = arith.constant 0 : i32
        %add3A_838 = arith.addi %mul3A_836, %add3A_837 : i32
        %swap3A_839 = arith.constant 0 : i32
        %swap3A_840 = arith.index_cast %swap3A_839 : i32 to index
        %swap3A_841 = arith.index_cast %add3A_838 : i32 to index
        %swap3A_842 = arith.constant 16 : index
        %swap3A_843 = tpu.vector_load %arg9[%swap3A_840, %swap3A_841, %swap3A_842] {strides = array<i32>} : memref<3x128x32xf32, #tpu.memory_space<vmem>>, vector<1x1x16xf32>,
        %swap3A_844 = vector.shape_cast %swap3A_843 : vector<1x1x16xf32> to vector<16xf32>
        %swap3A_845 = vector.shape_cast %mul3A_669 : vector<16xf32> to vector<1x1x16xf32>
        tpu.vector_store %arg9[%swap3A_840, %swap3A_841, %swap3A_842], %swap3A_845 {strides = array<i32>} : memref<3x128x32xf32, #tpu.memory_space<vmem>>, vector<1x1x16xf32>,
        %mul3A_846 = arith.constant 16 : i32
        %mul3A_847 = arith.muli %add3A_238, %mul3A_846 : i32
        %add3A_848 = arith.constant 1 : i32
        %add3A_849 = arith.addi %mul3A_847, %add3A_848 : i32
        %swap3A_850 = arith.constant 0 : i32
        %swap3A_851 = arith.index_cast %swap3A_850 : i32 to index
        %swap3A_852 = arith.index_cast %add3A_849 : i32 to index
        %swap3A_853 = arith.constant 16 : index
        %swap3A_854 = tpu.vector_load %arg9[%swap3A_851, %swap3A_852, %swap3A_853] {strides = array<i32>} : memref<3x128x32xf32, #tpu.memory_space<vmem>>, vector<1x1x16xf32>,
        %swap3A_855 = vector.shape_cast %swap3A_854 : vector<1x1x16xf32> to vector<16xf32>
        %swap3A_856 = vector.shape_cast %mul3A_680 : vector<16xf32> to vector<1x1x16xf32>
        tpu.vector_store %arg9[%swap3A_851, %swap3A_852, %swap3A_853], %swap3A_856 {strides = array<i32>} : memref<3x128x32xf32, #tpu.memory_space<vmem>>, vector<1x1x16xf32>,
        %mul3A_857 = arith.constant 16 : i32
        %mul3A_858 = arith.muli %add3A_238, %mul3A_857 : i32
        %add3A_859 = arith.constant 2 : i32
        %add3A_860 = arith.addi %mul3A_858, %add3A_859 : i32
        %swap3A_861 = arith.constant 0 : i32
        %swap3A_862 = arith.index_cast %swap3A_861 : i32 to index
        %swap3A_863 = arith.index_cast %add3A_860 : i32 to index
        %swap3A_864 = arith.constant 16 : index
        %swap3A_865 = tpu.vector_load %arg9[%swap3A_862, %swap3A_863, %swap3A_864] {strides = array<i32>} : memref<3x128x32xf32, #tpu.memory_space<vmem>>, vector<1x1x16xf32>,
        %swap3A_866 = vector.shape_cast %swap3A_865 : vector<1x1x16xf32> to vector<16xf32>
        %swap3A_867 = vector.shape_cast %mul3A_691 : vector<16xf32> to vector<1x1x16xf32>
        tpu.vector_store %arg9[%swap3A_862, %swap3A_863, %swap3A_864], %swap3A_867 {strides = array<i32>} : memref<3x128x32xf32, #tpu.memory_space<vmem>>, vector<1x1x16xf32>,
        %mul3A_868 = arith.constant 16 : i32
        %mul3A_869 = arith.muli %add3A_238, %mul3A_868 : i32
        %add3A_870 = arith.constant 3 : i32
        %add3A_871 = arith.addi %mul3A_869, %add3A_870 : i32
        %swap3A_872 = arith.constant 0 : i32
        %swap3A_873 = arith.index_cast %swap3A_872 : i32 to index
        %swap3A_874 = arith.index_cast %add3A_871 : i32 to index
        %swap3A_875 = arith.constant 16 : index
        %swap3A_876 = tpu.vector_load %arg9[%swap3A_873, %swap3A_874, %swap3A_875] {strides = array<i32>} : memref<3x128x32xf32, #tpu.memory_space<vmem>>, vector<1x1x16xf32>,
        %swap3A_877 = vector.shape_cast %swap3A_876 : vector<1x1x16xf32> to vector<16xf32>
        %swap3A_878 = vector.shape_cast %mul3A_702 : vector<16xf32> to vector<1x1x16xf32>
        tpu.vector_store %arg9[%swap3A_873, %swap3A_874, %swap3A_875], %swap3A_878 {strides = array<i32>} : memref<3x128x32xf32, #tpu.memory_space<vmem>>, vector<1x1x16xf32>,
        %mul3A_879 = arith.constant 16 : i32
        %mul3A_880 = arith.muli %add3A_238, %mul3A_879 : i32
        %add3A_881 = arith.constant 4 : i32
        %add3A_882 = arith.addi %mul3A_880, %add3A_881 : i32
        %swap3A_883 = arith.constant 0 : i32
        %swap3A_884 = arith.index_cast %swap3A_883 : i32 to index
        %swap3A_885 = arith.index_cast %add3A_882 : i32 to index
        %swap3A_886 = arith.constant 16 : index
        %swap3A_887 = tpu.vector_load %arg9[%swap3A_884, %swap3A_885, %swap3A_886] {strides = array<i32>} : memref<3x128x32xf32, #tpu.memory_space<vmem>>, vector<1x1x16xf32>,
        %swap3A_888 = vector.shape_cast %swap3A_887 : vector<1x1x16xf32> to vector<16xf32>
        %swap3A_889 = vector.shape_cast %mul3A_713 : vector<16xf32> to vector<1x1x16xf32>
        tpu.vector_store %arg9[%swap3A_884, %swap3A_885, %swap3A_886], %swap3A_889 {strides = array<i32>} : memref<3x128x32xf32, #tpu.memory_space<vmem>>, vector<1x1x16xf32>,
        %mul3A_890 = arith.constant 16 : i32
        %mul3A_891 = arith.muli %add3A_238, %mul3A_890 : i32
        %add3A_892 = arith.constant 5 : i32
        %add3A_893 = arith.addi %mul3A_891, %add3A_892 : i32
        %swap3A_894 = arith.constant 0 : i32
        %swap3A_895 = arith.index_cast %swap3A_894 : i32 to index
        %swap3A_896 = arith.index_cast %add3A_893 : i32 to index
        %swap3A_897 = arith.constant 16 : index
        %swap3A_898 = tpu.vector_load %arg9[%swap3A_895, %swap3A_896, %swap3A_897] {strides = array<i32>} : memref<3x128x32xf32, #tpu.memory_space<vmem>>, vector<1x1x16xf32>,
        %swap3A_899 = vector.shape_cast %swap3A_898 : vector<1x1x16xf32> to vector<16xf32>
        %swap3A_900 = vector.shape_cast %mul3A_724 : vector<16xf32> to vector<1x1x16xf32>
        tpu.vector_store %arg9[%swap3A_895, %swap3A_896, %swap3A_897], %swap3A_900 {strides = array<i32>} : memref<3x128x32xf32, #tpu.memory_space<vmem>>, vector<1x1x16xf32>,
        %mul3A_901 = arith.constant 16 : i32
        %mul3A_902 = arith.muli %add3A_238, %mul3A_901 : i32
        %add3A_903 = arith.constant 6 : i32
        %add3A_904 = arith.addi %mul3A_902, %add3A_903 : i32
        %swap3A_905 = arith.constant 0 : i32
        %swap3A_906 = arith.index_cast %swap3A_905 : i32 to index
        %swap3A_907 = arith.index_cast %add3A_904 : i32 to index
        %swap3A_908 = arith.constant 16 : index
        %swap3A_909 = tpu.vector_load %arg9[%swap3A_906, %swap3A_907, %swap3A_908] {strides = array<i32>} : memref<3x128x32xf32, #tpu.memory_space<vmem>>, vector<1x1x16xf32>,
        %swap3A_910 = vector.shape_cast %swap3A_909 : vector<1x1x16xf32> to vector<16xf32>
        %swap3A_911 = vector.shape_cast %mul3A_735 : vector<16xf32> to vector<1x1x16xf32>
        tpu.vector_store %arg9[%swap3A_906, %swap3A_907, %swap3A_908], %swap3A_911 {strides = array<i32>} : memref<3x128x32xf32, #tpu.memory_space<vmem>>, vector<1x1x16xf32>,
        %mul3A_912 = arith.constant 16 : i32
        %mul3A_913 = arith.muli %add3A_238, %mul3A_912 : i32
        %add3A_914 = arith.constant 7 : i32
        %add3A_915 = arith.addi %mul3A_913, %add3A_914 : i32
        %swap3A_916 = arith.constant 0 : i32
        %swap3A_917 = arith.index_cast %swap3A_916 : i32 to index
        %swap3A_918 = arith.index_cast %add3A_915 : i32 to index
        %swap3A_919 = arith.constant 16 : index
        %swap3A_920 = tpu.vector_load %arg9[%swap3A_917, %swap3A_918, %swap3A_919] {strides = array<i32>} : memref<3x128x32xf32, #tpu.memory_space<vmem>>, vector<1x1x16xf32>,
        %swap3A_921 = vector.shape_cast %swap3A_920 : vector<1x1x16xf32> to vector<16xf32>
        %swap3A_922 = vector.shape_cast %mul3A_746 : vector<16xf32> to vector<1x1x16xf32>
        tpu.vector_store %arg9[%swap3A_917, %swap3A_918, %swap3A_919], %swap3A_922 {strides = array<i32>} : memref<3x128x32xf32, #tpu.memory_space<vmem>>, vector<1x1x16xf32>,
        %mul3A_923 = arith.constant 16 : i32
        %mul3A_924 = arith.muli %add3A_238, %mul3A_923 : i32
        %add3A_925 = arith.constant 8 : i32
        %add3A_926 = arith.addi %mul3A_924, %add3A_925 : i32
        %swap3A_927 = arith.constant 0 : i32
        %swap3A_928 = arith.index_cast %swap3A_927 : i32 to index
        %swap3A_929 = arith.index_cast %add3A_926 : i32 to index
        %swap3A_930 = arith.constant 16 : index
        %swap3A_931 = tpu.vector_load %arg9[%swap3A_928, %swap3A_929, %swap3A_930] {strides = array<i32>} : memref<3x128x32xf32, #tpu.memory_space<vmem>>, vector<1x1x16xf32>,
        %swap3A_932 = vector.shape_cast %swap3A_931 : vector<1x1x16xf32> to vector<16xf32>
        %swap3A_933 = vector.shape_cast %mul3A_757 : vector<16xf32> to vector<1x1x16xf32>
        tpu.vector_store %arg9[%swap3A_928, %swap3A_929, %swap3A_930], %swap3A_933 {strides = array<i32>} : memref<3x128x32xf32, #tpu.memory_space<vmem>>, vector<1x1x16xf32>,
        %mul3A_934 = arith.constant 16 : i32
        %mul3A_935 = arith.muli %add3A_238, %mul3A_934 : i32
        %add3A_936 = arith.constant 9 : i32
        %add3A_937 = arith.addi %mul3A_935, %add3A_936 : i32
        %swap3A_938 = arith.constant 0 : i32
        %swap3A_939 = arith.index_cast %swap3A_938 : i32 to index
        %swap3A_940 = arith.index_cast %add3A_937 : i32 to index
        %swap3A_941 = arith.constant 16 : index
        %swap3A_942 = tpu.vector_load %arg9[%swap3A_939, %swap3A_940, %swap3A_941] {strides = array<i32>} : memref<3x128x32xf32, #tpu.memory_space<vmem>>, vector<1x1x16xf32>,
        %swap3A_943 = vector.shape_cast %swap3A_942 : vector<1x1x16xf32> to vector<16xf32>
        %swap3A_944 = vector.shape_cast %mul3A_768 : vector<16xf32> to vector<1x1x16xf32>
        tpu.vector_store %arg9[%swap3A_939, %swap3A_940, %swap3A_941], %swap3A_944 {strides = array<i32>} : memref<3x128x32xf32, #tpu.memory_space<vmem>>, vector<1x1x16xf32>,
        %mul3A_945 = arith.constant 16 : i32
        %mul3A_946 = arith.muli %add3A_238, %mul3A_945 : i32
        %add3A_947 = arith.constant 10 : i32
        %add3A_948 = arith.addi %mul3A_946, %add3A_947 : i32
        %swap3A_949 = arith.constant 0 : i32
        %swap3A_950 = arith.index_cast %swap3A_949 : i32 to index
        %swap3A_951 = arith.index_cast %add3A_948 : i32 to index
        %swap3A_952 = arith.constant 16 : index
        %swap3A_953 = tpu.vector_load %arg9[%swap3A_950, %swap3A_951, %swap3A_952] {strides = array<i32>} : memref<3x128x32xf32, #tpu.memory_space<vmem>>, vector<1x1x16xf32>,
        %swap3A_954 = vector.shape_cast %swap3A_953 : vector<1x1x16xf32> to vector<16xf32>
        %swap3A_955 = vector.shape_cast %mul3A_779 : vector<16xf32> to vector<1x1x16xf32>
        tpu.vector_store %arg9[%swap3A_950, %swap3A_951, %swap3A_952], %swap3A_955 {strides = array<i32>} : memref<3x128x32xf32, #tpu.memory_space<vmem>>, vector<1x1x16xf32>,
        %mul3A_956 = arith.constant 16 : i32
        %mul3A_957 = arith.muli %add3A_238, %mul3A_956 : i32
        %add3A_958 = arith.constant 11 : i32
        %add3A_959 = arith.addi %mul3A_957, %add3A_958 : i32
        %swap3A_960 = arith.constant 0 : i32
        %swap3A_961 = arith.index_cast %swap3A_960 : i32 to index
        %swap3A_962 = arith.index_cast %add3A_959 : i32 to index
        %swap3A_963 = arith.constant 16 : index
        %swap3A_964 = tpu.vector_load %arg9[%swap3A_961, %swap3A_962, %swap3A_963] {strides = array<i32>} : memref<3x128x32xf32, #tpu.memory_space<vmem>>, vector<1x1x16xf32>,
        %swap3A_965 = vector.shape_cast %swap3A_964 : vector<1x1x16xf32> to vector<16xf32>
        %swap3A_966 = vector.shape_cast %mul3A_790 : vector<16xf32> to vector<1x1x16xf32>
        tpu.vector_store %arg9[%swap3A_961, %swap3A_962, %swap3A_963], %swap3A_966 {strides = array<i32>} : memref<3x128x32xf32, #tpu.memory_space<vmem>>, vector<1x1x16xf32>,
        %mul3A_967 = arith.constant 16 : i32
        %mul3A_968 = arith.muli %add3A_238, %mul3A_967 : i32
        %add3A_969 = arith.constant 12 : i32
        %add3A_970 = arith.addi %mul3A_968, %add3A_969 : i32
        %swap3A_971 = arith.constant 0 : i32
        %swap3A_972 = arith.index_cast %swap3A_971 : i32 to index
        %swap3A_973 = arith.index_cast %add3A_970 : i32 to index
        %swap3A_974 = arith.constant 16 : index
        %swap3A_975 = tpu.vector_load %arg9[%swap3A_972, %swap3A_973, %swap3A_974] {strides = array<i32>} : memref<3x128x32xf32, #tpu.memory_space<vmem>>, vector<1x1x16xf32>,
        %swap3A_976 = vector.shape_cast %swap3A_975 : vector<1x1x16xf32> to vector<16xf32>
        %swap3A_977 = vector.shape_cast %mul3A_801 : vector<16xf32> to vector<1x1x16xf32>
        tpu.vector_store %arg9[%swap3A_972, %swap3A_973, %swap3A_974], %swap3A_977 {strides = array<i32>} : memref<3x128x32xf32, #tpu.memory_space<vmem>>, vector<1x1x16xf32>,
        %mul3A_978 = arith.constant 16 : i32
        %mul3A_979 = arith.muli %add3A_238, %mul3A_978 : i32
        %add3A_980 = arith.constant 13 : i32
        %add3A_981 = arith.addi %mul3A_979, %add3A_980 : i32
        %swap3A_982 = arith.constant 0 : i32
        %swap3A_983 = arith.index_cast %swap3A_982 : i32 to index
        %swap3A_984 = arith.index_cast %add3A_981 : i32 to index
        %swap3A_985 = arith.constant 16 : index
        %swap3A_986 = tpu.vector_load %arg9[%swap3A_983, %swap3A_984, %swap3A_985] {strides = array<i32>} : memref<3x128x32xf32, #tpu.memory_space<vmem>>, vector<1x1x16xf32>,
        %swap3A_987 = vector.shape_cast %swap3A_986 : vector<1x1x16xf32> to vector<16xf32>
        %swap3A_988 = vector.shape_cast %mul3A_812 : vector<16xf32> to vector<1x1x16xf32>
        tpu.vector_store %arg9[%swap3A_983, %swap3A_984, %swap3A_985], %swap3A_988 {strides = array<i32>} : memref<3x128x32xf32, #tpu.memory_space<vmem>>, vector<1x1x16xf32>,
        %mul3A_989 = arith.constant 16 : i32
        %mul3A_990 = arith.muli %add3A_238, %mul3A_989 : i32
        %add3A_991 = arith.constant 14 : i32
        %add3A_992 = arith.addi %mul3A_990, %add3A_991 : i32
        %swap3A_993 = arith.constant 0 : i32
        %swap3A_994 = arith.index_cast %swap3A_993 : i32 to index
        %swap3A_995 = arith.index_cast %add3A_992 : i32 to index
        %swap3A_996 = arith.constant 16 : index
        %swap3A_997 = tpu.vector_load %arg9[%swap3A_994, %swap3A_995, %swap3A_996] {strides = array<i32>} : memref<3x128x32xf32, #tpu.memory_space<vmem>>, vector<1x1x16xf32>,
        %swap3A_998 = vector.shape_cast %swap3A_997 : vector<1x1x16xf32> to vector<16xf32>
        %swap3A_999 = vector.shape_cast %mul3A_823 : vector<16xf32> to vector<1x1x16xf32>
        tpu.vector_store %arg9[%swap3A_994, %swap3A_995, %swap3A_996], %swap3A_999 {strides = array<i32>} : memref<3x128x32xf32, #tpu.memory_space<vmem>>, vector<1x1x16xf32>,
        %mul3A_1000 = arith.constant 16 : i32
        %mul3A_1001 = arith.muli %add3A_238, %mul3A_1000 : i32
        %add3A_1002 = arith.constant 15 : i32
        %add3A_1003 = arith.addi %mul3A_1001, %add3A_1002 : i32
        %swap3A_1004 = arith.constant 0 : i32
        %swap3A_1005 = arith.index_cast %swap3A_1004 : i32 to index
        %swap3A_1006 = arith.index_cast %add3A_1003 : i32 to index
        %swap3A_1007 = arith.constant 16 : index
        %swap3A_1008 = tpu.vector_load %arg9[%swap3A_1005, %swap3A_1006, %swap3A_1007] {strides = array<i32>} : memref<3x128x32xf32, #tpu.memory_space<vmem>>, vector<1x1x16xf32>,
        %swap3A_1009 = vector.shape_cast %swap3A_1008 : vector<1x1x16xf32> to vector<16xf32>
        %swap3A_1010 = vector.shape_cast %mul3A_834 : vector<16xf32> to vector<1x1x16xf32>
        tpu.vector_store %arg9[%swap3A_1005, %swap3A_1006, %swap3A_1007], %swap3A_1010 {strides = array<i32>} : memref<3x128x32xf32, #tpu.memory_space<vmem>>, vector<1x1x16xf32>,
      }
      %scan3A_136 = arith.constant 8 : i32
      %dma_start3A_137 = arith.constant 0 : i32
      %dma_start3A_138 = arith.constant 0 : i32
      %dma_start3A_139 = arith.constant 0 : i32
      %dma_start3A_140 = tpu.memref_slice %arg9[%dma_start3A_137, %dma_start3A_138, %dma_start3A_139] : memref<3x128x32xf32, #tpu.memory_space<vmem>> -> memref<1x128x32xf32, #tpu.memory_space<vmem>>
      %dma_start3A_141 = tpu.memref_squeeze %dma_start3A_140 : memref<1x128x32xf32, #tpu.memory_space<vmem>> -> memref<128x32xf32, #tpu.memory_space<vmem>>
      %dma_start3A_142 = arith.constant 0 : i32
      %dma_start3A_143 = tpu.memref_slice %arg11[%add3A_120, %dma_start3A_142] : memref<159x128xi32, #tpu.memory_space<vmem>> -> memref<1x128xi32, #tpu.memory_space<vmem>>
      %dma_start3A_144 = tpu.memref_squeeze %dma_start3A_143 : memref<1x128xi32, #tpu.memory_space<vmem>> -> memref<128xi32, #tpu.memory_space<vmem>>
      %dma_start3A_145 = arith.constant 0 : i32
      %dma_start3A_146 = arith.constant 0 : i32
      %dma_start3A_147 = tpu.memref_slice %arg7[%dma_start3A_145, %dma_start3A_146] : memref<10240x32xf32, #tpu.memory_space<vmem_shared>> -> memref<10240x32xf32, #tpu.memory_space<vmem_shared>>
      tpu.enqueue_indirect_dma source(%dma_start3A_141 : memref<128x32xf32, #tpu.memory_space<vmem>>) target(%dma_start3A_147 : memref<10240x32xf32, #tpu.memory_space<vmem_shared>>) offsets(%dma_start3A_144 : memref<128xi32, #tpu.memory_space<vmem>>) semaphore(%arg17 : memref<!tpu.dma_semaphore, #tpu.memory_space<semaphore_mem>>) {add = true}
      %ge3A = arith.constant 1 : i32
      %ge3A_148 = arith.cmpi sge, %add3A_116, %ge3A : i32
      %convert_element_type3A = arith.extui %ge3A_148 : i1 to i32
      %cond3A = arith.constant 0 : i32
      %cond3A_149 = arith.cmpi ne, %convert_element_type3A, %cond3A : i32
      scf.if %cond3A_149 {
        %sub3A = arith.constant 1 : i32
        %sub3A_234 = arith.subi %add3A_120, %sub3A : i32
        %dma_wait3A_235 = arith.constant 2 : i32
        %dma_wait3A_236 = arith.constant 0 : i32
        %dma_wait3A_237 = arith.constant 0 : i32
        %dma_wait3A_238 = tpu.memref_slice %arg9[%dma_wait3A_235, %dma_wait3A_236, %dma_wait3A_237] : memref<3x128x32xf32, #tpu.memory_space<vmem>> -> memref<1x128x32xf32, #tpu.memory_space<vmem>>
        %dma_wait3A_239 = tpu.memref_squeeze %dma_wait3A_238 : memref<1x128x32xf32, #tpu.memory_space<vmem>> -> memref<128x32xf32, #tpu.memory_space<vmem>>
        %dma_wait3A_240 = arith.constant 0 : i32
        %dma_wait3A_241 = tpu.memref_slice %arg11[%sub3A_234, %dma_wait3A_240] : memref<159x128xi32, #tpu.memory_space<vmem>> -> memref<1x128xi32, #tpu.memory_space<vmem>>
        %dma_wait3A_242 = tpu.memref_squeeze %dma_wait3A_241 : memref<1x128xi32, #tpu.memory_space<vmem>> -> memref<128xi32, #tpu.memory_space<vmem>>
        %dma_wait3A_243 = arith.constant 0 : i32
        %dma_wait3A_244 = arith.constant 0 : i32
        %dma_wait3A_245 = tpu.memref_slice %arg7[%dma_wait3A_243, %dma_wait3A_244] : memref<10240x32xf32, #tpu.memory_space<vmem_shared>> -> memref<10240x32xf32, #tpu.memory_space<vmem_shared>>
        tpu.wait_indirect_dma semaphore(%arg19 : memref<!tpu.dma_semaphore, #tpu.memory_space<semaphore_mem>>) src(%dma_wait3A_239 : memref<128x32xf32, #tpu.memory_space<vmem>>) dst(%dma_wait3A_245 : memref<10240x32xf32, #tpu.memory_space<vmem_shared>>)
      } else {
      }
      %add3A_150 = arith.constant 2 : i32
      %add3A_151 = arith.addi %add3A_120, %add3A_150 : i32
      %dma_start3A_152 = arith.constant 2 : i32
      %dma_start3A_153 = arith.constant 0 : i32
      %dma_start3A_154 = arith.constant 0 : i32
      %dma_start3A_155 = tpu.memref_slice %arg9[%dma_start3A_152, %dma_start3A_153, %dma_start3A_154] : memref<3x128x32xf32, #tpu.memory_space<vmem>> -> memref<1x128x32xf32, #tpu.memory_space<vmem>>
      %dma_start3A_156 = tpu.memref_squeeze %dma_start3A_155 : memref<1x128x32xf32, #tpu.memory_space<vmem>> -> memref<128x32xf32, #tpu.memory_space<vmem>>
      %dma_start3A_157 = arith.constant 0 : i32
      %dma_start3A_158 = tpu.memref_slice %arg10[%add3A_151, %dma_start3A_157] : memref<159x128xi32, #tpu.memory_space<vmem>> -> memref<1x128xi32, #tpu.memory_space<vmem>>
      %dma_start3A_159 = tpu.memref_squeeze %dma_start3A_158 : memref<1x128xi32, #tpu.memory_space<vmem>> -> memref<128xi32, #tpu.memory_space<vmem>>
      %dma_start3A_160 = arith.constant 0 : i32
      %dma_start3A_161 = arith.constant 0 : i32
      %dma_start3A_162 = tpu.memref_slice %arg8[%dma_start3A_160, %dma_start3A_161] : memref<10240x32xf32, #tpu.memory_space<vmem_shared>> -> memref<10240x32xf32, #tpu.memory_space<vmem_shared>>
      tpu.enqueue_indirect_dma source(%dma_start3A_162 : memref<10240x32xf32, #tpu.memory_space<vmem_shared>>) target(%dma_start3A_156 : memref<128x32xf32, #tpu.memory_space<vmem>>) offsets(%dma_start3A_159 : memref<128xi32, #tpu.memory_space<vmem>>) semaphore(%arg16 : memref<!tpu.dma_semaphore, #tpu.memory_space<semaphore_mem>>)
      %mul3A_163 = arith.constant 3 : i32
      %mul3A_164 = arith.muli %add3A_116, %mul3A_163 : i32
      %add3A_165 = arith.constant 1 : i32
      %add3A_166 = arith.addi %mul3A_164, %add3A_165 : i32
      %dma_wait3A_167 = arith.constant 1 : i32
      %dma_wait3A_168 = arith.constant 0 : i32
      %dma_wait3A_169 = arith.constant 0 : i32
      %dma_wait3A_170 = tpu.memref_slice %arg9[%dma_wait3A_167, %dma_wait3A_168, %dma_wait3A_169] : memref<3x128x32xf32, #tpu.memory_space<vmem>> -> memref<1x128x32xf32, #tpu.memory_space<vmem>>
      %dma_wait3A_171 = tpu.memref_squeeze %dma_wait3A_170 : memref<1x128x32xf32, #tpu.memory_space<vmem>> -> memref<128x32xf32, #tpu.memory_space<vmem>>
      %dma_wait3A_172 = arith.constant 0 : i32
      %dma_wait3A_173 = tpu.memref_slice %arg10[%add3A_166, %dma_wait3A_172] : memref<159x128xi32, #tpu.memory_space<vmem>> -> memref<1x128xi32, #tpu.memory_space<vmem>>
      %dma_wait3A_174 = tpu.memref_squeeze %dma_wait3A_173 : memref<1x128xi32, #tpu.memory_space<vmem>> -> memref<128xi32, #tpu.memory_space<vmem>>
      %dma_wait3A_175 = arith.constant 0 : i32
      %dma_wait3A_176 = arith.constant 0 : i32
      %dma_wait3A_177 = tpu.memref_slice %arg8[%dma_wait3A_175, %dma_wait3A_176] : memref<10240x32xf32, #tpu.memory_space<vmem_shared>> -> memref<10240x32xf32, #tpu.memory_space<vmem_shared>>
      tpu.wait_indirect_dma semaphore(%arg15 : memref<!tpu.dma_semaphore, #tpu.memory_space<semaphore_mem>>) src(%dma_wait3A_177 : memref<10240x32xf32, #tpu.memory_space<vmem_shared>>) dst(%dma_wait3A_171 : memref<128x32xf32, #tpu.memory_space<vmem>>)
      %scan3A_178 = arith.constant 0 : i32
      %scan3A_179 = arith.constant 8 : i32
      %scan3A_180 = arith.addi %scan3A_178, %scan3A_179 : i32
      %scan3A_181 = arith.constant 1 : i32
      scf.for %scan3A_234 = %scan3A_178 to %scan3A_180 step %scan3A_181  : i32 {
        %mul3A_235 = arith.constant 1 : i32
        %mul3A_236 = arith.muli %scan3A_234, %mul3A_235 : i32
        %add3A_237 = arith.constant 0 : i32
        %add3A_238 = arith.addi %add3A_237, %mul3A_236 : i32
        %mul3A_239 = arith.constant 128 : i32
        %mul3A_240 = arith.muli %add3A_166, %mul3A_239 : i32
        %mul3A_241 = arith.constant 16 : i32
        %mul3A_242 = arith.muli %add3A_238, %mul3A_241 : i32
        %add3A_243 = arith.addi %mul3A_240, %mul3A_242 : i32
        %get3A = arith.index_cast %add3A_243 : i32 to index
        %get3A_244 = tpu.vector_load %arg12[%get3A] {strides = array<i32>} : memref<20352xf32, #tpu.memory_space<vmem>>, vector<16xf32>,
        %get3A_245 = vector.shape_cast %get3A_244 : vector<16xf32> to vector<16xf32>
        %broadcast_in_dim3A = arith.constant 0 : i32
        %broadcast_in_dim3A_246 = vector.broadcast %broadcast_in_dim3A : i32 to vector<16x1xi32>
        %gather3A = vector.shape_cast %broadcast_in_dim3A_246 : vector<16x1xi32> to vector<16xi32>
        %gather3A_247 = tpu.dynamic_gather %get3A_245[%gather3A] in [0] : vector<16xf32>, vector<16xi32> -> vector<16xf32>
        %broadcast_in_dim3A_248 = arith.constant 1 : i32
        %broadcast_in_dim3A_249 = vector.broadcast %broadcast_in_dim3A_248 : i32 to vector<16x1xi32>
        %gather3A_250 = vector.shape_cast %broadcast_in_dim3A_249 : vector<16x1xi32> to vector<16xi32>
        %gather3A_251 = tpu.dynamic_gather %get3A_245[%gather3A_250] in [0] : vector<16xf32>, vector<16xi32> -> vector<16xf32>
        %broadcast_in_dim3A_252 = arith.constant 2 : i32
        %broadcast_in_dim3A_253 = vector.broadcast %broadcast_in_dim3A_252 : i32 to vector<16x1xi32>
        %gather3A_254 = vector.shape_cast %broadcast_in_dim3A_253 : vector<16x1xi32> to vector<16xi32>
        %gather3A_255 = tpu.dynamic_gather %get3A_245[%gather3A_254] in [0] : vector<16xf32>, vector<16xi32> -> vector<16xf32>
        %broadcast_in_dim3A_256 = arith.constant 3 : i32
        %broadcast_in_dim3A_257 = vector.broadcast %broadcast_in_dim3A_256 : i32 to vector<16x1xi32>
        %gather3A_258 = vector.shape_cast %broadcast_in_dim3A_257 : vector<16x1xi32> to vector<16xi32>
        %gather3A_259 = tpu.dynamic_gather %get3A_245[%gather3A_258] in [0] : vector<16xf32>, vector<16xi32> -> vector<16xf32>
        %broadcast_in_dim3A_260 = arith.constant 4 : i32
        %broadcast_in_dim3A_261 = vector.broadcast %broadcast_in_dim3A_260 : i32 to vector<16x1xi32>
        %gather3A_262 = vector.shape_cast %broadcast_in_dim3A_261 : vector<16x1xi32> to vector<16xi32>
        %gather3A_263 = tpu.dynamic_gather %get3A_245[%gather3A_262] in [0] : vector<16xf32>, vector<16xi32> -> vector<16xf32>
        %broadcast_in_dim3A_264 = arith.constant 5 : i32
        %broadcast_in_dim3A_265 = vector.broadcast %broadcast_in_dim3A_264 : i32 to vector<16x1xi32>
        %gather3A_266 = vector.shape_cast %broadcast_in_dim3A_265 : vector<16x1xi32> to vector<16xi32>
        %gather3A_267 = tpu.dynamic_gather %get3A_245[%gather3A_266] in [0] : vector<16xf32>, vector<16xi32> -> vector<16xf32>
        %broadcast_in_dim3A_268 = arith.constant 6 : i32
        %broadcast_in_dim3A_269 = vector.broadcast %broadcast_in_dim3A_268 : i32 to vector<16x1xi32>
        %gather3A_270 = vector.shape_cast %broadcast_in_dim3A_269 : vector<16x1xi32> to vector<16xi32>
        %gather3A_271 = tpu.dynamic_gather %get3A_245[%gather3A_270] in [0] : vector<16xf32>, vector<16xi32> -> vector<16xf32>
        %broadcast_in_dim3A_272 = arith.constant 7 : i32
        %broadcast_in_dim3A_273 = vector.broadcast %broadcast_in_dim3A_272 : i32 to vector<16x1xi32>
        %gather3A_274 = vector.shape_cast %broadcast_in_dim3A_273 : vector<16x1xi32> to vector<16xi32>
        %gather3A_275 = tpu.dynamic_gather %get3A_245[%gather3A_274] in [0] : vector<16xf32>, vector<16xi32> -> vector<16xf32>
        %broadcast_in_dim3A_276 = arith.constant 8 : i32
        %broadcast_in_dim3A_277 = vector.broadcast %broadcast_in_dim3A_276 : i32 to vector<16x1xi32>
        %gather3A_278 = vector.shape_cast %broadcast_in_dim3A_277 : vector<16x1xi32> to vector<16xi32>
        %gather3A_279 = tpu.dynamic_gather %get3A_245[%gather3A_278] in [0] : vector<16xf32>, vector<16xi32> -> vector<16xf32>
        %broadcast_in_dim3A_280 = arith.constant 9 : i32
        %broadcast_in_dim3A_281 = vector.broadcast %broadcast_in_dim3A_280 : i32 to vector<16x1xi32>
        %gather3A_282 = vector.shape_cast %broadcast_in_dim3A_281 : vector<16x1xi32> to vector<16xi32>
        %gather3A_283 = tpu.dynamic_gather %get3A_245[%gather3A_282] in [0] : vector<16xf32>, vector<16xi32> -> vector<16xf32>
        %broadcast_in_dim3A_284 = arith.constant 10 : i32
        %broadcast_in_dim3A_285 = vector.broadcast %broadcast_in_dim3A_284 : i32 to vector<16x1xi32>
        %gather3A_286 = vector.shape_cast %broadcast_in_dim3A_285 : vector<16x1xi32> to vector<16xi32>
        %gather3A_287 = tpu.dynamic_gather %get3A_245[%gather3A_286] in [0] : vector<16xf32>, vector<16xi32> -> vector<16xf32>
        %broadcast_in_dim3A_288 = arith.constant 11 : i32
        %broadcast_in_dim3A_289 = vector.broadcast %broadcast_in_dim3A_288 : i32 to vector<16x1xi32>
        %gather3A_290 = vector.shape_cast %broadcast_in_dim3A_289 : vector<16x1xi32> to vector<16xi32>
        %gather3A_291 = tpu.dynamic_gather %get3A_245[%gather3A_290] in [0] : vector<16xf32>, vector<16xi32> -> vector<16xf32>
        %broadcast_in_dim3A_292 = arith.constant 12 : i32
        %broadcast_in_dim3A_293 = vector.broadcast %broadcast_in_dim3A_292 : i32 to vector<16x1xi32>
        %gather3A_294 = vector.shape_cast %broadcast_in_dim3A_293 : vector<16x1xi32> to vector<16xi32>
        %gather3A_295 = tpu.dynamic_gather %get3A_245[%gather3A_294] in [0] : vector<16xf32>, vector<16xi32> -> vector<16xf32>
        %broadcast_in_dim3A_296 = arith.constant 13 : i32
        %broadcast_in_dim3A_297 = vector.broadcast %broadcast_in_dim3A_296 : i32 to vector<16x1xi32>
        %gather3A_298 = vector.shape_cast %broadcast_in_dim3A_297 : vector<16x1xi32> to vector<16xi32>
        %gather3A_299 = tpu.dynamic_gather %get3A_245[%gather3A_298] in [0] : vector<16xf32>, vector<16xi32> -> vector<16xf32>
        %broadcast_in_dim3A_300 = arith.constant 14 : i32
        %broadcast_in_dim3A_301 = vector.broadcast %broadcast_in_dim3A_300 : i32 to vector<16x1xi32>
        %gather3A_302 = vector.shape_cast %broadcast_in_dim3A_301 : vector<16x1xi32> to vector<16xi32>
        %gather3A_303 = tpu.dynamic_gather %get3A_245[%gather3A_302] in [0] : vector<16xf32>, vector<16xi32> -> vector<16xf32>
        %broadcast_in_dim3A_304 = arith.constant 15 : i32
        %broadcast_in_dim3A_305 = vector.broadcast %broadcast_in_dim3A_304 : i32 to vector<16x1xi32>
        %gather3A_306 = vector.shape_cast %broadcast_in_dim3A_305 : vector<16x1xi32> to vector<16xi32>
        %gather3A_307 = tpu.dynamic_gather %get3A_245[%gather3A_306] in [0] : vector<16xf32>, vector<16xi32> -> vector<16xf32>
        %mul3A_308 = arith.constant 16 : i32
        %mul3A_309 = arith.muli %add3A_238, %mul3A_308 : i32
        %add3A_310 = arith.constant 0 : i32
        %add3A_311 = arith.addi %mul3A_309, %add3A_310 : i32
        %get3A_312 = arith.constant 1 : i32
        %get3A_313 = arith.index_cast %get3A_312 : i32 to index
        %get3A_314 = arith.index_cast %add3A_311 : i32 to index
        %get3A_315 = arith.constant 0 : index
        %get3A_316 = tpu.vector_load %arg9[%get3A_313, %get3A_314, %get3A_315] {strides = array<i32>} : memref<3x128x32xf32, #tpu.memory_space<vmem>>, vector<1x1x16xf32>,
        %get3A_317 = vector.shape_cast %get3A_316 : vector<1x1x16xf32> to vector<16xf32>
        %mul3A_318 = arith.mulf %get3A_317, %gather3A_247 : vector<16xf32>
        %mul3A_319 = arith.constant 16 : i32
        %mul3A_320 = arith.muli %add3A_238, %mul3A_319 : i32
        %add3A_321 = arith.constant 1 : i32
        %add3A_322 = arith.addi %mul3A_320, %add3A_321 : i32
        %get3A_323 = arith.constant 1 : i32
        %get3A_324 = arith.index_cast %get3A_323 : i32 to index
        %get3A_325 = arith.index_cast %add3A_322 : i32 to index
        %get3A_326 = arith.constant 0 : index
        %get3A_327 = tpu.vector_load %arg9[%get3A_324, %get3A_325, %get3A_326] {strides = array<i32>} : memref<3x128x32xf32, #tpu.memory_space<vmem>>, vector<1x1x16xf32>,
        %get3A_328 = vector.shape_cast %get3A_327 : vector<1x1x16xf32> to vector<16xf32>
        %mul3A_329 = arith.mulf %get3A_328, %gather3A_251 : vector<16xf32>
        %mul3A_330 = arith.constant 16 : i32
        %mul3A_331 = arith.muli %add3A_238, %mul3A_330 : i32
        %add3A_332 = arith.constant 2 : i32
        %add3A_333 = arith.addi %mul3A_331, %add3A_332 : i32
        %get3A_334 = arith.constant 1 : i32
        %get3A_335 = arith.index_cast %get3A_334 : i32 to index
        %get3A_336 = arith.index_cast %add3A_333 : i32 to index
        %get3A_337 = arith.constant 0 : index
        %get3A_338 = tpu.vector_load %arg9[%get3A_335, %get3A_336, %get3A_337] {strides = array<i32>} : memref<3x128x32xf32, #tpu.memory_space<vmem>>, vector<1x1x16xf32>,
        %get3A_339 = vector.shape_cast %get3A_338 : vector<1x1x16xf32> to vector<16xf32>
        %mul3A_340 = arith.mulf %get3A_339, %gather3A_255 : vector<16xf32>
        %mul3A_341 = arith.constant 16 : i32
        %mul3A_342 = arith.muli %add3A_238, %mul3A_341 : i32
        %add3A_343 = arith.constant 3 : i32
        %add3A_344 = arith.addi %mul3A_342, %add3A_343 : i32
        %get3A_345 = arith.constant 1 : i32
        %get3A_346 = arith.index_cast %get3A_345 : i32 to index
        %get3A_347 = arith.index_cast %add3A_344 : i32 to index
        %get3A_348 = arith.constant 0 : index
        %get3A_349 = tpu.vector_load %arg9[%get3A_346, %get3A_347, %get3A_348] {strides = array<i32>} : memref<3x128x32xf32, #tpu.memory_space<vmem>>, vector<1x1x16xf32>,
        %get3A_350 = vector.shape_cast %get3A_349 : vector<1x1x16xf32> to vector<16xf32>
        %mul3A_351 = arith.mulf %get3A_350, %gather3A_259 : vector<16xf32>
        %mul3A_352 = arith.constant 16 : i32
        %mul3A_353 = arith.muli %add3A_238, %mul3A_352 : i32
        %add3A_354 = arith.constant 4 : i32
        %add3A_355 = arith.addi %mul3A_353, %add3A_354 : i32
        %get3A_356 = arith.constant 1 : i32
        %get3A_357 = arith.index_cast %get3A_356 : i32 to index
        %get3A_358 = arith.index_cast %add3A_355 : i32 to index
        %get3A_359 = arith.constant 0 : index
        %get3A_360 = tpu.vector_load %arg9[%get3A_357, %get3A_358, %get3A_359] {strides = array<i32>} : memref<3x128x32xf32, #tpu.memory_space<vmem>>, vector<1x1x16xf32>,
        %get3A_361 = vector.shape_cast %get3A_360 : vector<1x1x16xf32> to vector<16xf32>
        %mul3A_362 = arith.mulf %get3A_361, %gather3A_263 : vector<16xf32>
        %mul3A_363 = arith.constant 16 : i32
        %mul3A_364 = arith.muli %add3A_238, %mul3A_363 : i32
        %add3A_365 = arith.constant 5 : i32
        %add3A_366 = arith.addi %mul3A_364, %add3A_365 : i32
        %get3A_367 = arith.constant 1 : i32
        %get3A_368 = arith.index_cast %get3A_367 : i32 to index
        %get3A_369 = arith.index_cast %add3A_366 : i32 to index
        %get3A_370 = arith.constant 0 : index
        %get3A_371 = tpu.vector_load %arg9[%get3A_368, %get3A_369, %get3A_370] {strides = array<i32>} : memref<3x128x32xf32, #tpu.memory_space<vmem>>, vector<1x1x16xf32>,
        %get3A_372 = vector.shape_cast %get3A_371 : vector<1x1x16xf32> to vector<16xf32>
        %mul3A_373 = arith.mulf %get3A_372, %gather3A_267 : vector<16xf32>
        %mul3A_374 = arith.constant 16 : i32
        %mul3A_375 = arith.muli %add3A_238, %mul3A_374 : i32
        %add3A_376 = arith.constant 6 : i32
        %add3A_377 = arith.addi %mul3A_375, %add3A_376 : i32
        %get3A_378 = arith.constant 1 : i32
        %get3A_379 = arith.index_cast %get3A_378 : i32 to index
        %get3A_380 = arith.index_cast %add3A_377 : i32 to index
        %get3A_381 = arith.constant 0 : index
        %get3A_382 = tpu.vector_load %arg9[%get3A_379, %get3A_380, %get3A_381] {strides = array<i32>} : memref<3x128x32xf32, #tpu.memory_space<vmem>>, vector<1x1x16xf32>,
        %get3A_383 = vector.shape_cast %get3A_382 : vector<1x1x16xf32> to vector<16xf32>
        %mul3A_384 = arith.mulf %get3A_383, %gather3A_271 : vector<16xf32>
        %mul3A_385 = arith.constant 16 : i32
        %mul3A_386 = arith.muli %add3A_238, %mul3A_385 : i32
        %add3A_387 = arith.constant 7 : i32
        %add3A_388 = arith.addi %mul3A_386, %add3A_387 : i32
        %get3A_389 = arith.constant 1 : i32
        %get3A_390 = arith.index_cast %get3A_389 : i32 to index
        %get3A_391 = arith.index_cast %add3A_388 : i32 to index
        %get3A_392 = arith.constant 0 : index
        %get3A_393 = tpu.vector_load %arg9[%get3A_390, %get3A_391, %get3A_392] {strides = array<i32>} : memref<3x128x32xf32, #tpu.memory_space<vmem>>, vector<1x1x16xf32>,
        %get3A_394 = vector.shape_cast %get3A_393 : vector<1x1x16xf32> to vector<16xf32>
        %mul3A_395 = arith.mulf %get3A_394, %gather3A_275 : vector<16xf32>
        %mul3A_396 = arith.constant 16 : i32
        %mul3A_397 = arith.muli %add3A_238, %mul3A_396 : i32
        %add3A_398 = arith.constant 8 : i32
        %add3A_399 = arith.addi %mul3A_397, %add3A_398 : i32
        %get3A_400 = arith.constant 1 : i32
        %get3A_401 = arith.index_cast %get3A_400 : i32 to index
        %get3A_402 = arith.index_cast %add3A_399 : i32 to index
        %get3A_403 = arith.constant 0 : index
        %get3A_404 = tpu.vector_load %arg9[%get3A_401, %get3A_402, %get3A_403] {strides = array<i32>} : memref<3x128x32xf32, #tpu.memory_space<vmem>>, vector<1x1x16xf32>,
        %get3A_405 = vector.shape_cast %get3A_404 : vector<1x1x16xf32> to vector<16xf32>
        %mul3A_406 = arith.mulf %get3A_405, %gather3A_279 : vector<16xf32>
        %mul3A_407 = arith.constant 16 : i32
        %mul3A_408 = arith.muli %add3A_238, %mul3A_407 : i32
        %add3A_409 = arith.constant 9 : i32
        %add3A_410 = arith.addi %mul3A_408, %add3A_409 : i32
        %get3A_411 = arith.constant 1 : i32
        %get3A_412 = arith.index_cast %get3A_411 : i32 to index
        %get3A_413 = arith.index_cast %add3A_410 : i32 to index
        %get3A_414 = arith.constant 0 : index
        %get3A_415 = tpu.vector_load %arg9[%get3A_412, %get3A_413, %get3A_414] {strides = array<i32>} : memref<3x128x32xf32, #tpu.memory_space<vmem>>, vector<1x1x16xf32>,
        %get3A_416 = vector.shape_cast %get3A_415 : vector<1x1x16xf32> to vector<16xf32>
        %mul3A_417 = arith.mulf %get3A_416, %gather3A_283 : vector<16xf32>
        %mul3A_418 = arith.constant 16 : i32
        %mul3A_419 = arith.muli %add3A_238, %mul3A_418 : i32
        %add3A_420 = arith.constant 10 : i32
        %add3A_421 = arith.addi %mul3A_419, %add3A_420 : i32
        %get3A_422 = arith.constant 1 : i32
        %get3A_423 = arith.index_cast %get3A_422 : i32 to index
        %get3A_424 = arith.index_cast %add3A_421 : i32 to index
        %get3A_425 = arith.constant 0 : index
        %get3A_426 = tpu.vector_load %arg9[%get3A_423, %get3A_424, %get3A_425] {strides = array<i32>} : memref<3x128x32xf32, #tpu.memory_space<vmem>>, vector<1x1x16xf32>,
        %get3A_427 = vector.shape_cast %get3A_426 : vector<1x1x16xf32> to vector<16xf32>
        %mul3A_428 = arith.mulf %get3A_427, %gather3A_287 : vector<16xf32>
        %mul3A_429 = arith.constant 16 : i32
        %mul3A_430 = arith.muli %add3A_238, %mul3A_429 : i32
        %add3A_431 = arith.constant 11 : i32
        %add3A_432 = arith.addi %mul3A_430, %add3A_431 : i32
        %get3A_433 = arith.constant 1 : i32
        %get3A_434 = arith.index_cast %get3A_433 : i32 to index
        %get3A_435 = arith.index_cast %add3A_432 : i32 to index
        %get3A_436 = arith.constant 0 : index
        %get3A_437 = tpu.vector_load %arg9[%get3A_434, %get3A_435, %get3A_436] {strides = array<i32>} : memref<3x128x32xf32, #tpu.memory_space<vmem>>, vector<1x1x16xf32>,
        %get3A_438 = vector.shape_cast %get3A_437 : vector<1x1x16xf32> to vector<16xf32>
        %mul3A_439 = arith.mulf %get3A_438, %gather3A_291 : vector<16xf32>
        %mul3A_440 = arith.constant 16 : i32
        %mul3A_441 = arith.muli %add3A_238, %mul3A_440 : i32
        %add3A_442 = arith.constant 12 : i32
        %add3A_443 = arith.addi %mul3A_441, %add3A_442 : i32
        %get3A_444 = arith.constant 1 : i32
        %get3A_445 = arith.index_cast %get3A_444 : i32 to index
        %get3A_446 = arith.index_cast %add3A_443 : i32 to index
        %get3A_447 = arith.constant 0 : index
        %get3A_448 = tpu.vector_load %arg9[%get3A_445, %get3A_446, %get3A_447] {strides = array<i32>} : memref<3x128x32xf32, #tpu.memory_space<vmem>>, vector<1x1x16xf32>,
        %get3A_449 = vector.shape_cast %get3A_448 : vector<1x1x16xf32> to vector<16xf32>
        %mul3A_450 = arith.mulf %get3A_449, %gather3A_295 : vector<16xf32>
        %mul3A_451 = arith.constant 16 : i32
        %mul3A_452 = arith.muli %add3A_238, %mul3A_451 : i32
        %add3A_453 = arith.constant 13 : i32
        %add3A_454 = arith.addi %mul3A_452, %add3A_453 : i32
        %get3A_455 = arith.constant 1 : i32
        %get3A_456 = arith.index_cast %get3A_455 : i32 to index
        %get3A_457 = arith.index_cast %add3A_454 : i32 to index
        %get3A_458 = arith.constant 0 : index
        %get3A_459 = tpu.vector_load %arg9[%get3A_456, %get3A_457, %get3A_458] {strides = array<i32>} : memref<3x128x32xf32, #tpu.memory_space<vmem>>, vector<1x1x16xf32>,
        %get3A_460 = vector.shape_cast %get3A_459 : vector<1x1x16xf32> to vector<16xf32>
        %mul3A_461 = arith.mulf %get3A_460, %gather3A_299 : vector<16xf32>
        %mul3A_462 = arith.constant 16 : i32
        %mul3A_463 = arith.muli %add3A_238, %mul3A_462 : i32
        %add3A_464 = arith.constant 14 : i32
        %add3A_465 = arith.addi %mul3A_463, %add3A_464 : i32
        %get3A_466 = arith.constant 1 : i32
        %get3A_467 = arith.index_cast %get3A_466 : i32 to index
        %get3A_468 = arith.index_cast %add3A_465 : i32 to index
        %get3A_469 = arith.constant 0 : index
        %get3A_470 = tpu.vector_load %arg9[%get3A_467, %get3A_468, %get3A_469] {strides = array<i32>} : memref<3x128x32xf32, #tpu.memory_space<vmem>>, vector<1x1x16xf32>,
        %get3A_471 = vector.shape_cast %get3A_470 : vector<1x1x16xf32> to vector<16xf32>
        %mul3A_472 = arith.mulf %get3A_471, %gather3A_303 : vector<16xf32>
        %mul3A_473 = arith.constant 16 : i32
        %mul3A_474 = arith.muli %add3A_238, %mul3A_473 : i32
        %add3A_475 = arith.constant 15 : i32
        %add3A_476 = arith.addi %mul3A_474, %add3A_475 : i32
        %get3A_477 = arith.constant 1 : i32
        %get3A_478 = arith.index_cast %get3A_477 : i32 to index
        %get3A_479 = arith.index_cast %add3A_476 : i32 to index
        %get3A_480 = arith.constant 0 : index
        %get3A_481 = tpu.vector_load %arg9[%get3A_478, %get3A_479, %get3A_480] {strides = array<i32>} : memref<3x128x32xf32, #tpu.memory_space<vmem>>, vector<1x1x16xf32>,
        %get3A_482 = vector.shape_cast %get3A_481 : vector<1x1x16xf32> to vector<16xf32>
        %mul3A_483 = arith.mulf %get3A_482, %gather3A_307 : vector<16xf32>
        %mul3A_484 = arith.constant 16 : i32
        %mul3A_485 = arith.muli %add3A_238, %mul3A_484 : i32
        %add3A_486 = arith.constant 0 : i32
        %add3A_487 = arith.addi %mul3A_485, %add3A_486 : i32
        %swap3A = arith.constant 1 : i32
        %swap3A_488 = arith.index_cast %swap3A : i32 to index
        %swap3A_489 = arith.index_cast %add3A_487 : i32 to index
        %swap3A_490 = arith.constant 0 : index
        %swap3A_491 = tpu.vector_load %arg9[%swap3A_488, %swap3A_489, %swap3A_490] {strides = array<i32>} : memref<3x128x32xf32, #tpu.memory_space<vmem>>, vector<1x1x16xf32>,
        %swap3A_492 = vector.shape_cast %swap3A_491 : vector<1x1x16xf32> to vector<16xf32>
        %swap3A_493 = vector.shape_cast %mul3A_318 : vector<16xf32> to vector<1x1x16xf32>
        tpu.vector_store %arg9[%swap3A_488, %swap3A_489, %swap3A_490], %swap3A_493 {strides = array<i32>} : memref<3x128x32xf32, #tpu.memory_space<vmem>>, vector<1x1x16xf32>,
        %mul3A_494 = arith.constant 16 : i32
        %mul3A_495 = arith.muli %add3A_238, %mul3A_494 : i32
        %add3A_496 = arith.constant 1 : i32
        %add3A_497 = arith.addi %mul3A_495, %add3A_496 : i32
        %swap3A_498 = arith.constant 1 : i32
        %swap3A_499 = arith.index_cast %swap3A_498 : i32 to index
        %swap3A_500 = arith.index_cast %add3A_497 : i32 to index
        %swap3A_501 = arith.constant 0 : index
        %swap3A_502 = tpu.vector_load %arg9[%swap3A_499, %swap3A_500, %swap3A_501] {strides = array<i32>} : memref<3x128x32xf32, #tpu.memory_space<vmem>>, vector<1x1x16xf32>,
        %swap3A_503 = vector.shape_cast %swap3A_502 : vector<1x1x16xf32> to vector<16xf32>
        %swap3A_504 = vector.shape_cast %mul3A_329 : vector<16xf32> to vector<1x1x16xf32>
        tpu.vector_store %arg9[%swap3A_499, %swap3A_500, %swap3A_501], %swap3A_504 {strides = array<i32>} : memref<3x128x32xf32, #tpu.memory_space<vmem>>, vector<1x1x16xf32>,
        %mul3A_505 = arith.constant 16 : i32
        %mul3A_506 = arith.muli %add3A_238, %mul3A_505 : i32
        %add3A_507 = arith.constant 2 : i32
        %add3A_508 = arith.addi %mul3A_506, %add3A_507 : i32
        %swap3A_509 = arith.constant 1 : i32
        %swap3A_510 = arith.index_cast %swap3A_509 : i32 to index
        %swap3A_511 = arith.index_cast %add3A_508 : i32 to index
        %swap3A_512 = arith.constant 0 : index
        %swap3A_513 = tpu.vector_load %arg9[%swap3A_510, %swap3A_511, %swap3A_512] {strides = array<i32>} : memref<3x128x32xf32, #tpu.memory_space<vmem>>, vector<1x1x16xf32>,
        %swap3A_514 = vector.shape_cast %swap3A_513 : vector<1x1x16xf32> to vector<16xf32>
        %swap3A_515 = vector.shape_cast %mul3A_340 : vector<16xf32> to vector<1x1x16xf32>
        tpu.vector_store %arg9[%swap3A_510, %swap3A_511, %swap3A_512], %swap3A_515 {strides = array<i32>} : memref<3x128x32xf32, #tpu.memory_space<vmem>>, vector<1x1x16xf32>,
        %mul3A_516 = arith.constant 16 : i32
        %mul3A_517 = arith.muli %add3A_238, %mul3A_516 : i32
        %add3A_518 = arith.constant 3 : i32
        %add3A_519 = arith.addi %mul3A_517, %add3A_518 : i32
        %swap3A_520 = arith.constant 1 : i32
        %swap3A_521 = arith.index_cast %swap3A_520 : i32 to index
        %swap3A_522 = arith.index_cast %add3A_519 : i32 to index
        %swap3A_523 = arith.constant 0 : index
        %swap3A_524 = tpu.vector_load %arg9[%swap3A_521, %swap3A_522, %swap3A_523] {strides = array<i32>} : memref<3x128x32xf32, #tpu.memory_space<vmem>>, vector<1x1x16xf32>,
        %swap3A_525 = vector.shape_cast %swap3A_524 : vector<1x1x16xf32> to vector<16xf32>
        %swap3A_526 = vector.shape_cast %mul3A_351 : vector<16xf32> to vector<1x1x16xf32>
        tpu.vector_store %arg9[%swap3A_521, %swap3A_522, %swap3A_523], %swap3A_526 {strides = array<i32>} : memref<3x128x32xf32, #tpu.memory_space<vmem>>, vector<1x1x16xf32>,
        %mul3A_527 = arith.constant 16 : i32
        %mul3A_528 = arith.muli %add3A_238, %mul3A_527 : i32
        %add3A_529 = arith.constant 4 : i32
        %add3A_530 = arith.addi %mul3A_528, %add3A_529 : i32
        %swap3A_531 = arith.constant 1 : i32
        %swap3A_532 = arith.index_cast %swap3A_531 : i32 to index
        %swap3A_533 = arith.index_cast %add3A_530 : i32 to index
        %swap3A_534 = arith.constant 0 : index
        %swap3A_535 = tpu.vector_load %arg9[%swap3A_532, %swap3A_533, %swap3A_534] {strides = array<i32>} : memref<3x128x32xf32, #tpu.memory_space<vmem>>, vector<1x1x16xf32>,
        %swap3A_536 = vector.shape_cast %swap3A_535 : vector<1x1x16xf32> to vector<16xf32>
        %swap3A_537 = vector.shape_cast %mul3A_362 : vector<16xf32> to vector<1x1x16xf32>
        tpu.vector_store %arg9[%swap3A_532, %swap3A_533, %swap3A_534], %swap3A_537 {strides = array<i32>} : memref<3x128x32xf32, #tpu.memory_space<vmem>>, vector<1x1x16xf32>,
        %mul3A_538 = arith.constant 16 : i32
        %mul3A_539 = arith.muli %add3A_238, %mul3A_538 : i32
        %add3A_540 = arith.constant 5 : i32
        %add3A_541 = arith.addi %mul3A_539, %add3A_540 : i32
        %swap3A_542 = arith.constant 1 : i32
        %swap3A_543 = arith.index_cast %swap3A_542 : i32 to index
        %swap3A_544 = arith.index_cast %add3A_541 : i32 to index
        %swap3A_545 = arith.constant 0 : index
        %swap3A_546 = tpu.vector_load %arg9[%swap3A_543, %swap3A_544, %swap3A_545] {strides = array<i32>} : memref<3x128x32xf32, #tpu.memory_space<vmem>>, vector<1x1x16xf32>,
        %swap3A_547 = vector.shape_cast %swap3A_546 : vector<1x1x16xf32> to vector<16xf32>
        %swap3A_548 = vector.shape_cast %mul3A_373 : vector<16xf32> to vector<1x1x16xf32>
        tpu.vector_store %arg9[%swap3A_543, %swap3A_544, %swap3A_545], %swap3A_548 {strides = array<i32>} : memref<3x128x32xf32, #tpu.memory_space<vmem>>, vector<1x1x16xf32>,
        %mul3A_549 = arith.constant 16 : i32
        %mul3A_550 = arith.muli %add3A_238, %mul3A_549 : i32
        %add3A_551 = arith.constant 6 : i32
        %add3A_552 = arith.addi %mul3A_550, %add3A_551 : i32
        %swap3A_553 = arith.constant 1 : i32
        %swap3A_554 = arith.index_cast %swap3A_553 : i32 to index
        %swap3A_555 = arith.index_cast %add3A_552 : i32 to index
        %swap3A_556 = arith.constant 0 : index
        %swap3A_557 = tpu.vector_load %arg9[%swap3A_554, %swap3A_555, %swap3A_556] {strides = array<i32>} : memref<3x128x32xf32, #tpu.memory_space<vmem>>, vector<1x1x16xf32>,
        %swap3A_558 = vector.shape_cast %swap3A_557 : vector<1x1x16xf32> to vector<16xf32>
        %swap3A_559 = vector.shape_cast %mul3A_384 : vector<16xf32> to vector<1x1x16xf32>
        tpu.vector_store %arg9[%swap3A_554, %swap3A_555, %swap3A_556], %swap3A_559 {strides = array<i32>} : memref<3x128x32xf32, #tpu.memory_space<vmem>>, vector<1x1x16xf32>,
        %mul3A_560 = arith.constant 16 : i32
        %mul3A_561 = arith.muli %add3A_238, %mul3A_560 : i32
        %add3A_562 = arith.constant 7 : i32
        %add3A_563 = arith.addi %mul3A_561, %add3A_562 : i32
        %swap3A_564 = arith.constant 1 : i32
        %swap3A_565 = arith.index_cast %swap3A_564 : i32 to index
        %swap3A_566 = arith.index_cast %add3A_563 : i32 to index
        %swap3A_567 = arith.constant 0 : index
        %swap3A_568 = tpu.vector_load %arg9[%swap3A_565, %swap3A_566, %swap3A_567] {strides = array<i32>} : memref<3x128x32xf32, #tpu.memory_space<vmem>>, vector<1x1x16xf32>,
        %swap3A_569 = vector.shape_cast %swap3A_568 : vector<1x1x16xf32> to vector<16xf32>
        %swap3A_570 = vector.shape_cast %mul3A_395 : vector<16xf32> to vector<1x1x16xf32>
        tpu.vector_store %arg9[%swap3A_565, %swap3A_566, %swap3A_567], %swap3A_570 {strides = array<i32>} : memref<3x128x32xf32, #tpu.memory_space<vmem>>, vector<1x1x16xf32>,
        %mul3A_571 = arith.constant 16 : i32
        %mul3A_572 = arith.muli %add3A_238, %mul3A_571 : i32
        %add3A_573 = arith.constant 8 : i32
        %add3A_574 = arith.addi %mul3A_572, %add3A_573 : i32
        %swap3A_575 = arith.constant 1 : i32
        %swap3A_576 = arith.index_cast %swap3A_575 : i32 to index
        %swap3A_577 = arith.index_cast %add3A_574 : i32 to index
        %swap3A_578 = arith.constant 0 : index
        %swap3A_579 = tpu.vector_load %arg9[%swap3A_576, %swap3A_577, %swap3A_578] {strides = array<i32>} : memref<3x128x32xf32, #tpu.memory_space<vmem>>, vector<1x1x16xf32>,
        %swap3A_580 = vector.shape_cast %swap3A_579 : vector<1x1x16xf32> to vector<16xf32>
        %swap3A_581 = vector.shape_cast %mul3A_406 : vector<16xf32> to vector<1x1x16xf32>
        tpu.vector_store %arg9[%swap3A_576, %swap3A_577, %swap3A_578], %swap3A_581 {strides = array<i32>} : memref<3x128x32xf32, #tpu.memory_space<vmem>>, vector<1x1x16xf32>,
        %mul3A_582 = arith.constant 16 : i32
        %mul3A_583 = arith.muli %add3A_238, %mul3A_582 : i32
        %add3A_584 = arith.constant 9 : i32
        %add3A_585 = arith.addi %mul3A_583, %add3A_584 : i32
        %swap3A_586 = arith.constant 1 : i32
        %swap3A_587 = arith.index_cast %swap3A_586 : i32 to index
        %swap3A_588 = arith.index_cast %add3A_585 : i32 to index
        %swap3A_589 = arith.constant 0 : index
        %swap3A_590 = tpu.vector_load %arg9[%swap3A_587, %swap3A_588, %swap3A_589] {strides = array<i32>} : memref<3x128x32xf32, #tpu.memory_space<vmem>>, vector<1x1x16xf32>,
        %swap3A_591 = vector.shape_cast %swap3A_590 : vector<1x1x16xf32> to vector<16xf32>
        %swap3A_592 = vector.shape_cast %mul3A_417 : vector<16xf32> to vector<1x1x16xf32>
        tpu.vector_store %arg9[%swap3A_587, %swap3A_588, %swap3A_589], %swap3A_592 {strides = array<i32>} : memref<3x128x32xf32, #tpu.memory_space<vmem>>, vector<1x1x16xf32>,
        %mul3A_593 = arith.constant 16 : i32
        %mul3A_594 = arith.muli %add3A_238, %mul3A_593 : i32
        %add3A_595 = arith.constant 10 : i32
        %add3A_596 = arith.addi %mul3A_594, %add3A_595 : i32
        %swap3A_597 = arith.constant 1 : i32
        %swap3A_598 = arith.index_cast %swap3A_597 : i32 to index
        %swap3A_599 = arith.index_cast %add3A_596 : i32 to index
        %swap3A_600 = arith.constant 0 : index
        %swap3A_601 = tpu.vector_load %arg9[%swap3A_598, %swap3A_599, %swap3A_600] {strides = array<i32>} : memref<3x128x32xf32, #tpu.memory_space<vmem>>, vector<1x1x16xf32>,
        %swap3A_602 = vector.shape_cast %swap3A_601 : vector<1x1x16xf32> to vector<16xf32>
        %swap3A_603 = vector.shape_cast %mul3A_428 : vector<16xf32> to vector<1x1x16xf32>
        tpu.vector_store %arg9[%swap3A_598, %swap3A_599, %swap3A_600], %swap3A_603 {strides = array<i32>} : memref<3x128x32xf32, #tpu.memory_space<vmem>>, vector<1x1x16xf32>,
        %mul3A_604 = arith.constant 16 : i32
        %mul3A_605 = arith.muli %add3A_238, %mul3A_604 : i32
        %add3A_606 = arith.constant 11 : i32
        %add3A_607 = arith.addi %mul3A_605, %add3A_606 : i32
        %swap3A_608 = arith.constant 1 : i32
        %swap3A_609 = arith.index_cast %swap3A_608 : i32 to index
        %swap3A_610 = arith.index_cast %add3A_607 : i32 to index
        %swap3A_611 = arith.constant 0 : index
        %swap3A_612 = tpu.vector_load %arg9[%swap3A_609, %swap3A_610, %swap3A_611] {strides = array<i32>} : memref<3x128x32xf32, #tpu.memory_space<vmem>>, vector<1x1x16xf32>,
        %swap3A_613 = vector.shape_cast %swap3A_612 : vector<1x1x16xf32> to vector<16xf32>
        %swap3A_614 = vector.shape_cast %mul3A_439 : vector<16xf32> to vector<1x1x16xf32>
        tpu.vector_store %arg9[%swap3A_609, %swap3A_610, %swap3A_611], %swap3A_614 {strides = array<i32>} : memref<3x128x32xf32, #tpu.memory_space<vmem>>, vector<1x1x16xf32>,
        %mul3A_615 = arith.constant 16 : i32
        %mul3A_616 = arith.muli %add3A_238, %mul3A_615 : i32
        %add3A_617 = arith.constant 12 : i32
        %add3A_618 = arith.addi %mul3A_616, %add3A_617 : i32
        %swap3A_619 = arith.constant 1 : i32
        %swap3A_620 = arith.index_cast %swap3A_619 : i32 to index
        %swap3A_621 = arith.index_cast %add3A_618 : i32 to index
        %swap3A_622 = arith.constant 0 : index
        %swap3A_623 = tpu.vector_load %arg9[%swap3A_620, %swap3A_621, %swap3A_622] {strides = array<i32>} : memref<3x128x32xf32, #tpu.memory_space<vmem>>, vector<1x1x16xf32>,
        %swap3A_624 = vector.shape_cast %swap3A_623 : vector<1x1x16xf32> to vector<16xf32>
        %swap3A_625 = vector.shape_cast %mul3A_450 : vector<16xf32> to vector<1x1x16xf32>
        tpu.vector_store %arg9[%swap3A_620, %swap3A_621, %swap3A_622], %swap3A_625 {strides = array<i32>} : memref<3x128x32xf32, #tpu.memory_space<vmem>>, vector<1x1x16xf32>,
        %mul3A_626 = arith.constant 16 : i32
        %mul3A_627 = arith.muli %add3A_238, %mul3A_626 : i32
        %add3A_628 = arith.constant 13 : i32
        %add3A_629 = arith.addi %mul3A_627, %add3A_628 : i32
        %swap3A_630 = arith.constant 1 : i32
        %swap3A_631 = arith.index_cast %swap3A_630 : i32 to index
        %swap3A_632 = arith.index_cast %add3A_629 : i32 to index
        %swap3A_633 = arith.constant 0 : index
        %swap3A_634 = tpu.vector_load %arg9[%swap3A_631, %swap3A_632, %swap3A_633] {strides = array<i32>} : memref<3x128x32xf32, #tpu.memory_space<vmem>>, vector<1x1x16xf32>,
        %swap3A_635 = vector.shape_cast %swap3A_634 : vector<1x1x16xf32> to vector<16xf32>
        %swap3A_636 = vector.shape_cast %mul3A_461 : vector<16xf32> to vector<1x1x16xf32>
        tpu.vector_store %arg9[%swap3A_631, %swap3A_632, %swap3A_633], %swap3A_636 {strides = array<i32>} : memref<3x128x32xf32, #tpu.memory_space<vmem>>, vector<1x1x16xf32>,
        %mul3A_637 = arith.constant 16 : i32
        %mul3A_638 = arith.muli %add3A_238, %mul3A_637 : i32
        %add3A_639 = arith.constant 14 : i32
        %add3A_640 = arith.addi %mul3A_638, %add3A_639 : i32
        %swap3A_641 = arith.constant 1 : i32
        %swap3A_642 = arith.index_cast %swap3A_641 : i32 to index
        %swap3A_643 = arith.index_cast %add3A_640 : i32 to index
        %swap3A_644 = arith.constant 0 : index
        %swap3A_645 = tpu.vector_load %arg9[%swap3A_642, %swap3A_643, %swap3A_644] {strides = array<i32>} : memref<3x128x32xf32, #tpu.memory_space<vmem>>, vector<1x1x16xf32>,
        %swap3A_646 = vector.shape_cast %swap3A_645 : vector<1x1x16xf32> to vector<16xf32>
        %swap3A_647 = vector.shape_cast %mul3A_472 : vector<16xf32> to vector<1x1x16xf32>
        tpu.vector_store %arg9[%swap3A_642, %swap3A_643, %swap3A_644], %swap3A_647 {strides = array<i32>} : memref<3x128x32xf32, #tpu.memory_space<vmem>>, vector<1x1x16xf32>,
        %mul3A_648 = arith.constant 16 : i32
        %mul3A_649 = arith.muli %add3A_238, %mul3A_648 : i32
        %add3A_650 = arith.constant 15 : i32
        %add3A_651 = arith.addi %mul3A_649, %add3A_650 : i32
        %swap3A_652 = arith.constant 1 : i32
        %swap3A_653 = arith.index_cast %swap3A_652 : i32 to index
        %swap3A_654 = arith.index_cast %add3A_651 : i32 to index
        %swap3A_655 = arith.constant 0 : index
        %swap3A_656 = tpu.vector_load %arg9[%swap3A_653, %swap3A_654, %swap3A_655] {strides = array<i32>} : memref<3x128x32xf32, #tpu.memory_space<vmem>>, vector<1x1x16xf32>,
        %swap3A_657 = vector.shape_cast %swap3A_656 : vector<1x1x16xf32> to vector<16xf32>
        %swap3A_658 = vector.shape_cast %mul3A_483 : vector<16xf32> to vector<1x1x16xf32>
        tpu.vector_store %arg9[%swap3A_653, %swap3A_654, %swap3A_655], %swap3A_658 {strides = array<i32>} : memref<3x128x32xf32, #tpu.memory_space<vmem>>, vector<1x1x16xf32>,
        %mul3A_659 = arith.constant 16 : i32
        %mul3A_660 = arith.muli %add3A_238, %mul3A_659 : i32
        %add3A_661 = arith.constant 0 : i32
        %add3A_662 = arith.addi %mul3A_660, %add3A_661 : i32
        %get3A_663 = arith.constant 1 : i32
        %get3A_664 = arith.index_cast %get3A_663 : i32 to index
        %get3A_665 = arith.index_cast %add3A_662 : i32 to index
        %get3A_666 = arith.constant 16 : index
        %get3A_667 = tpu.vector_load %arg9[%get3A_664, %get3A_665, %get3A_666] {strides = array<i32>} : memref<3x128x32xf32, #tpu.memory_space<vmem>>, vector<1x1x16xf32>,
        %get3A_668 = vector.shape_cast %get3A_667 : vector<1x1x16xf32> to vector<16xf32>
        %mul3A_669 = arith.mulf %get3A_668, %gather3A_247 : vector<16xf32>
        %mul3A_670 = arith.constant 16 : i32
        %mul3A_671 = arith.muli %add3A_238, %mul3A_670 : i32
        %add3A_672 = arith.constant 1 : i32
        %add3A_673 = arith.addi %mul3A_671, %add3A_672 : i32
        %get3A_674 = arith.constant 1 : i32
        %get3A_675 = arith.index_cast %get3A_674 : i32 to index
        %get3A_676 = arith.index_cast %add3A_673 : i32 to index
        %get3A_677 = arith.constant 16 : index
        %get3A_678 = tpu.vector_load %arg9[%get3A_675, %get3A_676, %get3A_677] {strides = array<i32>} : memref<3x128x32xf32, #tpu.memory_space<vmem>>, vector<1x1x16xf32>,
        %get3A_679 = vector.shape_cast %get3A_678 : vector<1x1x16xf32> to vector<16xf32>
        %mul3A_680 = arith.mulf %get3A_679, %gather3A_251 : vector<16xf32>
        %mul3A_681 = arith.constant 16 : i32
        %mul3A_682 = arith.muli %add3A_238, %mul3A_681 : i32
        %add3A_683 = arith.constant 2 : i32
        %add3A_684 = arith.addi %mul3A_682, %add3A_683 : i32
        %get3A_685 = arith.constant 1 : i32
        %get3A_686 = arith.index_cast %get3A_685 : i32 to index
        %get3A_687 = arith.index_cast %add3A_684 : i32 to index
        %get3A_688 = arith.constant 16 : index
        %get3A_689 = tpu.vector_load %arg9[%get3A_686, %get3A_687, %get3A_688] {strides = array<i32>} : memref<3x128x32xf32, #tpu.memory_space<vmem>>, vector<1x1x16xf32>,
        %get3A_690 = vector.shape_cast %get3A_689 : vector<1x1x16xf32> to vector<16xf32>
        %mul3A_691 = arith.mulf %get3A_690, %gather3A_255 : vector<16xf32>
        %mul3A_692 = arith.constant 16 : i32
        %mul3A_693 = arith.muli %add3A_238, %mul3A_692 : i32
        %add3A_694 = arith.constant 3 : i32
        %add3A_695 = arith.addi %mul3A_693, %add3A_694 : i32
        %get3A_696 = arith.constant 1 : i32
        %get3A_697 = arith.index_cast %get3A_696 : i32 to index
        %get3A_698 = arith.index_cast %add3A_695 : i32 to index
        %get3A_699 = arith.constant 16 : index
        %get3A_700 = tpu.vector_load %arg9[%get3A_697, %get3A_698, %get3A_699] {strides = array<i32>} : memref<3x128x32xf32, #tpu.memory_space<vmem>>, vector<1x1x16xf32>,
        %get3A_701 = vector.shape_cast %get3A_700 : vector<1x1x16xf32> to vector<16xf32>
        %mul3A_702 = arith.mulf %get3A_701, %gather3A_259 : vector<16xf32>
        %mul3A_703 = arith.constant 16 : i32
        %mul3A_704 = arith.muli %add3A_238, %mul3A_703 : i32
        %add3A_705 = arith.constant 4 : i32
        %add3A_706 = arith.addi %mul3A_704, %add3A_705 : i32
        %get3A_707 = arith.constant 1 : i32
        %get3A_708 = arith.index_cast %get3A_707 : i32 to index
        %get3A_709 = arith.index_cast %add3A_706 : i32 to index
        %get3A_710 = arith.constant 16 : index
        %get3A_711 = tpu.vector_load %arg9[%get3A_708, %get3A_709, %get3A_710] {strides = array<i32>} : memref<3x128x32xf32, #tpu.memory_space<vmem>>, vector<1x1x16xf32>,
        %get3A_712 = vector.shape_cast %get3A_711 : vector<1x1x16xf32> to vector<16xf32>
        %mul3A_713 = arith.mulf %get3A_712, %gather3A_263 : vector<16xf32>
        %mul3A_714 = arith.constant 16 : i32
        %mul3A_715 = arith.muli %add3A_238, %mul3A_714 : i32
        %add3A_716 = arith.constant 5 : i32
        %add3A_717 = arith.addi %mul3A_715, %add3A_716 : i32
        %get3A_718 = arith.constant 1 : i32
        %get3A_719 = arith.index_cast %get3A_718 : i32 to index
        %get3A_720 = arith.index_cast %add3A_717 : i32 to index
        %get3A_721 = arith.constant 16 : index
        %get3A_722 = tpu.vector_load %arg9[%get3A_719, %get3A_720, %get3A_721] {strides = array<i32>} : memref<3x128x32xf32, #tpu.memory_space<vmem>>, vector<1x1x16xf32>,
        %get3A_723 = vector.shape_cast %get3A_722 : vector<1x1x16xf32> to vector<16xf32>
        %mul3A_724 = arith.mulf %get3A_723, %gather3A_267 : vector<16xf32>
        %mul3A_725 = arith.constant 16 : i32
        %mul3A_726 = arith.muli %add3A_238, %mul3A_725 : i32
        %add3A_727 = arith.constant 6 : i32
        %add3A_728 = arith.addi %mul3A_726, %add3A_727 : i32
        %get3A_729 = arith.constant 1 : i32
        %get3A_730 = arith.index_cast %get3A_729 : i32 to index
        %get3A_731 = arith.index_cast %add3A_728 : i32 to index
        %get3A_732 = arith.constant 16 : index
        %get3A_733 = tpu.vector_load %arg9[%get3A_730, %get3A_731, %get3A_732] {strides = array<i32>} : memref<3x128x32xf32, #tpu.memory_space<vmem>>, vector<1x1x16xf32>,
        %get3A_734 = vector.shape_cast %get3A_733 : vector<1x1x16xf32> to vector<16xf32>
        %mul3A_735 = arith.mulf %get3A_734, %gather3A_271 : vector<16xf32>
        %mul3A_736 = arith.constant 16 : i32
        %mul3A_737 = arith.muli %add3A_238, %mul3A_736 : i32
        %add3A_738 = arith.constant 7 : i32
        %add3A_739 = arith.addi %mul3A_737, %add3A_738 : i32
        %get3A_740 = arith.constant 1 : i32
        %get3A_741 = arith.index_cast %get3A_740 : i32 to index
        %get3A_742 = arith.index_cast %add3A_739 : i32 to index
        %get3A_743 = arith.constant 16 : index
        %get3A_744 = tpu.vector_load %arg9[%get3A_741, %get3A_742, %get3A_743] {strides = array<i32>} : memref<3x128x32xf32, #tpu.memory_space<vmem>>, vector<1x1x16xf32>,
        %get3A_745 = vector.shape_cast %get3A_744 : vector<1x1x16xf32> to vector<16xf32>
        %mul3A_746 = arith.mulf %get3A_745, %gather3A_275 : vector<16xf32>
        %mul3A_747 = arith.constant 16 : i32
        %mul3A_748 = arith.muli %add3A_238, %mul3A_747 : i32
        %add3A_749 = arith.constant 8 : i32
        %add3A_750 = arith.addi %mul3A_748, %add3A_749 : i32
        %get3A_751 = arith.constant 1 : i32
        %get3A_752 = arith.index_cast %get3A_751 : i32 to index
        %get3A_753 = arith.index_cast %add3A_750 : i32 to index
        %get3A_754 = arith.constant 16 : index
        %get3A_755 = tpu.vector_load %arg9[%get3A_752, %get3A_753, %get3A_754] {strides = array<i32>} : memref<3x128x32xf32, #tpu.memory_space<vmem>>, vector<1x1x16xf32>,
        %get3A_756 = vector.shape_cast %get3A_755 : vector<1x1x16xf32> to vector<16xf32>
        %mul3A_757 = arith.mulf %get3A_756, %gather3A_279 : vector<16xf32>
        %mul3A_758 = arith.constant 16 : i32
        %mul3A_759 = arith.muli %add3A_238, %mul3A_758 : i32
        %add3A_760 = arith.constant 9 : i32
        %add3A_761 = arith.addi %mul3A_759, %add3A_760 : i32
        %get3A_762 = arith.constant 1 : i32
        %get3A_763 = arith.index_cast %get3A_762 : i32 to index
        %get3A_764 = arith.index_cast %add3A_761 : i32 to index
        %get3A_765 = arith.constant 16 : index
        %get3A_766 = tpu.vector_load %arg9[%get3A_763, %get3A_764, %get3A_765] {strides = array<i32>} : memref<3x128x32xf32, #tpu.memory_space<vmem>>, vector<1x1x16xf32>,
        %get3A_767 = vector.shape_cast %get3A_766 : vector<1x1x16xf32> to vector<16xf32>
        %mul3A_768 = arith.mulf %get3A_767, %gather3A_283 : vector<16xf32>
        %mul3A_769 = arith.constant 16 : i32
        %mul3A_770 = arith.muli %add3A_238, %mul3A_769 : i32
        %add3A_771 = arith.constant 10 : i32
        %add3A_772 = arith.addi %mul3A_770, %add3A_771 : i32
        %get3A_773 = arith.constant 1 : i32
        %get3A_774 = arith.index_cast %get3A_773 : i32 to index
        %get3A_775 = arith.index_cast %add3A_772 : i32 to index
        %get3A_776 = arith.constant 16 : index
        %get3A_777 = tpu.vector_load %arg9[%get3A_774, %get3A_775, %get3A_776] {strides = array<i32>} : memref<3x128x32xf32, #tpu.memory_space<vmem>>, vector<1x1x16xf32>,
        %get3A_778 = vector.shape_cast %get3A_777 : vector<1x1x16xf32> to vector<16xf32>
        %mul3A_779 = arith.mulf %get3A_778, %gather3A_287 : vector<16xf32>
        %mul3A_780 = arith.constant 16 : i32
        %mul3A_781 = arith.muli %add3A_238, %mul3A_780 : i32
        %add3A_782 = arith.constant 11 : i32
        %add3A_783 = arith.addi %mul3A_781, %add3A_782 : i32
        %get3A_784 = arith.constant 1 : i32
        %get3A_785 = arith.index_cast %get3A_784 : i32 to index
        %get3A_786 = arith.index_cast %add3A_783 : i32 to index
        %get3A_787 = arith.constant 16 : index
        %get3A_788 = tpu.vector_load %arg9[%get3A_785, %get3A_786, %get3A_787] {strides = array<i32>} : memref<3x128x32xf32, #tpu.memory_space<vmem>>, vector<1x1x16xf32>,
        %get3A_789 = vector.shape_cast %get3A_788 : vector<1x1x16xf32> to vector<16xf32>
        %mul3A_790 = arith.mulf %get3A_789, %gather3A_291 : vector<16xf32>
        %mul3A_791 = arith.constant 16 : i32
        %mul3A_792 = arith.muli %add3A_238, %mul3A_791 : i32
        %add3A_793 = arith.constant 12 : i32
        %add3A_794 = arith.addi %mul3A_792, %add3A_793 : i32
        %get3A_795 = arith.constant 1 : i32
        %get3A_796 = arith.index_cast %get3A_795 : i32 to index
        %get3A_797 = arith.index_cast %add3A_794 : i32 to index
        %get3A_798 = arith.constant 16 : index
        %get3A_799 = tpu.vector_load %arg9[%get3A_796, %get3A_797, %get3A_798] {strides = array<i32>} : memref<3x128x32xf32, #tpu.memory_space<vmem>>, vector<1x1x16xf32>,
        %get3A_800 = vector.shape_cast %get3A_799 : vector<1x1x16xf32> to vector<16xf32>
        %mul3A_801 = arith.mulf %get3A_800, %gather3A_295 : vector<16xf32>
        %mul3A_802 = arith.constant 16 : i32
        %mul3A_803 = arith.muli %add3A_238, %mul3A_802 : i32
        %add3A_804 = arith.constant 13 : i32
        %add3A_805 = arith.addi %mul3A_803, %add3A_804 : i32
        %get3A_806 = arith.constant 1 : i32
        %get3A_807 = arith.index_cast %get3A_806 : i32 to index
        %get3A_808 = arith.index_cast %add3A_805 : i32 to index
        %get3A_809 = arith.constant 16 : index
        %get3A_810 = tpu.vector_load %arg9[%get3A_807, %get3A_808, %get3A_809] {strides = array<i32>} : memref<3x128x32xf32, #tpu.memory_space<vmem>>, vector<1x1x16xf32>,
        %get3A_811 = vector.shape_cast %get3A_810 : vector<1x1x16xf32> to vector<16xf32>
        %mul3A_812 = arith.mulf %get3A_811, %gather3A_299 : vector<16xf32>
        %mul3A_813 = arith.constant 16 : i32
        %mul3A_814 = arith.muli %add3A_238, %mul3A_813 : i32
        %add3A_815 = arith.constant 14 : i32
        %add3A_816 = arith.addi %mul3A_814, %add3A_815 : i32
        %get3A_817 = arith.constant 1 : i32
        %get3A_818 = arith.index_cast %get3A_817 : i32 to index
        %get3A_819 = arith.index_cast %add3A_816 : i32 to index
        %get3A_820 = arith.constant 16 : index
        %get3A_821 = tpu.vector_load %arg9[%get3A_818, %get3A_819, %get3A_820] {strides = array<i32>} : memref<3x128x32xf32, #tpu.memory_space<vmem>>, vector<1x1x16xf32>,
        %get3A_822 = vector.shape_cast %get3A_821 : vector<1x1x16xf32> to vector<16xf32>
        %mul3A_823 = arith.mulf %get3A_822, %gather3A_303 : vector<16xf32>
        %mul3A_824 = arith.constant 16 : i32
        %mul3A_825 = arith.muli %add3A_238, %mul3A_824 : i32
        %add3A_826 = arith.constant 15 : i32
        %add3A_827 = arith.addi %mul3A_825, %add3A_826 : i32
        %get3A_828 = arith.constant 1 : i32
        %get3A_829 = arith.index_cast %get3A_828 : i32 to index
        %get3A_830 = arith.index_cast %add3A_827 : i32 to index
        %get3A_831 = arith.constant 16 : index
        %get3A_832 = tpu.vector_load %arg9[%get3A_829, %get3A_830, %get3A_831] {strides = array<i32>} : memref<3x128x32xf32, #tpu.memory_space<vmem>>, vector<1x1x16xf32>,
        %get3A_833 = vector.shape_cast %get3A_832 : vector<1x1x16xf32> to vector<16xf32>
        %mul3A_834 = arith.mulf %get3A_833, %gather3A_307 : vector<16xf32>
        %mul3A_835 = arith.constant 16 : i32
        %mul3A_836 = arith.muli %add3A_238, %mul3A_835 : i32
        %add3A_837 = arith.constant 0 : i32
        %add3A_838 = arith.addi %mul3A_836, %add3A_837 : i32
        %swap3A_839 = arith.constant 1 : i32
        %swap3A_840 = arith.index_cast %swap3A_839 : i32 to index
        %swap3A_841 = arith.index_cast %add3A_838 : i32 to index
        %swap3A_842 = arith.constant 16 : index
        %swap3A_843 = tpu.vector_load %arg9[%swap3A_840, %swap3A_841, %swap3A_842] {strides = array<i32>} : memref<3x128x32xf32, #tpu.memory_space<vmem>>, vector<1x1x16xf32>,
        %swap3A_844 = vector.shape_cast %swap3A_843 : vector<1x1x16xf32> to vector<16xf32>
        %swap3A_845 = vector.shape_cast %mul3A_669 : vector<16xf32> to vector<1x1x16xf32>
        tpu.vector_store %arg9[%swap3A_840, %swap3A_841, %swap3A_842], %swap3A_845 {strides = array<i32>} : memref<3x128x32xf32, #tpu.memory_space<vmem>>, vector<1x1x16xf32>,
        %mul3A_846 = arith.constant 16 : i32
        %mul3A_847 = arith.muli %add3A_238, %mul3A_846 : i32
        %add3A_848 = arith.constant 1 : i32
        %add3A_849 = arith.addi %mul3A_847, %add3A_848 : i32
        %swap3A_850 = arith.constant 1 : i32
        %swap3A_851 = arith.index_cast %swap3A_850 : i32 to index
        %swap3A_852 = arith.index_cast %add3A_849 : i32 to index
        %swap3A_853 = arith.constant 16 : index
        %swap3A_854 = tpu.vector_load %arg9[%swap3A_851, %swap3A_852, %swap3A_853] {strides = array<i32>} : memref<3x128x32xf32, #tpu.memory_space<vmem>>, vector<1x1x16xf32>,
        %swap3A_855 = vector.shape_cast %swap3A_854 : vector<1x1x16xf32> to vector<16xf32>
        %swap3A_856 = vector.shape_cast %mul3A_680 : vector<16xf32> to vector<1x1x16xf32>
        tpu.vector_store %arg9[%swap3A_851, %swap3A_852, %swap3A_853], %swap3A_856 {strides = array<i32>} : memref<3x128x32xf32, #tpu.memory_space<vmem>>, vector<1x1x16xf32>,
        %mul3A_857 = arith.constant 16 : i32
        %mul3A_858 = arith.muli %add3A_238, %mul3A_857 : i32
        %add3A_859 = arith.constant 2 : i32
        %add3A_860 = arith.addi %mul3A_858, %add3A_859 : i32
        %swap3A_861 = arith.constant 1 : i32
        %swap3A_862 = arith.index_cast %swap3A_861 : i32 to index
        %swap3A_863 = arith.index_cast %add3A_860 : i32 to index
        %swap3A_864 = arith.constant 16 : index
        %swap3A_865 = tpu.vector_load %arg9[%swap3A_862, %swap3A_863, %swap3A_864] {strides = array<i32>} : memref<3x128x32xf32, #tpu.memory_space<vmem>>, vector<1x1x16xf32>,
        %swap3A_866 = vector.shape_cast %swap3A_865 : vector<1x1x16xf32> to vector<16xf32>
        %swap3A_867 = vector.shape_cast %mul3A_691 : vector<16xf32> to vector<1x1x16xf32>
        tpu.vector_store %arg9[%swap3A_862, %swap3A_863, %swap3A_864], %swap3A_867 {strides = array<i32>} : memref<3x128x32xf32, #tpu.memory_space<vmem>>, vector<1x1x16xf32>,
        %mul3A_868 = arith.constant 16 : i32
        %mul3A_869 = arith.muli %add3A_238, %mul3A_868 : i32
        %add3A_870 = arith.constant 3 : i32
        %add3A_871 = arith.addi %mul3A_869, %add3A_870 : i32
        %swap3A_872 = arith.constant 1 : i32
        %swap3A_873 = arith.index_cast %swap3A_872 : i32 to index
        %swap3A_874 = arith.index_cast %add3A_871 : i32 to index
        %swap3A_875 = arith.constant 16 : index
        %swap3A_876 = tpu.vector_load %arg9[%swap3A_873, %swap3A_874, %swap3A_875] {strides = array<i32>} : memref<3x128x32xf32, #tpu.memory_space<vmem>>, vector<1x1x16xf32>,
        %swap3A_877 = vector.shape_cast %swap3A_876 : vector<1x1x16xf32> to vector<16xf32>
        %swap3A_878 = vector.shape_cast %mul3A_702 : vector<16xf32> to vector<1x1x16xf32>
        tpu.vector_store %arg9[%swap3A_873, %swap3A_874, %swap3A_875], %swap3A_878 {strides = array<i32>} : memref<3x128x32xf32, #tpu.memory_space<vmem>>, vector<1x1x16xf32>,
        %mul3A_879 = arith.constant 16 : i32
        %mul3A_880 = arith.muli %add3A_238, %mul3A_879 : i32
        %add3A_881 = arith.constant 4 : i32
        %add3A_882 = arith.addi %mul3A_880, %add3A_881 : i32
        %swap3A_883 = arith.constant 1 : i32
        %swap3A_884 = arith.index_cast %swap3A_883 : i32 to index
        %swap3A_885 = arith.index_cast %add3A_882 : i32 to index
        %swap3A_886 = arith.constant 16 : index
        %swap3A_887 = tpu.vector_load %arg9[%swap3A_884, %swap3A_885, %swap3A_886] {strides = array<i32>} : memref<3x128x32xf32, #tpu.memory_space<vmem>>, vector<1x1x16xf32>,
        %swap3A_888 = vector.shape_cast %swap3A_887 : vector<1x1x16xf32> to vector<16xf32>
        %swap3A_889 = vector.shape_cast %mul3A_713 : vector<16xf32> to vector<1x1x16xf32>
        tpu.vector_store %arg9[%swap3A_884, %swap3A_885, %swap3A_886], %swap3A_889 {strides = array<i32>} : memref<3x128x32xf32, #tpu.memory_space<vmem>>, vector<1x1x16xf32>,
        %mul3A_890 = arith.constant 16 : i32
        %mul3A_891 = arith.muli %add3A_238, %mul3A_890 : i32
        %add3A_892 = arith.constant 5 : i32
        %add3A_893 = arith.addi %mul3A_891, %add3A_892 : i32
        %swap3A_894 = arith.constant 1 : i32
        %swap3A_895 = arith.index_cast %swap3A_894 : i32 to index
        %swap3A_896 = arith.index_cast %add3A_893 : i32 to index
        %swap3A_897 = arith.constant 16 : index
        %swap3A_898 = tpu.vector_load %arg9[%swap3A_895, %swap3A_896, %swap3A_897] {strides = array<i32>} : memref<3x128x32xf32, #tpu.memory_space<vmem>>, vector<1x1x16xf32>,
        %swap3A_899 = vector.shape_cast %swap3A_898 : vector<1x1x16xf32> to vector<16xf32>
        %swap3A_900 = vector.shape_cast %mul3A_724 : vector<16xf32> to vector<1x1x16xf32>
        tpu.vector_store %arg9[%swap3A_895, %swap3A_896, %swap3A_897], %swap3A_900 {strides = array<i32>} : memref<3x128x32xf32, #tpu.memory_space<vmem>>, vector<1x1x16xf32>,
        %mul3A_901 = arith.constant 16 : i32
        %mul3A_902 = arith.muli %add3A_238, %mul3A_901 : i32
        %add3A_903 = arith.constant 6 : i32
        %add3A_904 = arith.addi %mul3A_902, %add3A_903 : i32
        %swap3A_905 = arith.constant 1 : i32
        %swap3A_906 = arith.index_cast %swap3A_905 : i32 to index
        %swap3A_907 = arith.index_cast %add3A_904 : i32 to index
        %swap3A_908 = arith.constant 16 : index
        %swap3A_909 = tpu.vector_load %arg9[%swap3A_906, %swap3A_907, %swap3A_908] {strides = array<i32>} : memref<3x128x32xf32, #tpu.memory_space<vmem>>, vector<1x1x16xf32>,
        %swap3A_910 = vector.shape_cast %swap3A_909 : vector<1x1x16xf32> to vector<16xf32>
        %swap3A_911 = vector.shape_cast %mul3A_735 : vector<16xf32> to vector<1x1x16xf32>
        tpu.vector_store %arg9[%swap3A_906, %swap3A_907, %swap3A_908], %swap3A_911 {strides = array<i32>} : memref<3x128x32xf32, #tpu.memory_space<vmem>>, vector<1x1x16xf32>,
        %mul3A_912 = arith.constant 16 : i32
        %mul3A_913 = arith.muli %add3A_238, %mul3A_912 : i32
        %add3A_914 = arith.constant 7 : i32
        %add3A_915 = arith.addi %mul3A_913, %add3A_914 : i32
        %swap3A_916 = arith.constant 1 : i32
        %swap3A_917 = arith.index_cast %swap3A_916 : i32 to index
        %swap3A_918 = arith.index_cast %add3A_915 : i32 to index
        %swap3A_919 = arith.constant 16 : index
        %swap3A_920 = tpu.vector_load %arg9[%swap3A_917, %swap3A_918, %swap3A_919] {strides = array<i32>} : memref<3x128x32xf32, #tpu.memory_space<vmem>>, vector<1x1x16xf32>,
        %swap3A_921 = vector.shape_cast %swap3A_920 : vector<1x1x16xf32> to vector<16xf32>
        %swap3A_922 = vector.shape_cast %mul3A_746 : vector<16xf32> to vector<1x1x16xf32>
        tpu.vector_store %arg9[%swap3A_917, %swap3A_918, %swap3A_919], %swap3A_922 {strides = array<i32>} : memref<3x128x32xf32, #tpu.memory_space<vmem>>, vector<1x1x16xf32>,
        %mul3A_923 = arith.constant 16 : i32
        %mul3A_924 = arith.muli %add3A_238, %mul3A_923 : i32
        %add3A_925 = arith.constant 8 : i32
        %add3A_926 = arith.addi %mul3A_924, %add3A_925 : i32
        %swap3A_927 = arith.constant 1 : i32
        %swap3A_928 = arith.index_cast %swap3A_927 : i32 to index
        %swap3A_929 = arith.index_cast %add3A_926 : i32 to index
        %swap3A_930 = arith.constant 16 : index
        %swap3A_931 = tpu.vector_load %arg9[%swap3A_928, %swap3A_929, %swap3A_930] {strides = array<i32>} : memref<3x128x32xf32, #tpu.memory_space<vmem>>, vector<1x1x16xf32>,
        %swap3A_932 = vector.shape_cast %swap3A_931 : vector<1x1x16xf32> to vector<16xf32>
        %swap3A_933 = vector.shape_cast %mul3A_757 : vector<16xf32> to vector<1x1x16xf32>
        tpu.vector_store %arg9[%swap3A_928, %swap3A_929, %swap3A_930], %swap3A_933 {strides = array<i32>} : memref<3x128x32xf32, #tpu.memory_space<vmem>>, vector<1x1x16xf32>,
        %mul3A_934 = arith.constant 16 : i32
        %mul3A_935 = arith.muli %add3A_238, %mul3A_934 : i32
        %add3A_936 = arith.constant 9 : i32
        %add3A_937 = arith.addi %mul3A_935, %add3A_936 : i32
        %swap3A_938 = arith.constant 1 : i32
        %swap3A_939 = arith.index_cast %swap3A_938 : i32 to index
        %swap3A_940 = arith.index_cast %add3A_937 : i32 to index
        %swap3A_941 = arith.constant 16 : index
        %swap3A_942 = tpu.vector_load %arg9[%swap3A_939, %swap3A_940, %swap3A_941] {strides = array<i32>} : memref<3x128x32xf32, #tpu.memory_space<vmem>>, vector<1x1x16xf32>,
        %swap3A_943 = vector.shape_cast %swap3A_942 : vector<1x1x16xf32> to vector<16xf32>
        %swap3A_944 = vector.shape_cast %mul3A_768 : vector<16xf32> to vector<1x1x16xf32>
        tpu.vector_store %arg9[%swap3A_939, %swap3A_940, %swap3A_941], %swap3A_944 {strides = array<i32>} : memref<3x128x32xf32, #tpu.memory_space<vmem>>, vector<1x1x16xf32>,
        %mul3A_945 = arith.constant 16 : i32
        %mul3A_946 = arith.muli %add3A_238, %mul3A_945 : i32
        %add3A_947 = arith.constant 10 : i32
        %add3A_948 = arith.addi %mul3A_946, %add3A_947 : i32
        %swap3A_949 = arith.constant 1 : i32
        %swap3A_950 = arith.index_cast %swap3A_949 : i32 to index
        %swap3A_951 = arith.index_cast %add3A_948 : i32 to index
        %swap3A_952 = arith.constant 16 : index
        %swap3A_953 = tpu.vector_load %arg9[%swap3A_950, %swap3A_951, %swap3A_952] {strides = array<i32>} : memref<3x128x32xf32, #tpu.memory_space<vmem>>, vector<1x1x16xf32>,
        %swap3A_954 = vector.shape_cast %swap3A_953 : vector<1x1x16xf32> to vector<16xf32>
        %swap3A_955 = vector.shape_cast %mul3A_779 : vector<16xf32> to vector<1x1x16xf32>
        tpu.vector_store %arg9[%swap3A_950, %swap3A_951, %swap3A_952], %swap3A_955 {strides = array<i32>} : memref<3x128x32xf32, #tpu.memory_space<vmem>>, vector<1x1x16xf32>,
        %mul3A_956 = arith.constant 16 : i32
        %mul3A_957 = arith.muli %add3A_238, %mul3A_956 : i32
        %add3A_958 = arith.constant 11 : i32
        %add3A_959 = arith.addi %mul3A_957, %add3A_958 : i32
        %swap3A_960 = arith.constant 1 : i32
        %swap3A_961 = arith.index_cast %swap3A_960 : i32 to index
        %swap3A_962 = arith.index_cast %add3A_959 : i32 to index
        %swap3A_963 = arith.constant 16 : index
        %swap3A_964 = tpu.vector_load %arg9[%swap3A_961, %swap3A_962, %swap3A_963] {strides = array<i32>} : memref<3x128x32xf32, #tpu.memory_space<vmem>>, vector<1x1x16xf32>,
        %swap3A_965 = vector.shape_cast %swap3A_964 : vector<1x1x16xf32> to vector<16xf32>
        %swap3A_966 = vector.shape_cast %mul3A_790 : vector<16xf32> to vector<1x1x16xf32>
        tpu.vector_store %arg9[%swap3A_961, %swap3A_962, %swap3A_963], %swap3A_966 {strides = array<i32>} : memref<3x128x32xf32, #tpu.memory_space<vmem>>, vector<1x1x16xf32>,
        %mul3A_967 = arith.constant 16 : i32
        %mul3A_968 = arith.muli %add3A_238, %mul3A_967 : i32
        %add3A_969 = arith.constant 12 : i32
        %add3A_970 = arith.addi %mul3A_968, %add3A_969 : i32
        %swap3A_971 = arith.constant 1 : i32
        %swap3A_972 = arith.index_cast %swap3A_971 : i32 to index
        %swap3A_973 = arith.index_cast %add3A_970 : i32 to index
        %swap3A_974 = arith.constant 16 : index
        %swap3A_975 = tpu.vector_load %arg9[%swap3A_972, %swap3A_973, %swap3A_974] {strides = array<i32>} : memref<3x128x32xf32, #tpu.memory_space<vmem>>, vector<1x1x16xf32>,
        %swap3A_976 = vector.shape_cast %swap3A_975 : vector<1x1x16xf32> to vector<16xf32>
        %swap3A_977 = vector.shape_cast %mul3A_801 : vector<16xf32> to vector<1x1x16xf32>
        tpu.vector_store %arg9[%swap3A_972, %swap3A_973, %swap3A_974], %swap3A_977 {strides = array<i32>} : memref<3x128x32xf32, #tpu.memory_space<vmem>>, vector<1x1x16xf32>,
        %mul3A_978 = arith.constant 16 : i32
        %mul3A_979 = arith.muli %add3A_238, %mul3A_978 : i32
        %add3A_980 = arith.constant 13 : i32
        %add3A_981 = arith.addi %mul3A_979, %add3A_980 : i32
        %swap3A_982 = arith.constant 1 : i32
        %swap3A_983 = arith.index_cast %swap3A_982 : i32 to index
        %swap3A_984 = arith.index_cast %add3A_981 : i32 to index
        %swap3A_985 = arith.constant 16 : index
        %swap3A_986 = tpu.vector_load %arg9[%swap3A_983, %swap3A_984, %swap3A_985] {strides = array<i32>} : memref<3x128x32xf32, #tpu.memory_space<vmem>>, vector<1x1x16xf32>,
        %swap3A_987 = vector.shape_cast %swap3A_986 : vector<1x1x16xf32> to vector<16xf32>
        %swap3A_988 = vector.shape_cast %mul3A_812 : vector<16xf32> to vector<1x1x16xf32>
        tpu.vector_store %arg9[%swap3A_983, %swap3A_984, %swap3A_985], %swap3A_988 {strides = array<i32>} : memref<3x128x32xf32, #tpu.memory_space<vmem>>, vector<1x1x16xf32>,
        %mul3A_989 = arith.constant 16 : i32
        %mul3A_990 = arith.muli %add3A_238, %mul3A_989 : i32
        %add3A_991 = arith.constant 14 : i32
        %add3A_992 = arith.addi %mul3A_990, %add3A_991 : i32
        %swap3A_993 = arith.constant 1 : i32
        %swap3A_994 = arith.index_cast %swap3A_993 : i32 to index
        %swap3A_995 = arith.index_cast %add3A_992 : i32 to index
        %swap3A_996 = arith.constant 16 : index
        %swap3A_997 = tpu.vector_load %arg9[%swap3A_994, %swap3A_995, %swap3A_996] {strides = array<i32>} : memref<3x128x32xf32, #tpu.memory_space<vmem>>, vector<1x1x16xf32>,
        %swap3A_998 = vector.shape_cast %swap3A_997 : vector<1x1x16xf32> to vector<16xf32>
        %swap3A_999 = vector.shape_cast %mul3A_823 : vector<16xf32> to vector<1x1x16xf32>
        tpu.vector_store %arg9[%swap3A_994, %swap3A_995, %swap3A_996], %swap3A_999 {strides = array<i32>} : memref<3x128x32xf32, #tpu.memory_space<vmem>>, vector<1x1x16xf32>,
        %mul3A_1000 = arith.constant 16 : i32
        %mul3A_1001 = arith.muli %add3A_238, %mul3A_1000 : i32
        %add3A_1002 = arith.constant 15 : i32
        %add3A_1003 = arith.addi %mul3A_1001, %add3A_1002 : i32
        %swap3A_1004 = arith.constant 1 : i32
        %swap3A_1005 = arith.index_cast %swap3A_1004 : i32 to index
        %swap3A_1006 = arith.index_cast %add3A_1003 : i32 to index
        %swap3A_1007 = arith.constant 16 : index
        %swap3A_1008 = tpu.vector_load %arg9[%swap3A_1005, %swap3A_1006, %swap3A_1007] {strides = array<i32>} : memref<3x128x32xf32, #tpu.memory_space<vmem>>, vector<1x1x16xf32>,
        %swap3A_1009 = vector.shape_cast %swap3A_1008 : vector<1x1x16xf32> to vector<16xf32>
        %swap3A_1010 = vector.shape_cast %mul3A_834 : vector<16xf32> to vector<1x1x16xf32>
        tpu.vector_store %arg9[%swap3A_1005, %swap3A_1006, %swap3A_1007], %swap3A_1010 {strides = array<i32>} : memref<3x128x32xf32, #tpu.memory_space<vmem>>, vector<1x1x16xf32>,
      }
      %scan3A_182 = arith.constant 8 : i32
      %dma_start3A_183 = arith.constant 1 : i32
      %dma_start3A_184 = arith.constant 0 : i32
      %dma_start3A_185 = arith.constant 0 : i32
      %dma_start3A_186 = tpu.memref_slice %arg9[%dma_start3A_183, %dma_start3A_184, %dma_start3A_185] : memref<3x128x32xf32, #tpu.memory_space<vmem>> -> memref<1x128x32xf32, #tpu.memory_space<vmem>>
      %dma_start3A_187 = tpu.memref_squeeze %dma_start3A_186 : memref<1x128x32xf32, #tpu.memory_space<vmem>> -> memref<128x32xf32, #tpu.memory_space<vmem>>
      %dma_start3A_188 = arith.constant 0 : i32
      %dma_start3A_189 = tpu.memref_slice %arg11[%add3A_166, %dma_start3A_188] : memref<159x128xi32, #tpu.memory_space<vmem>> -> memref<1x128xi32, #tpu.memory_space<vmem>>
      %dma_start3A_190 = tpu.memref_squeeze %dma_start3A_189 : memref<1x128xi32, #tpu.memory_space<vmem>> -> memref<128xi32, #tpu.memory_space<vmem>>
      %dma_start3A_191 = arith.constant 0 : i32
      %dma_start3A_192 = arith.constant 0 : i32
      %dma_start3A_193 = tpu.memref_slice %arg7[%dma_start3A_191, %dma_start3A_192] : memref<10240x32xf32, #tpu.memory_space<vmem_shared>> -> memref<10240x32xf32, #tpu.memory_space<vmem_shared>>
      tpu.enqueue_indirect_dma source(%dma_start3A_187 : memref<128x32xf32, #tpu.memory_space<vmem>>) target(%dma_start3A_193 : memref<10240x32xf32, #tpu.memory_space<vmem_shared>>) offsets(%dma_start3A_190 : memref<128xi32, #tpu.memory_space<vmem>>) semaphore(%arg18 : memref<!tpu.dma_semaphore, #tpu.memory_space<semaphore_mem>>) {add = true}
      %lt3A = arith.constant 52 : i32
      %lt3A_194 = arith.cmpi slt, %add3A_116, %lt3A : i32
      %convert_element_type3A_195 = arith.extui %lt3A_194 : i1 to i32
      %cond3A_196 = arith.constant 0 : i32
      %cond3A_197 = arith.cmpi ne, %convert_element_type3A_195, %cond3A_196 : i32
      scf.if %cond3A_197 {
        %sub3A = arith.constant 1 : i32
        %sub3A_234 = arith.subi %add3A_166, %sub3A : i32
        %dma_wait3A_235 = arith.constant 0 : i32
        %dma_wait3A_236 = arith.constant 0 : i32
        %dma_wait3A_237 = arith.constant 0 : i32
        %dma_wait3A_238 = tpu.memref_slice %arg9[%dma_wait3A_235, %dma_wait3A_236, %dma_wait3A_237] : memref<3x128x32xf32, #tpu.memory_space<vmem>> -> memref<1x128x32xf32, #tpu.memory_space<vmem>>
        %dma_wait3A_239 = tpu.memref_squeeze %dma_wait3A_238 : memref<1x128x32xf32, #tpu.memory_space<vmem>> -> memref<128x32xf32, #tpu.memory_space<vmem>>
        %dma_wait3A_240 = arith.constant 0 : i32
        %dma_wait3A_241 = tpu.memref_slice %arg11[%sub3A_234, %dma_wait3A_240] : memref<159x128xi32, #tpu.memory_space<vmem>> -> memref<1x128xi32, #tpu.memory_space<vmem>>
        %dma_wait3A_242 = tpu.memref_squeeze %dma_wait3A_241 : memref<1x128xi32, #tpu.memory_space<vmem>> -> memref<128xi32, #tpu.memory_space<vmem>>
        %dma_wait3A_243 = arith.constant 0 : i32
        %dma_wait3A_244 = arith.constant 0 : i32
        %dma_wait3A_245 = tpu.memref_slice %arg7[%dma_wait3A_243, %dma_wait3A_244] : memref<10240x32xf32, #tpu.memory_space<vmem_shared>> -> memref<10240x32xf32, #tpu.memory_space<vmem_shared>>
        tpu.wait_indirect_dma semaphore(%arg17 : memref<!tpu.dma_semaphore, #tpu.memory_space<semaphore_mem>>) src(%dma_wait3A_239 : memref<128x32xf32, #tpu.memory_space<vmem>>) dst(%dma_wait3A_245 : memref<10240x32xf32, #tpu.memory_space<vmem_shared>>)
        %add3A_246 = arith.constant 2 : i32
        %add3A_247 = arith.addi %add3A_166, %add3A_246 : i32
        %dma_start3A_248 = arith.constant 0 : i32
        %dma_start3A_249 = arith.constant 0 : i32
        %dma_start3A_250 = arith.constant 0 : i32
        %dma_start3A_251 = tpu.memref_slice %arg9[%dma_start3A_248, %dma_start3A_249, %dma_start3A_250] : memref<3x128x32xf32, #tpu.memory_space<vmem>> -> memref<1x128x32xf32, #tpu.memory_space<vmem>>
        %dma_start3A_252 = tpu.memref_squeeze %dma_start3A_251 : memref<1x128x32xf32, #tpu.memory_space<vmem>> -> memref<128x32xf32, #tpu.memory_space<vmem>>
        %dma_start3A_253 = arith.constant 0 : i32
        %dma_start3A_254 = tpu.memref_slice %arg10[%add3A_247, %dma_start3A_253] : memref<159x128xi32, #tpu.memory_space<vmem>> -> memref<1x128xi32, #tpu.memory_space<vmem>>
        %dma_start3A_255 = tpu.memref_squeeze %dma_start3A_254 : memref<1x128xi32, #tpu.memory_space<vmem>> -> memref<128xi32, #tpu.memory_space<vmem>>
        %dma_start3A_256 = arith.constant 0 : i32
        %dma_start3A_257 = arith.constant 0 : i32
        %dma_start3A_258 = tpu.memref_slice %arg8[%dma_start3A_256, %dma_start3A_257] : memref<10240x32xf32, #tpu.memory_space<vmem_shared>> -> memref<10240x32xf32, #tpu.memory_space<vmem_shared>>
        tpu.enqueue_indirect_dma source(%dma_start3A_258 : memref<10240x32xf32, #tpu.memory_space<vmem_shared>>) target(%dma_start3A_252 : memref<128x32xf32, #tpu.memory_space<vmem>>) offsets(%dma_start3A_255 : memref<128xi32, #tpu.memory_space<vmem>>) semaphore(%arg14 : memref<!tpu.dma_semaphore, #tpu.memory_space<semaphore_mem>>)
      } else {
      }
      %mul3A_198 = arith.constant 3 : i32
      %mul3A_199 = arith.muli %add3A_116, %mul3A_198 : i32
      %add3A_200 = arith.constant 2 : i32
      %add3A_201 = arith.addi %mul3A_199, %add3A_200 : i32
      %dma_wait3A_202 = arith.constant 2 : i32
      %dma_wait3A_203 = arith.constant 0 : i32
      %dma_wait3A_204 = arith.constant 0 : i32
      %dma_wait3A_205 = tpu.memref_slice %arg9[%dma_wait3A_202, %dma_wait3A_203, %dma_wait3A_204] : memref<3x128x32xf32, #tpu.memory_space<vmem>> -> memref<1x128x32xf32, #tpu.memory_space<vmem>>
      %dma_wait3A_206 = tpu.memref_squeeze %dma_wait3A_205 : memref<1x128x32xf32, #tpu.memory_space<vmem>> -> memref<128x32xf32, #tpu.memory_space<vmem>>
      %dma_wait3A_207 = arith.constant 0 : i32
      %dma_wait3A_208 = tpu.memref_slice %arg10[%add3A_201, %dma_wait3A_207] : memref<159x128xi32, #tpu.memory_space<vmem>> -> memref<1x128xi32, #tpu.memory_space<vmem>>
      %dma_wait3A_209 = tpu.memref_squeeze %dma_wait3A_208 : memref<1x128xi32, #tpu.memory_space<vmem>> -> memref<128xi32, #tpu.memory_space<vmem>>
      %dma_wait3A_210 = arith.constant 0 : i32
      %dma_wait3A_211 = arith.constant 0 : i32
      %dma_wait3A_212 = tpu.memref_slice %arg8[%dma_wait3A_210, %dma_wait3A_211] : memref<10240x32xf32, #tpu.memory_space<vmem_shared>> -> memref<10240x32xf32, #tpu.memory_space<vmem_shared>>
      tpu.wait_indirect_dma semaphore(%arg16 : memref<!tpu.dma_semaphore, #tpu.memory_space<semaphore_mem>>) src(%dma_wait3A_212 : memref<10240x32xf32, #tpu.memory_space<vmem_shared>>) dst(%dma_wait3A_206 : memref<128x32xf32, #tpu.memory_space<vmem>>)
      %scan3A_213 = arith.constant 0 : i32
      %scan3A_214 = arith.constant 8 : i32
      %scan3A_215 = arith.addi %scan3A_213, %scan3A_214 : i32
      %scan3A_216 = arith.constant 1 : i32
      scf.for %scan3A_234 = %scan3A_213 to %scan3A_215 step %scan3A_216  : i32 {
        %mul3A_235 = arith.constant 1 : i32
        %mul3A_236 = arith.muli %scan3A_234, %mul3A_235 : i32
        %add3A_237 = arith.constant 0 : i32
        %add3A_238 = arith.addi %add3A_237, %mul3A_236 : i32
        %mul3A_239 = arith.constant 128 : i32
        %mul3A_240 = arith.muli %add3A_201, %mul3A_239 : i32
        %mul3A_241 = arith.constant 16 : i32
        %mul3A_242 = arith.muli %add3A_238, %mul3A_241 : i32
        %add3A_243 = arith.addi %mul3A_240, %mul3A_242 : i32
        %get3A = arith.index_cast %add3A_243 : i32 to index
        %get3A_244 = tpu.vector_load %arg12[%get3A] {strides = array<i32>} : memref<20352xf32, #tpu.memory_space<vmem>>, vector<16xf32>,
        %get3A_245 = vector.shape_cast %get3A_244 : vector<16xf32> to vector<16xf32>
        %broadcast_in_dim3A = arith.constant 0 : i32
        %broadcast_in_dim3A_246 = vector.broadcast %broadcast_in_dim3A : i32 to vector<16x1xi32>
        %gather3A = vector.shape_cast %broadcast_in_dim3A_246 : vector<16x1xi32> to vector<16xi32>
        %gather3A_247 = tpu.dynamic_gather %get3A_245[%gather3A] in [0] : vector<16xf32>, vector<16xi32> -> vector<16xf32>
        %broadcast_in_dim3A_248 = arith.constant 1 : i32
        %broadcast_in_dim3A_249 = vector.broadcast %broadcast_in_dim3A_248 : i32 to vector<16x1xi32>
        %gather3A_250 = vector.shape_cast %broadcast_in_dim3A_249 : vector<16x1xi32> to vector<16xi32>
        %gather3A_251 = tpu.dynamic_gather %get3A_245[%gather3A_250] in [0] : vector<16xf32>, vector<16xi32> -> vector<16xf32>
        %broadcast_in_dim3A_252 = arith.constant 2 : i32
        %broadcast_in_dim3A_253 = vector.broadcast %broadcast_in_dim3A_252 : i32 to vector<16x1xi32>
        %gather3A_254 = vector.shape_cast %broadcast_in_dim3A_253 : vector<16x1xi32> to vector<16xi32>
        %gather3A_255 = tpu.dynamic_gather %get3A_245[%gather3A_254] in [0] : vector<16xf32>, vector<16xi32> -> vector<16xf32>
        %broadcast_in_dim3A_256 = arith.constant 3 : i32
        %broadcast_in_dim3A_257 = vector.broadcast %broadcast_in_dim3A_256 : i32 to vector<16x1xi32>
        %gather3A_258 = vector.shape_cast %broadcast_in_dim3A_257 : vector<16x1xi32> to vector<16xi32>
        %gather3A_259 = tpu.dynamic_gather %get3A_245[%gather3A_258] in [0] : vector<16xf32>, vector<16xi32> -> vector<16xf32>
        %broadcast_in_dim3A_260 = arith.constant 4 : i32
        %broadcast_in_dim3A_261 = vector.broadcast %broadcast_in_dim3A_260 : i32 to vector<16x1xi32>
        %gather3A_262 = vector.shape_cast %broadcast_in_dim3A_261 : vector<16x1xi32> to vector<16xi32>
        %gather3A_263 = tpu.dynamic_gather %get3A_245[%gather3A_262] in [0] : vector<16xf32>, vector<16xi32> -> vector<16xf32>
        %broadcast_in_dim3A_264 = arith.constant 5 : i32
        %broadcast_in_dim3A_265 = vector.broadcast %broadcast_in_dim3A_264 : i32 to vector<16x1xi32>
        %gather3A_266 = vector.shape_cast %broadcast_in_dim3A_265 : vector<16x1xi32> to vector<16xi32>
        %gather3A_267 = tpu.dynamic_gather %get3A_245[%gather3A_266] in [0] : vector<16xf32>, vector<16xi32> -> vector<16xf32>
        %broadcast_in_dim3A_268 = arith.constant 6 : i32
        %broadcast_in_dim3A_269 = vector.broadcast %broadcast_in_dim3A_268 : i32 to vector<16x1xi32>
        %gather3A_270 = vector.shape_cast %broadcast_in_dim3A_269 : vector<16x1xi32> to vector<16xi32>
        %gather3A_271 = tpu.dynamic_gather %get3A_245[%gather3A_270] in [0] : vector<16xf32>, vector<16xi32> -> vector<16xf32>
        %broadcast_in_dim3A_272 = arith.constant 7 : i32
        %broadcast_in_dim3A_273 = vector.broadcast %broadcast_in_dim3A_272 : i32 to vector<16x1xi32>
        %gather3A_274 = vector.shape_cast %broadcast_in_dim3A_273 : vector<16x1xi32> to vector<16xi32>
        %gather3A_275 = tpu.dynamic_gather %get3A_245[%gather3A_274] in [0] : vector<16xf32>, vector<16xi32> -> vector<16xf32>
        %broadcast_in_dim3A_276 = arith.constant 8 : i32
        %broadcast_in_dim3A_277 = vector.broadcast %broadcast_in_dim3A_276 : i32 to vector<16x1xi32>
        %gather3A_278 = vector.shape_cast %broadcast_in_dim3A_277 : vector<16x1xi32> to vector<16xi32>
        %gather3A_279 = tpu.dynamic_gather %get3A_245[%gather3A_278] in [0] : vector<16xf32>, vector<16xi32> -> vector<16xf32>
        %broadcast_in_dim3A_280 = arith.constant 9 : i32
        %broadcast_in_dim3A_281 = vector.broadcast %broadcast_in_dim3A_280 : i32 to vector<16x1xi32>
        %gather3A_282 = vector.shape_cast %broadcast_in_dim3A_281 : vector<16x1xi32> to vector<16xi32>
        %gather3A_283 = tpu.dynamic_gather %get3A_245[%gather3A_282] in [0] : vector<16xf32>, vector<16xi32> -> vector<16xf32>
        %broadcast_in_dim3A_284 = arith.constant 10 : i32
        %broadcast_in_dim3A_285 = vector.broadcast %broadcast_in_dim3A_284 : i32 to vector<16x1xi32>
        %gather3A_286 = vector.shape_cast %broadcast_in_dim3A_285 : vector<16x1xi32> to vector<16xi32>
        %gather3A_287 = tpu.dynamic_gather %get3A_245[%gather3A_286] in [0] : vector<16xf32>, vector<16xi32> -> vector<16xf32>
        %broadcast_in_dim3A_288 = arith.constant 11 : i32
        %broadcast_in_dim3A_289 = vector.broadcast %broadcast_in_dim3A_288 : i32 to vector<16x1xi32>
        %gather3A_290 = vector.shape_cast %broadcast_in_dim3A_289 : vector<16x1xi32> to vector<16xi32>
        %gather3A_291 = tpu.dynamic_gather %get3A_245[%gather3A_290] in [0] : vector<16xf32>, vector<16xi32> -> vector<16xf32>
        %broadcast_in_dim3A_292 = arith.constant 12 : i32
        %broadcast_in_dim3A_293 = vector.broadcast %broadcast_in_dim3A_292 : i32 to vector<16x1xi32>
        %gather3A_294 = vector.shape_cast %broadcast_in_dim3A_293 : vector<16x1xi32> to vector<16xi32>
        %gather3A_295 = tpu.dynamic_gather %get3A_245[%gather3A_294] in [0] : vector<16xf32>, vector<16xi32> -> vector<16xf32>
        %broadcast_in_dim3A_296 = arith.constant 13 : i32
        %broadcast_in_dim3A_297 = vector.broadcast %broadcast_in_dim3A_296 : i32 to vector<16x1xi32>
        %gather3A_298 = vector.shape_cast %broadcast_in_dim3A_297 : vector<16x1xi32> to vector<16xi32>
        %gather3A_299 = tpu.dynamic_gather %get3A_245[%gather3A_298] in [0] : vector<16xf32>, vector<16xi32> -> vector<16xf32>
        %broadcast_in_dim3A_300 = arith.constant 14 : i32
        %broadcast_in_dim3A_301 = vector.broadcast %broadcast_in_dim3A_300 : i32 to vector<16x1xi32>
        %gather3A_302 = vector.shape_cast %broadcast_in_dim3A_301 : vector<16x1xi32> to vector<16xi32>
        %gather3A_303 = tpu.dynamic_gather %get3A_245[%gather3A_302] in [0] : vector<16xf32>, vector<16xi32> -> vector<16xf32>
        %broadcast_in_dim3A_304 = arith.constant 15 : i32
        %broadcast_in_dim3A_305 = vector.broadcast %broadcast_in_dim3A_304 : i32 to vector<16x1xi32>
        %gather3A_306 = vector.shape_cast %broadcast_in_dim3A_305 : vector<16x1xi32> to vector<16xi32>
        %gather3A_307 = tpu.dynamic_gather %get3A_245[%gather3A_306] in [0] : vector<16xf32>, vector<16xi32> -> vector<16xf32>
        %mul3A_308 = arith.constant 16 : i32
        %mul3A_309 = arith.muli %add3A_238, %mul3A_308 : i32
        %add3A_310 = arith.constant 0 : i32
        %add3A_311 = arith.addi %mul3A_309, %add3A_310 : i32
        %get3A_312 = arith.constant 2 : i32
        %get3A_313 = arith.index_cast %get3A_312 : i32 to index
        %get3A_314 = arith.index_cast %add3A_311 : i32 to index
        %get3A_315 = arith.constant 0 : index
        %get3A_316 = tpu.vector_load %arg9[%get3A_313, %get3A_314, %get3A_315] {strides = array<i32>} : memref<3x128x32xf32, #tpu.memory_space<vmem>>, vector<1x1x16xf32>,
        %get3A_317 = vector.shape_cast %get3A_316 : vector<1x1x16xf32> to vector<16xf32>
        %mul3A_318 = arith.mulf %get3A_317, %gather3A_247 : vector<16xf32>
        %mul3A_319 = arith.constant 16 : i32
        %mul3A_320 = arith.muli %add3A_238, %mul3A_319 : i32
        %add3A_321 = arith.constant 1 : i32
        %add3A_322 = arith.addi %mul3A_320, %add3A_321 : i32
        %get3A_323 = arith.constant 2 : i32
        %get3A_324 = arith.index_cast %get3A_323 : i32 to index
        %get3A_325 = arith.index_cast %add3A_322 : i32 to index
        %get3A_326 = arith.constant 0 : index
        %get3A_327 = tpu.vector_load %arg9[%get3A_324, %get3A_325, %get3A_326] {strides = array<i32>} : memref<3x128x32xf32, #tpu.memory_space<vmem>>, vector<1x1x16xf32>,
        %get3A_328 = vector.shape_cast %get3A_327 : vector<1x1x16xf32> to vector<16xf32>
        %mul3A_329 = arith.mulf %get3A_328, %gather3A_251 : vector<16xf32>
        %mul3A_330 = arith.constant 16 : i32
        %mul3A_331 = arith.muli %add3A_238, %mul3A_330 : i32
        %add3A_332 = arith.constant 2 : i32
        %add3A_333 = arith.addi %mul3A_331, %add3A_332 : i32
        %get3A_334 = arith.constant 2 : i32
        %get3A_335 = arith.index_cast %get3A_334 : i32 to index
        %get3A_336 = arith.index_cast %add3A_333 : i32 to index
        %get3A_337 = arith.constant 0 : index
        %get3A_338 = tpu.vector_load %arg9[%get3A_335, %get3A_336, %get3A_337] {strides = array<i32>} : memref<3x128x32xf32, #tpu.memory_space<vmem>>, vector<1x1x16xf32>,
        %get3A_339 = vector.shape_cast %get3A_338 : vector<1x1x16xf32> to vector<16xf32>
        %mul3A_340 = arith.mulf %get3A_339, %gather3A_255 : vector<16xf32>
        %mul3A_341 = arith.constant 16 : i32
        %mul3A_342 = arith.muli %add3A_238, %mul3A_341 : i32
        %add3A_343 = arith.constant 3 : i32
        %add3A_344 = arith.addi %mul3A_342, %add3A_343 : i32
        %get3A_345 = arith.constant 2 : i32
        %get3A_346 = arith.index_cast %get3A_345 : i32 to index
        %get3A_347 = arith.index_cast %add3A_344 : i32 to index
        %get3A_348 = arith.constant 0 : index
        %get3A_349 = tpu.vector_load %arg9[%get3A_346, %get3A_347, %get3A_348] {strides = array<i32>} : memref<3x128x32xf32, #tpu.memory_space<vmem>>, vector<1x1x16xf32>,
        %get3A_350 = vector.shape_cast %get3A_349 : vector<1x1x16xf32> to vector<16xf32>
        %mul3A_351 = arith.mulf %get3A_350, %gather3A_259 : vector<16xf32>
        %mul3A_352 = arith.constant 16 : i32
        %mul3A_353 = arith.muli %add3A_238, %mul3A_352 : i32
        %add3A_354 = arith.constant 4 : i32
        %add3A_355 = arith.addi %mul3A_353, %add3A_354 : i32
        %get3A_356 = arith.constant 2 : i32
        %get3A_357 = arith.index_cast %get3A_356 : i32 to index
        %get3A_358 = arith.index_cast %add3A_355 : i32 to index
        %get3A_359 = arith.constant 0 : index
        %get3A_360 = tpu.vector_load %arg9[%get3A_357, %get3A_358, %get3A_359] {strides = array<i32>} : memref<3x128x32xf32, #tpu.memory_space<vmem>>, vector<1x1x16xf32>,
        %get3A_361 = vector.shape_cast %get3A_360 : vector<1x1x16xf32> to vector<16xf32>
        %mul3A_362 = arith.mulf %get3A_361, %gather3A_263 : vector<16xf32>
        %mul3A_363 = arith.constant 16 : i32
        %mul3A_364 = arith.muli %add3A_238, %mul3A_363 : i32
        %add3A_365 = arith.constant 5 : i32
        %add3A_366 = arith.addi %mul3A_364, %add3A_365 : i32
        %get3A_367 = arith.constant 2 : i32
        %get3A_368 = arith.index_cast %get3A_367 : i32 to index
        %get3A_369 = arith.index_cast %add3A_366 : i32 to index
        %get3A_370 = arith.constant 0 : index
        %get3A_371 = tpu.vector_load %arg9[%get3A_368, %get3A_369, %get3A_370] {strides = array<i32>} : memref<3x128x32xf32, #tpu.memory_space<vmem>>, vector<1x1x16xf32>,
        %get3A_372 = vector.shape_cast %get3A_371 : vector<1x1x16xf32> to vector<16xf32>
        %mul3A_373 = arith.mulf %get3A_372, %gather3A_267 : vector<16xf32>
        %mul3A_374 = arith.constant 16 : i32
        %mul3A_375 = arith.muli %add3A_238, %mul3A_374 : i32
        %add3A_376 = arith.constant 6 : i32
        %add3A_377 = arith.addi %mul3A_375, %add3A_376 : i32
        %get3A_378 = arith.constant 2 : i32
        %get3A_379 = arith.index_cast %get3A_378 : i32 to index
        %get3A_380 = arith.index_cast %add3A_377 : i32 to index
        %get3A_381 = arith.constant 0 : index
        %get3A_382 = tpu.vector_load %arg9[%get3A_379, %get3A_380, %get3A_381] {strides = array<i32>} : memref<3x128x32xf32, #tpu.memory_space<vmem>>, vector<1x1x16xf32>,
        %get3A_383 = vector.shape_cast %get3A_382 : vector<1x1x16xf32> to vector<16xf32>
        %mul3A_384 = arith.mulf %get3A_383, %gather3A_271 : vector<16xf32>
        %mul3A_385 = arith.constant 16 : i32
        %mul3A_386 = arith.muli %add3A_238, %mul3A_385 : i32
        %add3A_387 = arith.constant 7 : i32
        %add3A_388 = arith.addi %mul3A_386, %add3A_387 : i32
        %get3A_389 = arith.constant 2 : i32
        %get3A_390 = arith.index_cast %get3A_389 : i32 to index
        %get3A_391 = arith.index_cast %add3A_388 : i32 to index
        %get3A_392 = arith.constant 0 : index
        %get3A_393 = tpu.vector_load %arg9[%get3A_390, %get3A_391, %get3A_392] {strides = array<i32>} : memref<3x128x32xf32, #tpu.memory_space<vmem>>, vector<1x1x16xf32>,
        %get3A_394 = vector.shape_cast %get3A_393 : vector<1x1x16xf32> to vector<16xf32>
        %mul3A_395 = arith.mulf %get3A_394, %gather3A_275 : vector<16xf32>
        %mul3A_396 = arith.constant 16 : i32
        %mul3A_397 = arith.muli %add3A_238, %mul3A_396 : i32
        %add3A_398 = arith.constant 8 : i32
        %add3A_399 = arith.addi %mul3A_397, %add3A_398 : i32
        %get3A_400 = arith.constant 2 : i32
        %get3A_401 = arith.index_cast %get3A_400 : i32 to index
        %get3A_402 = arith.index_cast %add3A_399 : i32 to index
        %get3A_403 = arith.constant 0 : index
        %get3A_404 = tpu.vector_load %arg9[%get3A_401, %get3A_402, %get3A_403] {strides = array<i32>} : memref<3x128x32xf32, #tpu.memory_space<vmem>>, vector<1x1x16xf32>,
        %get3A_405 = vector.shape_cast %get3A_404 : vector<1x1x16xf32> to vector<16xf32>
        %mul3A_406 = arith.mulf %get3A_405, %gather3A_279 : vector<16xf32>
        %mul3A_407 = arith.constant 16 : i32
        %mul3A_408 = arith.muli %add3A_238, %mul3A_407 : i32
        %add3A_409 = arith.constant 9 : i32
        %add3A_410 = arith.addi %mul3A_408, %add3A_409 : i32
        %get3A_411 = arith.constant 2 : i32
        %get3A_412 = arith.index_cast %get3A_411 : i32 to index
        %get3A_413 = arith.index_cast %add3A_410 : i32 to index
        %get3A_414 = arith.constant 0 : index
        %get3A_415 = tpu.vector_load %arg9[%get3A_412, %get3A_413, %get3A_414] {strides = array<i32>} : memref<3x128x32xf32, #tpu.memory_space<vmem>>, vector<1x1x16xf32>,
        %get3A_416 = vector.shape_cast %get3A_415 : vector<1x1x16xf32> to vector<16xf32>
        %mul3A_417 = arith.mulf %get3A_416, %gather3A_283 : vector<16xf32>
        %mul3A_418 = arith.constant 16 : i32
        %mul3A_419 = arith.muli %add3A_238, %mul3A_418 : i32
        %add3A_420 = arith.constant 10 : i32
        %add3A_421 = arith.addi %mul3A_419, %add3A_420 : i32
        %get3A_422 = arith.constant 2 : i32
        %get3A_423 = arith.index_cast %get3A_422 : i32 to index
        %get3A_424 = arith.index_cast %add3A_421 : i32 to index
        %get3A_425 = arith.constant 0 : index
        %get3A_426 = tpu.vector_load %arg9[%get3A_423, %get3A_424, %get3A_425] {strides = array<i32>} : memref<3x128x32xf32, #tpu.memory_space<vmem>>, vector<1x1x16xf32>,
        %get3A_427 = vector.shape_cast %get3A_426 : vector<1x1x16xf32> to vector<16xf32>
        %mul3A_428 = arith.mulf %get3A_427, %gather3A_287 : vector<16xf32>
        %mul3A_429 = arith.constant 16 : i32
        %mul3A_430 = arith.muli %add3A_238, %mul3A_429 : i32
        %add3A_431 = arith.constant 11 : i32
        %add3A_432 = arith.addi %mul3A_430, %add3A_431 : i32
        %get3A_433 = arith.constant 2 : i32
        %get3A_434 = arith.index_cast %get3A_433 : i32 to index
        %get3A_435 = arith.index_cast %add3A_432 : i32 to index
        %get3A_436 = arith.constant 0 : index
        %get3A_437 = tpu.vector_load %arg9[%get3A_434, %get3A_435, %get3A_436] {strides = array<i32>} : memref<3x128x32xf32, #tpu.memory_space<vmem>>, vector<1x1x16xf32>,
        %get3A_438 = vector.shape_cast %get3A_437 : vector<1x1x16xf32> to vector<16xf32>
        %mul3A_439 = arith.mulf %get3A_438, %gather3A_291 : vector<16xf32>
        %mul3A_440 = arith.constant 16 : i32
        %mul3A_441 = arith.muli %add3A_238, %mul3A_440 : i32
        %add3A_442 = arith.constant 12 : i32
        %add3A_443 = arith.addi %mul3A_441, %add3A_442 : i32
        %get3A_444 = arith.constant 2 : i32
        %get3A_445 = arith.index_cast %get3A_444 : i32 to index
        %get3A_446 = arith.index_cast %add3A_443 : i32 to index
        %get3A_447 = arith.constant 0 : index
        %get3A_448 = tpu.vector_load %arg9[%get3A_445, %get3A_446, %get3A_447] {strides = array<i32>} : memref<3x128x32xf32, #tpu.memory_space<vmem>>, vector<1x1x16xf32>,
        %get3A_449 = vector.shape_cast %get3A_448 : vector<1x1x16xf32> to vector<16xf32>
        %mul3A_450 = arith.mulf %get3A_449, %gather3A_295 : vector<16xf32>
        %mul3A_451 = arith.constant 16 : i32
        %mul3A_452 = arith.muli %add3A_238, %mul3A_451 : i32
        %add3A_453 = arith.constant 13 : i32
        %add3A_454 = arith.addi %mul3A_452, %add3A_453 : i32
        %get3A_455 = arith.constant 2 : i32
        %get3A_456 = arith.index_cast %get3A_455 : i32 to index
        %get3A_457 = arith.index_cast %add3A_454 : i32 to index
        %get3A_458 = arith.constant 0 : index
        %get3A_459 = tpu.vector_load %arg9[%get3A_456, %get3A_457, %get3A_458] {strides = array<i32>} : memref<3x128x32xf32, #tpu.memory_space<vmem>>, vector<1x1x16xf32>,
        %get3A_460 = vector.shape_cast %get3A_459 : vector<1x1x16xf32> to vector<16xf32>
        %mul3A_461 = arith.mulf %get3A_460, %gather3A_299 : vector<16xf32>
        %mul3A_462 = arith.constant 16 : i32
        %mul3A_463 = arith.muli %add3A_238, %mul3A_462 : i32
        %add3A_464 = arith.constant 14 : i32
        %add3A_465 = arith.addi %mul3A_463, %add3A_464 : i32
        %get3A_466 = arith.constant 2 : i32
        %get3A_467 = arith.index_cast %get3A_466 : i32 to index
        %get3A_468 = arith.index_cast %add3A_465 : i32 to index
        %get3A_469 = arith.constant 0 : index
        %get3A_470 = tpu.vector_load %arg9[%get3A_467, %get3A_468, %get3A_469] {strides = array<i32>} : memref<3x128x32xf32, #tpu.memory_space<vmem>>, vector<1x1x16xf32>,
        %get3A_471 = vector.shape_cast %get3A_470 : vector<1x1x16xf32> to vector<16xf32>
        %mul3A_472 = arith.mulf %get3A_471, %gather3A_303 : vector<16xf32>
        %mul3A_473 = arith.constant 16 : i32
        %mul3A_474 = arith.muli %add3A_238, %mul3A_473 : i32
        %add3A_475 = arith.constant 15 : i32
        %add3A_476 = arith.addi %mul3A_474, %add3A_475 : i32
        %get3A_477 = arith.constant 2 : i32
        %get3A_478 = arith.index_cast %get3A_477 : i32 to index
        %get3A_479 = arith.index_cast %add3A_476 : i32 to index
        %get3A_480 = arith.constant 0 : index
        %get3A_481 = tpu.vector_load %arg9[%get3A_478, %get3A_479, %get3A_480] {strides = array<i32>} : memref<3x128x32xf32, #tpu.memory_space<vmem>>, vector<1x1x16xf32>,
        %get3A_482 = vector.shape_cast %get3A_481 : vector<1x1x16xf32> to vector<16xf32>
        %mul3A_483 = arith.mulf %get3A_482, %gather3A_307 : vector<16xf32>
        %mul3A_484 = arith.constant 16 : i32
        %mul3A_485 = arith.muli %add3A_238, %mul3A_484 : i32
        %add3A_486 = arith.constant 0 : i32
        %add3A_487 = arith.addi %mul3A_485, %add3A_486 : i32
        %swap3A = arith.constant 2 : i32
        %swap3A_488 = arith.index_cast %swap3A : i32 to index
        %swap3A_489 = arith.index_cast %add3A_487 : i32 to index
        %swap3A_490 = arith.constant 0 : index
        %swap3A_491 = tpu.vector_load %arg9[%swap3A_488, %swap3A_489, %swap3A_490] {strides = array<i32>} : memref<3x128x32xf32, #tpu.memory_space<vmem>>, vector<1x1x16xf32>,
        %swap3A_492 = vector.shape_cast %swap3A_491 : vector<1x1x16xf32> to vector<16xf32>
        %swap3A_493 = vector.shape_cast %mul3A_318 : vector<16xf32> to vector<1x1x16xf32>
        tpu.vector_store %arg9[%swap3A_488, %swap3A_489, %swap3A_490], %swap3A_493 {strides = array<i32>} : memref<3x128x32xf32, #tpu.memory_space<vmem>>, vector<1x1x16xf32>,
        %mul3A_494 = arith.constant 16 : i32
        %mul3A_495 = arith.muli %add3A_238, %mul3A_494 : i32
        %add3A_496 = arith.constant 1 : i32
        %add3A_497 = arith.addi %mul3A_495, %add3A_496 : i32
        %swap3A_498 = arith.constant 2 : i32
        %swap3A_499 = arith.index_cast %swap3A_498 : i32 to index
        %swap3A_500 = arith.index_cast %add3A_497 : i32 to index
        %swap3A_501 = arith.constant 0 : index
        %swap3A_502 = tpu.vector_load %arg9[%swap3A_499, %swap3A_500, %swap3A_501] {strides = array<i32>} : memref<3x128x32xf32, #tpu.memory_space<vmem>>, vector<1x1x16xf32>,
        %swap3A_503 = vector.shape_cast %swap3A_502 : vector<1x1x16xf32> to vector<16xf32>
        %swap3A_504 = vector.shape_cast %mul3A_329 : vector<16xf32> to vector<1x1x16xf32>
        tpu.vector_store %arg9[%swap3A_499, %swap3A_500, %swap3A_501], %swap3A_504 {strides = array<i32>} : memref<3x128x32xf32, #tpu.memory_space<vmem>>, vector<1x1x16xf32>,
        %mul3A_505 = arith.constant 16 : i32
        %mul3A_506 = arith.muli %add3A_238, %mul3A_505 : i32
        %add3A_507 = arith.constant 2 : i32
        %add3A_508 = arith.addi %mul3A_506, %add3A_507 : i32
        %swap3A_509 = arith.constant 2 : i32
        %swap3A_510 = arith.index_cast %swap3A_509 : i32 to index
        %swap3A_511 = arith.index_cast %add3A_508 : i32 to index
        %swap3A_512 = arith.constant 0 : index
        %swap3A_513 = tpu.vector_load %arg9[%swap3A_510, %swap3A_511, %swap3A_512] {strides = array<i32>} : memref<3x128x32xf32, #tpu.memory_space<vmem>>, vector<1x1x16xf32>,
        %swap3A_514 = vector.shape_cast %swap3A_513 : vector<1x1x16xf32> to vector<16xf32>
        %swap3A_515 = vector.shape_cast %mul3A_340 : vector<16xf32> to vector<1x1x16xf32>
        tpu.vector_store %arg9[%swap3A_510, %swap3A_511, %swap3A_512], %swap3A_515 {strides = array<i32>} : memref<3x128x32xf32, #tpu.memory_space<vmem>>, vector<1x1x16xf32>,
        %mul3A_516 = arith.constant 16 : i32
        %mul3A_517 = arith.muli %add3A_238, %mul3A_516 : i32
        %add3A_518 = arith.constant 3 : i32
        %add3A_519 = arith.addi %mul3A_517, %add3A_518 : i32
        %swap3A_520 = arith.constant 2 : i32
        %swap3A_521 = arith.index_cast %swap3A_520 : i32 to index
        %swap3A_522 = arith.index_cast %add3A_519 : i32 to index
        %swap3A_523 = arith.constant 0 : index
        %swap3A_524 = tpu.vector_load %arg9[%swap3A_521, %swap3A_522, %swap3A_523] {strides = array<i32>} : memref<3x128x32xf32, #tpu.memory_space<vmem>>, vector<1x1x16xf32>,
        %swap3A_525 = vector.shape_cast %swap3A_524 : vector<1x1x16xf32> to vector<16xf32>
        %swap3A_526 = vector.shape_cast %mul3A_351 : vector<16xf32> to vector<1x1x16xf32>
        tpu.vector_store %arg9[%swap3A_521, %swap3A_522, %swap3A_523], %swap3A_526 {strides = array<i32>} : memref<3x128x32xf32, #tpu.memory_space<vmem>>, vector<1x1x16xf32>,
        %mul3A_527 = arith.constant 16 : i32
        %mul3A_528 = arith.muli %add3A_238, %mul3A_527 : i32
        %add3A_529 = arith.constant 4 : i32
        %add3A_530 = arith.addi %mul3A_528, %add3A_529 : i32
        %swap3A_531 = arith.constant 2 : i32
        %swap3A_532 = arith.index_cast %swap3A_531 : i32 to index
        %swap3A_533 = arith.index_cast %add3A_530 : i32 to index
        %swap3A_534 = arith.constant 0 : index
        %swap3A_535 = tpu.vector_load %arg9[%swap3A_532, %swap3A_533, %swap3A_534] {strides = array<i32>} : memref<3x128x32xf32, #tpu.memory_space<vmem>>, vector<1x1x16xf32>,
        %swap3A_536 = vector.shape_cast %swap3A_535 : vector<1x1x16xf32> to vector<16xf32>
        %swap3A_537 = vector.shape_cast %mul3A_362 : vector<16xf32> to vector<1x1x16xf32>
        tpu.vector_store %arg9[%swap3A_532, %swap3A_533, %swap3A_534], %swap3A_537 {strides = array<i32>} : memref<3x128x32xf32, #tpu.memory_space<vmem>>, vector<1x1x16xf32>,
        %mul3A_538 = arith.constant 16 : i32
        %mul3A_539 = arith.muli %add3A_238, %mul3A_538 : i32
        %add3A_540 = arith.constant 5 : i32
        %add3A_541 = arith.addi %mul3A_539, %add3A_540 : i32
        %swap3A_542 = arith.constant 2 : i32
        %swap3A_543 = arith.index_cast %swap3A_542 : i32 to index
        %swap3A_544 = arith.index_cast %add3A_541 : i32 to index
        %swap3A_545 = arith.constant 0 : index
        %swap3A_546 = tpu.vector_load %arg9[%swap3A_543, %swap3A_544, %swap3A_545] {strides = array<i32>} : memref<3x128x32xf32, #tpu.memory_space<vmem>>, vector<1x1x16xf32>,
        %swap3A_547 = vector.shape_cast %swap3A_546 : vector<1x1x16xf32> to vector<16xf32>
        %swap3A_548 = vector.shape_cast %mul3A_373 : vector<16xf32> to vector<1x1x16xf32>
        tpu.vector_store %arg9[%swap3A_543, %swap3A_544, %swap3A_545], %swap3A_548 {strides = array<i32>} : memref<3x128x32xf32, #tpu.memory_space<vmem>>, vector<1x1x16xf32>,
        %mul3A_549 = arith.constant 16 : i32
        %mul3A_550 = arith.muli %add3A_238, %mul3A_549 : i32
        %add3A_551 = arith.constant 6 : i32
        %add3A_552 = arith.addi %mul3A_550, %add3A_551 : i32
        %swap3A_553 = arith.constant 2 : i32
        %swap3A_554 = arith.index_cast %swap3A_553 : i32 to index
        %swap3A_555 = arith.index_cast %add3A_552 : i32 to index
        %swap3A_556 = arith.constant 0 : index
        %swap3A_557 = tpu.vector_load %arg9[%swap3A_554, %swap3A_555, %swap3A_556] {strides = array<i32>} : memref<3x128x32xf32, #tpu.memory_space<vmem>>, vector<1x1x16xf32>,
        %swap3A_558 = vector.shape_cast %swap3A_557 : vector<1x1x16xf32> to vector<16xf32>
        %swap3A_559 = vector.shape_cast %mul3A_384 : vector<16xf32> to vector<1x1x16xf32>
        tpu.vector_store %arg9[%swap3A_554, %swap3A_555, %swap3A_556], %swap3A_559 {strides = array<i32>} : memref<3x128x32xf32, #tpu.memory_space<vmem>>, vector<1x1x16xf32>,
        %mul3A_560 = arith.constant 16 : i32
        %mul3A_561 = arith.muli %add3A_238, %mul3A_560 : i32
        %add3A_562 = arith.constant 7 : i32
        %add3A_563 = arith.addi %mul3A_561, %add3A_562 : i32
        %swap3A_564 = arith.constant 2 : i32
        %swap3A_565 = arith.index_cast %swap3A_564 : i32 to index
        %swap3A_566 = arith.index_cast %add3A_563 : i32 to index
        %swap3A_567 = arith.constant 0 : index
        %swap3A_568 = tpu.vector_load %arg9[%swap3A_565, %swap3A_566, %swap3A_567] {strides = array<i32>} : memref<3x128x32xf32, #tpu.memory_space<vmem>>, vector<1x1x16xf32>,
        %swap3A_569 = vector.shape_cast %swap3A_568 : vector<1x1x16xf32> to vector<16xf32>
        %swap3A_570 = vector.shape_cast %mul3A_395 : vector<16xf32> to vector<1x1x16xf32>
        tpu.vector_store %arg9[%swap3A_565, %swap3A_566, %swap3A_567], %swap3A_570 {strides = array<i32>} : memref<3x128x32xf32, #tpu.memory_space<vmem>>, vector<1x1x16xf32>,
        %mul3A_571 = arith.constant 16 : i32
        %mul3A_572 = arith.muli %add3A_238, %mul3A_571 : i32
        %add3A_573 = arith.constant 8 : i32
        %add3A_574 = arith.addi %mul3A_572, %add3A_573 : i32
        %swap3A_575 = arith.constant 2 : i32
        %swap3A_576 = arith.index_cast %swap3A_575 : i32 to index
        %swap3A_577 = arith.index_cast %add3A_574 : i32 to index
        %swap3A_578 = arith.constant 0 : index
        %swap3A_579 = tpu.vector_load %arg9[%swap3A_576, %swap3A_577, %swap3A_578] {strides = array<i32>} : memref<3x128x32xf32, #tpu.memory_space<vmem>>, vector<1x1x16xf32>,
        %swap3A_580 = vector.shape_cast %swap3A_579 : vector<1x1x16xf32> to vector<16xf32>
        %swap3A_581 = vector.shape_cast %mul3A_406 : vector<16xf32> to vector<1x1x16xf32>
        tpu.vector_store %arg9[%swap3A_576, %swap3A_577, %swap3A_578], %swap3A_581 {strides = array<i32>} : memref<3x128x32xf32, #tpu.memory_space<vmem>>, vector<1x1x16xf32>,
        %mul3A_582 = arith.constant 16 : i32
        %mul3A_583 = arith.muli %add3A_238, %mul3A_582 : i32
        %add3A_584 = arith.constant 9 : i32
        %add3A_585 = arith.addi %mul3A_583, %add3A_584 : i32
        %swap3A_586 = arith.constant 2 : i32
        %swap3A_587 = arith.index_cast %swap3A_586 : i32 to index
        %swap3A_588 = arith.index_cast %add3A_585 : i32 to index
        %swap3A_589 = arith.constant 0 : index
        %swap3A_590 = tpu.vector_load %arg9[%swap3A_587, %swap3A_588, %swap3A_589] {strides = array<i32>} : memref<3x128x32xf32, #tpu.memory_space<vmem>>, vector<1x1x16xf32>,
        %swap3A_591 = vector.shape_cast %swap3A_590 : vector<1x1x16xf32> to vector<16xf32>
        %swap3A_592 = vector.shape_cast %mul3A_417 : vector<16xf32> to vector<1x1x16xf32>
        tpu.vector_store %arg9[%swap3A_587, %swap3A_588, %swap3A_589], %swap3A_592 {strides = array<i32>} : memref<3x128x32xf32, #tpu.memory_space<vmem>>, vector<1x1x16xf32>,
        %mul3A_593 = arith.constant 16 : i32
        %mul3A_594 = arith.muli %add3A_238, %mul3A_593 : i32
        %add3A_595 = arith.constant 10 : i32
        %add3A_596 = arith.addi %mul3A_594, %add3A_595 : i32
        %swap3A_597 = arith.constant 2 : i32
        %swap3A_598 = arith.index_cast %swap3A_597 : i32 to index
        %swap3A_599 = arith.index_cast %add3A_596 : i32 to index
        %swap3A_600 = arith.constant 0 : index
        %swap3A_601 = tpu.vector_load %arg9[%swap3A_598, %swap3A_599, %swap3A_600] {strides = array<i32>} : memref<3x128x32xf32, #tpu.memory_space<vmem>>, vector<1x1x16xf32>,
        %swap3A_602 = vector.shape_cast %swap3A_601 : vector<1x1x16xf32> to vector<16xf32>
        %swap3A_603 = vector.shape_cast %mul3A_428 : vector<16xf32> to vector<1x1x16xf32>
        tpu.vector_store %arg9[%swap3A_598, %swap3A_599, %swap3A_600], %swap3A_603 {strides = array<i32>} : memref<3x128x32xf32, #tpu.memory_space<vmem>>, vector<1x1x16xf32>,
        %mul3A_604 = arith.constant 16 : i32
        %mul3A_605 = arith.muli %add3A_238, %mul3A_604 : i32
        %add3A_606 = arith.constant 11 : i32
        %add3A_607 = arith.addi %mul3A_605, %add3A_606 : i32
        %swap3A_608 = arith.constant 2 : i32
        %swap3A_609 = arith.index_cast %swap3A_608 : i32 to index
        %swap3A_610 = arith.index_cast %add3A_607 : i32 to index
        %swap3A_611 = arith.constant 0 : index
        %swap3A_612 = tpu.vector_load %arg9[%swap3A_609, %swap3A_610, %swap3A_611] {strides = array<i32>} : memref<3x128x32xf32, #tpu.memory_space<vmem>>, vector<1x1x16xf32>,
        %swap3A_613 = vector.shape_cast %swap3A_612 : vector<1x1x16xf32> to vector<16xf32>
        %swap3A_614 = vector.shape_cast %mul3A_439 : vector<16xf32> to vector<1x1x16xf32>
        tpu.vector_store %arg9[%swap3A_609, %swap3A_610, %swap3A_611], %swap3A_614 {strides = array<i32>} : memref<3x128x32xf32, #tpu.memory_space<vmem>>, vector<1x1x16xf32>,
        %mul3A_615 = arith.constant 16 : i32
        %mul3A_616 = arith.muli %add3A_238, %mul3A_615 : i32
        %add3A_617 = arith.constant 12 : i32
        %add3A_618 = arith.addi %mul3A_616, %add3A_617 : i32
        %swap3A_619 = arith.constant 2 : i32
        %swap3A_620 = arith.index_cast %swap3A_619 : i32 to index
        %swap3A_621 = arith.index_cast %add3A_618 : i32 to index
        %swap3A_622 = arith.constant 0 : index
        %swap3A_623 = tpu.vector_load %arg9[%swap3A_620, %swap3A_621, %swap3A_622] {strides = array<i32>} : memref<3x128x32xf32, #tpu.memory_space<vmem>>, vector<1x1x16xf32>,
        %swap3A_624 = vector.shape_cast %swap3A_623 : vector<1x1x16xf32> to vector<16xf32>
        %swap3A_625 = vector.shape_cast %mul3A_450 : vector<16xf32> to vector<1x1x16xf32>
        tpu.vector_store %arg9[%swap3A_620, %swap3A_621, %swap3A_622], %swap3A_625 {strides = array<i32>} : memref<3x128x32xf32, #tpu.memory_space<vmem>>, vector<1x1x16xf32>,
        %mul3A_626 = arith.constant 16 : i32
        %mul3A_627 = arith.muli %add3A_238, %mul3A_626 : i32
        %add3A_628 = arith.constant 13 : i32
        %add3A_629 = arith.addi %mul3A_627, %add3A_628 : i32
        %swap3A_630 = arith.constant 2 : i32
        %swap3A_631 = arith.index_cast %swap3A_630 : i32 to index
        %swap3A_632 = arith.index_cast %add3A_629 : i32 to index
        %swap3A_633 = arith.constant 0 : index
        %swap3A_634 = tpu.vector_load %arg9[%swap3A_631, %swap3A_632, %swap3A_633] {strides = array<i32>} : memref<3x128x32xf32, #tpu.memory_space<vmem>>, vector<1x1x16xf32>,
        %swap3A_635 = vector.shape_cast %swap3A_634 : vector<1x1x16xf32> to vector<16xf32>
        %swap3A_636 = vector.shape_cast %mul3A_461 : vector<16xf32> to vector<1x1x16xf32>
        tpu.vector_store %arg9[%swap3A_631, %swap3A_632, %swap3A_633], %swap3A_636 {strides = array<i32>} : memref<3x128x32xf32, #tpu.memory_space<vmem>>, vector<1x1x16xf32>,
        %mul3A_637 = arith.constant 16 : i32
        %mul3A_638 = arith.muli %add3A_238, %mul3A_637 : i32
        %add3A_639 = arith.constant 14 : i32
        %add3A_640 = arith.addi %mul3A_638, %add3A_639 : i32
        %swap3A_641 = arith.constant 2 : i32
        %swap3A_642 = arith.index_cast %swap3A_641 : i32 to index
        %swap3A_643 = arith.index_cast %add3A_640 : i32 to index
        %swap3A_644 = arith.constant 0 : index
        %swap3A_645 = tpu.vector_load %arg9[%swap3A_642, %swap3A_643, %swap3A_644] {strides = array<i32>} : memref<3x128x32xf32, #tpu.memory_space<vmem>>, vector<1x1x16xf32>,
        %swap3A_646 = vector.shape_cast %swap3A_645 : vector<1x1x16xf32> to vector<16xf32>
        %swap3A_647 = vector.shape_cast %mul3A_472 : vector<16xf32> to vector<1x1x16xf32>
        tpu.vector_store %arg9[%swap3A_642, %swap3A_643, %swap3A_644], %swap3A_647 {strides = array<i32>} : memref<3x128x32xf32, #tpu.memory_space<vmem>>, vector<1x1x16xf32>,
        %mul3A_648 = arith.constant 16 : i32
        %mul3A_649 = arith.muli %add3A_238, %mul3A_648 : i32
        %add3A_650 = arith.constant 15 : i32
        %add3A_651 = arith.addi %mul3A_649, %add3A_650 : i32
        %swap3A_652 = arith.constant 2 : i32
        %swap3A_653 = arith.index_cast %swap3A_652 : i32 to index
        %swap3A_654 = arith.index_cast %add3A_651 : i32 to index
        %swap3A_655 = arith.constant 0 : index
        %swap3A_656 = tpu.vector_load %arg9[%swap3A_653, %swap3A_654, %swap3A_655] {strides = array<i32>} : memref<3x128x32xf32, #tpu.memory_space<vmem>>, vector<1x1x16xf32>,
        %swap3A_657 = vector.shape_cast %swap3A_656 : vector<1x1x16xf32> to vector<16xf32>
        %swap3A_658 = vector.shape_cast %mul3A_483 : vector<16xf32> to vector<1x1x16xf32>
        tpu.vector_store %arg9[%swap3A_653, %swap3A_654, %swap3A_655], %swap3A_658 {strides = array<i32>} : memref<3x128x32xf32, #tpu.memory_space<vmem>>, vector<1x1x16xf32>,
        %mul3A_659 = arith.constant 16 : i32
        %mul3A_660 = arith.muli %add3A_238, %mul3A_659 : i32
        %add3A_661 = arith.constant 0 : i32
        %add3A_662 = arith.addi %mul3A_660, %add3A_661 : i32
        %get3A_663 = arith.constant 2 : i32
        %get3A_664 = arith.index_cast %get3A_663 : i32 to index
        %get3A_665 = arith.index_cast %add3A_662 : i32 to index
        %get3A_666 = arith.constant 16 : index
        %get3A_667 = tpu.vector_load %arg9[%get3A_664, %get3A_665, %get3A_666] {strides = array<i32>} : memref<3x128x32xf32, #tpu.memory_space<vmem>>, vector<1x1x16xf32>,
        %get3A_668 = vector.shape_cast %get3A_667 : vector<1x1x16xf32> to vector<16xf32>
        %mul3A_669 = arith.mulf %get3A_668, %gather3A_247 : vector<16xf32>
        %mul3A_670 = arith.constant 16 : i32
        %mul3A_671 = arith.muli %add3A_238, %mul3A_670 : i32
        %add3A_672 = arith.constant 1 : i32
        %add3A_673 = arith.addi %mul3A_671, %add3A_672 : i32
        %get3A_674 = arith.constant 2 : i32
        %get3A_675 = arith.index_cast %get3A_674 : i32 to index
        %get3A_676 = arith.index_cast %add3A_673 : i32 to index
        %get3A_677 = arith.constant 16 : index
        %get3A_678 = tpu.vector_load %arg9[%get3A_675, %get3A_676, %get3A_677] {strides = array<i32>} : memref<3x128x32xf32, #tpu.memory_space<vmem>>, vector<1x1x16xf32>,
        %get3A_679 = vector.shape_cast %get3A_678 : vector<1x1x16xf32> to vector<16xf32>
        %mul3A_680 = arith.mulf %get3A_679, %gather3A_251 : vector<16xf32>
        %mul3A_681 = arith.constant 16 : i32
        %mul3A_682 = arith.muli %add3A_238, %mul3A_681 : i32
        %add3A_683 = arith.constant 2 : i32
        %add3A_684 = arith.addi %mul3A_682, %add3A_683 : i32
        %get3A_685 = arith.constant 2 : i32
        %get3A_686 = arith.index_cast %get3A_685 : i32 to index
        %get3A_687 = arith.index_cast %add3A_684 : i32 to index
        %get3A_688 = arith.constant 16 : index
        %get3A_689 = tpu.vector_load %arg9[%get3A_686, %get3A_687, %get3A_688] {strides = array<i32>} : memref<3x128x32xf32, #tpu.memory_space<vmem>>, vector<1x1x16xf32>,
        %get3A_690 = vector.shape_cast %get3A_689 : vector<1x1x16xf32> to vector<16xf32>
        %mul3A_691 = arith.mulf %get3A_690, %gather3A_255 : vector<16xf32>
        %mul3A_692 = arith.constant 16 : i32
        %mul3A_693 = arith.muli %add3A_238, %mul3A_692 : i32
        %add3A_694 = arith.constant 3 : i32
        %add3A_695 = arith.addi %mul3A_693, %add3A_694 : i32
        %get3A_696 = arith.constant 2 : i32
        %get3A_697 = arith.index_cast %get3A_696 : i32 to index
        %get3A_698 = arith.index_cast %add3A_695 : i32 to index
        %get3A_699 = arith.constant 16 : index
        %get3A_700 = tpu.vector_load %arg9[%get3A_697, %get3A_698, %get3A_699] {strides = array<i32>} : memref<3x128x32xf32, #tpu.memory_space<vmem>>, vector<1x1x16xf32>,
        %get3A_701 = vector.shape_cast %get3A_700 : vector<1x1x16xf32> to vector<16xf32>
        %mul3A_702 = arith.mulf %get3A_701, %gather3A_259 : vector<16xf32>
        %mul3A_703 = arith.constant 16 : i32
        %mul3A_704 = arith.muli %add3A_238, %mul3A_703 : i32
        %add3A_705 = arith.constant 4 : i32
        %add3A_706 = arith.addi %mul3A_704, %add3A_705 : i32
        %get3A_707 = arith.constant 2 : i32
        %get3A_708 = arith.index_cast %get3A_707 : i32 to index
        %get3A_709 = arith.index_cast %add3A_706 : i32 to index
        %get3A_710 = arith.constant 16 : index
        %get3A_711 = tpu.vector_load %arg9[%get3A_708, %get3A_709, %get3A_710] {strides = array<i32>} : memref<3x128x32xf32, #tpu.memory_space<vmem>>, vector<1x1x16xf32>,
        %get3A_712 = vector.shape_cast %get3A_711 : vector<1x1x16xf32> to vector<16xf32>
        %mul3A_713 = arith.mulf %get3A_712, %gather3A_263 : vector<16xf32>
        %mul3A_714 = arith.constant 16 : i32
        %mul3A_715 = arith.muli %add3A_238, %mul3A_714 : i32
        %add3A_716 = arith.constant 5 : i32
        %add3A_717 = arith.addi %mul3A_715, %add3A_716 : i32
        %get3A_718 = arith.constant 2 : i32
        %get3A_719 = arith.index_cast %get3A_718 : i32 to index
        %get3A_720 = arith.index_cast %add3A_717 : i32 to index
        %get3A_721 = arith.constant 16 : index
        %get3A_722 = tpu.vector_load %arg9[%get3A_719, %get3A_720, %get3A_721] {strides = array<i32>} : memref<3x128x32xf32, #tpu.memory_space<vmem>>, vector<1x1x16xf32>,
        %get3A_723 = vector.shape_cast %get3A_722 : vector<1x1x16xf32> to vector<16xf32>
        %mul3A_724 = arith.mulf %get3A_723, %gather3A_267 : vector<16xf32>
        %mul3A_725 = arith.constant 16 : i32
        %mul3A_726 = arith.muli %add3A_238, %mul3A_725 : i32
        %add3A_727 = arith.constant 6 : i32
        %add3A_728 = arith.addi %mul3A_726, %add3A_727 : i32
        %get3A_729 = arith.constant 2 : i32
        %get3A_730 = arith.index_cast %get3A_729 : i32 to index
        %get3A_731 = arith.index_cast %add3A_728 : i32 to index
        %get3A_732 = arith.constant 16 : index
        %get3A_733 = tpu.vector_load %arg9[%get3A_730, %get3A_731, %get3A_732] {strides = array<i32>} : memref<3x128x32xf32, #tpu.memory_space<vmem>>, vector<1x1x16xf32>,
        %get3A_734 = vector.shape_cast %get3A_733 : vector<1x1x16xf32> to vector<16xf32>
        %mul3A_735 = arith.mulf %get3A_734, %gather3A_271 : vector<16xf32>
        %mul3A_736 = arith.constant 16 : i32
        %mul3A_737 = arith.muli %add3A_238, %mul3A_736 : i32
        %add3A_738 = arith.constant 7 : i32
        %add3A_739 = arith.addi %mul3A_737, %add3A_738 : i32
        %get3A_740 = arith.constant 2 : i32
        %get3A_741 = arith.index_cast %get3A_740 : i32 to index
        %get3A_742 = arith.index_cast %add3A_739 : i32 to index
        %get3A_743 = arith.constant 16 : index
        %get3A_744 = tpu.vector_load %arg9[%get3A_741, %get3A_742, %get3A_743] {strides = array<i32>} : memref<3x128x32xf32, #tpu.memory_space<vmem>>, vector<1x1x16xf32>,
        %get3A_745 = vector.shape_cast %get3A_744 : vector<1x1x16xf32> to vector<16xf32>
        %mul3A_746 = arith.mulf %get3A_745, %gather3A_275 : vector<16xf32>
        %mul3A_747 = arith.constant 16 : i32
        %mul3A_748 = arith.muli %add3A_238, %mul3A_747 : i32
        %add3A_749 = arith.constant 8 : i32
        %add3A_750 = arith.addi %mul3A_748, %add3A_749 : i32
        %get3A_751 = arith.constant 2 : i32
        %get3A_752 = arith.index_cast %get3A_751 : i32 to index
        %get3A_753 = arith.index_cast %add3A_750 : i32 to index
        %get3A_754 = arith.constant 16 : index
        %get3A_755 = tpu.vector_load %arg9[%get3A_752, %get3A_753, %get3A_754] {strides = array<i32>} : memref<3x128x32xf32, #tpu.memory_space<vmem>>, vector<1x1x16xf32>,
        %get3A_756 = vector.shape_cast %get3A_755 : vector<1x1x16xf32> to vector<16xf32>
        %mul3A_757 = arith.mulf %get3A_756, %gather3A_279 : vector<16xf32>
        %mul3A_758 = arith.constant 16 : i32
        %mul3A_759 = arith.muli %add3A_238, %mul3A_758 : i32
        %add3A_760 = arith.constant 9 : i32
        %add3A_761 = arith.addi %mul3A_759, %add3A_760 : i32
        %get3A_762 = arith.constant 2 : i32
        %get3A_763 = arith.index_cast %get3A_762 : i32 to index
        %get3A_764 = arith.index_cast %add3A_761 : i32 to index
        %get3A_765 = arith.constant 16 : index
        %get3A_766 = tpu.vector_load %arg9[%get3A_763, %get3A_764, %get3A_765] {strides = array<i32>} : memref<3x128x32xf32, #tpu.memory_space<vmem>>, vector<1x1x16xf32>,
        %get3A_767 = vector.shape_cast %get3A_766 : vector<1x1x16xf32> to vector<16xf32>
        %mul3A_768 = arith.mulf %get3A_767, %gather3A_283 : vector<16xf32>
        %mul3A_769 = arith.constant 16 : i32
        %mul3A_770 = arith.muli %add3A_238, %mul3A_769 : i32
        %add3A_771 = arith.constant 10 : i32
        %add3A_772 = arith.addi %mul3A_770, %add3A_771 : i32
        %get3A_773 = arith.constant 2 : i32
        %get3A_774 = arith.index_cast %get3A_773 : i32 to index
        %get3A_775 = arith.index_cast %add3A_772 : i32 to index
        %get3A_776 = arith.constant 16 : index
        %get3A_777 = tpu.vector_load %arg9[%get3A_774, %get3A_775, %get3A_776] {strides = array<i32>} : memref<3x128x32xf32, #tpu.memory_space<vmem>>, vector<1x1x16xf32>,
        %get3A_778 = vector.shape_cast %get3A_777 : vector<1x1x16xf32> to vector<16xf32>
        %mul3A_779 = arith.mulf %get3A_778, %gather3A_287 : vector<16xf32>
        %mul3A_780 = arith.constant 16 : i32
        %mul3A_781 = arith.muli %add3A_238, %mul3A_780 : i32
        %add3A_782 = arith.constant 11 : i32
        %add3A_783 = arith.addi %mul3A_781, %add3A_782 : i32
        %get3A_784 = arith.constant 2 : i32
        %get3A_785 = arith.index_cast %get3A_784 : i32 to index
        %get3A_786 = arith.index_cast %add3A_783 : i32 to index
        %get3A_787 = arith.constant 16 : index
        %get3A_788 = tpu.vector_load %arg9[%get3A_785, %get3A_786, %get3A_787] {strides = array<i32>} : memref<3x128x32xf32, #tpu.memory_space<vmem>>, vector<1x1x16xf32>,
        %get3A_789 = vector.shape_cast %get3A_788 : vector<1x1x16xf32> to vector<16xf32>
        %mul3A_790 = arith.mulf %get3A_789, %gather3A_291 : vector<16xf32>
        %mul3A_791 = arith.constant 16 : i32
        %mul3A_792 = arith.muli %add3A_238, %mul3A_791 : i32
        %add3A_793 = arith.constant 12 : i32
        %add3A_794 = arith.addi %mul3A_792, %add3A_793 : i32
        %get3A_795 = arith.constant 2 : i32
        %get3A_796 = arith.index_cast %get3A_795 : i32 to index
        %get3A_797 = arith.index_cast %add3A_794 : i32 to index
        %get3A_798 = arith.constant 16 : index
        %get3A_799 = tpu.vector_load %arg9[%get3A_796, %get3A_797, %get3A_798] {strides = array<i32>} : memref<3x128x32xf32, #tpu.memory_space<vmem>>, vector<1x1x16xf32>,
        %get3A_800 = vector.shape_cast %get3A_799 : vector<1x1x16xf32> to vector<16xf32>
        %mul3A_801 = arith.mulf %get3A_800, %gather3A_295 : vector<16xf32>
        %mul3A_802 = arith.constant 16 : i32
        %mul3A_803 = arith.muli %add3A_238, %mul3A_802 : i32
        %add3A_804 = arith.constant 13 : i32
        %add3A_805 = arith.addi %mul3A_803, %add3A_804 : i32
        %get3A_806 = arith.constant 2 : i32
        %get3A_807 = arith.index_cast %get3A_806 : i32 to index
        %get3A_808 = arith.index_cast %add3A_805 : i32 to index
        %get3A_809 = arith.constant 16 : index
        %get3A_810 = tpu.vector_load %arg9[%get3A_807, %get3A_808, %get3A_809] {strides = array<i32>} : memref<3x128x32xf32, #tpu.memory_space<vmem>>, vector<1x1x16xf32>,
        %get3A_811 = vector.shape_cast %get3A_810 : vector<1x1x16xf32> to vector<16xf32>
        %mul3A_812 = arith.mulf %get3A_811, %gather3A_299 : vector<16xf32>
        %mul3A_813 = arith.constant 16 : i32
        %mul3A_814 = arith.muli %add3A_238, %mul3A_813 : i32
        %add3A_815 = arith.constant 14 : i32
        %add3A_816 = arith.addi %mul3A_814, %add3A_815 : i32
        %get3A_817 = arith.constant 2 : i32
        %get3A_818 = arith.index_cast %get3A_817 : i32 to index
        %get3A_819 = arith.index_cast %add3A_816 : i32 to index
        %get3A_820 = arith.constant 16 : index
        %get3A_821 = tpu.vector_load %arg9[%get3A_818, %get3A_819, %get3A_820] {strides = array<i32>} : memref<3x128x32xf32, #tpu.memory_space<vmem>>, vector<1x1x16xf32>,
        %get3A_822 = vector.shape_cast %get3A_821 : vector<1x1x16xf32> to vector<16xf32>
        %mul3A_823 = arith.mulf %get3A_822, %gather3A_303 : vector<16xf32>
        %mul3A_824 = arith.constant 16 : i32
        %mul3A_825 = arith.muli %add3A_238, %mul3A_824 : i32
        %add3A_826 = arith.constant 15 : i32
        %add3A_827 = arith.addi %mul3A_825, %add3A_826 : i32
        %get3A_828 = arith.constant 2 : i32
        %get3A_829 = arith.index_cast %get3A_828 : i32 to index
        %get3A_830 = arith.index_cast %add3A_827 : i32 to index
        %get3A_831 = arith.constant 16 : index
        %get3A_832 = tpu.vector_load %arg9[%get3A_829, %get3A_830, %get3A_831] {strides = array<i32>} : memref<3x128x32xf32, #tpu.memory_space<vmem>>, vector<1x1x16xf32>,
        %get3A_833 = vector.shape_cast %get3A_832 : vector<1x1x16xf32> to vector<16xf32>
        %mul3A_834 = arith.mulf %get3A_833, %gather3A_307 : vector<16xf32>
        %mul3A_835 = arith.constant 16 : i32
        %mul3A_836 = arith.muli %add3A_238, %mul3A_835 : i32
        %add3A_837 = arith.constant 0 : i32
        %add3A_838 = arith.addi %mul3A_836, %add3A_837 : i32
        %swap3A_839 = arith.constant 2 : i32
        %swap3A_840 = arith.index_cast %swap3A_839 : i32 to index
        %swap3A_841 = arith.index_cast %add3A_838 : i32 to index
        %swap3A_842 = arith.constant 16 : index
        %swap3A_843 = tpu.vector_load %arg9[%swap3A_840, %swap3A_841, %swap3A_842] {strides = array<i32>} : memref<3x128x32xf32, #tpu.memory_space<vmem>>, vector<1x1x16xf32>,
        %swap3A_844 = vector.shape_cast %swap3A_843 : vector<1x1x16xf32> to vector<16xf32>
        %swap3A_845 = vector.shape_cast %mul3A_669 : vector<16xf32> to vector<1x1x16xf32>
        tpu.vector_store %arg9[%swap3A_840, %swap3A_841, %swap3A_842], %swap3A_845 {strides = array<i32>} : memref<3x128x32xf32, #tpu.memory_space<vmem>>, vector<1x1x16xf32>,
        %mul3A_846 = arith.constant 16 : i32
        %mul3A_847 = arith.muli %add3A_238, %mul3A_846 : i32
        %add3A_848 = arith.constant 1 : i32
        %add3A_849 = arith.addi %mul3A_847, %add3A_848 : i32
        %swap3A_850 = arith.constant 2 : i32
        %swap3A_851 = arith.index_cast %swap3A_850 : i32 to index
        %swap3A_852 = arith.index_cast %add3A_849 : i32 to index
        %swap3A_853 = arith.constant 16 : index
        %swap3A_854 = tpu.vector_load %arg9[%swap3A_851, %swap3A_852, %swap3A_853] {strides = array<i32>} : memref<3x128x32xf32, #tpu.memory_space<vmem>>, vector<1x1x16xf32>,
        %swap3A_855 = vector.shape_cast %swap3A_854 : vector<1x1x16xf32> to vector<16xf32>
        %swap3A_856 = vector.shape_cast %mul3A_680 : vector<16xf32> to vector<1x1x16xf32>
        tpu.vector_store %arg9[%swap3A_851, %swap3A_852, %swap3A_853], %swap3A_856 {strides = array<i32>} : memref<3x128x32xf32, #tpu.memory_space<vmem>>, vector<1x1x16xf32>,
        %mul3A_857 = arith.constant 16 : i32
        %mul3A_858 = arith.muli %add3A_238, %mul3A_857 : i32
        %add3A_859 = arith.constant 2 : i32
        %add3A_860 = arith.addi %mul3A_858, %add3A_859 : i32
        %swap3A_861 = arith.constant 2 : i32
        %swap3A_862 = arith.index_cast %swap3A_861 : i32 to index
        %swap3A_863 = arith.index_cast %add3A_860 : i32 to index
        %swap3A_864 = arith.constant 16 : index
        %swap3A_865 = tpu.vector_load %arg9[%swap3A_862, %swap3A_863, %swap3A_864] {strides = array<i32>} : memref<3x128x32xf32, #tpu.memory_space<vmem>>, vector<1x1x16xf32>,
        %swap3A_866 = vector.shape_cast %swap3A_865 : vector<1x1x16xf32> to vector<16xf32>
        %swap3A_867 = vector.shape_cast %mul3A_691 : vector<16xf32> to vector<1x1x16xf32>
        tpu.vector_store %arg9[%swap3A_862, %swap3A_863, %swap3A_864], %swap3A_867 {strides = array<i32>} : memref<3x128x32xf32, #tpu.memory_space<vmem>>, vector<1x1x16xf32>,
        %mul3A_868 = arith.constant 16 : i32
        %mul3A_869 = arith.muli %add3A_238, %mul3A_868 : i32
        %add3A_870 = arith.constant 3 : i32
        %add3A_871 = arith.addi %mul3A_869, %add3A_870 : i32
        %swap3A_872 = arith.constant 2 : i32
        %swap3A_873 = arith.index_cast %swap3A_872 : i32 to index
        %swap3A_874 = arith.index_cast %add3A_871 : i32 to index
        %swap3A_875 = arith.constant 16 : index
        %swap3A_876 = tpu.vector_load %arg9[%swap3A_873, %swap3A_874, %swap3A_875] {strides = array<i32>} : memref<3x128x32xf32, #tpu.memory_space<vmem>>, vector<1x1x16xf32>,
        %swap3A_877 = vector.shape_cast %swap3A_876 : vector<1x1x16xf32> to vector<16xf32>
        %swap3A_878 = vector.shape_cast %mul3A_702 : vector<16xf32> to vector<1x1x16xf32>
        tpu.vector_store %arg9[%swap3A_873, %swap3A_874, %swap3A_875], %swap3A_878 {strides = array<i32>} : memref<3x128x32xf32, #tpu.memory_space<vmem>>, vector<1x1x16xf32>,
        %mul3A_879 = arith.constant 16 : i32
        %mul3A_880 = arith.muli %add3A_238, %mul3A_879 : i32
        %add3A_881 = arith.constant 4 : i32
        %add3A_882 = arith.addi %mul3A_880, %add3A_881 : i32
        %swap3A_883 = arith.constant 2 : i32
        %swap3A_884 = arith.index_cast %swap3A_883 : i32 to index
        %swap3A_885 = arith.index_cast %add3A_882 : i32 to index
        %swap3A_886 = arith.constant 16 : index
        %swap3A_887 = tpu.vector_load %arg9[%swap3A_884, %swap3A_885, %swap3A_886] {strides = array<i32>} : memref<3x128x32xf32, #tpu.memory_space<vmem>>, vector<1x1x16xf32>,
        %swap3A_888 = vector.shape_cast %swap3A_887 : vector<1x1x16xf32> to vector<16xf32>
        %swap3A_889 = vector.shape_cast %mul3A_713 : vector<16xf32> to vector<1x1x16xf32>
        tpu.vector_store %arg9[%swap3A_884, %swap3A_885, %swap3A_886], %swap3A_889 {strides = array<i32>} : memref<3x128x32xf32, #tpu.memory_space<vmem>>, vector<1x1x16xf32>,
        %mul3A_890 = arith.constant 16 : i32
        %mul3A_891 = arith.muli %add3A_238, %mul3A_890 : i32
        %add3A_892 = arith.constant 5 : i32
        %add3A_893 = arith.addi %mul3A_891, %add3A_892 : i32
        %swap3A_894 = arith.constant 2 : i32
        %swap3A_895 = arith.index_cast %swap3A_894 : i32 to index
        %swap3A_896 = arith.index_cast %add3A_893 : i32 to index
        %swap3A_897 = arith.constant 16 : index
        %swap3A_898 = tpu.vector_load %arg9[%swap3A_895, %swap3A_896, %swap3A_897] {strides = array<i32>} : memref<3x128x32xf32, #tpu.memory_space<vmem>>, vector<1x1x16xf32>,
        %swap3A_899 = vector.shape_cast %swap3A_898 : vector<1x1x16xf32> to vector<16xf32>
        %swap3A_900 = vector.shape_cast %mul3A_724 : vector<16xf32> to vector<1x1x16xf32>
        tpu.vector_store %arg9[%swap3A_895, %swap3A_896, %swap3A_897], %swap3A_900 {strides = array<i32>} : memref<3x128x32xf32, #tpu.memory_space<vmem>>, vector<1x1x16xf32>,
        %mul3A_901 = arith.constant 16 : i32
        %mul3A_902 = arith.muli %add3A_238, %mul3A_901 : i32
        %add3A_903 = arith.constant 6 : i32
        %add3A_904 = arith.addi %mul3A_902, %add3A_903 : i32
        %swap3A_905 = arith.constant 2 : i32
        %swap3A_906 = arith.index_cast %swap3A_905 : i32 to index
        %swap3A_907 = arith.index_cast %add3A_904 : i32 to index
        %swap3A_908 = arith.constant 16 : index
        %swap3A_909 = tpu.vector_load %arg9[%swap3A_906, %swap3A_907, %swap3A_908] {strides = array<i32>} : memref<3x128x32xf32, #tpu.memory_space<vmem>>, vector<1x1x16xf32>,
        %swap3A_910 = vector.shape_cast %swap3A_909 : vector<1x1x16xf32> to vector<16xf32>
        %swap3A_911 = vector.shape_cast %mul3A_735 : vector<16xf32> to vector<1x1x16xf32>
        tpu.vector_store %arg9[%swap3A_906, %swap3A_907, %swap3A_908], %swap3A_911 {strides = array<i32>} : memref<3x128x32xf32, #tpu.memory_space<vmem>>, vector<1x1x16xf32>,
        %mul3A_912 = arith.constant 16 : i32
        %mul3A_913 = arith.muli %add3A_238, %mul3A_912 : i32
        %add3A_914 = arith.constant 7 : i32
        %add3A_915 = arith.addi %mul3A_913, %add3A_914 : i32
        %swap3A_916 = arith.constant 2 : i32
        %swap3A_917 = arith.index_cast %swap3A_916 : i32 to index
        %swap3A_918 = arith.index_cast %add3A_915 : i32 to index
        %swap3A_919 = arith.constant 16 : index
        %swap3A_920 = tpu.vector_load %arg9[%swap3A_917, %swap3A_918, %swap3A_919] {strides = array<i32>} : memref<3x128x32xf32, #tpu.memory_space<vmem>>, vector<1x1x16xf32>,
        %swap3A_921 = vector.shape_cast %swap3A_920 : vector<1x1x16xf32> to vector<16xf32>
        %swap3A_922 = vector.shape_cast %mul3A_746 : vector<16xf32> to vector<1x1x16xf32>
        tpu.vector_store %arg9[%swap3A_917, %swap3A_918, %swap3A_919], %swap3A_922 {strides = array<i32>} : memref<3x128x32xf32, #tpu.memory_space<vmem>>, vector<1x1x16xf32>,
        %mul3A_923 = arith.constant 16 : i32
        %mul3A_924 = arith.muli %add3A_238, %mul3A_923 : i32
        %add3A_925 = arith.constant 8 : i32
        %add3A_926 = arith.addi %mul3A_924, %add3A_925 : i32
        %swap3A_927 = arith.constant 2 : i32
        %swap3A_928 = arith.index_cast %swap3A_927 : i32 to index
        %swap3A_929 = arith.index_cast %add3A_926 : i32 to index
        %swap3A_930 = arith.constant 16 : index
        %swap3A_931 = tpu.vector_load %arg9[%swap3A_928, %swap3A_929, %swap3A_930] {strides = array<i32>} : memref<3x128x32xf32, #tpu.memory_space<vmem>>, vector<1x1x16xf32>,
        %swap3A_932 = vector.shape_cast %swap3A_931 : vector<1x1x16xf32> to vector<16xf32>
        %swap3A_933 = vector.shape_cast %mul3A_757 : vector<16xf32> to vector<1x1x16xf32>
        tpu.vector_store %arg9[%swap3A_928, %swap3A_929, %swap3A_930], %swap3A_933 {strides = array<i32>} : memref<3x128x32xf32, #tpu.memory_space<vmem>>, vector<1x1x16xf32>,
        %mul3A_934 = arith.constant 16 : i32
        %mul3A_935 = arith.muli %add3A_238, %mul3A_934 : i32
        %add3A_936 = arith.constant 9 : i32
        %add3A_937 = arith.addi %mul3A_935, %add3A_936 : i32
        %swap3A_938 = arith.constant 2 : i32
        %swap3A_939 = arith.index_cast %swap3A_938 : i32 to index
        %swap3A_940 = arith.index_cast %add3A_937 : i32 to index
        %swap3A_941 = arith.constant 16 : index
        %swap3A_942 = tpu.vector_load %arg9[%swap3A_939, %swap3A_940, %swap3A_941] {strides = array<i32>} : memref<3x128x32xf32, #tpu.memory_space<vmem>>, vector<1x1x16xf32>,
        %swap3A_943 = vector.shape_cast %swap3A_942 : vector<1x1x16xf32> to vector<16xf32>
        %swap3A_944 = vector.shape_cast %mul3A_768 : vector<16xf32> to vector<1x1x16xf32>
        tpu.vector_store %arg9[%swap3A_939, %swap3A_940, %swap3A_941], %swap3A_944 {strides = array<i32>} : memref<3x128x32xf32, #tpu.memory_space<vmem>>, vector<1x1x16xf32>,
        %mul3A_945 = arith.constant 16 : i32
        %mul3A_946 = arith.muli %add3A_238, %mul3A_945 : i32
        %add3A_947 = arith.constant 10 : i32
        %add3A_948 = arith.addi %mul3A_946, %add3A_947 : i32
        %swap3A_949 = arith.constant 2 : i32
        %swap3A_950 = arith.index_cast %swap3A_949 : i32 to index
        %swap3A_951 = arith.index_cast %add3A_948 : i32 to index
        %swap3A_952 = arith.constant 16 : index
        %swap3A_953 = tpu.vector_load %arg9[%swap3A_950, %swap3A_951, %swap3A_952] {strides = array<i32>} : memref<3x128x32xf32, #tpu.memory_space<vmem>>, vector<1x1x16xf32>,
        %swap3A_954 = vector.shape_cast %swap3A_953 : vector<1x1x16xf32> to vector<16xf32>
        %swap3A_955 = vector.shape_cast %mul3A_779 : vector<16xf32> to vector<1x1x16xf32>
        tpu.vector_store %arg9[%swap3A_950, %swap3A_951, %swap3A_952], %swap3A_955 {strides = array<i32>} : memref<3x128x32xf32, #tpu.memory_space<vmem>>, vector<1x1x16xf32>,
        %mul3A_956 = arith.constant 16 : i32
        %mul3A_957 = arith.muli %add3A_238, %mul3A_956 : i32
        %add3A_958 = arith.constant 11 : i32
        %add3A_959 = arith.addi %mul3A_957, %add3A_958 : i32
        %swap3A_960 = arith.constant 2 : i32
        %swap3A_961 = arith.index_cast %swap3A_960 : i32 to index
        %swap3A_962 = arith.index_cast %add3A_959 : i32 to index
        %swap3A_963 = arith.constant 16 : index
        %swap3A_964 = tpu.vector_load %arg9[%swap3A_961, %swap3A_962, %swap3A_963] {strides = array<i32>} : memref<3x128x32xf32, #tpu.memory_space<vmem>>, vector<1x1x16xf32>,
        %swap3A_965 = vector.shape_cast %swap3A_964 : vector<1x1x16xf32> to vector<16xf32>
        %swap3A_966 = vector.shape_cast %mul3A_790 : vector<16xf32> to vector<1x1x16xf32>
        tpu.vector_store %arg9[%swap3A_961, %swap3A_962, %swap3A_963], %swap3A_966 {strides = array<i32>} : memref<3x128x32xf32, #tpu.memory_space<vmem>>, vector<1x1x16xf32>,
        %mul3A_967 = arith.constant 16 : i32
        %mul3A_968 = arith.muli %add3A_238, %mul3A_967 : i32
        %add3A_969 = arith.constant 12 : i32
        %add3A_970 = arith.addi %mul3A_968, %add3A_969 : i32
        %swap3A_971 = arith.constant 2 : i32
        %swap3A_972 = arith.index_cast %swap3A_971 : i32 to index
        %swap3A_973 = arith.index_cast %add3A_970 : i32 to index
        %swap3A_974 = arith.constant 16 : index
        %swap3A_975 = tpu.vector_load %arg9[%swap3A_972, %swap3A_973, %swap3A_974] {strides = array<i32>} : memref<3x128x32xf32, #tpu.memory_space<vmem>>, vector<1x1x16xf32>,
        %swap3A_976 = vector.shape_cast %swap3A_975 : vector<1x1x16xf32> to vector<16xf32>
        %swap3A_977 = vector.shape_cast %mul3A_801 : vector<16xf32> to vector<1x1x16xf32>
        tpu.vector_store %arg9[%swap3A_972, %swap3A_973, %swap3A_974], %swap3A_977 {strides = array<i32>} : memref<3x128x32xf32, #tpu.memory_space<vmem>>, vector<1x1x16xf32>,
        %mul3A_978 = arith.constant 16 : i32
        %mul3A_979 = arith.muli %add3A_238, %mul3A_978 : i32
        %add3A_980 = arith.constant 13 : i32
        %add3A_981 = arith.addi %mul3A_979, %add3A_980 : i32
        %swap3A_982 = arith.constant 2 : i32
        %swap3A_983 = arith.index_cast %swap3A_982 : i32 to index
        %swap3A_984 = arith.index_cast %add3A_981 : i32 to index
        %swap3A_985 = arith.constant 16 : index
        %swap3A_986 = tpu.vector_load %arg9[%swap3A_983, %swap3A_984, %swap3A_985] {strides = array<i32>} : memref<3x128x32xf32, #tpu.memory_space<vmem>>, vector<1x1x16xf32>,
        %swap3A_987 = vector.shape_cast %swap3A_986 : vector<1x1x16xf32> to vector<16xf32>
        %swap3A_988 = vector.shape_cast %mul3A_812 : vector<16xf32> to vector<1x1x16xf32>
        tpu.vector_store %arg9[%swap3A_983, %swap3A_984, %swap3A_985], %swap3A_988 {strides = array<i32>} : memref<3x128x32xf32, #tpu.memory_space<vmem>>, vector<1x1x16xf32>,
        %mul3A_989 = arith.constant 16 : i32
        %mul3A_990 = arith.muli %add3A_238, %mul3A_989 : i32
        %add3A_991 = arith.constant 14 : i32
        %add3A_992 = arith.addi %mul3A_990, %add3A_991 : i32
        %swap3A_993 = arith.constant 2 : i32
        %swap3A_994 = arith.index_cast %swap3A_993 : i32 to index
        %swap3A_995 = arith.index_cast %add3A_992 : i32 to index
        %swap3A_996 = arith.constant 16 : index
        %swap3A_997 = tpu.vector_load %arg9[%swap3A_994, %swap3A_995, %swap3A_996] {strides = array<i32>} : memref<3x128x32xf32, #tpu.memory_space<vmem>>, vector<1x1x16xf32>,
        %swap3A_998 = vector.shape_cast %swap3A_997 : vector<1x1x16xf32> to vector<16xf32>
        %swap3A_999 = vector.shape_cast %mul3A_823 : vector<16xf32> to vector<1x1x16xf32>
        tpu.vector_store %arg9[%swap3A_994, %swap3A_995, %swap3A_996], %swap3A_999 {strides = array<i32>} : memref<3x128x32xf32, #tpu.memory_space<vmem>>, vector<1x1x16xf32>,
        %mul3A_1000 = arith.constant 16 : i32
        %mul3A_1001 = arith.muli %add3A_238, %mul3A_1000 : i32
        %add3A_1002 = arith.constant 15 : i32
        %add3A_1003 = arith.addi %mul3A_1001, %add3A_1002 : i32
        %swap3A_1004 = arith.constant 2 : i32
        %swap3A_1005 = arith.index_cast %swap3A_1004 : i32 to index
        %swap3A_1006 = arith.index_cast %add3A_1003 : i32 to index
        %swap3A_1007 = arith.constant 16 : index
        %swap3A_1008 = tpu.vector_load %arg9[%swap3A_1005, %swap3A_1006, %swap3A_1007] {strides = array<i32>} : memref<3x128x32xf32, #tpu.memory_space<vmem>>, vector<1x1x16xf32>,
        %swap3A_1009 = vector.shape_cast %swap3A_1008 : vector<1x1x16xf32> to vector<16xf32>
        %swap3A_1010 = vector.shape_cast %mul3A_834 : vector<16xf32> to vector<1x1x16xf32>
        tpu.vector_store %arg9[%swap3A_1005, %swap3A_1006, %swap3A_1007], %swap3A_1010 {strides = array<i32>} : memref<3x128x32xf32, #tpu.memory_space<vmem>>, vector<1x1x16xf32>,
      }
      %scan3A_217 = arith.constant 8 : i32
      %dma_start3A_218 = arith.constant 2 : i32
      %dma_start3A_219 = arith.constant 0 : i32
      %dma_start3A_220 = arith.constant 0 : i32
      %dma_start3A_221 = tpu.memref_slice %arg9[%dma_start3A_218, %dma_start3A_219, %dma_start3A_220] : memref<3x128x32xf32, #tpu.memory_space<vmem>> -> memref<1x128x32xf32, #tpu.memory_space<vmem>>
      %dma_start3A_222 = tpu.memref_squeeze %dma_start3A_221 : memref<1x128x32xf32, #tpu.memory_space<vmem>> -> memref<128x32xf32, #tpu.memory_space<vmem>>
      %dma_start3A_223 = arith.constant 0 : i32
      %dma_start3A_224 = tpu.memref_slice %arg11[%add3A_201, %dma_start3A_223] : memref<159x128xi32, #tpu.memory_space<vmem>> -> memref<1x128xi32, #tpu.memory_space<vmem>>
      %dma_start3A_225 = tpu.memref_squeeze %dma_start3A_224 : memref<1x128xi32, #tpu.memory_space<vmem>> -> memref<128xi32, #tpu.memory_space<vmem>>
      %dma_start3A_226 = arith.constant 0 : i32
      %dma_start3A_227 = arith.constant 0 : i32
      %dma_start3A_228 = tpu.memref_slice %arg7[%dma_start3A_226, %dma_start3A_227] : memref<10240x32xf32, #tpu.memory_space<vmem_shared>> -> memref<10240x32xf32, #tpu.memory_space<vmem_shared>>
      tpu.enqueue_indirect_dma source(%dma_start3A_222 : memref<128x32xf32, #tpu.memory_space<vmem>>) target(%dma_start3A_228 : memref<10240x32xf32, #tpu.memory_space<vmem_shared>>) offsets(%dma_start3A_225 : memref<128xi32, #tpu.memory_space<vmem>>) semaphore(%arg19 : memref<!tpu.dma_semaphore, #tpu.memory_space<semaphore_mem>>) {add = true}
      %lt3A_229 = arith.constant 52 : i32
      %lt3A_230 = arith.cmpi slt, %add3A_116, %lt3A_229 : i32
      %convert_element_type3A_231 = arith.extui %lt3A_230 : i1 to i32
      %cond3A_232 = arith.constant 0 : i32
      %cond3A_233 = arith.cmpi ne, %convert_element_type3A_231, %cond3A_232 : i32
      scf.if %cond3A_233 {
        %sub3A = arith.constant 1 : i32
        %sub3A_234 = arith.subi %add3A_201, %sub3A : i32
        %dma_wait3A_235 = arith.constant 1 : i32
        %dma_wait3A_236 = arith.constant 0 : i32
        %dma_wait3A_237 = arith.constant 0 : i32
        %dma_wait3A_238 = tpu.memref_slice %arg9[%dma_wait3A_235, %dma_wait3A_236, %dma_wait3A_237] : memref<3x128x32xf32, #tpu.memory_space<vmem>> -> memref<1x128x32xf32, #tpu.memory_space<vmem>>
        %dma_wait3A_239 = tpu.memref_squeeze %dma_wait3A_238 : memref<1x128x32xf32, #tpu.memory_space<vmem>> -> memref<128x32xf32, #tpu.memory_space<vmem>>
        %dma_wait3A_240 = arith.constant 0 : i32
        %dma_wait3A_241 = tpu.memref_slice %arg11[%sub3A_234, %dma_wait3A_240] : memref<159x128xi32, #tpu.memory_space<vmem>> -> memref<1x128xi32, #tpu.memory_space<vmem>>
        %dma_wait3A_242 = tpu.memref_squeeze %dma_wait3A_241 : memref<1x128xi32, #tpu.memory_space<vmem>> -> memref<128xi32, #tpu.memory_space<vmem>>
        %dma_wait3A_243 = arith.constant 0 : i32
        %dma_wait3A_244 = arith.constant 0 : i32
        %dma_wait3A_245 = tpu.memref_slice %arg7[%dma_wait3A_243, %dma_wait3A_244] : memref<10240x32xf32, #tpu.memory_space<vmem_shared>> -> memref<10240x32xf32, #tpu.memory_space<vmem_shared>>
        tpu.wait_indirect_dma semaphore(%arg18 : memref<!tpu.dma_semaphore, #tpu.memory_space<semaphore_mem>>) src(%dma_wait3A_239 : memref<128x32xf32, #tpu.memory_space<vmem>>) dst(%dma_wait3A_245 : memref<10240x32xf32, #tpu.memory_space<vmem_shared>>)
        %add3A_246 = arith.constant 2 : i32
        %add3A_247 = arith.addi %add3A_201, %add3A_246 : i32
        %dma_start3A_248 = arith.constant 1 : i32
        %dma_start3A_249 = arith.constant 0 : i32
        %dma_start3A_250 = arith.constant 0 : i32
        %dma_start3A_251 = tpu.memref_slice %arg9[%dma_start3A_248, %dma_start3A_249, %dma_start3A_250] : memref<3x128x32xf32, #tpu.memory_space<vmem>> -> memref<1x128x32xf32, #tpu.memory_space<vmem>>
        %dma_start3A_252 = tpu.memref_squeeze %dma_start3A_251 : memref<1x128x32xf32, #tpu.memory_space<vmem>> -> memref<128x32xf32, #tpu.memory_space<vmem>>
        %dma_start3A_253 = arith.constant 0 : i32
        %dma_start3A_254 = tpu.memref_slice %arg10[%add3A_247, %dma_start3A_253] : memref<159x128xi32, #tpu.memory_space<vmem>> -> memref<1x128xi32, #tpu.memory_space<vmem>>
        %dma_start3A_255 = tpu.memref_squeeze %dma_start3A_254 : memref<1x128xi32, #tpu.memory_space<vmem>> -> memref<128xi32, #tpu.memory_space<vmem>>
        %dma_start3A_256 = arith.constant 0 : i32
        %dma_start3A_257 = arith.constant 0 : i32
        %dma_start3A_258 = tpu.memref_slice %arg8[%dma_start3A_256, %dma_start3A_257] : memref<10240x32xf32, #tpu.memory_space<vmem_shared>> -> memref<10240x32xf32, #tpu.memory_space<vmem_shared>>
        tpu.enqueue_indirect_dma source(%dma_start3A_258 : memref<10240x32xf32, #tpu.memory_space<vmem_shared>>) target(%dma_start3A_252 : memref<128x32xf32, #tpu.memory_space<vmem>>) offsets(%dma_start3A_255 : memref<128xi32, #tpu.memory_space<vmem>>) semaphore(%arg15 : memref<!tpu.dma_semaphore, #tpu.memory_space<semaphore_mem>>)
      } else {
      }
    }
    %scan3A_70 = arith.constant 53 : i32
    %dma_wait3A_71 = arith.constant 0 : i32
    %dma_wait3A_72 = arith.constant 156 : i32
    %dma_wait3A_73 = arith.constant 0 : i32
    %dma_wait3A_74 = arith.constant 0 : i32
    %dma_wait3A_75 = tpu.memref_slice %arg9[%dma_wait3A_71, %dma_wait3A_73, %dma_wait3A_74] : memref<3x128x32xf32, #tpu.memory_space<vmem>> -> memref<1x128x32xf32, #tpu.memory_space<vmem>>
    %dma_wait3A_76 = tpu.memref_squeeze %dma_wait3A_75 : memref<1x128x32xf32, #tpu.memory_space<vmem>> -> memref<128x32xf32, #tpu.memory_space<vmem>>
    %dma_wait3A_77 = arith.constant 0 : i32
    %dma_wait3A_78 = tpu.memref_slice %arg11[%dma_wait3A_72, %dma_wait3A_77] : memref<159x128xi32, #tpu.memory_space<vmem>> -> memref<1x128xi32, #tpu.memory_space<vmem>>
    %dma_wait3A_79 = tpu.memref_squeeze %dma_wait3A_78 : memref<1x128xi32, #tpu.memory_space<vmem>> -> memref<128xi32, #tpu.memory_space<vmem>>
    %dma_wait3A_80 = arith.constant 0 : i32
    %dma_wait3A_81 = arith.constant 0 : i32
    %dma_wait3A_82 = tpu.memref_slice %arg7[%dma_wait3A_80, %dma_wait3A_81] : memref<10240x32xf32, #tpu.memory_space<vmem_shared>> -> memref<10240x32xf32, #tpu.memory_space<vmem_shared>>
    tpu.wait_indirect_dma semaphore(%arg17 : memref<!tpu.dma_semaphore, #tpu.memory_space<semaphore_mem>>) src(%dma_wait3A_76 : memref<128x32xf32, #tpu.memory_space<vmem>>) dst(%dma_wait3A_82 : memref<10240x32xf32, #tpu.memory_space<vmem_shared>>)
    %dma_wait3A_83 = arith.constant 1 : i32
    %dma_wait3A_84 = arith.constant 157 : i32
    %dma_wait3A_85 = arith.constant 0 : i32
    %dma_wait3A_86 = arith.constant 0 : i32
    %dma_wait3A_87 = tpu.memref_slice %arg9[%dma_wait3A_83, %dma_wait3A_85, %dma_wait3A_86] : memref<3x128x32xf32, #tpu.memory_space<vmem>> -> memref<1x128x32xf32, #tpu.memory_space<vmem>>
    %dma_wait3A_88 = tpu.memref_squeeze %dma_wait3A_87 : memref<1x128x32xf32, #tpu.memory_space<vmem>> -> memref<128x32xf32, #tpu.memory_space<vmem>>
    %dma_wait3A_89 = arith.constant 0 : i32
    %dma_wait3A_90 = tpu.memref_slice %arg11[%dma_wait3A_84, %dma_wait3A_89] : memref<159x128xi32, #tpu.memory_space<vmem>> -> memref<1x128xi32, #tpu.memory_space<vmem>>
    %dma_wait3A_91 = tpu.memref_squeeze %dma_wait3A_90 : memref<1x128xi32, #tpu.memory_space<vmem>> -> memref<128xi32, #tpu.memory_space<vmem>>
    %dma_wait3A_92 = arith.constant 0 : i32
    %dma_wait3A_93 = arith.constant 0 : i32
    %dma_wait3A_94 = tpu.memref_slice %arg7[%dma_wait3A_92, %dma_wait3A_93] : memref<10240x32xf32, #tpu.memory_space<vmem_shared>> -> memref<10240x32xf32, #tpu.memory_space<vmem_shared>>
    tpu.wait_indirect_dma semaphore(%arg18 : memref<!tpu.dma_semaphore, #tpu.memory_space<semaphore_mem>>) src(%dma_wait3A_88 : memref<128x32xf32, #tpu.memory_space<vmem>>) dst(%dma_wait3A_94 : memref<10240x32xf32, #tpu.memory_space<vmem_shared>>)
    %dma_wait3A_95 = arith.constant 2 : i32
    %dma_wait3A_96 = arith.constant 158 : i32
    %dma_wait3A_97 = arith.constant 0 : i32
    %dma_wait3A_98 = arith.constant 0 : i32
    %dma_wait3A_99 = tpu.memref_slice %arg9[%dma_wait3A_95, %dma_wait3A_97, %dma_wait3A_98] : memref<3x128x32xf32, #tpu.memory_space<vmem>> -> memref<1x128x32xf32, #tpu.memory_space<vmem>>
    %dma_wait3A_100 = tpu.memref_squeeze %dma_wait3A_99 : memref<1x128x32xf32, #tpu.memory_space<vmem>> -> memref<128x32xf32, #tpu.memory_space<vmem>>
    %dma_wait3A_101 = arith.constant 0 : i32
    %dma_wait3A_102 = tpu.memref_slice %arg11[%dma_wait3A_96, %dma_wait3A_101] : memref<159x128xi32, #tpu.memory_space<vmem>> -> memref<1x128xi32, #tpu.memory_space<vmem>>
    %dma_wait3A_103 = tpu.memref_squeeze %dma_wait3A_102 : memref<1x128xi32, #tpu.memory_space<vmem>> -> memref<128xi32, #tpu.memory_space<vmem>>
    %dma_wait3A_104 = arith.constant 0 : i32
    %dma_wait3A_105 = arith.constant 0 : i32
    %dma_wait3A_106 = tpu.memref_slice %arg7[%dma_wait3A_104, %dma_wait3A_105] : memref<10240x32xf32, #tpu.memory_space<vmem_shared>> -> memref<10240x32xf32, #tpu.memory_space<vmem_shared>>
    tpu.wait_indirect_dma semaphore(%arg19 : memref<!tpu.dma_semaphore, #tpu.memory_space<semaphore_mem>>) src(%dma_wait3A_100 : memref<128x32xf32, #tpu.memory_space<vmem>>) dst(%dma_wait3A_106 : memref<10240x32xf32, #tpu.memory_space<vmem_shared>>)
    %barrier3A_107 = arith.constant 0 : index
    tpu.barrier barrier_id(%barrier3A_107)
    %scan3A_108 = arith.constant 0 : i32
    %scan3A_109 = arith.constant 5 : i32
    %scan3A_110 = arith.addi %scan3A_108, %scan3A_109 : i32
    %scan3A_111 = arith.constant 1 : i32
    scf.for %scan3A_113 = %scan3A_108 to %scan3A_110 step %scan3A_111  : i32 {
      %mul3A_114 = arith.constant 1 : i32
      %mul3A_115 = arith.muli %scan3A_113, %mul3A_114 : i32
      %add3A = arith.constant 0 : i32
      %add3A_116 = arith.addi %add3A, %mul3A_115 : i32
      %mul3A_117 = arith.constant 640 : i32
      %mul3A_118 = arith.muli %arg1, %mul3A_117 : i32
      %mul3A_119 = arith.constant 128 : i32
      %mul3A_120 = arith.muli %add3A_116, %mul3A_119 : i32
      %add3A_121 = arith.addi %mul3A_118, %mul3A_120 : i32
      "tpu.region"() ({
        %run_scoped3A = tpu.sem_alloc : memref<!tpu.dma_semaphore, #tpu.memory_space<semaphore_mem>>
        %dma_start3A_122 = arith.constant 0 : i32
        %dma_start3A_123 = tpu.memref_slice %arg6[%arg0, %add3A_121, %dma_start3A_122] : memref<2x10240x32xf32, #tpu.memory_space<hbm>> -> memref<1x128x32xf32, #tpu.memory_space<hbm>>
        %dma_start3A_124 = tpu.memref_squeeze %dma_start3A_123 : memref<1x128x32xf32, #tpu.memory_space<hbm>> -> memref<128x32xf32, #tpu.memory_space<hbm>>
        %dma_start3A_125 = arith.constant 0 : i32
        %dma_start3A_126 = tpu.memref_slice %arg7[%add3A_121, %dma_start3A_125] : memref<10240x32xf32, #tpu.memory_space<vmem_shared>> -> memref<128x32xf32, #tpu.memory_space<vmem_shared>>
        tpu.enqueue_dma source(%dma_start3A_126 : memref<128x32xf32, #tpu.memory_space<vmem_shared>>) target(%dma_start3A_124 : memref<128x32xf32, #tpu.memory_space<hbm>>) target_semaphore(%run_scoped3A : memref<!tpu.dma_semaphore, #tpu.memory_space<semaphore_mem>>)
        %dma_wait3A_127 = arith.constant 0 : i32
        %dma_wait3A_128 = tpu.memref_slice %arg6[%arg0, %add3A_121, %dma_wait3A_127] : memref<2x10240x32xf32, #tpu.memory_space<hbm>> -> memref<1x128x32xf32, #tpu.memory_space<hbm>>
        %dma_wait3A_129 = tpu.memref_squeeze %dma_wait3A_128 : memref<1x128x32xf32, #tpu.memory_space<hbm>> -> memref<128x32xf32, #tpu.memory_space<hbm>>
        %dma_wait3A_130 = arith.constant 0 : i32
        %dma_wait3A_131 = tpu.memref_slice %arg7[%add3A_121, %dma_wait3A_130] : memref<10240x32xf32, #tpu.memory_space<vmem_shared>> -> memref<128x32xf32, #tpu.memory_space<vmem_shared>>
        tpu.wait_dma2 semaphore(%run_scoped3A : memref<!tpu.dma_semaphore, #tpu.memory_space<semaphore_mem>>) src(%dma_wait3A_131 : memref<128x32xf32, #tpu.memory_space<vmem_shared>>) dst(%dma_wait3A_129 : memref<128x32xf32, #tpu.memory_space<hbm>>)
        tpu.yield
      }) : () -> ()
    }
    %scan3A_112 = arith.constant 5 : i32
    return
  }
}

#map = affine_map<(d0, d1) -> (0, 0)>
#map1 = affine_map<(d0, d1) -> (0, 0, 0)>
#map2 = affine_map<(d0, d1) -> (0)>
module attributes {stable_mosaic.version = 14 : i64} {
  func.func @spmm(%arg0: i32, %arg1: i32, %arg2: memref<10240x16xf32, #tpu.memory_space<hbm>>, %arg3: memref<10240x16xf32, #tpu.memory_space<hbm>>, %arg4: memref<2x2544x128xi32, #tpu.memory_space<hbm>>, %arg5: memref<325632xf32, #tpu.memory_space<hbm>>, %arg6: memref<10240x32xf32, #tpu.memory_space<hbm>>, %arg7: memref<10240x16xf32, #tpu.memory_space<vmem_shared>>, %arg8: memref<10240x16xf32, #tpu.memory_space<vmem_shared>>, %arg9: memref<3x128x16xf32, #tpu.memory_space<vmem>>, %arg10: memref<159x128xi32, #tpu.memory_space<vmem>>, %arg11: memref<159x128xi32, #tpu.memory_space<vmem>>, %arg12: memref<20352xf32, #tpu.memory_space<vmem>>, %arg13: memref<!tpu.dma_semaphore, #tpu.memory_space<semaphore_mem>>, %arg14: memref<!tpu.dma_semaphore, #tpu.memory_space<semaphore_mem>>, %arg15: memref<!tpu.dma_semaphore, #tpu.memory_space<semaphore_mem>>, %arg16: memref<!tpu.dma_semaphore, #tpu.memory_space<semaphore_mem>>, %arg17: memref<!tpu.dma_semaphore, #tpu.memory_space<semaphore_mem>>, %arg18: memref<!tpu.dma_semaphore, #tpu.memory_space<semaphore_mem>>, %arg19: memref<!tpu.dma_semaphore, #tpu.memory_space<semaphore_mem>>) attributes {dimension_semantics = [#tpu.dimension_semantics<core_parallel>, #tpu.dimension_semantics<subcore_parallel>], iteration_bounds = array<i64: 2, 16>, scalar_prefetch = 0 : i64, scratch_operands = 13 : i64, tpu.core_type = #tpu.core_type<sc_vector_subcore>, window_params = [{transform_indices = #map}, {transform_indices = #map}, {transform_indices = #map1}, {transform_indices = #map2}, {transform_indices = #map}]} {
    %mul3A = arith.constant 159 : i32
    %mul3A_0 = arith.muli %arg1, %mul3A : i32
    %dma_start3A = arith.constant 0 : i32
    %dma_start3A_1 = arith.constant 0 : i32
    %dma_start3A_2 = tpu.memref_slice %arg4[%dma_start3A, %mul3A_0, %dma_start3A_1] : memref<2x2544x128xi32, #tpu.memory_space<hbm>> -> memref<1x159x128xi32, #tpu.memory_space<hbm>>
    %dma_start3A_3 = tpu.memref_squeeze %dma_start3A_2 : memref<1x159x128xi32, #tpu.memory_space<hbm>> -> memref<159x128xi32, #tpu.memory_space<hbm>>
    %dma_start3A_4 = arith.constant 0 : i32
    %dma_start3A_5 = tpu.memref_slice %arg4[%dma_start3A, %mul3A_0, %dma_start3A_4] : memref<2x2544x128xi32, #tpu.memory_space<hbm>> -> memref<1x159x128xi32, #tpu.memory_space<hbm>>
    %dma_start3A_6 = tpu.memref_squeeze %dma_start3A_5 : memref<1x159x128xi32, #tpu.memory_space<hbm>> -> memref<159x128xi32, #tpu.memory_space<hbm>>
    tpu.enqueue_dma source(%dma_start3A_6 : memref<159x128xi32, #tpu.memory_space<hbm>>) target(%arg10 : memref<159x128xi32, #tpu.memory_space<vmem>>) target_semaphore(%arg13 : memref<!tpu.dma_semaphore, #tpu.memory_space<semaphore_mem>>)
    %dma_start3A_7 = arith.constant 1 : i32
    %dma_start3A_8 = arith.constant 0 : i32
    %dma_start3A_9 = tpu.memref_slice %arg4[%dma_start3A_7, %mul3A_0, %dma_start3A_8] : memref<2x2544x128xi32, #tpu.memory_space<hbm>> -> memref<1x159x128xi32, #tpu.memory_space<hbm>>
    %dma_start3A_10 = tpu.memref_squeeze %dma_start3A_9 : memref<1x159x128xi32, #tpu.memory_space<hbm>> -> memref<159x128xi32, #tpu.memory_space<hbm>>
    %dma_start3A_11 = arith.constant 0 : i32
    %dma_start3A_12 = tpu.memref_slice %arg4[%dma_start3A_7, %mul3A_0, %dma_start3A_11] : memref<2x2544x128xi32, #tpu.memory_space<hbm>> -> memref<1x159x128xi32, #tpu.memory_space<hbm>>
    %dma_start3A_13 = tpu.memref_squeeze %dma_start3A_12 : memref<1x159x128xi32, #tpu.memory_space<hbm>> -> memref<159x128xi32, #tpu.memory_space<hbm>>
    tpu.enqueue_dma source(%dma_start3A_13 : memref<159x128xi32, #tpu.memory_space<hbm>>) target(%arg11 : memref<159x128xi32, #tpu.memory_space<vmem>>) target_semaphore(%arg13 : memref<!tpu.dma_semaphore, #tpu.memory_space<semaphore_mem>>)
    %mul3A_14 = arith.constant 20352 : i32
    %mul3A_15 = arith.muli %arg1, %mul3A_14 : i32
    %dma_start3A_16 = tpu.memref_slice %arg5[%mul3A_15] : memref<325632xf32, #tpu.memory_space<hbm>> -> memref<20352xf32, #tpu.memory_space<hbm>>
    %dma_start3A_17 = tpu.memref_slice %arg5[%mul3A_15] : memref<325632xf32, #tpu.memory_space<hbm>> -> memref<20352xf32, #tpu.memory_space<hbm>>
    tpu.enqueue_dma source(%dma_start3A_17 : memref<20352xf32, #tpu.memory_space<hbm>>) target(%arg12 : memref<20352xf32, #tpu.memory_space<vmem>>) target_semaphore(%arg13 : memref<!tpu.dma_semaphore, #tpu.memory_space<semaphore_mem>>)
    %scan3A = arith.constant 0 : i32
    %scan3A_18 = arith.constant 128 : i32
    %scan3A_19 = arith.addi %scan3A, %scan3A_18 : i32
    %scan3A_20 = arith.constant 1 : i32
    scf.for %scan3A_113 = %scan3A to %scan3A_19 step %scan3A_20  : i32 {
      %mul3A_114 = arith.constant 1 : i32
      %mul3A_115 = arith.muli %scan3A_113, %mul3A_114 : i32
      %add3A = arith.constant 0 : i32
      %add3A_116 = arith.addi %add3A, %mul3A_115 : i32
      %broadcast_in_dim3A = arith.constant 0.000000e+00 : f32
      %broadcast_in_dim3A_117 = vector.broadcast %broadcast_in_dim3A : f32 to vector<16xf32>
      %swap3A = arith.constant 0 : i32
      %swap3A_118 = arith.index_cast %swap3A : i32 to index
      %swap3A_119 = arith.index_cast %add3A_116 : i32 to index
      %swap3A_120 = arith.constant 0 : index
      %swap3A_121 = tpu.vector_load %arg9[%swap3A_118, %swap3A_119, %swap3A_120] {strides = array<i32>} : memref<3x128x16xf32, #tpu.memory_space<vmem>>, vector<1x1x16xf32>,
      %swap3A_122 = vector.shape_cast %swap3A_121 : vector<1x1x16xf32> to vector<16xf32>
      %swap3A_123 = vector.shape_cast %broadcast_in_dim3A_117 : vector<16xf32> to vector<1x1x16xf32>
      tpu.vector_store %arg9[%swap3A_118, %swap3A_119, %swap3A_120], %swap3A_123 {strides = array<i32>} : memref<3x128x16xf32, #tpu.memory_space<vmem>>, vector<1x1x16xf32>,
    }
    %scan3A_21 = arith.constant 128 : i32
    %scan3A_22 = arith.constant 0 : i32
    %scan3A_23 = arith.constant 5 : i32
    %scan3A_24 = arith.addi %scan3A_22, %scan3A_23 : i32
    %scan3A_25 = arith.constant 1 : i32
    scf.for %scan3A_113 = %scan3A_22 to %scan3A_24 step %scan3A_25  : i32 {
      %mul3A_114 = arith.constant 1 : i32
      %mul3A_115 = arith.muli %scan3A_113, %mul3A_114 : i32
      %add3A = arith.constant 0 : i32
      %add3A_116 = arith.addi %add3A, %mul3A_115 : i32
      %mul3A_117 = arith.constant 640 : i32
      %mul3A_118 = arith.muli %arg1, %mul3A_117 : i32
      %mul3A_119 = arith.constant 128 : i32
      %mul3A_120 = arith.muli %add3A_116, %mul3A_119 : i32
      %add3A_121 = arith.addi %mul3A_118, %mul3A_120 : i32
      %run_scoped3A = arith.constant 0 : i32
      "tpu.region"() ({
        %run_scoped3A_129 = tpu.sem_alloc : memref<!tpu.dma_semaphore, #tpu.memory_space<semaphore_mem>>
        %dma_start3A_130 = arith.constant 0 : i32
        %dma_start3A_131 = arith.constant 0 : i32
        %dma_start3A_132 = tpu.memref_slice %arg9[%run_scoped3A, %dma_start3A_130, %dma_start3A_131] : memref<3x128x16xf32, #tpu.memory_space<vmem>> -> memref<1x128x16xf32, #tpu.memory_space<vmem>>
        %dma_start3A_133 = tpu.memref_squeeze %dma_start3A_132 : memref<1x128x16xf32, #tpu.memory_space<vmem>> -> memref<128x16xf32, #tpu.memory_space<vmem>>
        %dma_start3A_134 = arith.constant 0 : i32
        %dma_start3A_135 = tpu.memref_slice %arg7[%add3A_121, %dma_start3A_134] : memref<10240x16xf32, #tpu.memory_space<vmem_shared>> -> memref<128x16xf32, #tpu.memory_space<vmem_shared>>
        %dma_start3A_136 = arith.constant 0 : i32
        %dma_start3A_137 = tpu.memref_slice %arg7[%add3A_121, %dma_start3A_136] : memref<10240x16xf32, #tpu.memory_space<vmem_shared>> -> memref<128x16xf32, #tpu.memory_space<vmem_shared>>
        %dma_start3A_138 = arith.constant 0 : i32
        %dma_start3A_139 = arith.constant 0 : i32
        %dma_start3A_140 = tpu.memref_slice %arg9[%run_scoped3A, %dma_start3A_138, %dma_start3A_139] : memref<3x128x16xf32, #tpu.memory_space<vmem>> -> memref<1x128x16xf32, #tpu.memory_space<vmem>>
        %dma_start3A_141 = tpu.memref_squeeze %dma_start3A_140 : memref<1x128x16xf32, #tpu.memory_space<vmem>> -> memref<128x16xf32, #tpu.memory_space<vmem>>
        tpu.enqueue_dma source(%dma_start3A_141 : memref<128x16xf32, #tpu.memory_space<vmem>>) target(%dma_start3A_137 : memref<128x16xf32, #tpu.memory_space<vmem_shared>>) target_semaphore(%run_scoped3A_129 : memref<!tpu.dma_semaphore, #tpu.memory_space<semaphore_mem>>)
        %dma_wait3A_142 = arith.constant 0 : i32
        %dma_wait3A_143 = arith.constant 0 : i32
        %dma_wait3A_144 = tpu.memref_slice %arg9[%run_scoped3A, %dma_wait3A_142, %dma_wait3A_143] : memref<3x128x16xf32, #tpu.memory_space<vmem>> -> memref<1x128x16xf32, #tpu.memory_space<vmem>>
        %dma_wait3A_145 = tpu.memref_squeeze %dma_wait3A_144 : memref<1x128x16xf32, #tpu.memory_space<vmem>> -> memref<128x16xf32, #tpu.memory_space<vmem>>
        %dma_wait3A_146 = arith.constant 0 : i32
        %dma_wait3A_147 = tpu.memref_slice %arg7[%add3A_121, %dma_wait3A_146] : memref<10240x16xf32, #tpu.memory_space<vmem_shared>> -> memref<128x16xf32, #tpu.memory_space<vmem_shared>>
        %dma_wait3A_148 = arith.constant 0 : i32
        %dma_wait3A_149 = tpu.memref_slice %arg7[%add3A_121, %dma_wait3A_148] : memref<10240x16xf32, #tpu.memory_space<vmem_shared>> -> memref<128x16xf32, #tpu.memory_space<vmem_shared>>
        %dma_wait3A_150 = arith.constant 0 : i32
        %dma_wait3A_151 = arith.constant 0 : i32
        %dma_wait3A_152 = tpu.memref_slice %arg9[%run_scoped3A, %dma_wait3A_150, %dma_wait3A_151] : memref<3x128x16xf32, #tpu.memory_space<vmem>> -> memref<1x128x16xf32, #tpu.memory_space<vmem>>
        %dma_wait3A_153 = tpu.memref_squeeze %dma_wait3A_152 : memref<1x128x16xf32, #tpu.memory_space<vmem>> -> memref<128x16xf32, #tpu.memory_space<vmem>>
        tpu.wait_dma2 semaphore(%run_scoped3A_129 : memref<!tpu.dma_semaphore, #tpu.memory_space<semaphore_mem>>) src(%dma_wait3A_153 : memref<128x16xf32, #tpu.memory_space<vmem>>) dst(%dma_wait3A_149 : memref<128x16xf32, #tpu.memory_space<vmem_shared>>)
        tpu.yield
      }) : () -> ()
      %eq3A = arith.constant 0 : i32
      %eq3A_122 = arith.cmpi eq, %arg0, %eq3A : i32
      %convert_element_type3A = arith.extui %eq3A_122 : i1 to i32
      %cond3A = arith.constant 0 : i32
      %cond3A_123 = arith.cmpi ne, %convert_element_type3A, %cond3A : i32
      scf.if %cond3A_123 {
        "tpu.region"() ({
          %run_scoped3A_129 = tpu.sem_alloc : memref<!tpu.dma_semaphore, #tpu.memory_space<semaphore_mem>>
          %dma_start3A_130 = arith.constant 0 : i32
          %dma_start3A_131 = tpu.memref_slice %arg8[%add3A_121, %dma_start3A_130] : memref<10240x16xf32, #tpu.memory_space<vmem_shared>> -> memref<128x16xf32, #tpu.memory_space<vmem_shared>>
          %dma_start3A_132 = arith.constant 0 : i32
          %dma_start3A_133 = tpu.memref_slice %arg2[%add3A_121, %dma_start3A_132] : memref<10240x16xf32, #tpu.memory_space<hbm>> -> memref<128x16xf32, #tpu.memory_space<hbm>>
          tpu.enqueue_dma source(%dma_start3A_133 : memref<128x16xf32, #tpu.memory_space<hbm>>) target(%dma_start3A_131 : memref<128x16xf32, #tpu.memory_space<vmem_shared>>) target_semaphore(%run_scoped3A_129 : memref<!tpu.dma_semaphore, #tpu.memory_space<semaphore_mem>>)
          %dma_wait3A_134 = arith.constant 0 : i32
          %dma_wait3A_135 = tpu.memref_slice %arg8[%add3A_121, %dma_wait3A_134] : memref<10240x16xf32, #tpu.memory_space<vmem_shared>> -> memref<128x16xf32, #tpu.memory_space<vmem_shared>>
          %dma_wait3A_136 = arith.constant 0 : i32
          %dma_wait3A_137 = tpu.memref_slice %arg2[%add3A_121, %dma_wait3A_136] : memref<10240x16xf32, #tpu.memory_space<hbm>> -> memref<128x16xf32, #tpu.memory_space<hbm>>
          tpu.wait_dma2 semaphore(%run_scoped3A_129 : memref<!tpu.dma_semaphore, #tpu.memory_space<semaphore_mem>>) src(%dma_wait3A_137 : memref<128x16xf32, #tpu.memory_space<hbm>>) dst(%dma_wait3A_135 : memref<128x16xf32, #tpu.memory_space<vmem_shared>>)
          tpu.yield
        }) : () -> ()
      } else {
      }
      %eq3A_124 = arith.constant 1 : i32
      %eq3A_125 = arith.cmpi eq, %arg0, %eq3A_124 : i32
      %convert_element_type3A_126 = arith.extui %eq3A_125 : i1 to i32
      %cond3A_127 = arith.constant 0 : i32
      %cond3A_128 = arith.cmpi ne, %convert_element_type3A_126, %cond3A_127 : i32
      scf.if %cond3A_128 {
        "tpu.region"() ({
          %run_scoped3A_129 = tpu.sem_alloc : memref<!tpu.dma_semaphore, #tpu.memory_space<semaphore_mem>>
          %dma_start3A_130 = arith.constant 0 : i32
          %dma_start3A_131 = tpu.memref_slice %arg8[%add3A_121, %dma_start3A_130] : memref<10240x16xf32, #tpu.memory_space<vmem_shared>> -> memref<128x16xf32, #tpu.memory_space<vmem_shared>>
          %dma_start3A_132 = arith.constant 0 : i32
          %dma_start3A_133 = tpu.memref_slice %arg3[%add3A_121, %dma_start3A_132] : memref<10240x16xf32, #tpu.memory_space<hbm>> -> memref<128x16xf32, #tpu.memory_space<hbm>>
          tpu.enqueue_dma source(%dma_start3A_133 : memref<128x16xf32, #tpu.memory_space<hbm>>) target(%dma_start3A_131 : memref<128x16xf32, #tpu.memory_space<vmem_shared>>) target_semaphore(%run_scoped3A_129 : memref<!tpu.dma_semaphore, #tpu.memory_space<semaphore_mem>>)
          %dma_wait3A_134 = arith.constant 0 : i32
          %dma_wait3A_135 = tpu.memref_slice %arg8[%add3A_121, %dma_wait3A_134] : memref<10240x16xf32, #tpu.memory_space<vmem_shared>> -> memref<128x16xf32, #tpu.memory_space<vmem_shared>>
          %dma_wait3A_136 = arith.constant 0 : i32
          %dma_wait3A_137 = tpu.memref_slice %arg3[%add3A_121, %dma_wait3A_136] : memref<10240x16xf32, #tpu.memory_space<hbm>> -> memref<128x16xf32, #tpu.memory_space<hbm>>
          tpu.wait_dma2 semaphore(%run_scoped3A_129 : memref<!tpu.dma_semaphore, #tpu.memory_space<semaphore_mem>>) src(%dma_wait3A_137 : memref<128x16xf32, #tpu.memory_space<hbm>>) dst(%dma_wait3A_135 : memref<128x16xf32, #tpu.memory_space<vmem_shared>>)
          tpu.yield
        }) : () -> ()
      } else {
      }
    }
    %scan3A_26 = arith.constant 5 : i32
    %dma_wait3A = arith.constant 0 : i32
    %dma_wait3A_27 = arith.constant 0 : i32
    %dma_wait3A_28 = tpu.memref_slice %arg4[%dma_wait3A, %mul3A_0, %dma_wait3A_27] : memref<2x2544x128xi32, #tpu.memory_space<hbm>> -> memref<1x159x128xi32, #tpu.memory_space<hbm>>
    %dma_wait3A_29 = tpu.memref_squeeze %dma_wait3A_28 : memref<1x159x128xi32, #tpu.memory_space<hbm>> -> memref<159x128xi32, #tpu.memory_space<hbm>>
    %dma_wait3A_30 = arith.constant 0 : i32
    %dma_wait3A_31 = tpu.memref_slice %arg4[%dma_wait3A, %mul3A_0, %dma_wait3A_30] : memref<2x2544x128xi32, #tpu.memory_space<hbm>> -> memref<1x159x128xi32, #tpu.memory_space<hbm>>
    %dma_wait3A_32 = tpu.memref_squeeze %dma_wait3A_31 : memref<1x159x128xi32, #tpu.memory_space<hbm>> -> memref<159x128xi32, #tpu.memory_space<hbm>>
    tpu.wait_dma2 semaphore(%arg13 : memref<!tpu.dma_semaphore, #tpu.memory_space<semaphore_mem>>) src(%dma_wait3A_32 : memref<159x128xi32, #tpu.memory_space<hbm>>) dst(%arg10 : memref<159x128xi32, #tpu.memory_space<vmem>>)
    %dma_wait3A_33 = arith.constant 1 : i32
    %dma_wait3A_34 = arith.constant 0 : i32
    %dma_wait3A_35 = tpu.memref_slice %arg4[%dma_wait3A_33, %mul3A_0, %dma_wait3A_34] : memref<2x2544x128xi32, #tpu.memory_space<hbm>> -> memref<1x159x128xi32, #tpu.memory_space<hbm>>
    %dma_wait3A_36 = tpu.memref_squeeze %dma_wait3A_35 : memref<1x159x128xi32, #tpu.memory_space<hbm>> -> memref<159x128xi32, #tpu.memory_space<hbm>>
    %dma_wait3A_37 = arith.constant 0 : i32
    %dma_wait3A_38 = tpu.memref_slice %arg4[%dma_wait3A_33, %mul3A_0, %dma_wait3A_37] : memref<2x2544x128xi32, #tpu.memory_space<hbm>> -> memref<1x159x128xi32, #tpu.memory_space<hbm>>
    %dma_wait3A_39 = tpu.memref_squeeze %dma_wait3A_38 : memref<1x159x128xi32, #tpu.memory_space<hbm>> -> memref<159x128xi32, #tpu.memory_space<hbm>>
    tpu.wait_dma2 semaphore(%arg13 : memref<!tpu.dma_semaphore, #tpu.memory_space<semaphore_mem>>) src(%dma_wait3A_39 : memref<159x128xi32, #tpu.memory_space<hbm>>) dst(%arg11 : memref<159x128xi32, #tpu.memory_space<vmem>>)
    %dma_wait3A_40 = tpu.memref_slice %arg5[%mul3A_15] : memref<325632xf32, #tpu.memory_space<hbm>> -> memref<20352xf32, #tpu.memory_space<hbm>>
    %dma_wait3A_41 = tpu.memref_slice %arg5[%mul3A_15] : memref<325632xf32, #tpu.memory_space<hbm>> -> memref<20352xf32, #tpu.memory_space<hbm>>
    tpu.wait_dma2 semaphore(%arg13 : memref<!tpu.dma_semaphore, #tpu.memory_space<semaphore_mem>>) src(%dma_wait3A_41 : memref<20352xf32, #tpu.memory_space<hbm>>) dst(%arg12 : memref<20352xf32, #tpu.memory_space<vmem>>)
    %barrier3A = arith.constant 0 : index
    tpu.barrier barrier_id(%barrier3A)
    %dma_start3A_42 = arith.constant 0 : i32
    %dma_start3A_43 = arith.constant 0 : i32
    %dma_start3A_44 = arith.constant 0 : i32
    %dma_start3A_45 = arith.constant 0 : i32
    %dma_start3A_46 = tpu.memref_slice %arg9[%dma_start3A_43, %dma_start3A_44, %dma_start3A_45] : memref<3x128x16xf32, #tpu.memory_space<vmem>> -> memref<1x128x16xf32, #tpu.memory_space<vmem>>
    %dma_start3A_47 = tpu.memref_squeeze %dma_start3A_46 : memref<1x128x16xf32, #tpu.memory_space<vmem>> -> memref<128x16xf32, #tpu.memory_space<vmem>>
    %dma_start3A_48 = arith.constant 0 : i32
    %dma_start3A_49 = tpu.memref_slice %arg10[%dma_start3A_42, %dma_start3A_48] : memref<159x128xi32, #tpu.memory_space<vmem>> -> memref<1x128xi32, #tpu.memory_space<vmem>>
    %dma_start3A_50 = tpu.memref_squeeze %dma_start3A_49 : memref<1x128xi32, #tpu.memory_space<vmem>> -> memref<128xi32, #tpu.memory_space<vmem>>
    %dma_start3A_51 = arith.constant 0 : i32
    %dma_start3A_52 = arith.constant 0 : i32
    %dma_start3A_53 = tpu.memref_slice %arg8[%dma_start3A_51, %dma_start3A_52] : memref<10240x16xf32, #tpu.memory_space<vmem_shared>> -> memref<10240x16xf32, #tpu.memory_space<vmem_shared>>
    tpu.enqueue_indirect_dma source(%dma_start3A_53 : memref<10240x16xf32, #tpu.memory_space<vmem_shared>>) target(%dma_start3A_47 : memref<128x16xf32, #tpu.memory_space<vmem>>) offsets(%dma_start3A_50 : memref<128xi32, #tpu.memory_space<vmem>>) semaphore(%arg14 : memref<!tpu.dma_semaphore, #tpu.memory_space<semaphore_mem>>)
    %dma_start3A_54 = arith.constant 1 : i32
    %dma_start3A_55 = arith.constant 1 : i32
    %dma_start3A_56 = arith.constant 0 : i32
    %dma_start3A_57 = arith.constant 0 : i32
    %dma_start3A_58 = tpu.memref_slice %arg9[%dma_start3A_55, %dma_start3A_56, %dma_start3A_57] : memref<3x128x16xf32, #tpu.memory_space<vmem>> -> memref<1x128x16xf32, #tpu.memory_space<vmem>>
    %dma_start3A_59 = tpu.memref_squeeze %dma_start3A_58 : memref<1x128x16xf32, #tpu.memory_space<vmem>> -> memref<128x16xf32, #tpu.memory_space<vmem>>
    %dma_start3A_60 = arith.constant 0 : i32
    %dma_start3A_61 = tpu.memref_slice %arg10[%dma_start3A_54, %dma_start3A_60] : memref<159x128xi32, #tpu.memory_space<vmem>> -> memref<1x128xi32, #tpu.memory_space<vmem>>
    %dma_start3A_62 = tpu.memref_squeeze %dma_start3A_61 : memref<1x128xi32, #tpu.memory_space<vmem>> -> memref<128xi32, #tpu.memory_space<vmem>>
    %dma_start3A_63 = arith.constant 0 : i32
    %dma_start3A_64 = arith.constant 0 : i32
    %dma_start3A_65 = tpu.memref_slice %arg8[%dma_start3A_63, %dma_start3A_64] : memref<10240x16xf32, #tpu.memory_space<vmem_shared>> -> memref<10240x16xf32, #tpu.memory_space<vmem_shared>>
    tpu.enqueue_indirect_dma source(%dma_start3A_65 : memref<10240x16xf32, #tpu.memory_space<vmem_shared>>) target(%dma_start3A_59 : memref<128x16xf32, #tpu.memory_space<vmem>>) offsets(%dma_start3A_62 : memref<128xi32, #tpu.memory_space<vmem>>) semaphore(%arg15 : memref<!tpu.dma_semaphore, #tpu.memory_space<semaphore_mem>>)
    %scan3A_66 = arith.constant 0 : i32
    %scan3A_67 = arith.constant 53 : i32
    %scan3A_68 = arith.addi %scan3A_66, %scan3A_67 : i32
    %scan3A_69 = arith.constant 1 : i32
    scf.for %scan3A_113 = %scan3A_66 to %scan3A_68 step %scan3A_69  : i32 {
      %mul3A_114 = arith.constant 1 : i32
      %mul3A_115 = arith.muli %scan3A_113, %mul3A_114 : i32
      %add3A = arith.constant 0 : i32
      %add3A_116 = arith.addi %add3A, %mul3A_115 : i32
      %mul3A_117 = arith.constant 3 : i32
      %mul3A_118 = arith.muli %add3A_116, %mul3A_117 : i32
      %add3A_119 = arith.constant 0 : i32
      %add3A_120 = arith.addi %mul3A_118, %add3A_119 : i32
      %dma_wait3A_121 = arith.constant 0 : i32
      %dma_wait3A_122 = arith.constant 0 : i32
      %dma_wait3A_123 = arith.constant 0 : i32
      %dma_wait3A_124 = tpu.memref_slice %arg9[%dma_wait3A_121, %dma_wait3A_122, %dma_wait3A_123] : memref<3x128x16xf32, #tpu.memory_space<vmem>> -> memref<1x128x16xf32, #tpu.memory_space<vmem>>
      %dma_wait3A_125 = tpu.memref_squeeze %dma_wait3A_124 : memref<1x128x16xf32, #tpu.memory_space<vmem>> -> memref<128x16xf32, #tpu.memory_space<vmem>>
      %dma_wait3A_126 = arith.constant 0 : i32
      %dma_wait3A_127 = tpu.memref_slice %arg10[%add3A_120, %dma_wait3A_126] : memref<159x128xi32, #tpu.memory_space<vmem>> -> memref<1x128xi32, #tpu.memory_space<vmem>>
      %dma_wait3A_128 = tpu.memref_squeeze %dma_wait3A_127 : memref<1x128xi32, #tpu.memory_space<vmem>> -> memref<128xi32, #tpu.memory_space<vmem>>
      %dma_wait3A_129 = arith.constant 0 : i32
      %dma_wait3A_130 = arith.constant 0 : i32
      %dma_wait3A_131 = tpu.memref_slice %arg8[%dma_wait3A_129, %dma_wait3A_130] : memref<10240x16xf32, #tpu.memory_space<vmem_shared>> -> memref<10240x16xf32, #tpu.memory_space<vmem_shared>>
      tpu.wait_indirect_dma semaphore(%arg14 : memref<!tpu.dma_semaphore, #tpu.memory_space<semaphore_mem>>) src(%dma_wait3A_131 : memref<10240x16xf32, #tpu.memory_space<vmem_shared>>) dst(%dma_wait3A_125 : memref<128x16xf32, #tpu.memory_space<vmem>>)
      %scan3A_132 = arith.constant 0 : i32
      %scan3A_133 = arith.constant 8 : i32
      %scan3A_134 = arith.addi %scan3A_132, %scan3A_133 : i32
      %scan3A_135 = arith.constant 1 : i32
      scf.for %scan3A_234 = %scan3A_132 to %scan3A_134 step %scan3A_135  : i32 {
        %mul3A_235 = arith.constant 1 : i32
        %mul3A_236 = arith.muli %scan3A_234, %mul3A_235 : i32
        %add3A_237 = arith.constant 0 : i32
        %add3A_238 = arith.addi %add3A_237, %mul3A_236 : i32
        %mul3A_239 = arith.constant 128 : i32
        %mul3A_240 = arith.muli %add3A_120, %mul3A_239 : i32
        %mul3A_241 = arith.constant 16 : i32
        %mul3A_242 = arith.muli %add3A_238, %mul3A_241 : i32
        %add3A_243 = arith.addi %mul3A_240, %mul3A_242 : i32
        %get3A = arith.index_cast %add3A_243 : i32 to index
        %get3A_244 = tpu.vector_load %arg12[%get3A] {strides = array<i32>} : memref<20352xf32, #tpu.memory_space<vmem>>, vector<16xf32>,
        %get3A_245 = vector.shape_cast %get3A_244 : vector<16xf32> to vector<16xf32>
        %broadcast_in_dim3A = arith.constant 0 : i32
        %broadcast_in_dim3A_246 = vector.broadcast %broadcast_in_dim3A : i32 to vector<16x1xi32>
        %gather3A = vector.shape_cast %broadcast_in_dim3A_246 : vector<16x1xi32> to vector<16xi32>
        %gather3A_247 = tpu.dynamic_gather %get3A_245[%gather3A] in [0] : vector<16xf32>, vector<16xi32> -> vector<16xf32>
        %broadcast_in_dim3A_248 = arith.constant 1 : i32
        %broadcast_in_dim3A_249 = vector.broadcast %broadcast_in_dim3A_248 : i32 to vector<16x1xi32>
        %gather3A_250 = vector.shape_cast %broadcast_in_dim3A_249 : vector<16x1xi32> to vector<16xi32>
        %gather3A_251 = tpu.dynamic_gather %get3A_245[%gather3A_250] in [0] : vector<16xf32>, vector<16xi32> -> vector<16xf32>
        %broadcast_in_dim3A_252 = arith.constant 2 : i32
        %broadcast_in_dim3A_253 = vector.broadcast %broadcast_in_dim3A_252 : i32 to vector<16x1xi32>
        %gather3A_254 = vector.shape_cast %broadcast_in_dim3A_253 : vector<16x1xi32> to vector<16xi32>
        %gather3A_255 = tpu.dynamic_gather %get3A_245[%gather3A_254] in [0] : vector<16xf32>, vector<16xi32> -> vector<16xf32>
        %broadcast_in_dim3A_256 = arith.constant 3 : i32
        %broadcast_in_dim3A_257 = vector.broadcast %broadcast_in_dim3A_256 : i32 to vector<16x1xi32>
        %gather3A_258 = vector.shape_cast %broadcast_in_dim3A_257 : vector<16x1xi32> to vector<16xi32>
        %gather3A_259 = tpu.dynamic_gather %get3A_245[%gather3A_258] in [0] : vector<16xf32>, vector<16xi32> -> vector<16xf32>
        %broadcast_in_dim3A_260 = arith.constant 4 : i32
        %broadcast_in_dim3A_261 = vector.broadcast %broadcast_in_dim3A_260 : i32 to vector<16x1xi32>
        %gather3A_262 = vector.shape_cast %broadcast_in_dim3A_261 : vector<16x1xi32> to vector<16xi32>
        %gather3A_263 = tpu.dynamic_gather %get3A_245[%gather3A_262] in [0] : vector<16xf32>, vector<16xi32> -> vector<16xf32>
        %broadcast_in_dim3A_264 = arith.constant 5 : i32
        %broadcast_in_dim3A_265 = vector.broadcast %broadcast_in_dim3A_264 : i32 to vector<16x1xi32>
        %gather3A_266 = vector.shape_cast %broadcast_in_dim3A_265 : vector<16x1xi32> to vector<16xi32>
        %gather3A_267 = tpu.dynamic_gather %get3A_245[%gather3A_266] in [0] : vector<16xf32>, vector<16xi32> -> vector<16xf32>
        %broadcast_in_dim3A_268 = arith.constant 6 : i32
        %broadcast_in_dim3A_269 = vector.broadcast %broadcast_in_dim3A_268 : i32 to vector<16x1xi32>
        %gather3A_270 = vector.shape_cast %broadcast_in_dim3A_269 : vector<16x1xi32> to vector<16xi32>
        %gather3A_271 = tpu.dynamic_gather %get3A_245[%gather3A_270] in [0] : vector<16xf32>, vector<16xi32> -> vector<16xf32>
        %broadcast_in_dim3A_272 = arith.constant 7 : i32
        %broadcast_in_dim3A_273 = vector.broadcast %broadcast_in_dim3A_272 : i32 to vector<16x1xi32>
        %gather3A_274 = vector.shape_cast %broadcast_in_dim3A_273 : vector<16x1xi32> to vector<16xi32>
        %gather3A_275 = tpu.dynamic_gather %get3A_245[%gather3A_274] in [0] : vector<16xf32>, vector<16xi32> -> vector<16xf32>
        %broadcast_in_dim3A_276 = arith.constant 8 : i32
        %broadcast_in_dim3A_277 = vector.broadcast %broadcast_in_dim3A_276 : i32 to vector<16x1xi32>
        %gather3A_278 = vector.shape_cast %broadcast_in_dim3A_277 : vector<16x1xi32> to vector<16xi32>
        %gather3A_279 = tpu.dynamic_gather %get3A_245[%gather3A_278] in [0] : vector<16xf32>, vector<16xi32> -> vector<16xf32>
        %broadcast_in_dim3A_280 = arith.constant 9 : i32
        %broadcast_in_dim3A_281 = vector.broadcast %broadcast_in_dim3A_280 : i32 to vector<16x1xi32>
        %gather3A_282 = vector.shape_cast %broadcast_in_dim3A_281 : vector<16x1xi32> to vector<16xi32>
        %gather3A_283 = tpu.dynamic_gather %get3A_245[%gather3A_282] in [0] : vector<16xf32>, vector<16xi32> -> vector<16xf32>
        %broadcast_in_dim3A_284 = arith.constant 10 : i32
        %broadcast_in_dim3A_285 = vector.broadcast %broadcast_in_dim3A_284 : i32 to vector<16x1xi32>
        %gather3A_286 = vector.shape_cast %broadcast_in_dim3A_285 : vector<16x1xi32> to vector<16xi32>
        %gather3A_287 = tpu.dynamic_gather %get3A_245[%gather3A_286] in [0] : vector<16xf32>, vector<16xi32> -> vector<16xf32>
        %broadcast_in_dim3A_288 = arith.constant 11 : i32
        %broadcast_in_dim3A_289 = vector.broadcast %broadcast_in_dim3A_288 : i32 to vector<16x1xi32>
        %gather3A_290 = vector.shape_cast %broadcast_in_dim3A_289 : vector<16x1xi32> to vector<16xi32>
        %gather3A_291 = tpu.dynamic_gather %get3A_245[%gather3A_290] in [0] : vector<16xf32>, vector<16xi32> -> vector<16xf32>
        %broadcast_in_dim3A_292 = arith.constant 12 : i32
        %broadcast_in_dim3A_293 = vector.broadcast %broadcast_in_dim3A_292 : i32 to vector<16x1xi32>
        %gather3A_294 = vector.shape_cast %broadcast_in_dim3A_293 : vector<16x1xi32> to vector<16xi32>
        %gather3A_295 = tpu.dynamic_gather %get3A_245[%gather3A_294] in [0] : vector<16xf32>, vector<16xi32> -> vector<16xf32>
        %broadcast_in_dim3A_296 = arith.constant 13 : i32
        %broadcast_in_dim3A_297 = vector.broadcast %broadcast_in_dim3A_296 : i32 to vector<16x1xi32>
        %gather3A_298 = vector.shape_cast %broadcast_in_dim3A_297 : vector<16x1xi32> to vector<16xi32>
        %gather3A_299 = tpu.dynamic_gather %get3A_245[%gather3A_298] in [0] : vector<16xf32>, vector<16xi32> -> vector<16xf32>
        %broadcast_in_dim3A_300 = arith.constant 14 : i32
        %broadcast_in_dim3A_301 = vector.broadcast %broadcast_in_dim3A_300 : i32 to vector<16x1xi32>
        %gather3A_302 = vector.shape_cast %broadcast_in_dim3A_301 : vector<16x1xi32> to vector<16xi32>
        %gather3A_303 = tpu.dynamic_gather %get3A_245[%gather3A_302] in [0] : vector<16xf32>, vector<16xi32> -> vector<16xf32>
        %broadcast_in_dim3A_304 = arith.constant 15 : i32
        %broadcast_in_dim3A_305 = vector.broadcast %broadcast_in_dim3A_304 : i32 to vector<16x1xi32>
        %gather3A_306 = vector.shape_cast %broadcast_in_dim3A_305 : vector<16x1xi32> to vector<16xi32>
        %gather3A_307 = tpu.dynamic_gather %get3A_245[%gather3A_306] in [0] : vector<16xf32>, vector<16xi32> -> vector<16xf32>
        %mul3A_308 = arith.constant 16 : i32
        %mul3A_309 = arith.muli %add3A_238, %mul3A_308 : i32
        %add3A_310 = arith.constant 0 : i32
        %add3A_311 = arith.addi %mul3A_309, %add3A_310 : i32
        %get3A_312 = arith.constant 0 : i32
        %get3A_313 = arith.index_cast %get3A_312 : i32 to index
        %get3A_314 = arith.index_cast %add3A_311 : i32 to index
        %get3A_315 = arith.constant 0 : index
        %get3A_316 = tpu.vector_load %arg9[%get3A_313, %get3A_314, %get3A_315] {strides = array<i32>} : memref<3x128x16xf32, #tpu.memory_space<vmem>>, vector<1x1x16xf32>,
        %get3A_317 = vector.shape_cast %get3A_316 : vector<1x1x16xf32> to vector<16xf32>
        %mul3A_318 = arith.mulf %get3A_317, %gather3A_247 : vector<16xf32>
        %mul3A_319 = arith.constant 16 : i32
        %mul3A_320 = arith.muli %add3A_238, %mul3A_319 : i32
        %add3A_321 = arith.constant 1 : i32
        %add3A_322 = arith.addi %mul3A_320, %add3A_321 : i32
        %get3A_323 = arith.constant 0 : i32
        %get3A_324 = arith.index_cast %get3A_323 : i32 to index
        %get3A_325 = arith.index_cast %add3A_322 : i32 to index
        %get3A_326 = arith.constant 0 : index
        %get3A_327 = tpu.vector_load %arg9[%get3A_324, %get3A_325, %get3A_326] {strides = array<i32>} : memref<3x128x16xf32, #tpu.memory_space<vmem>>, vector<1x1x16xf32>,
        %get3A_328 = vector.shape_cast %get3A_327 : vector<1x1x16xf32> to vector<16xf32>
        %mul3A_329 = arith.mulf %get3A_328, %gather3A_251 : vector<16xf32>
        %mul3A_330 = arith.constant 16 : i32
        %mul3A_331 = arith.muli %add3A_238, %mul3A_330 : i32
        %add3A_332 = arith.constant 2 : i32
        %add3A_333 = arith.addi %mul3A_331, %add3A_332 : i32
        %get3A_334 = arith.constant 0 : i32
        %get3A_335 = arith.index_cast %get3A_334 : i32 to index
        %get3A_336 = arith.index_cast %add3A_333 : i32 to index
        %get3A_337 = arith.constant 0 : index
        %get3A_338 = tpu.vector_load %arg9[%get3A_335, %get3A_336, %get3A_337] {strides = array<i32>} : memref<3x128x16xf32, #tpu.memory_space<vmem>>, vector<1x1x16xf32>,
        %get3A_339 = vector.shape_cast %get3A_338 : vector<1x1x16xf32> to vector<16xf32>
        %mul3A_340 = arith.mulf %get3A_339, %gather3A_255 : vector<16xf32>
        %mul3A_341 = arith.constant 16 : i32
        %mul3A_342 = arith.muli %add3A_238, %mul3A_341 : i32
        %add3A_343 = arith.constant 3 : i32
        %add3A_344 = arith.addi %mul3A_342, %add3A_343 : i32
        %get3A_345 = arith.constant 0 : i32
        %get3A_346 = arith.index_cast %get3A_345 : i32 to index
        %get3A_347 = arith.index_cast %add3A_344 : i32 to index
        %get3A_348 = arith.constant 0 : index
        %get3A_349 = tpu.vector_load %arg9[%get3A_346, %get3A_347, %get3A_348] {strides = array<i32>} : memref<3x128x16xf32, #tpu.memory_space<vmem>>, vector<1x1x16xf32>,
        %get3A_350 = vector.shape_cast %get3A_349 : vector<1x1x16xf32> to vector<16xf32>
        %mul3A_351 = arith.mulf %get3A_350, %gather3A_259 : vector<16xf32>
        %mul3A_352 = arith.constant 16 : i32
        %mul3A_353 = arith.muli %add3A_238, %mul3A_352 : i32
        %add3A_354 = arith.constant 4 : i32
        %add3A_355 = arith.addi %mul3A_353, %add3A_354 : i32
        %get3A_356 = arith.constant 0 : i32
        %get3A_357 = arith.index_cast %get3A_356 : i32 to index
        %get3A_358 = arith.index_cast %add3A_355 : i32 to index
        %get3A_359 = arith.constant 0 : index
        %get3A_360 = tpu.vector_load %arg9[%get3A_357, %get3A_358, %get3A_359] {strides = array<i32>} : memref<3x128x16xf32, #tpu.memory_space<vmem>>, vector<1x1x16xf32>,
        %get3A_361 = vector.shape_cast %get3A_360 : vector<1x1x16xf32> to vector<16xf32>
        %mul3A_362 = arith.mulf %get3A_361, %gather3A_263 : vector<16xf32>
        %mul3A_363 = arith.constant 16 : i32
        %mul3A_364 = arith.muli %add3A_238, %mul3A_363 : i32
        %add3A_365 = arith.constant 5 : i32
        %add3A_366 = arith.addi %mul3A_364, %add3A_365 : i32
        %get3A_367 = arith.constant 0 : i32
        %get3A_368 = arith.index_cast %get3A_367 : i32 to index
        %get3A_369 = arith.index_cast %add3A_366 : i32 to index
        %get3A_370 = arith.constant 0 : index
        %get3A_371 = tpu.vector_load %arg9[%get3A_368, %get3A_369, %get3A_370] {strides = array<i32>} : memref<3x128x16xf32, #tpu.memory_space<vmem>>, vector<1x1x16xf32>,
        %get3A_372 = vector.shape_cast %get3A_371 : vector<1x1x16xf32> to vector<16xf32>
        %mul3A_373 = arith.mulf %get3A_372, %gather3A_267 : vector<16xf32>
        %mul3A_374 = arith.constant 16 : i32
        %mul3A_375 = arith.muli %add3A_238, %mul3A_374 : i32
        %add3A_376 = arith.constant 6 : i32
        %add3A_377 = arith.addi %mul3A_375, %add3A_376 : i32
        %get3A_378 = arith.constant 0 : i32
        %get3A_379 = arith.index_cast %get3A_378 : i32 to index
        %get3A_380 = arith.index_cast %add3A_377 : i32 to index
        %get3A_381 = arith.constant 0 : index
        %get3A_382 = tpu.vector_load %arg9[%get3A_379, %get3A_380, %get3A_381] {strides = array<i32>} : memref<3x128x16xf32, #tpu.memory_space<vmem>>, vector<1x1x16xf32>,
        %get3A_383 = vector.shape_cast %get3A_382 : vector<1x1x16xf32> to vector<16xf32>
        %mul3A_384 = arith.mulf %get3A_383, %gather3A_271 : vector<16xf32>
        %mul3A_385 = arith.constant 16 : i32
        %mul3A_386 = arith.muli %add3A_238, %mul3A_385 : i32
        %add3A_387 = arith.constant 7 : i32
        %add3A_388 = arith.addi %mul3A_386, %add3A_387 : i32
        %get3A_389 = arith.constant 0 : i32
        %get3A_390 = arith.index_cast %get3A_389 : i32 to index
        %get3A_391 = arith.index_cast %add3A_388 : i32 to index
        %get3A_392 = arith.constant 0 : index
        %get3A_393 = tpu.vector_load %arg9[%get3A_390, %get3A_391, %get3A_392] {strides = array<i32>} : memref<3x128x16xf32, #tpu.memory_space<vmem>>, vector<1x1x16xf32>,
        %get3A_394 = vector.shape_cast %get3A_393 : vector<1x1x16xf32> to vector<16xf32>
        %mul3A_395 = arith.mulf %get3A_394, %gather3A_275 : vector<16xf32>
        %mul3A_396 = arith.constant 16 : i32
        %mul3A_397 = arith.muli %add3A_238, %mul3A_396 : i32
        %add3A_398 = arith.constant 8 : i32
        %add3A_399 = arith.addi %mul3A_397, %add3A_398 : i32
        %get3A_400 = arith.constant 0 : i32
        %get3A_401 = arith.index_cast %get3A_400 : i32 to index
        %get3A_402 = arith.index_cast %add3A_399 : i32 to index
        %get3A_403 = arith.constant 0 : index
        %get3A_404 = tpu.vector_load %arg9[%get3A_401, %get3A_402, %get3A_403] {strides = array<i32>} : memref<3x128x16xf32, #tpu.memory_space<vmem>>, vector<1x1x16xf32>,
        %get3A_405 = vector.shape_cast %get3A_404 : vector<1x1x16xf32> to vector<16xf32>
        %mul3A_406 = arith.mulf %get3A_405, %gather3A_279 : vector<16xf32>
        %mul3A_407 = arith.constant 16 : i32
        %mul3A_408 = arith.muli %add3A_238, %mul3A_407 : i32
        %add3A_409 = arith.constant 9 : i32
        %add3A_410 = arith.addi %mul3A_408, %add3A_409 : i32
        %get3A_411 = arith.constant 0 : i32
        %get3A_412 = arith.index_cast %get3A_411 : i32 to index
        %get3A_413 = arith.index_cast %add3A_410 : i32 to index
        %get3A_414 = arith.constant 0 : index
        %get3A_415 = tpu.vector_load %arg9[%get3A_412, %get3A_413, %get3A_414] {strides = array<i32>} : memref<3x128x16xf32, #tpu.memory_space<vmem>>, vector<1x1x16xf32>,
        %get3A_416 = vector.shape_cast %get3A_415 : vector<1x1x16xf32> to vector<16xf32>
        %mul3A_417 = arith.mulf %get3A_416, %gather3A_283 : vector<16xf32>
        %mul3A_418 = arith.constant 16 : i32
        %mul3A_419 = arith.muli %add3A_238, %mul3A_418 : i32
        %add3A_420 = arith.constant 10 : i32
        %add3A_421 = arith.addi %mul3A_419, %add3A_420 : i32
        %get3A_422 = arith.constant 0 : i32
        %get3A_423 = arith.index_cast %get3A_422 : i32 to index
        %get3A_424 = arith.index_cast %add3A_421 : i32 to index
        %get3A_425 = arith.constant 0 : index
        %get3A_426 = tpu.vector_load %arg9[%get3A_423, %get3A_424, %get3A_425] {strides = array<i32>} : memref<3x128x16xf32, #tpu.memory_space<vmem>>, vector<1x1x16xf32>,
        %get3A_427 = vector.shape_cast %get3A_426 : vector<1x1x16xf32> to vector<16xf32>
        %mul3A_428 = arith.mulf %get3A_427, %gather3A_287 : vector<16xf32>
        %mul3A_429 = arith.constant 16 : i32
        %mul3A_430 = arith.muli %add3A_238, %mul3A_429 : i32
        %add3A_431 = arith.constant 11 : i32
        %add3A_432 = arith.addi %mul3A_430, %add3A_431 : i32
        %get3A_433 = arith.constant 0 : i32
        %get3A_434 = arith.index_cast %get3A_433 : i32 to index
        %get3A_435 = arith.index_cast %add3A_432 : i32 to index
        %get3A_436 = arith.constant 0 : index
        %get3A_437 = tpu.vector_load %arg9[%get3A_434, %get3A_435, %get3A_436] {strides = array<i32>} : memref<3x128x16xf32, #tpu.memory_space<vmem>>, vector<1x1x16xf32>,
        %get3A_438 = vector.shape_cast %get3A_437 : vector<1x1x16xf32> to vector<16xf32>
        %mul3A_439 = arith.mulf %get3A_438, %gather3A_291 : vector<16xf32>
        %mul3A_440 = arith.constant 16 : i32
        %mul3A_441 = arith.muli %add3A_238, %mul3A_440 : i32
        %add3A_442 = arith.constant 12 : i32
        %add3A_443 = arith.addi %mul3A_441, %add3A_442 : i32
        %get3A_444 = arith.constant 0 : i32
        %get3A_445 = arith.index_cast %get3A_444 : i32 to index
        %get3A_446 = arith.index_cast %add3A_443 : i32 to index
        %get3A_447 = arith.constant 0 : index
        %get3A_448 = tpu.vector_load %arg9[%get3A_445, %get3A_446, %get3A_447] {strides = array<i32>} : memref<3x128x16xf32, #tpu.memory_space<vmem>>, vector<1x1x16xf32>,
        %get3A_449 = vector.shape_cast %get3A_448 : vector<1x1x16xf32> to vector<16xf32>
        %mul3A_450 = arith.mulf %get3A_449, %gather3A_295 : vector<16xf32>
        %mul3A_451 = arith.constant 16 : i32
        %mul3A_452 = arith.muli %add3A_238, %mul3A_451 : i32
        %add3A_453 = arith.constant 13 : i32
        %add3A_454 = arith.addi %mul3A_452, %add3A_453 : i32
        %get3A_455 = arith.constant 0 : i32
        %get3A_456 = arith.index_cast %get3A_455 : i32 to index
        %get3A_457 = arith.index_cast %add3A_454 : i32 to index
        %get3A_458 = arith.constant 0 : index
        %get3A_459 = tpu.vector_load %arg9[%get3A_456, %get3A_457, %get3A_458] {strides = array<i32>} : memref<3x128x16xf32, #tpu.memory_space<vmem>>, vector<1x1x16xf32>,
        %get3A_460 = vector.shape_cast %get3A_459 : vector<1x1x16xf32> to vector<16xf32>
        %mul3A_461 = arith.mulf %get3A_460, %gather3A_299 : vector<16xf32>
        %mul3A_462 = arith.constant 16 : i32
        %mul3A_463 = arith.muli %add3A_238, %mul3A_462 : i32
        %add3A_464 = arith.constant 14 : i32
        %add3A_465 = arith.addi %mul3A_463, %add3A_464 : i32
        %get3A_466 = arith.constant 0 : i32
        %get3A_467 = arith.index_cast %get3A_466 : i32 to index
        %get3A_468 = arith.index_cast %add3A_465 : i32 to index
        %get3A_469 = arith.constant 0 : index
        %get3A_470 = tpu.vector_load %arg9[%get3A_467, %get3A_468, %get3A_469] {strides = array<i32>} : memref<3x128x16xf32, #tpu.memory_space<vmem>>, vector<1x1x16xf32>,
        %get3A_471 = vector.shape_cast %get3A_470 : vector<1x1x16xf32> to vector<16xf32>
        %mul3A_472 = arith.mulf %get3A_471, %gather3A_303 : vector<16xf32>
        %mul3A_473 = arith.constant 16 : i32
        %mul3A_474 = arith.muli %add3A_238, %mul3A_473 : i32
        %add3A_475 = arith.constant 15 : i32
        %add3A_476 = arith.addi %mul3A_474, %add3A_475 : i32
        %get3A_477 = arith.constant 0 : i32
        %get3A_478 = arith.index_cast %get3A_477 : i32 to index
        %get3A_479 = arith.index_cast %add3A_476 : i32 to index
        %get3A_480 = arith.constant 0 : index
        %get3A_481 = tpu.vector_load %arg9[%get3A_478, %get3A_479, %get3A_480] {strides = array<i32>} : memref<3x128x16xf32, #tpu.memory_space<vmem>>, vector<1x1x16xf32>,
        %get3A_482 = vector.shape_cast %get3A_481 : vector<1x1x16xf32> to vector<16xf32>
        %mul3A_483 = arith.mulf %get3A_482, %gather3A_307 : vector<16xf32>
        %mul3A_484 = arith.constant 16 : i32
        %mul3A_485 = arith.muli %add3A_238, %mul3A_484 : i32
        %add3A_486 = arith.constant 0 : i32
        %add3A_487 = arith.addi %mul3A_485, %add3A_486 : i32
        %swap3A = arith.constant 0 : i32
        %swap3A_488 = arith.index_cast %swap3A : i32 to index
        %swap3A_489 = arith.index_cast %add3A_487 : i32 to index
        %swap3A_490 = arith.constant 0 : index
        %swap3A_491 = tpu.vector_load %arg9[%swap3A_488, %swap3A_489, %swap3A_490] {strides = array<i32>} : memref<3x128x16xf32, #tpu.memory_space<vmem>>, vector<1x1x16xf32>,
        %swap3A_492 = vector.shape_cast %swap3A_491 : vector<1x1x16xf32> to vector<16xf32>
        %swap3A_493 = vector.shape_cast %mul3A_318 : vector<16xf32> to vector<1x1x16xf32>
        tpu.vector_store %arg9[%swap3A_488, %swap3A_489, %swap3A_490], %swap3A_493 {strides = array<i32>} : memref<3x128x16xf32, #tpu.memory_space<vmem>>, vector<1x1x16xf32>,
        %mul3A_494 = arith.constant 16 : i32
        %mul3A_495 = arith.muli %add3A_238, %mul3A_494 : i32
        %add3A_496 = arith.constant 1 : i32
        %add3A_497 = arith.addi %mul3A_495, %add3A_496 : i32
        %swap3A_498 = arith.constant 0 : i32
        %swap3A_499 = arith.index_cast %swap3A_498 : i32 to index
        %swap3A_500 = arith.index_cast %add3A_497 : i32 to index
        %swap3A_501 = arith.constant 0 : index
        %swap3A_502 = tpu.vector_load %arg9[%swap3A_499, %swap3A_500, %swap3A_501] {strides = array<i32>} : memref<3x128x16xf32, #tpu.memory_space<vmem>>, vector<1x1x16xf32>,
        %swap3A_503 = vector.shape_cast %swap3A_502 : vector<1x1x16xf32> to vector<16xf32>
        %swap3A_504 = vector.shape_cast %mul3A_329 : vector<16xf32> to vector<1x1x16xf32>
        tpu.vector_store %arg9[%swap3A_499, %swap3A_500, %swap3A_501], %swap3A_504 {strides = array<i32>} : memref<3x128x16xf32, #tpu.memory_space<vmem>>, vector<1x1x16xf32>,
        %mul3A_505 = arith.constant 16 : i32
        %mul3A_506 = arith.muli %add3A_238, %mul3A_505 : i32
        %add3A_507 = arith.constant 2 : i32
        %add3A_508 = arith.addi %mul3A_506, %add3A_507 : i32
        %swap3A_509 = arith.constant 0 : i32
        %swap3A_510 = arith.index_cast %swap3A_509 : i32 to index
        %swap3A_511 = arith.index_cast %add3A_508 : i32 to index
        %swap3A_512 = arith.constant 0 : index
        %swap3A_513 = tpu.vector_load %arg9[%swap3A_510, %swap3A_511, %swap3A_512] {strides = array<i32>} : memref<3x128x16xf32, #tpu.memory_space<vmem>>, vector<1x1x16xf32>,
        %swap3A_514 = vector.shape_cast %swap3A_513 : vector<1x1x16xf32> to vector<16xf32>
        %swap3A_515 = vector.shape_cast %mul3A_340 : vector<16xf32> to vector<1x1x16xf32>
        tpu.vector_store %arg9[%swap3A_510, %swap3A_511, %swap3A_512], %swap3A_515 {strides = array<i32>} : memref<3x128x16xf32, #tpu.memory_space<vmem>>, vector<1x1x16xf32>,
        %mul3A_516 = arith.constant 16 : i32
        %mul3A_517 = arith.muli %add3A_238, %mul3A_516 : i32
        %add3A_518 = arith.constant 3 : i32
        %add3A_519 = arith.addi %mul3A_517, %add3A_518 : i32
        %swap3A_520 = arith.constant 0 : i32
        %swap3A_521 = arith.index_cast %swap3A_520 : i32 to index
        %swap3A_522 = arith.index_cast %add3A_519 : i32 to index
        %swap3A_523 = arith.constant 0 : index
        %swap3A_524 = tpu.vector_load %arg9[%swap3A_521, %swap3A_522, %swap3A_523] {strides = array<i32>} : memref<3x128x16xf32, #tpu.memory_space<vmem>>, vector<1x1x16xf32>,
        %swap3A_525 = vector.shape_cast %swap3A_524 : vector<1x1x16xf32> to vector<16xf32>
        %swap3A_526 = vector.shape_cast %mul3A_351 : vector<16xf32> to vector<1x1x16xf32>
        tpu.vector_store %arg9[%swap3A_521, %swap3A_522, %swap3A_523], %swap3A_526 {strides = array<i32>} : memref<3x128x16xf32, #tpu.memory_space<vmem>>, vector<1x1x16xf32>,
        %mul3A_527 = arith.constant 16 : i32
        %mul3A_528 = arith.muli %add3A_238, %mul3A_527 : i32
        %add3A_529 = arith.constant 4 : i32
        %add3A_530 = arith.addi %mul3A_528, %add3A_529 : i32
        %swap3A_531 = arith.constant 0 : i32
        %swap3A_532 = arith.index_cast %swap3A_531 : i32 to index
        %swap3A_533 = arith.index_cast %add3A_530 : i32 to index
        %swap3A_534 = arith.constant 0 : index
        %swap3A_535 = tpu.vector_load %arg9[%swap3A_532, %swap3A_533, %swap3A_534] {strides = array<i32>} : memref<3x128x16xf32, #tpu.memory_space<vmem>>, vector<1x1x16xf32>,
        %swap3A_536 = vector.shape_cast %swap3A_535 : vector<1x1x16xf32> to vector<16xf32>
        %swap3A_537 = vector.shape_cast %mul3A_362 : vector<16xf32> to vector<1x1x16xf32>
        tpu.vector_store %arg9[%swap3A_532, %swap3A_533, %swap3A_534], %swap3A_537 {strides = array<i32>} : memref<3x128x16xf32, #tpu.memory_space<vmem>>, vector<1x1x16xf32>,
        %mul3A_538 = arith.constant 16 : i32
        %mul3A_539 = arith.muli %add3A_238, %mul3A_538 : i32
        %add3A_540 = arith.constant 5 : i32
        %add3A_541 = arith.addi %mul3A_539, %add3A_540 : i32
        %swap3A_542 = arith.constant 0 : i32
        %swap3A_543 = arith.index_cast %swap3A_542 : i32 to index
        %swap3A_544 = arith.index_cast %add3A_541 : i32 to index
        %swap3A_545 = arith.constant 0 : index
        %swap3A_546 = tpu.vector_load %arg9[%swap3A_543, %swap3A_544, %swap3A_545] {strides = array<i32>} : memref<3x128x16xf32, #tpu.memory_space<vmem>>, vector<1x1x16xf32>,
        %swap3A_547 = vector.shape_cast %swap3A_546 : vector<1x1x16xf32> to vector<16xf32>
        %swap3A_548 = vector.shape_cast %mul3A_373 : vector<16xf32> to vector<1x1x16xf32>
        tpu.vector_store %arg9[%swap3A_543, %swap3A_544, %swap3A_545], %swap3A_548 {strides = array<i32>} : memref<3x128x16xf32, #tpu.memory_space<vmem>>, vector<1x1x16xf32>,
        %mul3A_549 = arith.constant 16 : i32
        %mul3A_550 = arith.muli %add3A_238, %mul3A_549 : i32
        %add3A_551 = arith.constant 6 : i32
        %add3A_552 = arith.addi %mul3A_550, %add3A_551 : i32
        %swap3A_553 = arith.constant 0 : i32
        %swap3A_554 = arith.index_cast %swap3A_553 : i32 to index
        %swap3A_555 = arith.index_cast %add3A_552 : i32 to index
        %swap3A_556 = arith.constant 0 : index
        %swap3A_557 = tpu.vector_load %arg9[%swap3A_554, %swap3A_555, %swap3A_556] {strides = array<i32>} : memref<3x128x16xf32, #tpu.memory_space<vmem>>, vector<1x1x16xf32>,
        %swap3A_558 = vector.shape_cast %swap3A_557 : vector<1x1x16xf32> to vector<16xf32>
        %swap3A_559 = vector.shape_cast %mul3A_384 : vector<16xf32> to vector<1x1x16xf32>
        tpu.vector_store %arg9[%swap3A_554, %swap3A_555, %swap3A_556], %swap3A_559 {strides = array<i32>} : memref<3x128x16xf32, #tpu.memory_space<vmem>>, vector<1x1x16xf32>,
        %mul3A_560 = arith.constant 16 : i32
        %mul3A_561 = arith.muli %add3A_238, %mul3A_560 : i32
        %add3A_562 = arith.constant 7 : i32
        %add3A_563 = arith.addi %mul3A_561, %add3A_562 : i32
        %swap3A_564 = arith.constant 0 : i32
        %swap3A_565 = arith.index_cast %swap3A_564 : i32 to index
        %swap3A_566 = arith.index_cast %add3A_563 : i32 to index
        %swap3A_567 = arith.constant 0 : index
        %swap3A_568 = tpu.vector_load %arg9[%swap3A_565, %swap3A_566, %swap3A_567] {strides = array<i32>} : memref<3x128x16xf32, #tpu.memory_space<vmem>>, vector<1x1x16xf32>,
        %swap3A_569 = vector.shape_cast %swap3A_568 : vector<1x1x16xf32> to vector<16xf32>
        %swap3A_570 = vector.shape_cast %mul3A_395 : vector<16xf32> to vector<1x1x16xf32>
        tpu.vector_store %arg9[%swap3A_565, %swap3A_566, %swap3A_567], %swap3A_570 {strides = array<i32>} : memref<3x128x16xf32, #tpu.memory_space<vmem>>, vector<1x1x16xf32>,
        %mul3A_571 = arith.constant 16 : i32
        %mul3A_572 = arith.muli %add3A_238, %mul3A_571 : i32
        %add3A_573 = arith.constant 8 : i32
        %add3A_574 = arith.addi %mul3A_572, %add3A_573 : i32
        %swap3A_575 = arith.constant 0 : i32
        %swap3A_576 = arith.index_cast %swap3A_575 : i32 to index
        %swap3A_577 = arith.index_cast %add3A_574 : i32 to index
        %swap3A_578 = arith.constant 0 : index
        %swap3A_579 = tpu.vector_load %arg9[%swap3A_576, %swap3A_577, %swap3A_578] {strides = array<i32>} : memref<3x128x16xf32, #tpu.memory_space<vmem>>, vector<1x1x16xf32>,
        %swap3A_580 = vector.shape_cast %swap3A_579 : vector<1x1x16xf32> to vector<16xf32>
        %swap3A_581 = vector.shape_cast %mul3A_406 : vector<16xf32> to vector<1x1x16xf32>
        tpu.vector_store %arg9[%swap3A_576, %swap3A_577, %swap3A_578], %swap3A_581 {strides = array<i32>} : memref<3x128x16xf32, #tpu.memory_space<vmem>>, vector<1x1x16xf32>,
        %mul3A_582 = arith.constant 16 : i32
        %mul3A_583 = arith.muli %add3A_238, %mul3A_582 : i32
        %add3A_584 = arith.constant 9 : i32
        %add3A_585 = arith.addi %mul3A_583, %add3A_584 : i32
        %swap3A_586 = arith.constant 0 : i32
        %swap3A_587 = arith.index_cast %swap3A_586 : i32 to index
        %swap3A_588 = arith.index_cast %add3A_585 : i32 to index
        %swap3A_589 = arith.constant 0 : index
        %swap3A_590 = tpu.vector_load %arg9[%swap3A_587, %swap3A_588, %swap3A_589] {strides = array<i32>} : memref<3x128x16xf32, #tpu.memory_space<vmem>>, vector<1x1x16xf32>,
        %swap3A_591 = vector.shape_cast %swap3A_590 : vector<1x1x16xf32> to vector<16xf32>
        %swap3A_592 = vector.shape_cast %mul3A_417 : vector<16xf32> to vector<1x1x16xf32>
        tpu.vector_store %arg9[%swap3A_587, %swap3A_588, %swap3A_589], %swap3A_592 {strides = array<i32>} : memref<3x128x16xf32, #tpu.memory_space<vmem>>, vector<1x1x16xf32>,
        %mul3A_593 = arith.constant 16 : i32
        %mul3A_594 = arith.muli %add3A_238, %mul3A_593 : i32
        %add3A_595 = arith.constant 10 : i32
        %add3A_596 = arith.addi %mul3A_594, %add3A_595 : i32
        %swap3A_597 = arith.constant 0 : i32
        %swap3A_598 = arith.index_cast %swap3A_597 : i32 to index
        %swap3A_599 = arith.index_cast %add3A_596 : i32 to index
        %swap3A_600 = arith.constant 0 : index
        %swap3A_601 = tpu.vector_load %arg9[%swap3A_598, %swap3A_599, %swap3A_600] {strides = array<i32>} : memref<3x128x16xf32, #tpu.memory_space<vmem>>, vector<1x1x16xf32>,
        %swap3A_602 = vector.shape_cast %swap3A_601 : vector<1x1x16xf32> to vector<16xf32>
        %swap3A_603 = vector.shape_cast %mul3A_428 : vector<16xf32> to vector<1x1x16xf32>
        tpu.vector_store %arg9[%swap3A_598, %swap3A_599, %swap3A_600], %swap3A_603 {strides = array<i32>} : memref<3x128x16xf32, #tpu.memory_space<vmem>>, vector<1x1x16xf32>,
        %mul3A_604 = arith.constant 16 : i32
        %mul3A_605 = arith.muli %add3A_238, %mul3A_604 : i32
        %add3A_606 = arith.constant 11 : i32
        %add3A_607 = arith.addi %mul3A_605, %add3A_606 : i32
        %swap3A_608 = arith.constant 0 : i32
        %swap3A_609 = arith.index_cast %swap3A_608 : i32 to index
        %swap3A_610 = arith.index_cast %add3A_607 : i32 to index
        %swap3A_611 = arith.constant 0 : index
        %swap3A_612 = tpu.vector_load %arg9[%swap3A_609, %swap3A_610, %swap3A_611] {strides = array<i32>} : memref<3x128x16xf32, #tpu.memory_space<vmem>>, vector<1x1x16xf32>,
        %swap3A_613 = vector.shape_cast %swap3A_612 : vector<1x1x16xf32> to vector<16xf32>
        %swap3A_614 = vector.shape_cast %mul3A_439 : vector<16xf32> to vector<1x1x16xf32>
        tpu.vector_store %arg9[%swap3A_609, %swap3A_610, %swap3A_611], %swap3A_614 {strides = array<i32>} : memref<3x128x16xf32, #tpu.memory_space<vmem>>, vector<1x1x16xf32>,
        %mul3A_615 = arith.constant 16 : i32
        %mul3A_616 = arith.muli %add3A_238, %mul3A_615 : i32
        %add3A_617 = arith.constant 12 : i32
        %add3A_618 = arith.addi %mul3A_616, %add3A_617 : i32
        %swap3A_619 = arith.constant 0 : i32
        %swap3A_620 = arith.index_cast %swap3A_619 : i32 to index
        %swap3A_621 = arith.index_cast %add3A_618 : i32 to index
        %swap3A_622 = arith.constant 0 : index
        %swap3A_623 = tpu.vector_load %arg9[%swap3A_620, %swap3A_621, %swap3A_622] {strides = array<i32>} : memref<3x128x16xf32, #tpu.memory_space<vmem>>, vector<1x1x16xf32>,
        %swap3A_624 = vector.shape_cast %swap3A_623 : vector<1x1x16xf32> to vector<16xf32>
        %swap3A_625 = vector.shape_cast %mul3A_450 : vector<16xf32> to vector<1x1x16xf32>
        tpu.vector_store %arg9[%swap3A_620, %swap3A_621, %swap3A_622], %swap3A_625 {strides = array<i32>} : memref<3x128x16xf32, #tpu.memory_space<vmem>>, vector<1x1x16xf32>,
        %mul3A_626 = arith.constant 16 : i32
        %mul3A_627 = arith.muli %add3A_238, %mul3A_626 : i32
        %add3A_628 = arith.constant 13 : i32
        %add3A_629 = arith.addi %mul3A_627, %add3A_628 : i32
        %swap3A_630 = arith.constant 0 : i32
        %swap3A_631 = arith.index_cast %swap3A_630 : i32 to index
        %swap3A_632 = arith.index_cast %add3A_629 : i32 to index
        %swap3A_633 = arith.constant 0 : index
        %swap3A_634 = tpu.vector_load %arg9[%swap3A_631, %swap3A_632, %swap3A_633] {strides = array<i32>} : memref<3x128x16xf32, #tpu.memory_space<vmem>>, vector<1x1x16xf32>,
        %swap3A_635 = vector.shape_cast %swap3A_634 : vector<1x1x16xf32> to vector<16xf32>
        %swap3A_636 = vector.shape_cast %mul3A_461 : vector<16xf32> to vector<1x1x16xf32>
        tpu.vector_store %arg9[%swap3A_631, %swap3A_632, %swap3A_633], %swap3A_636 {strides = array<i32>} : memref<3x128x16xf32, #tpu.memory_space<vmem>>, vector<1x1x16xf32>,
        %mul3A_637 = arith.constant 16 : i32
        %mul3A_638 = arith.muli %add3A_238, %mul3A_637 : i32
        %add3A_639 = arith.constant 14 : i32
        %add3A_640 = arith.addi %mul3A_638, %add3A_639 : i32
        %swap3A_641 = arith.constant 0 : i32
        %swap3A_642 = arith.index_cast %swap3A_641 : i32 to index
        %swap3A_643 = arith.index_cast %add3A_640 : i32 to index
        %swap3A_644 = arith.constant 0 : index
        %swap3A_645 = tpu.vector_load %arg9[%swap3A_642, %swap3A_643, %swap3A_644] {strides = array<i32>} : memref<3x128x16xf32, #tpu.memory_space<vmem>>, vector<1x1x16xf32>,
        %swap3A_646 = vector.shape_cast %swap3A_645 : vector<1x1x16xf32> to vector<16xf32>
        %swap3A_647 = vector.shape_cast %mul3A_472 : vector<16xf32> to vector<1x1x16xf32>
        tpu.vector_store %arg9[%swap3A_642, %swap3A_643, %swap3A_644], %swap3A_647 {strides = array<i32>} : memref<3x128x16xf32, #tpu.memory_space<vmem>>, vector<1x1x16xf32>,
        %mul3A_648 = arith.constant 16 : i32
        %mul3A_649 = arith.muli %add3A_238, %mul3A_648 : i32
        %add3A_650 = arith.constant 15 : i32
        %add3A_651 = arith.addi %mul3A_649, %add3A_650 : i32
        %swap3A_652 = arith.constant 0 : i32
        %swap3A_653 = arith.index_cast %swap3A_652 : i32 to index
        %swap3A_654 = arith.index_cast %add3A_651 : i32 to index
        %swap3A_655 = arith.constant 0 : index
        %swap3A_656 = tpu.vector_load %arg9[%swap3A_653, %swap3A_654, %swap3A_655] {strides = array<i32>} : memref<3x128x16xf32, #tpu.memory_space<vmem>>, vector<1x1x16xf32>,
        %swap3A_657 = vector.shape_cast %swap3A_656 : vector<1x1x16xf32> to vector<16xf32>
        %swap3A_658 = vector.shape_cast %mul3A_483 : vector<16xf32> to vector<1x1x16xf32>
        tpu.vector_store %arg9[%swap3A_653, %swap3A_654, %swap3A_655], %swap3A_658 {strides = array<i32>} : memref<3x128x16xf32, #tpu.memory_space<vmem>>, vector<1x1x16xf32>,
      }
      %scan3A_136 = arith.constant 8 : i32
      %dma_start3A_137 = arith.constant 0 : i32
      %dma_start3A_138 = arith.constant 0 : i32
      %dma_start3A_139 = arith.constant 0 : i32
      %dma_start3A_140 = tpu.memref_slice %arg9[%dma_start3A_137, %dma_start3A_138, %dma_start3A_139] : memref<3x128x16xf32, #tpu.memory_space<vmem>> -> memref<1x128x16xf32, #tpu.memory_space<vmem>>
      %dma_start3A_141 = tpu.memref_squeeze %dma_start3A_140 : memref<1x128x16xf32, #tpu.memory_space<vmem>> -> memref<128x16xf32, #tpu.memory_space<vmem>>
      %dma_start3A_142 = arith.constant 0 : i32
      %dma_start3A_143 = tpu.memref_slice %arg11[%add3A_120, %dma_start3A_142] : memref<159x128xi32, #tpu.memory_space<vmem>> -> memref<1x128xi32, #tpu.memory_space<vmem>>
      %dma_start3A_144 = tpu.memref_squeeze %dma_start3A_143 : memref<1x128xi32, #tpu.memory_space<vmem>> -> memref<128xi32, #tpu.memory_space<vmem>>
      %dma_start3A_145 = arith.constant 0 : i32
      %dma_start3A_146 = arith.constant 0 : i32
      %dma_start3A_147 = tpu.memref_slice %arg7[%dma_start3A_145, %dma_start3A_146] : memref<10240x16xf32, #tpu.memory_space<vmem_shared>> -> memref<10240x16xf32, #tpu.memory_space<vmem_shared>>
      tpu.enqueue_indirect_dma source(%dma_start3A_141 : memref<128x16xf32, #tpu.memory_space<vmem>>) target(%dma_start3A_147 : memref<10240x16xf32, #tpu.memory_space<vmem_shared>>) offsets(%dma_start3A_144 : memref<128xi32, #tpu.memory_space<vmem>>) semaphore(%arg17 : memref<!tpu.dma_semaphore, #tpu.memory_space<semaphore_mem>>) {add = true}
      %ge3A = arith.constant 1 : i32
      %ge3A_148 = arith.cmpi sge, %add3A_116, %ge3A : i32
      %convert_element_type3A = arith.extui %ge3A_148 : i1 to i32
      %cond3A = arith.constant 0 : i32
      %cond3A_149 = arith.cmpi ne, %convert_element_type3A, %cond3A : i32
      scf.if %cond3A_149 {
        %sub3A = arith.constant 1 : i32
        %sub3A_234 = arith.subi %add3A_120, %sub3A : i32
        %dma_wait3A_235 = arith.constant 2 : i32
        %dma_wait3A_236 = arith.constant 0 : i32
        %dma_wait3A_237 = arith.constant 0 : i32
        %dma_wait3A_238 = tpu.memref_slice %arg9[%dma_wait3A_235, %dma_wait3A_236, %dma_wait3A_237] : memref<3x128x16xf32, #tpu.memory_space<vmem>> -> memref<1x128x16xf32, #tpu.memory_space<vmem>>
        %dma_wait3A_239 = tpu.memref_squeeze %dma_wait3A_238 : memref<1x128x16xf32, #tpu.memory_space<vmem>> -> memref<128x16xf32, #tpu.memory_space<vmem>>
        %dma_wait3A_240 = arith.constant 0 : i32
        %dma_wait3A_241 = tpu.memref_slice %arg11[%sub3A_234, %dma_wait3A_240] : memref<159x128xi32, #tpu.memory_space<vmem>> -> memref<1x128xi32, #tpu.memory_space<vmem>>
        %dma_wait3A_242 = tpu.memref_squeeze %dma_wait3A_241 : memref<1x128xi32, #tpu.memory_space<vmem>> -> memref<128xi32, #tpu.memory_space<vmem>>
        %dma_wait3A_243 = arith.constant 0 : i32
        %dma_wait3A_244 = arith.constant 0 : i32
        %dma_wait3A_245 = tpu.memref_slice %arg7[%dma_wait3A_243, %dma_wait3A_244] : memref<10240x16xf32, #tpu.memory_space<vmem_shared>> -> memref<10240x16xf32, #tpu.memory_space<vmem_shared>>
        tpu.wait_indirect_dma semaphore(%arg19 : memref<!tpu.dma_semaphore, #tpu.memory_space<semaphore_mem>>) src(%dma_wait3A_239 : memref<128x16xf32, #tpu.memory_space<vmem>>) dst(%dma_wait3A_245 : memref<10240x16xf32, #tpu.memory_space<vmem_shared>>)
      } else {
      }
      %add3A_150 = arith.constant 2 : i32
      %add3A_151 = arith.addi %add3A_120, %add3A_150 : i32
      %dma_start3A_152 = arith.constant 2 : i32
      %dma_start3A_153 = arith.constant 0 : i32
      %dma_start3A_154 = arith.constant 0 : i32
      %dma_start3A_155 = tpu.memref_slice %arg9[%dma_start3A_152, %dma_start3A_153, %dma_start3A_154] : memref<3x128x16xf32, #tpu.memory_space<vmem>> -> memref<1x128x16xf32, #tpu.memory_space<vmem>>
      %dma_start3A_156 = tpu.memref_squeeze %dma_start3A_155 : memref<1x128x16xf32, #tpu.memory_space<vmem>> -> memref<128x16xf32, #tpu.memory_space<vmem>>
      %dma_start3A_157 = arith.constant 0 : i32
      %dma_start3A_158 = tpu.memref_slice %arg10[%add3A_151, %dma_start3A_157] : memref<159x128xi32, #tpu.memory_space<vmem>> -> memref<1x128xi32, #tpu.memory_space<vmem>>
      %dma_start3A_159 = tpu.memref_squeeze %dma_start3A_158 : memref<1x128xi32, #tpu.memory_space<vmem>> -> memref<128xi32, #tpu.memory_space<vmem>>
      %dma_start3A_160 = arith.constant 0 : i32
      %dma_start3A_161 = arith.constant 0 : i32
      %dma_start3A_162 = tpu.memref_slice %arg8[%dma_start3A_160, %dma_start3A_161] : memref<10240x16xf32, #tpu.memory_space<vmem_shared>> -> memref<10240x16xf32, #tpu.memory_space<vmem_shared>>
      tpu.enqueue_indirect_dma source(%dma_start3A_162 : memref<10240x16xf32, #tpu.memory_space<vmem_shared>>) target(%dma_start3A_156 : memref<128x16xf32, #tpu.memory_space<vmem>>) offsets(%dma_start3A_159 : memref<128xi32, #tpu.memory_space<vmem>>) semaphore(%arg16 : memref<!tpu.dma_semaphore, #tpu.memory_space<semaphore_mem>>)
      %mul3A_163 = arith.constant 3 : i32
      %mul3A_164 = arith.muli %add3A_116, %mul3A_163 : i32
      %add3A_165 = arith.constant 1 : i32
      %add3A_166 = arith.addi %mul3A_164, %add3A_165 : i32
      %dma_wait3A_167 = arith.constant 1 : i32
      %dma_wait3A_168 = arith.constant 0 : i32
      %dma_wait3A_169 = arith.constant 0 : i32
      %dma_wait3A_170 = tpu.memref_slice %arg9[%dma_wait3A_167, %dma_wait3A_168, %dma_wait3A_169] : memref<3x128x16xf32, #tpu.memory_space<vmem>> -> memref<1x128x16xf32, #tpu.memory_space<vmem>>
      %dma_wait3A_171 = tpu.memref_squeeze %dma_wait3A_170 : memref<1x128x16xf32, #tpu.memory_space<vmem>> -> memref<128x16xf32, #tpu.memory_space<vmem>>
      %dma_wait3A_172 = arith.constant 0 : i32
      %dma_wait3A_173 = tpu.memref_slice %arg10[%add3A_166, %dma_wait3A_172] : memref<159x128xi32, #tpu.memory_space<vmem>> -> memref<1x128xi32, #tpu.memory_space<vmem>>
      %dma_wait3A_174 = tpu.memref_squeeze %dma_wait3A_173 : memref<1x128xi32, #tpu.memory_space<vmem>> -> memref<128xi32, #tpu.memory_space<vmem>>
      %dma_wait3A_175 = arith.constant 0 : i32
      %dma_wait3A_176 = arith.constant 0 : i32
      %dma_wait3A_177 = tpu.memref_slice %arg8[%dma_wait3A_175, %dma_wait3A_176] : memref<10240x16xf32, #tpu.memory_space<vmem_shared>> -> memref<10240x16xf32, #tpu.memory_space<vmem_shared>>
      tpu.wait_indirect_dma semaphore(%arg15 : memref<!tpu.dma_semaphore, #tpu.memory_space<semaphore_mem>>) src(%dma_wait3A_177 : memref<10240x16xf32, #tpu.memory_space<vmem_shared>>) dst(%dma_wait3A_171 : memref<128x16xf32, #tpu.memory_space<vmem>>)
      %scan3A_178 = arith.constant 0 : i32
      %scan3A_179 = arith.constant 8 : i32
      %scan3A_180 = arith.addi %scan3A_178, %scan3A_179 : i32
      %scan3A_181 = arith.constant 1 : i32
      scf.for %scan3A_234 = %scan3A_178 to %scan3A_180 step %scan3A_181  : i32 {
        %mul3A_235 = arith.constant 1 : i32
        %mul3A_236 = arith.muli %scan3A_234, %mul3A_235 : i32
        %add3A_237 = arith.constant 0 : i32
        %add3A_238 = arith.addi %add3A_237, %mul3A_236 : i32
        %mul3A_239 = arith.constant 128 : i32
        %mul3A_240 = arith.muli %add3A_166, %mul3A_239 : i32
        %mul3A_241 = arith.constant 16 : i32
        %mul3A_242 = arith.muli %add3A_238, %mul3A_241 : i32
        %add3A_243 = arith.addi %mul3A_240, %mul3A_242 : i32
        %get3A = arith.index_cast %add3A_243 : i32 to index
        %get3A_244 = tpu.vector_load %arg12[%get3A] {strides = array<i32>} : memref<20352xf32, #tpu.memory_space<vmem>>, vector<16xf32>,
        %get3A_245 = vector.shape_cast %get3A_244 : vector<16xf32> to vector<16xf32>
        %broadcast_in_dim3A = arith.constant 0 : i32
        %broadcast_in_dim3A_246 = vector.broadcast %broadcast_in_dim3A : i32 to vector<16x1xi32>
        %gather3A = vector.shape_cast %broadcast_in_dim3A_246 : vector<16x1xi32> to vector<16xi32>
        %gather3A_247 = tpu.dynamic_gather %get3A_245[%gather3A] in [0] : vector<16xf32>, vector<16xi32> -> vector<16xf32>
        %broadcast_in_dim3A_248 = arith.constant 1 : i32
        %broadcast_in_dim3A_249 = vector.broadcast %broadcast_in_dim3A_248 : i32 to vector<16x1xi32>
        %gather3A_250 = vector.shape_cast %broadcast_in_dim3A_249 : vector<16x1xi32> to vector<16xi32>
        %gather3A_251 = tpu.dynamic_gather %get3A_245[%gather3A_250] in [0] : vector<16xf32>, vector<16xi32> -> vector<16xf32>
        %broadcast_in_dim3A_252 = arith.constant 2 : i32
        %broadcast_in_dim3A_253 = vector.broadcast %broadcast_in_dim3A_252 : i32 to vector<16x1xi32>
        %gather3A_254 = vector.shape_cast %broadcast_in_dim3A_253 : vector<16x1xi32> to vector<16xi32>
        %gather3A_255 = tpu.dynamic_gather %get3A_245[%gather3A_254] in [0] : vector<16xf32>, vector<16xi32> -> vector<16xf32>
        %broadcast_in_dim3A_256 = arith.constant 3 : i32
        %broadcast_in_dim3A_257 = vector.broadcast %broadcast_in_dim3A_256 : i32 to vector<16x1xi32>
        %gather3A_258 = vector.shape_cast %broadcast_in_dim3A_257 : vector<16x1xi32> to vector<16xi32>
        %gather3A_259 = tpu.dynamic_gather %get3A_245[%gather3A_258] in [0] : vector<16xf32>, vector<16xi32> -> vector<16xf32>
        %broadcast_in_dim3A_260 = arith.constant 4 : i32
        %broadcast_in_dim3A_261 = vector.broadcast %broadcast_in_dim3A_260 : i32 to vector<16x1xi32>
        %gather3A_262 = vector.shape_cast %broadcast_in_dim3A_261 : vector<16x1xi32> to vector<16xi32>
        %gather3A_263 = tpu.dynamic_gather %get3A_245[%gather3A_262] in [0] : vector<16xf32>, vector<16xi32> -> vector<16xf32>
        %broadcast_in_dim3A_264 = arith.constant 5 : i32
        %broadcast_in_dim3A_265 = vector.broadcast %broadcast_in_dim3A_264 : i32 to vector<16x1xi32>
        %gather3A_266 = vector.shape_cast %broadcast_in_dim3A_265 : vector<16x1xi32> to vector<16xi32>
        %gather3A_267 = tpu.dynamic_gather %get3A_245[%gather3A_266] in [0] : vector<16xf32>, vector<16xi32> -> vector<16xf32>
        %broadcast_in_dim3A_268 = arith.constant 6 : i32
        %broadcast_in_dim3A_269 = vector.broadcast %broadcast_in_dim3A_268 : i32 to vector<16x1xi32>
        %gather3A_270 = vector.shape_cast %broadcast_in_dim3A_269 : vector<16x1xi32> to vector<16xi32>
        %gather3A_271 = tpu.dynamic_gather %get3A_245[%gather3A_270] in [0] : vector<16xf32>, vector<16xi32> -> vector<16xf32>
        %broadcast_in_dim3A_272 = arith.constant 7 : i32
        %broadcast_in_dim3A_273 = vector.broadcast %broadcast_in_dim3A_272 : i32 to vector<16x1xi32>
        %gather3A_274 = vector.shape_cast %broadcast_in_dim3A_273 : vector<16x1xi32> to vector<16xi32>
        %gather3A_275 = tpu.dynamic_gather %get3A_245[%gather3A_274] in [0] : vector<16xf32>, vector<16xi32> -> vector<16xf32>
        %broadcast_in_dim3A_276 = arith.constant 8 : i32
        %broadcast_in_dim3A_277 = vector.broadcast %broadcast_in_dim3A_276 : i32 to vector<16x1xi32>
        %gather3A_278 = vector.shape_cast %broadcast_in_dim3A_277 : vector<16x1xi32> to vector<16xi32>
        %gather3A_279 = tpu.dynamic_gather %get3A_245[%gather3A_278] in [0] : vector<16xf32>, vector<16xi32> -> vector<16xf32>
        %broadcast_in_dim3A_280 = arith.constant 9 : i32
        %broadcast_in_dim3A_281 = vector.broadcast %broadcast_in_dim3A_280 : i32 to vector<16x1xi32>
        %gather3A_282 = vector.shape_cast %broadcast_in_dim3A_281 : vector<16x1xi32> to vector<16xi32>
        %gather3A_283 = tpu.dynamic_gather %get3A_245[%gather3A_282] in [0] : vector<16xf32>, vector<16xi32> -> vector<16xf32>
        %broadcast_in_dim3A_284 = arith.constant 10 : i32
        %broadcast_in_dim3A_285 = vector.broadcast %broadcast_in_dim3A_284 : i32 to vector<16x1xi32>
        %gather3A_286 = vector.shape_cast %broadcast_in_dim3A_285 : vector<16x1xi32> to vector<16xi32>
        %gather3A_287 = tpu.dynamic_gather %get3A_245[%gather3A_286] in [0] : vector<16xf32>, vector<16xi32> -> vector<16xf32>
        %broadcast_in_dim3A_288 = arith.constant 11 : i32
        %broadcast_in_dim3A_289 = vector.broadcast %broadcast_in_dim3A_288 : i32 to vector<16x1xi32>
        %gather3A_290 = vector.shape_cast %broadcast_in_dim3A_289 : vector<16x1xi32> to vector<16xi32>
        %gather3A_291 = tpu.dynamic_gather %get3A_245[%gather3A_290] in [0] : vector<16xf32>, vector<16xi32> -> vector<16xf32>
        %broadcast_in_dim3A_292 = arith.constant 12 : i32
        %broadcast_in_dim3A_293 = vector.broadcast %broadcast_in_dim3A_292 : i32 to vector<16x1xi32>
        %gather3A_294 = vector.shape_cast %broadcast_in_dim3A_293 : vector<16x1xi32> to vector<16xi32>
        %gather3A_295 = tpu.dynamic_gather %get3A_245[%gather3A_294] in [0] : vector<16xf32>, vector<16xi32> -> vector<16xf32>
        %broadcast_in_dim3A_296 = arith.constant 13 : i32
        %broadcast_in_dim3A_297 = vector.broadcast %broadcast_in_dim3A_296 : i32 to vector<16x1xi32>
        %gather3A_298 = vector.shape_cast %broadcast_in_dim3A_297 : vector<16x1xi32> to vector<16xi32>
        %gather3A_299 = tpu.dynamic_gather %get3A_245[%gather3A_298] in [0] : vector<16xf32>, vector<16xi32> -> vector<16xf32>
        %broadcast_in_dim3A_300 = arith.constant 14 : i32
        %broadcast_in_dim3A_301 = vector.broadcast %broadcast_in_dim3A_300 : i32 to vector<16x1xi32>
        %gather3A_302 = vector.shape_cast %broadcast_in_dim3A_301 : vector<16x1xi32> to vector<16xi32>
        %gather3A_303 = tpu.dynamic_gather %get3A_245[%gather3A_302] in [0] : vector<16xf32>, vector<16xi32> -> vector<16xf32>
        %broadcast_in_dim3A_304 = arith.constant 15 : i32
        %broadcast_in_dim3A_305 = vector.broadcast %broadcast_in_dim3A_304 : i32 to vector<16x1xi32>
        %gather3A_306 = vector.shape_cast %broadcast_in_dim3A_305 : vector<16x1xi32> to vector<16xi32>
        %gather3A_307 = tpu.dynamic_gather %get3A_245[%gather3A_306] in [0] : vector<16xf32>, vector<16xi32> -> vector<16xf32>
        %mul3A_308 = arith.constant 16 : i32
        %mul3A_309 = arith.muli %add3A_238, %mul3A_308 : i32
        %add3A_310 = arith.constant 0 : i32
        %add3A_311 = arith.addi %mul3A_309, %add3A_310 : i32
        %get3A_312 = arith.constant 1 : i32
        %get3A_313 = arith.index_cast %get3A_312 : i32 to index
        %get3A_314 = arith.index_cast %add3A_311 : i32 to index
        %get3A_315 = arith.constant 0 : index
        %get3A_316 = tpu.vector_load %arg9[%get3A_313, %get3A_314, %get3A_315] {strides = array<i32>} : memref<3x128x16xf32, #tpu.memory_space<vmem>>, vector<1x1x16xf32>,
        %get3A_317 = vector.shape_cast %get3A_316 : vector<1x1x16xf32> to vector<16xf32>
        %mul3A_318 = arith.mulf %get3A_317, %gather3A_247 : vector<16xf32>
        %mul3A_319 = arith.constant 16 : i32
        %mul3A_320 = arith.muli %add3A_238, %mul3A_319 : i32
        %add3A_321 = arith.constant 1 : i32
        %add3A_322 = arith.addi %mul3A_320, %add3A_321 : i32
        %get3A_323 = arith.constant 1 : i32
        %get3A_324 = arith.index_cast %get3A_323 : i32 to index
        %get3A_325 = arith.index_cast %add3A_322 : i32 to index
        %get3A_326 = arith.constant 0 : index
        %get3A_327 = tpu.vector_load %arg9[%get3A_324, %get3A_325, %get3A_326] {strides = array<i32>} : memref<3x128x16xf32, #tpu.memory_space<vmem>>, vector<1x1x16xf32>,
        %get3A_328 = vector.shape_cast %get3A_327 : vector<1x1x16xf32> to vector<16xf32>
        %mul3A_329 = arith.mulf %get3A_328, %gather3A_251 : vector<16xf32>
        %mul3A_330 = arith.constant 16 : i32
        %mul3A_331 = arith.muli %add3A_238, %mul3A_330 : i32
        %add3A_332 = arith.constant 2 : i32
        %add3A_333 = arith.addi %mul3A_331, %add3A_332 : i32
        %get3A_334 = arith.constant 1 : i32
        %get3A_335 = arith.index_cast %get3A_334 : i32 to index
        %get3A_336 = arith.index_cast %add3A_333 : i32 to index
        %get3A_337 = arith.constant 0 : index
        %get3A_338 = tpu.vector_load %arg9[%get3A_335, %get3A_336, %get3A_337] {strides = array<i32>} : memref<3x128x16xf32, #tpu.memory_space<vmem>>, vector<1x1x16xf32>,
        %get3A_339 = vector.shape_cast %get3A_338 : vector<1x1x16xf32> to vector<16xf32>
        %mul3A_340 = arith.mulf %get3A_339, %gather3A_255 : vector<16xf32>
        %mul3A_341 = arith.constant 16 : i32
        %mul3A_342 = arith.muli %add3A_238, %mul3A_341 : i32
        %add3A_343 = arith.constant 3 : i32
        %add3A_344 = arith.addi %mul3A_342, %add3A_343 : i32
        %get3A_345 = arith.constant 1 : i32
        %get3A_346 = arith.index_cast %get3A_345 : i32 to index
        %get3A_347 = arith.index_cast %add3A_344 : i32 to index
        %get3A_348 = arith.constant 0 : index
        %get3A_349 = tpu.vector_load %arg9[%get3A_346, %get3A_347, %get3A_348] {strides = array<i32>} : memref<3x128x16xf32, #tpu.memory_space<vmem>>, vector<1x1x16xf32>,
        %get3A_350 = vector.shape_cast %get3A_349 : vector<1x1x16xf32> to vector<16xf32>
        %mul3A_351 = arith.mulf %get3A_350, %gather3A_259 : vector<16xf32>
        %mul3A_352 = arith.constant 16 : i32
        %mul3A_353 = arith.muli %add3A_238, %mul3A_352 : i32
        %add3A_354 = arith.constant 4 : i32
        %add3A_355 = arith.addi %mul3A_353, %add3A_354 : i32
        %get3A_356 = arith.constant 1 : i32
        %get3A_357 = arith.index_cast %get3A_356 : i32 to index
        %get3A_358 = arith.index_cast %add3A_355 : i32 to index
        %get3A_359 = arith.constant 0 : index
        %get3A_360 = tpu.vector_load %arg9[%get3A_357, %get3A_358, %get3A_359] {strides = array<i32>} : memref<3x128x16xf32, #tpu.memory_space<vmem>>, vector<1x1x16xf32>,
        %get3A_361 = vector.shape_cast %get3A_360 : vector<1x1x16xf32> to vector<16xf32>
        %mul3A_362 = arith.mulf %get3A_361, %gather3A_263 : vector<16xf32>
        %mul3A_363 = arith.constant 16 : i32
        %mul3A_364 = arith.muli %add3A_238, %mul3A_363 : i32
        %add3A_365 = arith.constant 5 : i32
        %add3A_366 = arith.addi %mul3A_364, %add3A_365 : i32
        %get3A_367 = arith.constant 1 : i32
        %get3A_368 = arith.index_cast %get3A_367 : i32 to index
        %get3A_369 = arith.index_cast %add3A_366 : i32 to index
        %get3A_370 = arith.constant 0 : index
        %get3A_371 = tpu.vector_load %arg9[%get3A_368, %get3A_369, %get3A_370] {strides = array<i32>} : memref<3x128x16xf32, #tpu.memory_space<vmem>>, vector<1x1x16xf32>,
        %get3A_372 = vector.shape_cast %get3A_371 : vector<1x1x16xf32> to vector<16xf32>
        %mul3A_373 = arith.mulf %get3A_372, %gather3A_267 : vector<16xf32>
        %mul3A_374 = arith.constant 16 : i32
        %mul3A_375 = arith.muli %add3A_238, %mul3A_374 : i32
        %add3A_376 = arith.constant 6 : i32
        %add3A_377 = arith.addi %mul3A_375, %add3A_376 : i32
        %get3A_378 = arith.constant 1 : i32
        %get3A_379 = arith.index_cast %get3A_378 : i32 to index
        %get3A_380 = arith.index_cast %add3A_377 : i32 to index
        %get3A_381 = arith.constant 0 : index
        %get3A_382 = tpu.vector_load %arg9[%get3A_379, %get3A_380, %get3A_381] {strides = array<i32>} : memref<3x128x16xf32, #tpu.memory_space<vmem>>, vector<1x1x16xf32>,
        %get3A_383 = vector.shape_cast %get3A_382 : vector<1x1x16xf32> to vector<16xf32>
        %mul3A_384 = arith.mulf %get3A_383, %gather3A_271 : vector<16xf32>
        %mul3A_385 = arith.constant 16 : i32
        %mul3A_386 = arith.muli %add3A_238, %mul3A_385 : i32
        %add3A_387 = arith.constant 7 : i32
        %add3A_388 = arith.addi %mul3A_386, %add3A_387 : i32
        %get3A_389 = arith.constant 1 : i32
        %get3A_390 = arith.index_cast %get3A_389 : i32 to index
        %get3A_391 = arith.index_cast %add3A_388 : i32 to index
        %get3A_392 = arith.constant 0 : index
        %get3A_393 = tpu.vector_load %arg9[%get3A_390, %get3A_391, %get3A_392] {strides = array<i32>} : memref<3x128x16xf32, #tpu.memory_space<vmem>>, vector<1x1x16xf32>,
        %get3A_394 = vector.shape_cast %get3A_393 : vector<1x1x16xf32> to vector<16xf32>
        %mul3A_395 = arith.mulf %get3A_394, %gather3A_275 : vector<16xf32>
        %mul3A_396 = arith.constant 16 : i32
        %mul3A_397 = arith.muli %add3A_238, %mul3A_396 : i32
        %add3A_398 = arith.constant 8 : i32
        %add3A_399 = arith.addi %mul3A_397, %add3A_398 : i32
        %get3A_400 = arith.constant 1 : i32
        %get3A_401 = arith.index_cast %get3A_400 : i32 to index
        %get3A_402 = arith.index_cast %add3A_399 : i32 to index
        %get3A_403 = arith.constant 0 : index
        %get3A_404 = tpu.vector_load %arg9[%get3A_401, %get3A_402, %get3A_403] {strides = array<i32>} : memref<3x128x16xf32, #tpu.memory_space<vmem>>, vector<1x1x16xf32>,
        %get3A_405 = vector.shape_cast %get3A_404 : vector<1x1x16xf32> to vector<16xf32>
        %mul3A_406 = arith.mulf %get3A_405, %gather3A_279 : vector<16xf32>
        %mul3A_407 = arith.constant 16 : i32
        %mul3A_408 = arith.muli %add3A_238, %mul3A_407 : i32
        %add3A_409 = arith.constant 9 : i32
        %add3A_410 = arith.addi %mul3A_408, %add3A_409 : i32
        %get3A_411 = arith.constant 1 : i32
        %get3A_412 = arith.index_cast %get3A_411 : i32 to index
        %get3A_413 = arith.index_cast %add3A_410 : i32 to index
        %get3A_414 = arith.constant 0 : index
        %get3A_415 = tpu.vector_load %arg9[%get3A_412, %get3A_413, %get3A_414] {strides = array<i32>} : memref<3x128x16xf32, #tpu.memory_space<vmem>>, vector<1x1x16xf32>,
        %get3A_416 = vector.shape_cast %get3A_415 : vector<1x1x16xf32> to vector<16xf32>
        %mul3A_417 = arith.mulf %get3A_416, %gather3A_283 : vector<16xf32>
        %mul3A_418 = arith.constant 16 : i32
        %mul3A_419 = arith.muli %add3A_238, %mul3A_418 : i32
        %add3A_420 = arith.constant 10 : i32
        %add3A_421 = arith.addi %mul3A_419, %add3A_420 : i32
        %get3A_422 = arith.constant 1 : i32
        %get3A_423 = arith.index_cast %get3A_422 : i32 to index
        %get3A_424 = arith.index_cast %add3A_421 : i32 to index
        %get3A_425 = arith.constant 0 : index
        %get3A_426 = tpu.vector_load %arg9[%get3A_423, %get3A_424, %get3A_425] {strides = array<i32>} : memref<3x128x16xf32, #tpu.memory_space<vmem>>, vector<1x1x16xf32>,
        %get3A_427 = vector.shape_cast %get3A_426 : vector<1x1x16xf32> to vector<16xf32>
        %mul3A_428 = arith.mulf %get3A_427, %gather3A_287 : vector<16xf32>
        %mul3A_429 = arith.constant 16 : i32
        %mul3A_430 = arith.muli %add3A_238, %mul3A_429 : i32
        %add3A_431 = arith.constant 11 : i32
        %add3A_432 = arith.addi %mul3A_430, %add3A_431 : i32
        %get3A_433 = arith.constant 1 : i32
        %get3A_434 = arith.index_cast %get3A_433 : i32 to index
        %get3A_435 = arith.index_cast %add3A_432 : i32 to index
        %get3A_436 = arith.constant 0 : index
        %get3A_437 = tpu.vector_load %arg9[%get3A_434, %get3A_435, %get3A_436] {strides = array<i32>} : memref<3x128x16xf32, #tpu.memory_space<vmem>>, vector<1x1x16xf32>,
        %get3A_438 = vector.shape_cast %get3A_437 : vector<1x1x16xf32> to vector<16xf32>
        %mul3A_439 = arith.mulf %get3A_438, %gather3A_291 : vector<16xf32>
        %mul3A_440 = arith.constant 16 : i32
        %mul3A_441 = arith.muli %add3A_238, %mul3A_440 : i32
        %add3A_442 = arith.constant 12 : i32
        %add3A_443 = arith.addi %mul3A_441, %add3A_442 : i32
        %get3A_444 = arith.constant 1 : i32
        %get3A_445 = arith.index_cast %get3A_444 : i32 to index
        %get3A_446 = arith.index_cast %add3A_443 : i32 to index
        %get3A_447 = arith.constant 0 : index
        %get3A_448 = tpu.vector_load %arg9[%get3A_445, %get3A_446, %get3A_447] {strides = array<i32>} : memref<3x128x16xf32, #tpu.memory_space<vmem>>, vector<1x1x16xf32>,
        %get3A_449 = vector.shape_cast %get3A_448 : vector<1x1x16xf32> to vector<16xf32>
        %mul3A_450 = arith.mulf %get3A_449, %gather3A_295 : vector<16xf32>
        %mul3A_451 = arith.constant 16 : i32
        %mul3A_452 = arith.muli %add3A_238, %mul3A_451 : i32
        %add3A_453 = arith.constant 13 : i32
        %add3A_454 = arith.addi %mul3A_452, %add3A_453 : i32
        %get3A_455 = arith.constant 1 : i32
        %get3A_456 = arith.index_cast %get3A_455 : i32 to index
        %get3A_457 = arith.index_cast %add3A_454 : i32 to index
        %get3A_458 = arith.constant 0 : index
        %get3A_459 = tpu.vector_load %arg9[%get3A_456, %get3A_457, %get3A_458] {strides = array<i32>} : memref<3x128x16xf32, #tpu.memory_space<vmem>>, vector<1x1x16xf32>,
        %get3A_460 = vector.shape_cast %get3A_459 : vector<1x1x16xf32> to vector<16xf32>
        %mul3A_461 = arith.mulf %get3A_460, %gather3A_299 : vector<16xf32>
        %mul3A_462 = arith.constant 16 : i32
        %mul3A_463 = arith.muli %add3A_238, %mul3A_462 : i32
        %add3A_464 = arith.constant 14 : i32
        %add3A_465 = arith.addi %mul3A_463, %add3A_464 : i32
        %get3A_466 = arith.constant 1 : i32
        %get3A_467 = arith.index_cast %get3A_466 : i32 to index
        %get3A_468 = arith.index_cast %add3A_465 : i32 to index
        %get3A_469 = arith.constant 0 : index
        %get3A_470 = tpu.vector_load %arg9[%get3A_467, %get3A_468, %get3A_469] {strides = array<i32>} : memref<3x128x16xf32, #tpu.memory_space<vmem>>, vector<1x1x16xf32>,
        %get3A_471 = vector.shape_cast %get3A_470 : vector<1x1x16xf32> to vector<16xf32>
        %mul3A_472 = arith.mulf %get3A_471, %gather3A_303 : vector<16xf32>
        %mul3A_473 = arith.constant 16 : i32
        %mul3A_474 = arith.muli %add3A_238, %mul3A_473 : i32
        %add3A_475 = arith.constant 15 : i32
        %add3A_476 = arith.addi %mul3A_474, %add3A_475 : i32
        %get3A_477 = arith.constant 1 : i32
        %get3A_478 = arith.index_cast %get3A_477 : i32 to index
        %get3A_479 = arith.index_cast %add3A_476 : i32 to index
        %get3A_480 = arith.constant 0 : index
        %get3A_481 = tpu.vector_load %arg9[%get3A_478, %get3A_479, %get3A_480] {strides = array<i32>} : memref<3x128x16xf32, #tpu.memory_space<vmem>>, vector<1x1x16xf32>,
        %get3A_482 = vector.shape_cast %get3A_481 : vector<1x1x16xf32> to vector<16xf32>
        %mul3A_483 = arith.mulf %get3A_482, %gather3A_307 : vector<16xf32>
        %mul3A_484 = arith.constant 16 : i32
        %mul3A_485 = arith.muli %add3A_238, %mul3A_484 : i32
        %add3A_486 = arith.constant 0 : i32
        %add3A_487 = arith.addi %mul3A_485, %add3A_486 : i32
        %swap3A = arith.constant 1 : i32
        %swap3A_488 = arith.index_cast %swap3A : i32 to index
        %swap3A_489 = arith.index_cast %add3A_487 : i32 to index
        %swap3A_490 = arith.constant 0 : index
        %swap3A_491 = tpu.vector_load %arg9[%swap3A_488, %swap3A_489, %swap3A_490] {strides = array<i32>} : memref<3x128x16xf32, #tpu.memory_space<vmem>>, vector<1x1x16xf32>,
        %swap3A_492 = vector.shape_cast %swap3A_491 : vector<1x1x16xf32> to vector<16xf32>
        %swap3A_493 = vector.shape_cast %mul3A_318 : vector<16xf32> to vector<1x1x16xf32>
        tpu.vector_store %arg9[%swap3A_488, %swap3A_489, %swap3A_490], %swap3A_493 {strides = array<i32>} : memref<3x128x16xf32, #tpu.memory_space<vmem>>, vector<1x1x16xf32>,
        %mul3A_494 = arith.constant 16 : i32
        %mul3A_495 = arith.muli %add3A_238, %mul3A_494 : i32
        %add3A_496 = arith.constant 1 : i32
        %add3A_497 = arith.addi %mul3A_495, %add3A_496 : i32
        %swap3A_498 = arith.constant 1 : i32
        %swap3A_499 = arith.index_cast %swap3A_498 : i32 to index
        %swap3A_500 = arith.index_cast %add3A_497 : i32 to index
        %swap3A_501 = arith.constant 0 : index
        %swap3A_502 = tpu.vector_load %arg9[%swap3A_499, %swap3A_500, %swap3A_501] {strides = array<i32>} : memref<3x128x16xf32, #tpu.memory_space<vmem>>, vector<1x1x16xf32>,
        %swap3A_503 = vector.shape_cast %swap3A_502 : vector<1x1x16xf32> to vector<16xf32>
        %swap3A_504 = vector.shape_cast %mul3A_329 : vector<16xf32> to vector<1x1x16xf32>
        tpu.vector_store %arg9[%swap3A_499, %swap3A_500, %swap3A_501], %swap3A_504 {strides = array<i32>} : memref<3x128x16xf32, #tpu.memory_space<vmem>>, vector<1x1x16xf32>,
        %mul3A_505 = arith.constant 16 : i32
        %mul3A_506 = arith.muli %add3A_238, %mul3A_505 : i32
        %add3A_507 = arith.constant 2 : i32
        %add3A_508 = arith.addi %mul3A_506, %add3A_507 : i32
        %swap3A_509 = arith.constant 1 : i32
        %swap3A_510 = arith.index_cast %swap3A_509 : i32 to index
        %swap3A_511 = arith.index_cast %add3A_508 : i32 to index
        %swap3A_512 = arith.constant 0 : index
        %swap3A_513 = tpu.vector_load %arg9[%swap3A_510, %swap3A_511, %swap3A_512] {strides = array<i32>} : memref<3x128x16xf32, #tpu.memory_space<vmem>>, vector<1x1x16xf32>,
        %swap3A_514 = vector.shape_cast %swap3A_513 : vector<1x1x16xf32> to vector<16xf32>
        %swap3A_515 = vector.shape_cast %mul3A_340 : vector<16xf32> to vector<1x1x16xf32>
        tpu.vector_store %arg9[%swap3A_510, %swap3A_511, %swap3A_512], %swap3A_515 {strides = array<i32>} : memref<3x128x16xf32, #tpu.memory_space<vmem>>, vector<1x1x16xf32>,
        %mul3A_516 = arith.constant 16 : i32
        %mul3A_517 = arith.muli %add3A_238, %mul3A_516 : i32
        %add3A_518 = arith.constant 3 : i32
        %add3A_519 = arith.addi %mul3A_517, %add3A_518 : i32
        %swap3A_520 = arith.constant 1 : i32
        %swap3A_521 = arith.index_cast %swap3A_520 : i32 to index
        %swap3A_522 = arith.index_cast %add3A_519 : i32 to index
        %swap3A_523 = arith.constant 0 : index
        %swap3A_524 = tpu.vector_load %arg9[%swap3A_521, %swap3A_522, %swap3A_523] {strides = array<i32>} : memref<3x128x16xf32, #tpu.memory_space<vmem>>, vector<1x1x16xf32>,
        %swap3A_525 = vector.shape_cast %swap3A_524 : vector<1x1x16xf32> to vector<16xf32>
        %swap3A_526 = vector.shape_cast %mul3A_351 : vector<16xf32> to vector<1x1x16xf32>
        tpu.vector_store %arg9[%swap3A_521, %swap3A_522, %swap3A_523], %swap3A_526 {strides = array<i32>} : memref<3x128x16xf32, #tpu.memory_space<vmem>>, vector<1x1x16xf32>,
        %mul3A_527 = arith.constant 16 : i32
        %mul3A_528 = arith.muli %add3A_238, %mul3A_527 : i32
        %add3A_529 = arith.constant 4 : i32
        %add3A_530 = arith.addi %mul3A_528, %add3A_529 : i32
        %swap3A_531 = arith.constant 1 : i32
        %swap3A_532 = arith.index_cast %swap3A_531 : i32 to index
        %swap3A_533 = arith.index_cast %add3A_530 : i32 to index
        %swap3A_534 = arith.constant 0 : index
        %swap3A_535 = tpu.vector_load %arg9[%swap3A_532, %swap3A_533, %swap3A_534] {strides = array<i32>} : memref<3x128x16xf32, #tpu.memory_space<vmem>>, vector<1x1x16xf32>,
        %swap3A_536 = vector.shape_cast %swap3A_535 : vector<1x1x16xf32> to vector<16xf32>
        %swap3A_537 = vector.shape_cast %mul3A_362 : vector<16xf32> to vector<1x1x16xf32>
        tpu.vector_store %arg9[%swap3A_532, %swap3A_533, %swap3A_534], %swap3A_537 {strides = array<i32>} : memref<3x128x16xf32, #tpu.memory_space<vmem>>, vector<1x1x16xf32>,
        %mul3A_538 = arith.constant 16 : i32
        %mul3A_539 = arith.muli %add3A_238, %mul3A_538 : i32
        %add3A_540 = arith.constant 5 : i32
        %add3A_541 = arith.addi %mul3A_539, %add3A_540 : i32
        %swap3A_542 = arith.constant 1 : i32
        %swap3A_543 = arith.index_cast %swap3A_542 : i32 to index
        %swap3A_544 = arith.index_cast %add3A_541 : i32 to index
        %swap3A_545 = arith.constant 0 : index
        %swap3A_546 = tpu.vector_load %arg9[%swap3A_543, %swap3A_544, %swap3A_545] {strides = array<i32>} : memref<3x128x16xf32, #tpu.memory_space<vmem>>, vector<1x1x16xf32>,
        %swap3A_547 = vector.shape_cast %swap3A_546 : vector<1x1x16xf32> to vector<16xf32>
        %swap3A_548 = vector.shape_cast %mul3A_373 : vector<16xf32> to vector<1x1x16xf32>
        tpu.vector_store %arg9[%swap3A_543, %swap3A_544, %swap3A_545], %swap3A_548 {strides = array<i32>} : memref<3x128x16xf32, #tpu.memory_space<vmem>>, vector<1x1x16xf32>,
        %mul3A_549 = arith.constant 16 : i32
        %mul3A_550 = arith.muli %add3A_238, %mul3A_549 : i32
        %add3A_551 = arith.constant 6 : i32
        %add3A_552 = arith.addi %mul3A_550, %add3A_551 : i32
        %swap3A_553 = arith.constant 1 : i32
        %swap3A_554 = arith.index_cast %swap3A_553 : i32 to index
        %swap3A_555 = arith.index_cast %add3A_552 : i32 to index
        %swap3A_556 = arith.constant 0 : index
        %swap3A_557 = tpu.vector_load %arg9[%swap3A_554, %swap3A_555, %swap3A_556] {strides = array<i32>} : memref<3x128x16xf32, #tpu.memory_space<vmem>>, vector<1x1x16xf32>,
        %swap3A_558 = vector.shape_cast %swap3A_557 : vector<1x1x16xf32> to vector<16xf32>
        %swap3A_559 = vector.shape_cast %mul3A_384 : vector<16xf32> to vector<1x1x16xf32>
        tpu.vector_store %arg9[%swap3A_554, %swap3A_555, %swap3A_556], %swap3A_559 {strides = array<i32>} : memref<3x128x16xf32, #tpu.memory_space<vmem>>, vector<1x1x16xf32>,
        %mul3A_560 = arith.constant 16 : i32
        %mul3A_561 = arith.muli %add3A_238, %mul3A_560 : i32
        %add3A_562 = arith.constant 7 : i32
        %add3A_563 = arith.addi %mul3A_561, %add3A_562 : i32
        %swap3A_564 = arith.constant 1 : i32
        %swap3A_565 = arith.index_cast %swap3A_564 : i32 to index
        %swap3A_566 = arith.index_cast %add3A_563 : i32 to index
        %swap3A_567 = arith.constant 0 : index
        %swap3A_568 = tpu.vector_load %arg9[%swap3A_565, %swap3A_566, %swap3A_567] {strides = array<i32>} : memref<3x128x16xf32, #tpu.memory_space<vmem>>, vector<1x1x16xf32>,
        %swap3A_569 = vector.shape_cast %swap3A_568 : vector<1x1x16xf32> to vector<16xf32>
        %swap3A_570 = vector.shape_cast %mul3A_395 : vector<16xf32> to vector<1x1x16xf32>
        tpu.vector_store %arg9[%swap3A_565, %swap3A_566, %swap3A_567], %swap3A_570 {strides = array<i32>} : memref<3x128x16xf32, #tpu.memory_space<vmem>>, vector<1x1x16xf32>,
        %mul3A_571 = arith.constant 16 : i32
        %mul3A_572 = arith.muli %add3A_238, %mul3A_571 : i32
        %add3A_573 = arith.constant 8 : i32
        %add3A_574 = arith.addi %mul3A_572, %add3A_573 : i32
        %swap3A_575 = arith.constant 1 : i32
        %swap3A_576 = arith.index_cast %swap3A_575 : i32 to index
        %swap3A_577 = arith.index_cast %add3A_574 : i32 to index
        %swap3A_578 = arith.constant 0 : index
        %swap3A_579 = tpu.vector_load %arg9[%swap3A_576, %swap3A_577, %swap3A_578] {strides = array<i32>} : memref<3x128x16xf32, #tpu.memory_space<vmem>>, vector<1x1x16xf32>,
        %swap3A_580 = vector.shape_cast %swap3A_579 : vector<1x1x16xf32> to vector<16xf32>
        %swap3A_581 = vector.shape_cast %mul3A_406 : vector<16xf32> to vector<1x1x16xf32>
        tpu.vector_store %arg9[%swap3A_576, %swap3A_577, %swap3A_578], %swap3A_581 {strides = array<i32>} : memref<3x128x16xf32, #tpu.memory_space<vmem>>, vector<1x1x16xf32>,
        %mul3A_582 = arith.constant 16 : i32
        %mul3A_583 = arith.muli %add3A_238, %mul3A_582 : i32
        %add3A_584 = arith.constant 9 : i32
        %add3A_585 = arith.addi %mul3A_583, %add3A_584 : i32
        %swap3A_586 = arith.constant 1 : i32
        %swap3A_587 = arith.index_cast %swap3A_586 : i32 to index
        %swap3A_588 = arith.index_cast %add3A_585 : i32 to index
        %swap3A_589 = arith.constant 0 : index
        %swap3A_590 = tpu.vector_load %arg9[%swap3A_587, %swap3A_588, %swap3A_589] {strides = array<i32>} : memref<3x128x16xf32, #tpu.memory_space<vmem>>, vector<1x1x16xf32>,
        %swap3A_591 = vector.shape_cast %swap3A_590 : vector<1x1x16xf32> to vector<16xf32>
        %swap3A_592 = vector.shape_cast %mul3A_417 : vector<16xf32> to vector<1x1x16xf32>
        tpu.vector_store %arg9[%swap3A_587, %swap3A_588, %swap3A_589], %swap3A_592 {strides = array<i32>} : memref<3x128x16xf32, #tpu.memory_space<vmem>>, vector<1x1x16xf32>,
        %mul3A_593 = arith.constant 16 : i32
        %mul3A_594 = arith.muli %add3A_238, %mul3A_593 : i32
        %add3A_595 = arith.constant 10 : i32
        %add3A_596 = arith.addi %mul3A_594, %add3A_595 : i32
        %swap3A_597 = arith.constant 1 : i32
        %swap3A_598 = arith.index_cast %swap3A_597 : i32 to index
        %swap3A_599 = arith.index_cast %add3A_596 : i32 to index
        %swap3A_600 = arith.constant 0 : index
        %swap3A_601 = tpu.vector_load %arg9[%swap3A_598, %swap3A_599, %swap3A_600] {strides = array<i32>} : memref<3x128x16xf32, #tpu.memory_space<vmem>>, vector<1x1x16xf32>,
        %swap3A_602 = vector.shape_cast %swap3A_601 : vector<1x1x16xf32> to vector<16xf32>
        %swap3A_603 = vector.shape_cast %mul3A_428 : vector<16xf32> to vector<1x1x16xf32>
        tpu.vector_store %arg9[%swap3A_598, %swap3A_599, %swap3A_600], %swap3A_603 {strides = array<i32>} : memref<3x128x16xf32, #tpu.memory_space<vmem>>, vector<1x1x16xf32>,
        %mul3A_604 = arith.constant 16 : i32
        %mul3A_605 = arith.muli %add3A_238, %mul3A_604 : i32
        %add3A_606 = arith.constant 11 : i32
        %add3A_607 = arith.addi %mul3A_605, %add3A_606 : i32
        %swap3A_608 = arith.constant 1 : i32
        %swap3A_609 = arith.index_cast %swap3A_608 : i32 to index
        %swap3A_610 = arith.index_cast %add3A_607 : i32 to index
        %swap3A_611 = arith.constant 0 : index
        %swap3A_612 = tpu.vector_load %arg9[%swap3A_609, %swap3A_610, %swap3A_611] {strides = array<i32>} : memref<3x128x16xf32, #tpu.memory_space<vmem>>, vector<1x1x16xf32>,
        %swap3A_613 = vector.shape_cast %swap3A_612 : vector<1x1x16xf32> to vector<16xf32>
        %swap3A_614 = vector.shape_cast %mul3A_439 : vector<16xf32> to vector<1x1x16xf32>
        tpu.vector_store %arg9[%swap3A_609, %swap3A_610, %swap3A_611], %swap3A_614 {strides = array<i32>} : memref<3x128x16xf32, #tpu.memory_space<vmem>>, vector<1x1x16xf32>,
        %mul3A_615 = arith.constant 16 : i32
        %mul3A_616 = arith.muli %add3A_238, %mul3A_615 : i32
        %add3A_617 = arith.constant 12 : i32
        %add3A_618 = arith.addi %mul3A_616, %add3A_617 : i32
        %swap3A_619 = arith.constant 1 : i32
        %swap3A_620 = arith.index_cast %swap3A_619 : i32 to index
        %swap3A_621 = arith.index_cast %add3A_618 : i32 to index
        %swap3A_622 = arith.constant 0 : index
        %swap3A_623 = tpu.vector_load %arg9[%swap3A_620, %swap3A_621, %swap3A_622] {strides = array<i32>} : memref<3x128x16xf32, #tpu.memory_space<vmem>>, vector<1x1x16xf32>,
        %swap3A_624 = vector.shape_cast %swap3A_623 : vector<1x1x16xf32> to vector<16xf32>
        %swap3A_625 = vector.shape_cast %mul3A_450 : vector<16xf32> to vector<1x1x16xf32>
        tpu.vector_store %arg9[%swap3A_620, %swap3A_621, %swap3A_622], %swap3A_625 {strides = array<i32>} : memref<3x128x16xf32, #tpu.memory_space<vmem>>, vector<1x1x16xf32>,
        %mul3A_626 = arith.constant 16 : i32
        %mul3A_627 = arith.muli %add3A_238, %mul3A_626 : i32
        %add3A_628 = arith.constant 13 : i32
        %add3A_629 = arith.addi %mul3A_627, %add3A_628 : i32
        %swap3A_630 = arith.constant 1 : i32
        %swap3A_631 = arith.index_cast %swap3A_630 : i32 to index
        %swap3A_632 = arith.index_cast %add3A_629 : i32 to index
        %swap3A_633 = arith.constant 0 : index
        %swap3A_634 = tpu.vector_load %arg9[%swap3A_631, %swap3A_632, %swap3A_633] {strides = array<i32>} : memref<3x128x16xf32, #tpu.memory_space<vmem>>, vector<1x1x16xf32>,
        %swap3A_635 = vector.shape_cast %swap3A_634 : vector<1x1x16xf32> to vector<16xf32>
        %swap3A_636 = vector.shape_cast %mul3A_461 : vector<16xf32> to vector<1x1x16xf32>
        tpu.vector_store %arg9[%swap3A_631, %swap3A_632, %swap3A_633], %swap3A_636 {strides = array<i32>} : memref<3x128x16xf32, #tpu.memory_space<vmem>>, vector<1x1x16xf32>,
        %mul3A_637 = arith.constant 16 : i32
        %mul3A_638 = arith.muli %add3A_238, %mul3A_637 : i32
        %add3A_639 = arith.constant 14 : i32
        %add3A_640 = arith.addi %mul3A_638, %add3A_639 : i32
        %swap3A_641 = arith.constant 1 : i32
        %swap3A_642 = arith.index_cast %swap3A_641 : i32 to index
        %swap3A_643 = arith.index_cast %add3A_640 : i32 to index
        %swap3A_644 = arith.constant 0 : index
        %swap3A_645 = tpu.vector_load %arg9[%swap3A_642, %swap3A_643, %swap3A_644] {strides = array<i32>} : memref<3x128x16xf32, #tpu.memory_space<vmem>>, vector<1x1x16xf32>,
        %swap3A_646 = vector.shape_cast %swap3A_645 : vector<1x1x16xf32> to vector<16xf32>
        %swap3A_647 = vector.shape_cast %mul3A_472 : vector<16xf32> to vector<1x1x16xf32>
        tpu.vector_store %arg9[%swap3A_642, %swap3A_643, %swap3A_644], %swap3A_647 {strides = array<i32>} : memref<3x128x16xf32, #tpu.memory_space<vmem>>, vector<1x1x16xf32>,
        %mul3A_648 = arith.constant 16 : i32
        %mul3A_649 = arith.muli %add3A_238, %mul3A_648 : i32
        %add3A_650 = arith.constant 15 : i32
        %add3A_651 = arith.addi %mul3A_649, %add3A_650 : i32
        %swap3A_652 = arith.constant 1 : i32
        %swap3A_653 = arith.index_cast %swap3A_652 : i32 to index
        %swap3A_654 = arith.index_cast %add3A_651 : i32 to index
        %swap3A_655 = arith.constant 0 : index
        %swap3A_656 = tpu.vector_load %arg9[%swap3A_653, %swap3A_654, %swap3A_655] {strides = array<i32>} : memref<3x128x16xf32, #tpu.memory_space<vmem>>, vector<1x1x16xf32>,
        %swap3A_657 = vector.shape_cast %swap3A_656 : vector<1x1x16xf32> to vector<16xf32>
        %swap3A_658 = vector.shape_cast %mul3A_483 : vector<16xf32> to vector<1x1x16xf32>
        tpu.vector_store %arg9[%swap3A_653, %swap3A_654, %swap3A_655], %swap3A_658 {strides = array<i32>} : memref<3x128x16xf32, #tpu.memory_space<vmem>>, vector<1x1x16xf32>,
      }
      %scan3A_182 = arith.constant 8 : i32
      %dma_start3A_183 = arith.constant 1 : i32
      %dma_start3A_184 = arith.constant 0 : i32
      %dma_start3A_185 = arith.constant 0 : i32
      %dma_start3A_186 = tpu.memref_slice %arg9[%dma_start3A_183, %dma_start3A_184, %dma_start3A_185] : memref<3x128x16xf32, #tpu.memory_space<vmem>> -> memref<1x128x16xf32, #tpu.memory_space<vmem>>
      %dma_start3A_187 = tpu.memref_squeeze %dma_start3A_186 : memref<1x128x16xf32, #tpu.memory_space<vmem>> -> memref<128x16xf32, #tpu.memory_space<vmem>>
      %dma_start3A_188 = arith.constant 0 : i32
      %dma_start3A_189 = tpu.memref_slice %arg11[%add3A_166, %dma_start3A_188] : memref<159x128xi32, #tpu.memory_space<vmem>> -> memref<1x128xi32, #tpu.memory_space<vmem>>
      %dma_start3A_190 = tpu.memref_squeeze %dma_start3A_189 : memref<1x128xi32, #tpu.memory_space<vmem>> -> memref<128xi32, #tpu.memory_space<vmem>>
      %dma_start3A_191 = arith.constant 0 : i32
      %dma_start3A_192 = arith.constant 0 : i32
      %dma_start3A_193 = tpu.memref_slice %arg7[%dma_start3A_191, %dma_start3A_192] : memref<10240x16xf32, #tpu.memory_space<vmem_shared>> -> memref<10240x16xf32, #tpu.memory_space<vmem_shared>>
      tpu.enqueue_indirect_dma source(%dma_start3A_187 : memref<128x16xf32, #tpu.memory_space<vmem>>) target(%dma_start3A_193 : memref<10240x16xf32, #tpu.memory_space<vmem_shared>>) offsets(%dma_start3A_190 : memref<128xi32, #tpu.memory_space<vmem>>) semaphore(%arg18 : memref<!tpu.dma_semaphore, #tpu.memory_space<semaphore_mem>>) {add = true}
      %lt3A = arith.constant 52 : i32
      %lt3A_194 = arith.cmpi slt, %add3A_116, %lt3A : i32
      %convert_element_type3A_195 = arith.extui %lt3A_194 : i1 to i32
      %cond3A_196 = arith.constant 0 : i32
      %cond3A_197 = arith.cmpi ne, %convert_element_type3A_195, %cond3A_196 : i32
      scf.if %cond3A_197 {
        %sub3A = arith.constant 1 : i32
        %sub3A_234 = arith.subi %add3A_166, %sub3A : i32
        %dma_wait3A_235 = arith.constant 0 : i32
        %dma_wait3A_236 = arith.constant 0 : i32
        %dma_wait3A_237 = arith.constant 0 : i32
        %dma_wait3A_238 = tpu.memref_slice %arg9[%dma_wait3A_235, %dma_wait3A_236, %dma_wait3A_237] : memref<3x128x16xf32, #tpu.memory_space<vmem>> -> memref<1x128x16xf32, #tpu.memory_space<vmem>>
        %dma_wait3A_239 = tpu.memref_squeeze %dma_wait3A_238 : memref<1x128x16xf32, #tpu.memory_space<vmem>> -> memref<128x16xf32, #tpu.memory_space<vmem>>
        %dma_wait3A_240 = arith.constant 0 : i32
        %dma_wait3A_241 = tpu.memref_slice %arg11[%sub3A_234, %dma_wait3A_240] : memref<159x128xi32, #tpu.memory_space<vmem>> -> memref<1x128xi32, #tpu.memory_space<vmem>>
        %dma_wait3A_242 = tpu.memref_squeeze %dma_wait3A_241 : memref<1x128xi32, #tpu.memory_space<vmem>> -> memref<128xi32, #tpu.memory_space<vmem>>
        %dma_wait3A_243 = arith.constant 0 : i32
        %dma_wait3A_244 = arith.constant 0 : i32
        %dma_wait3A_245 = tpu.memref_slice %arg7[%dma_wait3A_243, %dma_wait3A_244] : memref<10240x16xf32, #tpu.memory_space<vmem_shared>> -> memref<10240x16xf32, #tpu.memory_space<vmem_shared>>
        tpu.wait_indirect_dma semaphore(%arg17 : memref<!tpu.dma_semaphore, #tpu.memory_space<semaphore_mem>>) src(%dma_wait3A_239 : memref<128x16xf32, #tpu.memory_space<vmem>>) dst(%dma_wait3A_245 : memref<10240x16xf32, #tpu.memory_space<vmem_shared>>)
        %add3A_246 = arith.constant 2 : i32
        %add3A_247 = arith.addi %add3A_166, %add3A_246 : i32
        %dma_start3A_248 = arith.constant 0 : i32
        %dma_start3A_249 = arith.constant 0 : i32
        %dma_start3A_250 = arith.constant 0 : i32
        %dma_start3A_251 = tpu.memref_slice %arg9[%dma_start3A_248, %dma_start3A_249, %dma_start3A_250] : memref<3x128x16xf32, #tpu.memory_space<vmem>> -> memref<1x128x16xf32, #tpu.memory_space<vmem>>
        %dma_start3A_252 = tpu.memref_squeeze %dma_start3A_251 : memref<1x128x16xf32, #tpu.memory_space<vmem>> -> memref<128x16xf32, #tpu.memory_space<vmem>>
        %dma_start3A_253 = arith.constant 0 : i32
        %dma_start3A_254 = tpu.memref_slice %arg10[%add3A_247, %dma_start3A_253] : memref<159x128xi32, #tpu.memory_space<vmem>> -> memref<1x128xi32, #tpu.memory_space<vmem>>
        %dma_start3A_255 = tpu.memref_squeeze %dma_start3A_254 : memref<1x128xi32, #tpu.memory_space<vmem>> -> memref<128xi32, #tpu.memory_space<vmem>>
        %dma_start3A_256 = arith.constant 0 : i32
        %dma_start3A_257 = arith.constant 0 : i32
        %dma_start3A_258 = tpu.memref_slice %arg8[%dma_start3A_256, %dma_start3A_257] : memref<10240x16xf32, #tpu.memory_space<vmem_shared>> -> memref<10240x16xf32, #tpu.memory_space<vmem_shared>>
        tpu.enqueue_indirect_dma source(%dma_start3A_258 : memref<10240x16xf32, #tpu.memory_space<vmem_shared>>) target(%dma_start3A_252 : memref<128x16xf32, #tpu.memory_space<vmem>>) offsets(%dma_start3A_255 : memref<128xi32, #tpu.memory_space<vmem>>) semaphore(%arg14 : memref<!tpu.dma_semaphore, #tpu.memory_space<semaphore_mem>>)
      } else {
      }
      %mul3A_198 = arith.constant 3 : i32
      %mul3A_199 = arith.muli %add3A_116, %mul3A_198 : i32
      %add3A_200 = arith.constant 2 : i32
      %add3A_201 = arith.addi %mul3A_199, %add3A_200 : i32
      %dma_wait3A_202 = arith.constant 2 : i32
      %dma_wait3A_203 = arith.constant 0 : i32
      %dma_wait3A_204 = arith.constant 0 : i32
      %dma_wait3A_205 = tpu.memref_slice %arg9[%dma_wait3A_202, %dma_wait3A_203, %dma_wait3A_204] : memref<3x128x16xf32, #tpu.memory_space<vmem>> -> memref<1x128x16xf32, #tpu.memory_space<vmem>>
      %dma_wait3A_206 = tpu.memref_squeeze %dma_wait3A_205 : memref<1x128x16xf32, #tpu.memory_space<vmem>> -> memref<128x16xf32, #tpu.memory_space<vmem>>
      %dma_wait3A_207 = arith.constant 0 : i32
      %dma_wait3A_208 = tpu.memref_slice %arg10[%add3A_201, %dma_wait3A_207] : memref<159x128xi32, #tpu.memory_space<vmem>> -> memref<1x128xi32, #tpu.memory_space<vmem>>
      %dma_wait3A_209 = tpu.memref_squeeze %dma_wait3A_208 : memref<1x128xi32, #tpu.memory_space<vmem>> -> memref<128xi32, #tpu.memory_space<vmem>>
      %dma_wait3A_210 = arith.constant 0 : i32
      %dma_wait3A_211 = arith.constant 0 : i32
      %dma_wait3A_212 = tpu.memref_slice %arg8[%dma_wait3A_210, %dma_wait3A_211] : memref<10240x16xf32, #tpu.memory_space<vmem_shared>> -> memref<10240x16xf32, #tpu.memory_space<vmem_shared>>
      tpu.wait_indirect_dma semaphore(%arg16 : memref<!tpu.dma_semaphore, #tpu.memory_space<semaphore_mem>>) src(%dma_wait3A_212 : memref<10240x16xf32, #tpu.memory_space<vmem_shared>>) dst(%dma_wait3A_206 : memref<128x16xf32, #tpu.memory_space<vmem>>)
      %scan3A_213 = arith.constant 0 : i32
      %scan3A_214 = arith.constant 8 : i32
      %scan3A_215 = arith.addi %scan3A_213, %scan3A_214 : i32
      %scan3A_216 = arith.constant 1 : i32
      scf.for %scan3A_234 = %scan3A_213 to %scan3A_215 step %scan3A_216  : i32 {
        %mul3A_235 = arith.constant 1 : i32
        %mul3A_236 = arith.muli %scan3A_234, %mul3A_235 : i32
        %add3A_237 = arith.constant 0 : i32
        %add3A_238 = arith.addi %add3A_237, %mul3A_236 : i32
        %mul3A_239 = arith.constant 128 : i32
        %mul3A_240 = arith.muli %add3A_201, %mul3A_239 : i32
        %mul3A_241 = arith.constant 16 : i32
        %mul3A_242 = arith.muli %add3A_238, %mul3A_241 : i32
        %add3A_243 = arith.addi %mul3A_240, %mul3A_242 : i32
        %get3A = arith.index_cast %add3A_243 : i32 to index
        %get3A_244 = tpu.vector_load %arg12[%get3A] {strides = array<i32>} : memref<20352xf32, #tpu.memory_space<vmem>>, vector<16xf32>,
        %get3A_245 = vector.shape_cast %get3A_244 : vector<16xf32> to vector<16xf32>
        %broadcast_in_dim3A = arith.constant 0 : i32
        %broadcast_in_dim3A_246 = vector.broadcast %broadcast_in_dim3A : i32 to vector<16x1xi32>
        %gather3A = vector.shape_cast %broadcast_in_dim3A_246 : vector<16x1xi32> to vector<16xi32>
        %gather3A_247 = tpu.dynamic_gather %get3A_245[%gather3A] in [0] : vector<16xf32>, vector<16xi32> -> vector<16xf32>
        %broadcast_in_dim3A_248 = arith.constant 1 : i32
        %broadcast_in_dim3A_249 = vector.broadcast %broadcast_in_dim3A_248 : i32 to vector<16x1xi32>
        %gather3A_250 = vector.shape_cast %broadcast_in_dim3A_249 : vector<16x1xi32> to vector<16xi32>
        %gather3A_251 = tpu.dynamic_gather %get3A_245[%gather3A_250] in [0] : vector<16xf32>, vector<16xi32> -> vector<16xf32>
        %broadcast_in_dim3A_252 = arith.constant 2 : i32
        %broadcast_in_dim3A_253 = vector.broadcast %broadcast_in_dim3A_252 : i32 to vector<16x1xi32>
        %gather3A_254 = vector.shape_cast %broadcast_in_dim3A_253 : vector<16x1xi32> to vector<16xi32>
        %gather3A_255 = tpu.dynamic_gather %get3A_245[%gather3A_254] in [0] : vector<16xf32>, vector<16xi32> -> vector<16xf32>
        %broadcast_in_dim3A_256 = arith.constant 3 : i32
        %broadcast_in_dim3A_257 = vector.broadcast %broadcast_in_dim3A_256 : i32 to vector<16x1xi32>
        %gather3A_258 = vector.shape_cast %broadcast_in_dim3A_257 : vector<16x1xi32> to vector<16xi32>
        %gather3A_259 = tpu.dynamic_gather %get3A_245[%gather3A_258] in [0] : vector<16xf32>, vector<16xi32> -> vector<16xf32>
        %broadcast_in_dim3A_260 = arith.constant 4 : i32
        %broadcast_in_dim3A_261 = vector.broadcast %broadcast_in_dim3A_260 : i32 to vector<16x1xi32>
        %gather3A_262 = vector.shape_cast %broadcast_in_dim3A_261 : vector<16x1xi32> to vector<16xi32>
        %gather3A_263 = tpu.dynamic_gather %get3A_245[%gather3A_262] in [0] : vector<16xf32>, vector<16xi32> -> vector<16xf32>
        %broadcast_in_dim3A_264 = arith.constant 5 : i32
        %broadcast_in_dim3A_265 = vector.broadcast %broadcast_in_dim3A_264 : i32 to vector<16x1xi32>
        %gather3A_266 = vector.shape_cast %broadcast_in_dim3A_265 : vector<16x1xi32> to vector<16xi32>
        %gather3A_267 = tpu.dynamic_gather %get3A_245[%gather3A_266] in [0] : vector<16xf32>, vector<16xi32> -> vector<16xf32>
        %broadcast_in_dim3A_268 = arith.constant 6 : i32
        %broadcast_in_dim3A_269 = vector.broadcast %broadcast_in_dim3A_268 : i32 to vector<16x1xi32>
        %gather3A_270 = vector.shape_cast %broadcast_in_dim3A_269 : vector<16x1xi32> to vector<16xi32>
        %gather3A_271 = tpu.dynamic_gather %get3A_245[%gather3A_270] in [0] : vector<16xf32>, vector<16xi32> -> vector<16xf32>
        %broadcast_in_dim3A_272 = arith.constant 7 : i32
        %broadcast_in_dim3A_273 = vector.broadcast %broadcast_in_dim3A_272 : i32 to vector<16x1xi32>
        %gather3A_274 = vector.shape_cast %broadcast_in_dim3A_273 : vector<16x1xi32> to vector<16xi32>
        %gather3A_275 = tpu.dynamic_gather %get3A_245[%gather3A_274] in [0] : vector<16xf32>, vector<16xi32> -> vector<16xf32>
        %broadcast_in_dim3A_276 = arith.constant 8 : i32
        %broadcast_in_dim3A_277 = vector.broadcast %broadcast_in_dim3A_276 : i32 to vector<16x1xi32>
        %gather3A_278 = vector.shape_cast %broadcast_in_dim3A_277 : vector<16x1xi32> to vector<16xi32>
        %gather3A_279 = tpu.dynamic_gather %get3A_245[%gather3A_278] in [0] : vector<16xf32>, vector<16xi32> -> vector<16xf32>
        %broadcast_in_dim3A_280 = arith.constant 9 : i32
        %broadcast_in_dim3A_281 = vector.broadcast %broadcast_in_dim3A_280 : i32 to vector<16x1xi32>
        %gather3A_282 = vector.shape_cast %broadcast_in_dim3A_281 : vector<16x1xi32> to vector<16xi32>
        %gather3A_283 = tpu.dynamic_gather %get3A_245[%gather3A_282] in [0] : vector<16xf32>, vector<16xi32> -> vector<16xf32>
        %broadcast_in_dim3A_284 = arith.constant 10 : i32
        %broadcast_in_dim3A_285 = vector.broadcast %broadcast_in_dim3A_284 : i32 to vector<16x1xi32>
        %gather3A_286 = vector.shape_cast %broadcast_in_dim3A_285 : vector<16x1xi32> to vector<16xi32>
        %gather3A_287 = tpu.dynamic_gather %get3A_245[%gather3A_286] in [0] : vector<16xf32>, vector<16xi32> -> vector<16xf32>
        %broadcast_in_dim3A_288 = arith.constant 11 : i32
        %broadcast_in_dim3A_289 = vector.broadcast %broadcast_in_dim3A_288 : i32 to vector<16x1xi32>
        %gather3A_290 = vector.shape_cast %broadcast_in_dim3A_289 : vector<16x1xi32> to vector<16xi32>
        %gather3A_291 = tpu.dynamic_gather %get3A_245[%gather3A_290] in [0] : vector<16xf32>, vector<16xi32> -> vector<16xf32>
        %broadcast_in_dim3A_292 = arith.constant 12 : i32
        %broadcast_in_dim3A_293 = vector.broadcast %broadcast_in_dim3A_292 : i32 to vector<16x1xi32>
        %gather3A_294 = vector.shape_cast %broadcast_in_dim3A_293 : vector<16x1xi32> to vector<16xi32>
        %gather3A_295 = tpu.dynamic_gather %get3A_245[%gather3A_294] in [0] : vector<16xf32>, vector<16xi32> -> vector<16xf32>
        %broadcast_in_dim3A_296 = arith.constant 13 : i32
        %broadcast_in_dim3A_297 = vector.broadcast %broadcast_in_dim3A_296 : i32 to vector<16x1xi32>
        %gather3A_298 = vector.shape_cast %broadcast_in_dim3A_297 : vector<16x1xi32> to vector<16xi32>
        %gather3A_299 = tpu.dynamic_gather %get3A_245[%gather3A_298] in [0] : vector<16xf32>, vector<16xi32> -> vector<16xf32>
        %broadcast_in_dim3A_300 = arith.constant 14 : i32
        %broadcast_in_dim3A_301 = vector.broadcast %broadcast_in_dim3A_300 : i32 to vector<16x1xi32>
        %gather3A_302 = vector.shape_cast %broadcast_in_dim3A_301 : vector<16x1xi32> to vector<16xi32>
        %gather3A_303 = tpu.dynamic_gather %get3A_245[%gather3A_302] in [0] : vector<16xf32>, vector<16xi32> -> vector<16xf32>
        %broadcast_in_dim3A_304 = arith.constant 15 : i32
        %broadcast_in_dim3A_305 = vector.broadcast %broadcast_in_dim3A_304 : i32 to vector<16x1xi32>
        %gather3A_306 = vector.shape_cast %broadcast_in_dim3A_305 : vector<16x1xi32> to vector<16xi32>
        %gather3A_307 = tpu.dynamic_gather %get3A_245[%gather3A_306] in [0] : vector<16xf32>, vector<16xi32> -> vector<16xf32>
        %mul3A_308 = arith.constant 16 : i32
        %mul3A_309 = arith.muli %add3A_238, %mul3A_308 : i32
        %add3A_310 = arith.constant 0 : i32
        %add3A_311 = arith.addi %mul3A_309, %add3A_310 : i32
        %get3A_312 = arith.constant 2 : i32
        %get3A_313 = arith.index_cast %get3A_312 : i32 to index
        %get3A_314 = arith.index_cast %add3A_311 : i32 to index
        %get3A_315 = arith.constant 0 : index
        %get3A_316 = tpu.vector_load %arg9[%get3A_313, %get3A_314, %get3A_315] {strides = array<i32>} : memref<3x128x16xf32, #tpu.memory_space<vmem>>, vector<1x1x16xf32>,
        %get3A_317 = vector.shape_cast %get3A_316 : vector<1x1x16xf32> to vector<16xf32>
        %mul3A_318 = arith.mulf %get3A_317, %gather3A_247 : vector<16xf32>
        %mul3A_319 = arith.constant 16 : i32
        %mul3A_320 = arith.muli %add3A_238, %mul3A_319 : i32
        %add3A_321 = arith.constant 1 : i32
        %add3A_322 = arith.addi %mul3A_320, %add3A_321 : i32
        %get3A_323 = arith.constant 2 : i32
        %get3A_324 = arith.index_cast %get3A_323 : i32 to index
        %get3A_325 = arith.index_cast %add3A_322 : i32 to index
        %get3A_326 = arith.constant 0 : index
        %get3A_327 = tpu.vector_load %arg9[%get3A_324, %get3A_325, %get3A_326] {strides = array<i32>} : memref<3x128x16xf32, #tpu.memory_space<vmem>>, vector<1x1x16xf32>,
        %get3A_328 = vector.shape_cast %get3A_327 : vector<1x1x16xf32> to vector<16xf32>
        %mul3A_329 = arith.mulf %get3A_328, %gather3A_251 : vector<16xf32>
        %mul3A_330 = arith.constant 16 : i32
        %mul3A_331 = arith.muli %add3A_238, %mul3A_330 : i32
        %add3A_332 = arith.constant 2 : i32
        %add3A_333 = arith.addi %mul3A_331, %add3A_332 : i32
        %get3A_334 = arith.constant 2 : i32
        %get3A_335 = arith.index_cast %get3A_334 : i32 to index
        %get3A_336 = arith.index_cast %add3A_333 : i32 to index
        %get3A_337 = arith.constant 0 : index
        %get3A_338 = tpu.vector_load %arg9[%get3A_335, %get3A_336, %get3A_337] {strides = array<i32>} : memref<3x128x16xf32, #tpu.memory_space<vmem>>, vector<1x1x16xf32>,
        %get3A_339 = vector.shape_cast %get3A_338 : vector<1x1x16xf32> to vector<16xf32>
        %mul3A_340 = arith.mulf %get3A_339, %gather3A_255 : vector<16xf32>
        %mul3A_341 = arith.constant 16 : i32
        %mul3A_342 = arith.muli %add3A_238, %mul3A_341 : i32
        %add3A_343 = arith.constant 3 : i32
        %add3A_344 = arith.addi %mul3A_342, %add3A_343 : i32
        %get3A_345 = arith.constant 2 : i32
        %get3A_346 = arith.index_cast %get3A_345 : i32 to index
        %get3A_347 = arith.index_cast %add3A_344 : i32 to index
        %get3A_348 = arith.constant 0 : index
        %get3A_349 = tpu.vector_load %arg9[%get3A_346, %get3A_347, %get3A_348] {strides = array<i32>} : memref<3x128x16xf32, #tpu.memory_space<vmem>>, vector<1x1x16xf32>,
        %get3A_350 = vector.shape_cast %get3A_349 : vector<1x1x16xf32> to vector<16xf32>
        %mul3A_351 = arith.mulf %get3A_350, %gather3A_259 : vector<16xf32>
        %mul3A_352 = arith.constant 16 : i32
        %mul3A_353 = arith.muli %add3A_238, %mul3A_352 : i32
        %add3A_354 = arith.constant 4 : i32
        %add3A_355 = arith.addi %mul3A_353, %add3A_354 : i32
        %get3A_356 = arith.constant 2 : i32
        %get3A_357 = arith.index_cast %get3A_356 : i32 to index
        %get3A_358 = arith.index_cast %add3A_355 : i32 to index
        %get3A_359 = arith.constant 0 : index
        %get3A_360 = tpu.vector_load %arg9[%get3A_357, %get3A_358, %get3A_359] {strides = array<i32>} : memref<3x128x16xf32, #tpu.memory_space<vmem>>, vector<1x1x16xf32>,
        %get3A_361 = vector.shape_cast %get3A_360 : vector<1x1x16xf32> to vector<16xf32>
        %mul3A_362 = arith.mulf %get3A_361, %gather3A_263 : vector<16xf32>
        %mul3A_363 = arith.constant 16 : i32
        %mul3A_364 = arith.muli %add3A_238, %mul3A_363 : i32
        %add3A_365 = arith.constant 5 : i32
        %add3A_366 = arith.addi %mul3A_364, %add3A_365 : i32
        %get3A_367 = arith.constant 2 : i32
        %get3A_368 = arith.index_cast %get3A_367 : i32 to index
        %get3A_369 = arith.index_cast %add3A_366 : i32 to index
        %get3A_370 = arith.constant 0 : index
        %get3A_371 = tpu.vector_load %arg9[%get3A_368, %get3A_369, %get3A_370] {strides = array<i32>} : memref<3x128x16xf32, #tpu.memory_space<vmem>>, vector<1x1x16xf32>,
        %get3A_372 = vector.shape_cast %get3A_371 : vector<1x1x16xf32> to vector<16xf32>
        %mul3A_373 = arith.mulf %get3A_372, %gather3A_267 : vector<16xf32>
        %mul3A_374 = arith.constant 16 : i32
        %mul3A_375 = arith.muli %add3A_238, %mul3A_374 : i32
        %add3A_376 = arith.constant 6 : i32
        %add3A_377 = arith.addi %mul3A_375, %add3A_376 : i32
        %get3A_378 = arith.constant 2 : i32
        %get3A_379 = arith.index_cast %get3A_378 : i32 to index
        %get3A_380 = arith.index_cast %add3A_377 : i32 to index
        %get3A_381 = arith.constant 0 : index
        %get3A_382 = tpu.vector_load %arg9[%get3A_379, %get3A_380, %get3A_381] {strides = array<i32>} : memref<3x128x16xf32, #tpu.memory_space<vmem>>, vector<1x1x16xf32>,
        %get3A_383 = vector.shape_cast %get3A_382 : vector<1x1x16xf32> to vector<16xf32>
        %mul3A_384 = arith.mulf %get3A_383, %gather3A_271 : vector<16xf32>
        %mul3A_385 = arith.constant 16 : i32
        %mul3A_386 = arith.muli %add3A_238, %mul3A_385 : i32
        %add3A_387 = arith.constant 7 : i32
        %add3A_388 = arith.addi %mul3A_386, %add3A_387 : i32
        %get3A_389 = arith.constant 2 : i32
        %get3A_390 = arith.index_cast %get3A_389 : i32 to index
        %get3A_391 = arith.index_cast %add3A_388 : i32 to index
        %get3A_392 = arith.constant 0 : index
        %get3A_393 = tpu.vector_load %arg9[%get3A_390, %get3A_391, %get3A_392] {strides = array<i32>} : memref<3x128x16xf32, #tpu.memory_space<vmem>>, vector<1x1x16xf32>,
        %get3A_394 = vector.shape_cast %get3A_393 : vector<1x1x16xf32> to vector<16xf32>
        %mul3A_395 = arith.mulf %get3A_394, %gather3A_275 : vector<16xf32>
        %mul3A_396 = arith.constant 16 : i32
        %mul3A_397 = arith.muli %add3A_238, %mul3A_396 : i32
        %add3A_398 = arith.constant 8 : i32
        %add3A_399 = arith.addi %mul3A_397, %add3A_398 : i32
        %get3A_400 = arith.constant 2 : i32
        %get3A_401 = arith.index_cast %get3A_400 : i32 to index
        %get3A_402 = arith.index_cast %add3A_399 : i32 to index
        %get3A_403 = arith.constant 0 : index
        %get3A_404 = tpu.vector_load %arg9[%get3A_401, %get3A_402, %get3A_403] {strides = array<i32>} : memref<3x128x16xf32, #tpu.memory_space<vmem>>, vector<1x1x16xf32>,
        %get3A_405 = vector.shape_cast %get3A_404 : vector<1x1x16xf32> to vector<16xf32>
        %mul3A_406 = arith.mulf %get3A_405, %gather3A_279 : vector<16xf32>
        %mul3A_407 = arith.constant 16 : i32
        %mul3A_408 = arith.muli %add3A_238, %mul3A_407 : i32
        %add3A_409 = arith.constant 9 : i32
        %add3A_410 = arith.addi %mul3A_408, %add3A_409 : i32
        %get3A_411 = arith.constant 2 : i32
        %get3A_412 = arith.index_cast %get3A_411 : i32 to index
        %get3A_413 = arith.index_cast %add3A_410 : i32 to index
        %get3A_414 = arith.constant 0 : index
        %get3A_415 = tpu.vector_load %arg9[%get3A_412, %get3A_413, %get3A_414] {strides = array<i32>} : memref<3x128x16xf32, #tpu.memory_space<vmem>>, vector<1x1x16xf32>,
        %get3A_416 = vector.shape_cast %get3A_415 : vector<1x1x16xf32> to vector<16xf32>
        %mul3A_417 = arith.mulf %get3A_416, %gather3A_283 : vector<16xf32>
        %mul3A_418 = arith.constant 16 : i32
        %mul3A_419 = arith.muli %add3A_238, %mul3A_418 : i32
        %add3A_420 = arith.constant 10 : i32
        %add3A_421 = arith.addi %mul3A_419, %add3A_420 : i32
        %get3A_422 = arith.constant 2 : i32
        %get3A_423 = arith.index_cast %get3A_422 : i32 to index
        %get3A_424 = arith.index_cast %add3A_421 : i32 to index
        %get3A_425 = arith.constant 0 : index
        %get3A_426 = tpu.vector_load %arg9[%get3A_423, %get3A_424, %get3A_425] {strides = array<i32>} : memref<3x128x16xf32, #tpu.memory_space<vmem>>, vector<1x1x16xf32>,
        %get3A_427 = vector.shape_cast %get3A_426 : vector<1x1x16xf32> to vector<16xf32>
        %mul3A_428 = arith.mulf %get3A_427, %gather3A_287 : vector<16xf32>
        %mul3A_429 = arith.constant 16 : i32
        %mul3A_430 = arith.muli %add3A_238, %mul3A_429 : i32
        %add3A_431 = arith.constant 11 : i32
        %add3A_432 = arith.addi %mul3A_430, %add3A_431 : i32
        %get3A_433 = arith.constant 2 : i32
        %get3A_434 = arith.index_cast %get3A_433 : i32 to index
        %get3A_435 = arith.index_cast %add3A_432 : i32 to index
        %get3A_436 = arith.constant 0 : index
        %get3A_437 = tpu.vector_load %arg9[%get3A_434, %get3A_435, %get3A_436] {strides = array<i32>} : memref<3x128x16xf32, #tpu.memory_space<vmem>>, vector<1x1x16xf32>,
        %get3A_438 = vector.shape_cast %get3A_437 : vector<1x1x16xf32> to vector<16xf32>
        %mul3A_439 = arith.mulf %get3A_438, %gather3A_291 : vector<16xf32>
        %mul3A_440 = arith.constant 16 : i32
        %mul3A_441 = arith.muli %add3A_238, %mul3A_440 : i32
        %add3A_442 = arith.constant 12 : i32
        %add3A_443 = arith.addi %mul3A_441, %add3A_442 : i32
        %get3A_444 = arith.constant 2 : i32
        %get3A_445 = arith.index_cast %get3A_444 : i32 to index
        %get3A_446 = arith.index_cast %add3A_443 : i32 to index
        %get3A_447 = arith.constant 0 : index
        %get3A_448 = tpu.vector_load %arg9[%get3A_445, %get3A_446, %get3A_447] {strides = array<i32>} : memref<3x128x16xf32, #tpu.memory_space<vmem>>, vector<1x1x16xf32>,
        %get3A_449 = vector.shape_cast %get3A_448 : vector<1x1x16xf32> to vector<16xf32>
        %mul3A_450 = arith.mulf %get3A_449, %gather3A_295 : vector<16xf32>
        %mul3A_451 = arith.constant 16 : i32
        %mul3A_452 = arith.muli %add3A_238, %mul3A_451 : i32
        %add3A_453 = arith.constant 13 : i32
        %add3A_454 = arith.addi %mul3A_452, %add3A_453 : i32
        %get3A_455 = arith.constant 2 : i32
        %get3A_456 = arith.index_cast %get3A_455 : i32 to index
        %get3A_457 = arith.index_cast %add3A_454 : i32 to index
        %get3A_458 = arith.constant 0 : index
        %get3A_459 = tpu.vector_load %arg9[%get3A_456, %get3A_457, %get3A_458] {strides = array<i32>} : memref<3x128x16xf32, #tpu.memory_space<vmem>>, vector<1x1x16xf32>,
        %get3A_460 = vector.shape_cast %get3A_459 : vector<1x1x16xf32> to vector<16xf32>
        %mul3A_461 = arith.mulf %get3A_460, %gather3A_299 : vector<16xf32>
        %mul3A_462 = arith.constant 16 : i32
        %mul3A_463 = arith.muli %add3A_238, %mul3A_462 : i32
        %add3A_464 = arith.constant 14 : i32
        %add3A_465 = arith.addi %mul3A_463, %add3A_464 : i32
        %get3A_466 = arith.constant 2 : i32
        %get3A_467 = arith.index_cast %get3A_466 : i32 to index
        %get3A_468 = arith.index_cast %add3A_465 : i32 to index
        %get3A_469 = arith.constant 0 : index
        %get3A_470 = tpu.vector_load %arg9[%get3A_467, %get3A_468, %get3A_469] {strides = array<i32>} : memref<3x128x16xf32, #tpu.memory_space<vmem>>, vector<1x1x16xf32>,
        %get3A_471 = vector.shape_cast %get3A_470 : vector<1x1x16xf32> to vector<16xf32>
        %mul3A_472 = arith.mulf %get3A_471, %gather3A_303 : vector<16xf32>
        %mul3A_473 = arith.constant 16 : i32
        %mul3A_474 = arith.muli %add3A_238, %mul3A_473 : i32
        %add3A_475 = arith.constant 15 : i32
        %add3A_476 = arith.addi %mul3A_474, %add3A_475 : i32
        %get3A_477 = arith.constant 2 : i32
        %get3A_478 = arith.index_cast %get3A_477 : i32 to index
        %get3A_479 = arith.index_cast %add3A_476 : i32 to index
        %get3A_480 = arith.constant 0 : index
        %get3A_481 = tpu.vector_load %arg9[%get3A_478, %get3A_479, %get3A_480] {strides = array<i32>} : memref<3x128x16xf32, #tpu.memory_space<vmem>>, vector<1x1x16xf32>,
        %get3A_482 = vector.shape_cast %get3A_481 : vector<1x1x16xf32> to vector<16xf32>
        %mul3A_483 = arith.mulf %get3A_482, %gather3A_307 : vector<16xf32>
        %mul3A_484 = arith.constant 16 : i32
        %mul3A_485 = arith.muli %add3A_238, %mul3A_484 : i32
        %add3A_486 = arith.constant 0 : i32
        %add3A_487 = arith.addi %mul3A_485, %add3A_486 : i32
        %swap3A = arith.constant 2 : i32
        %swap3A_488 = arith.index_cast %swap3A : i32 to index
        %swap3A_489 = arith.index_cast %add3A_487 : i32 to index
        %swap3A_490 = arith.constant 0 : index
        %swap3A_491 = tpu.vector_load %arg9[%swap3A_488, %swap3A_489, %swap3A_490] {strides = array<i32>} : memref<3x128x16xf32, #tpu.memory_space<vmem>>, vector<1x1x16xf32>,
        %swap3A_492 = vector.shape_cast %swap3A_491 : vector<1x1x16xf32> to vector<16xf32>
        %swap3A_493 = vector.shape_cast %mul3A_318 : vector<16xf32> to vector<1x1x16xf32>
        tpu.vector_store %arg9[%swap3A_488, %swap3A_489, %swap3A_490], %swap3A_493 {strides = array<i32>} : memref<3x128x16xf32, #tpu.memory_space<vmem>>, vector<1x1x16xf32>,
        %mul3A_494 = arith.constant 16 : i32
        %mul3A_495 = arith.muli %add3A_238, %mul3A_494 : i32
        %add3A_496 = arith.constant 1 : i32
        %add3A_497 = arith.addi %mul3A_495, %add3A_496 : i32
        %swap3A_498 = arith.constant 2 : i32
        %swap3A_499 = arith.index_cast %swap3A_498 : i32 to index
        %swap3A_500 = arith.index_cast %add3A_497 : i32 to index
        %swap3A_501 = arith.constant 0 : index
        %swap3A_502 = tpu.vector_load %arg9[%swap3A_499, %swap3A_500, %swap3A_501] {strides = array<i32>} : memref<3x128x16xf32, #tpu.memory_space<vmem>>, vector<1x1x16xf32>,
        %swap3A_503 = vector.shape_cast %swap3A_502 : vector<1x1x16xf32> to vector<16xf32>
        %swap3A_504 = vector.shape_cast %mul3A_329 : vector<16xf32> to vector<1x1x16xf32>
        tpu.vector_store %arg9[%swap3A_499, %swap3A_500, %swap3A_501], %swap3A_504 {strides = array<i32>} : memref<3x128x16xf32, #tpu.memory_space<vmem>>, vector<1x1x16xf32>,
        %mul3A_505 = arith.constant 16 : i32
        %mul3A_506 = arith.muli %add3A_238, %mul3A_505 : i32
        %add3A_507 = arith.constant 2 : i32
        %add3A_508 = arith.addi %mul3A_506, %add3A_507 : i32
        %swap3A_509 = arith.constant 2 : i32
        %swap3A_510 = arith.index_cast %swap3A_509 : i32 to index
        %swap3A_511 = arith.index_cast %add3A_508 : i32 to index
        %swap3A_512 = arith.constant 0 : index
        %swap3A_513 = tpu.vector_load %arg9[%swap3A_510, %swap3A_511, %swap3A_512] {strides = array<i32>} : memref<3x128x16xf32, #tpu.memory_space<vmem>>, vector<1x1x16xf32>,
        %swap3A_514 = vector.shape_cast %swap3A_513 : vector<1x1x16xf32> to vector<16xf32>
        %swap3A_515 = vector.shape_cast %mul3A_340 : vector<16xf32> to vector<1x1x16xf32>
        tpu.vector_store %arg9[%swap3A_510, %swap3A_511, %swap3A_512], %swap3A_515 {strides = array<i32>} : memref<3x128x16xf32, #tpu.memory_space<vmem>>, vector<1x1x16xf32>,
        %mul3A_516 = arith.constant 16 : i32
        %mul3A_517 = arith.muli %add3A_238, %mul3A_516 : i32
        %add3A_518 = arith.constant 3 : i32
        %add3A_519 = arith.addi %mul3A_517, %add3A_518 : i32
        %swap3A_520 = arith.constant 2 : i32
        %swap3A_521 = arith.index_cast %swap3A_520 : i32 to index
        %swap3A_522 = arith.index_cast %add3A_519 : i32 to index
        %swap3A_523 = arith.constant 0 : index
        %swap3A_524 = tpu.vector_load %arg9[%swap3A_521, %swap3A_522, %swap3A_523] {strides = array<i32>} : memref<3x128x16xf32, #tpu.memory_space<vmem>>, vector<1x1x16xf32>,
        %swap3A_525 = vector.shape_cast %swap3A_524 : vector<1x1x16xf32> to vector<16xf32>
        %swap3A_526 = vector.shape_cast %mul3A_351 : vector<16xf32> to vector<1x1x16xf32>
        tpu.vector_store %arg9[%swap3A_521, %swap3A_522, %swap3A_523], %swap3A_526 {strides = array<i32>} : memref<3x128x16xf32, #tpu.memory_space<vmem>>, vector<1x1x16xf32>,
        %mul3A_527 = arith.constant 16 : i32
        %mul3A_528 = arith.muli %add3A_238, %mul3A_527 : i32
        %add3A_529 = arith.constant 4 : i32
        %add3A_530 = arith.addi %mul3A_528, %add3A_529 : i32
        %swap3A_531 = arith.constant 2 : i32
        %swap3A_532 = arith.index_cast %swap3A_531 : i32 to index
        %swap3A_533 = arith.index_cast %add3A_530 : i32 to index
        %swap3A_534 = arith.constant 0 : index
        %swap3A_535 = tpu.vector_load %arg9[%swap3A_532, %swap3A_533, %swap3A_534] {strides = array<i32>} : memref<3x128x16xf32, #tpu.memory_space<vmem>>, vector<1x1x16xf32>,
        %swap3A_536 = vector.shape_cast %swap3A_535 : vector<1x1x16xf32> to vector<16xf32>
        %swap3A_537 = vector.shape_cast %mul3A_362 : vector<16xf32> to vector<1x1x16xf32>
        tpu.vector_store %arg9[%swap3A_532, %swap3A_533, %swap3A_534], %swap3A_537 {strides = array<i32>} : memref<3x128x16xf32, #tpu.memory_space<vmem>>, vector<1x1x16xf32>,
        %mul3A_538 = arith.constant 16 : i32
        %mul3A_539 = arith.muli %add3A_238, %mul3A_538 : i32
        %add3A_540 = arith.constant 5 : i32
        %add3A_541 = arith.addi %mul3A_539, %add3A_540 : i32
        %swap3A_542 = arith.constant 2 : i32
        %swap3A_543 = arith.index_cast %swap3A_542 : i32 to index
        %swap3A_544 = arith.index_cast %add3A_541 : i32 to index
        %swap3A_545 = arith.constant 0 : index
        %swap3A_546 = tpu.vector_load %arg9[%swap3A_543, %swap3A_544, %swap3A_545] {strides = array<i32>} : memref<3x128x16xf32, #tpu.memory_space<vmem>>, vector<1x1x16xf32>,
        %swap3A_547 = vector.shape_cast %swap3A_546 : vector<1x1x16xf32> to vector<16xf32>
        %swap3A_548 = vector.shape_cast %mul3A_373 : vector<16xf32> to vector<1x1x16xf32>
        tpu.vector_store %arg9[%swap3A_543, %swap3A_544, %swap3A_545], %swap3A_548 {strides = array<i32>} : memref<3x128x16xf32, #tpu.memory_space<vmem>>, vector<1x1x16xf32>,
        %mul3A_549 = arith.constant 16 : i32
        %mul3A_550 = arith.muli %add3A_238, %mul3A_549 : i32
        %add3A_551 = arith.constant 6 : i32
        %add3A_552 = arith.addi %mul3A_550, %add3A_551 : i32
        %swap3A_553 = arith.constant 2 : i32
        %swap3A_554 = arith.index_cast %swap3A_553 : i32 to index
        %swap3A_555 = arith.index_cast %add3A_552 : i32 to index
        %swap3A_556 = arith.constant 0 : index
        %swap3A_557 = tpu.vector_load %arg9[%swap3A_554, %swap3A_555, %swap3A_556] {strides = array<i32>} : memref<3x128x16xf32, #tpu.memory_space<vmem>>, vector<1x1x16xf32>,
        %swap3A_558 = vector.shape_cast %swap3A_557 : vector<1x1x16xf32> to vector<16xf32>
        %swap3A_559 = vector.shape_cast %mul3A_384 : vector<16xf32> to vector<1x1x16xf32>
        tpu.vector_store %arg9[%swap3A_554, %swap3A_555, %swap3A_556], %swap3A_559 {strides = array<i32>} : memref<3x128x16xf32, #tpu.memory_space<vmem>>, vector<1x1x16xf32>,
        %mul3A_560 = arith.constant 16 : i32
        %mul3A_561 = arith.muli %add3A_238, %mul3A_560 : i32
        %add3A_562 = arith.constant 7 : i32
        %add3A_563 = arith.addi %mul3A_561, %add3A_562 : i32
        %swap3A_564 = arith.constant 2 : i32
        %swap3A_565 = arith.index_cast %swap3A_564 : i32 to index
        %swap3A_566 = arith.index_cast %add3A_563 : i32 to index
        %swap3A_567 = arith.constant 0 : index
        %swap3A_568 = tpu.vector_load %arg9[%swap3A_565, %swap3A_566, %swap3A_567] {strides = array<i32>} : memref<3x128x16xf32, #tpu.memory_space<vmem>>, vector<1x1x16xf32>,
        %swap3A_569 = vector.shape_cast %swap3A_568 : vector<1x1x16xf32> to vector<16xf32>
        %swap3A_570 = vector.shape_cast %mul3A_395 : vector<16xf32> to vector<1x1x16xf32>
        tpu.vector_store %arg9[%swap3A_565, %swap3A_566, %swap3A_567], %swap3A_570 {strides = array<i32>} : memref<3x128x16xf32, #tpu.memory_space<vmem>>, vector<1x1x16xf32>,
        %mul3A_571 = arith.constant 16 : i32
        %mul3A_572 = arith.muli %add3A_238, %mul3A_571 : i32
        %add3A_573 = arith.constant 8 : i32
        %add3A_574 = arith.addi %mul3A_572, %add3A_573 : i32
        %swap3A_575 = arith.constant 2 : i32
        %swap3A_576 = arith.index_cast %swap3A_575 : i32 to index
        %swap3A_577 = arith.index_cast %add3A_574 : i32 to index
        %swap3A_578 = arith.constant 0 : index
        %swap3A_579 = tpu.vector_load %arg9[%swap3A_576, %swap3A_577, %swap3A_578] {strides = array<i32>} : memref<3x128x16xf32, #tpu.memory_space<vmem>>, vector<1x1x16xf32>,
        %swap3A_580 = vector.shape_cast %swap3A_579 : vector<1x1x16xf32> to vector<16xf32>
        %swap3A_581 = vector.shape_cast %mul3A_406 : vector<16xf32> to vector<1x1x16xf32>
        tpu.vector_store %arg9[%swap3A_576, %swap3A_577, %swap3A_578], %swap3A_581 {strides = array<i32>} : memref<3x128x16xf32, #tpu.memory_space<vmem>>, vector<1x1x16xf32>,
        %mul3A_582 = arith.constant 16 : i32
        %mul3A_583 = arith.muli %add3A_238, %mul3A_582 : i32
        %add3A_584 = arith.constant 9 : i32
        %add3A_585 = arith.addi %mul3A_583, %add3A_584 : i32
        %swap3A_586 = arith.constant 2 : i32
        %swap3A_587 = arith.index_cast %swap3A_586 : i32 to index
        %swap3A_588 = arith.index_cast %add3A_585 : i32 to index
        %swap3A_589 = arith.constant 0 : index
        %swap3A_590 = tpu.vector_load %arg9[%swap3A_587, %swap3A_588, %swap3A_589] {strides = array<i32>} : memref<3x128x16xf32, #tpu.memory_space<vmem>>, vector<1x1x16xf32>,
        %swap3A_591 = vector.shape_cast %swap3A_590 : vector<1x1x16xf32> to vector<16xf32>
        %swap3A_592 = vector.shape_cast %mul3A_417 : vector<16xf32> to vector<1x1x16xf32>
        tpu.vector_store %arg9[%swap3A_587, %swap3A_588, %swap3A_589], %swap3A_592 {strides = array<i32>} : memref<3x128x16xf32, #tpu.memory_space<vmem>>, vector<1x1x16xf32>,
        %mul3A_593 = arith.constant 16 : i32
        %mul3A_594 = arith.muli %add3A_238, %mul3A_593 : i32
        %add3A_595 = arith.constant 10 : i32
        %add3A_596 = arith.addi %mul3A_594, %add3A_595 : i32
        %swap3A_597 = arith.constant 2 : i32
        %swap3A_598 = arith.index_cast %swap3A_597 : i32 to index
        %swap3A_599 = arith.index_cast %add3A_596 : i32 to index
        %swap3A_600 = arith.constant 0 : index
        %swap3A_601 = tpu.vector_load %arg9[%swap3A_598, %swap3A_599, %swap3A_600] {strides = array<i32>} : memref<3x128x16xf32, #tpu.memory_space<vmem>>, vector<1x1x16xf32>,
        %swap3A_602 = vector.shape_cast %swap3A_601 : vector<1x1x16xf32> to vector<16xf32>
        %swap3A_603 = vector.shape_cast %mul3A_428 : vector<16xf32> to vector<1x1x16xf32>
        tpu.vector_store %arg9[%swap3A_598, %swap3A_599, %swap3A_600], %swap3A_603 {strides = array<i32>} : memref<3x128x16xf32, #tpu.memory_space<vmem>>, vector<1x1x16xf32>,
        %mul3A_604 = arith.constant 16 : i32
        %mul3A_605 = arith.muli %add3A_238, %mul3A_604 : i32
        %add3A_606 = arith.constant 11 : i32
        %add3A_607 = arith.addi %mul3A_605, %add3A_606 : i32
        %swap3A_608 = arith.constant 2 : i32
        %swap3A_609 = arith.index_cast %swap3A_608 : i32 to index
        %swap3A_610 = arith.index_cast %add3A_607 : i32 to index
        %swap3A_611 = arith.constant 0 : index
        %swap3A_612 = tpu.vector_load %arg9[%swap3A_609, %swap3A_610, %swap3A_611] {strides = array<i32>} : memref<3x128x16xf32, #tpu.memory_space<vmem>>, vector<1x1x16xf32>,
        %swap3A_613 = vector.shape_cast %swap3A_612 : vector<1x1x16xf32> to vector<16xf32>
        %swap3A_614 = vector.shape_cast %mul3A_439 : vector<16xf32> to vector<1x1x16xf32>
        tpu.vector_store %arg9[%swap3A_609, %swap3A_610, %swap3A_611], %swap3A_614 {strides = array<i32>} : memref<3x128x16xf32, #tpu.memory_space<vmem>>, vector<1x1x16xf32>,
        %mul3A_615 = arith.constant 16 : i32
        %mul3A_616 = arith.muli %add3A_238, %mul3A_615 : i32
        %add3A_617 = arith.constant 12 : i32
        %add3A_618 = arith.addi %mul3A_616, %add3A_617 : i32
        %swap3A_619 = arith.constant 2 : i32
        %swap3A_620 = arith.index_cast %swap3A_619 : i32 to index
        %swap3A_621 = arith.index_cast %add3A_618 : i32 to index
        %swap3A_622 = arith.constant 0 : index
        %swap3A_623 = tpu.vector_load %arg9[%swap3A_620, %swap3A_621, %swap3A_622] {strides = array<i32>} : memref<3x128x16xf32, #tpu.memory_space<vmem>>, vector<1x1x16xf32>,
        %swap3A_624 = vector.shape_cast %swap3A_623 : vector<1x1x16xf32> to vector<16xf32>
        %swap3A_625 = vector.shape_cast %mul3A_450 : vector<16xf32> to vector<1x1x16xf32>
        tpu.vector_store %arg9[%swap3A_620, %swap3A_621, %swap3A_622], %swap3A_625 {strides = array<i32>} : memref<3x128x16xf32, #tpu.memory_space<vmem>>, vector<1x1x16xf32>,
        %mul3A_626 = arith.constant 16 : i32
        %mul3A_627 = arith.muli %add3A_238, %mul3A_626 : i32
        %add3A_628 = arith.constant 13 : i32
        %add3A_629 = arith.addi %mul3A_627, %add3A_628 : i32
        %swap3A_630 = arith.constant 2 : i32
        %swap3A_631 = arith.index_cast %swap3A_630 : i32 to index
        %swap3A_632 = arith.index_cast %add3A_629 : i32 to index
        %swap3A_633 = arith.constant 0 : index
        %swap3A_634 = tpu.vector_load %arg9[%swap3A_631, %swap3A_632, %swap3A_633] {strides = array<i32>} : memref<3x128x16xf32, #tpu.memory_space<vmem>>, vector<1x1x16xf32>,
        %swap3A_635 = vector.shape_cast %swap3A_634 : vector<1x1x16xf32> to vector<16xf32>
        %swap3A_636 = vector.shape_cast %mul3A_461 : vector<16xf32> to vector<1x1x16xf32>
        tpu.vector_store %arg9[%swap3A_631, %swap3A_632, %swap3A_633], %swap3A_636 {strides = array<i32>} : memref<3x128x16xf32, #tpu.memory_space<vmem>>, vector<1x1x16xf32>,
        %mul3A_637 = arith.constant 16 : i32
        %mul3A_638 = arith.muli %add3A_238, %mul3A_637 : i32
        %add3A_639 = arith.constant 14 : i32
        %add3A_640 = arith.addi %mul3A_638, %add3A_639 : i32
        %swap3A_641 = arith.constant 2 : i32
        %swap3A_642 = arith.index_cast %swap3A_641 : i32 to index
        %swap3A_643 = arith.index_cast %add3A_640 : i32 to index
        %swap3A_644 = arith.constant 0 : index
        %swap3A_645 = tpu.vector_load %arg9[%swap3A_642, %swap3A_643, %swap3A_644] {strides = array<i32>} : memref<3x128x16xf32, #tpu.memory_space<vmem>>, vector<1x1x16xf32>,
        %swap3A_646 = vector.shape_cast %swap3A_645 : vector<1x1x16xf32> to vector<16xf32>
        %swap3A_647 = vector.shape_cast %mul3A_472 : vector<16xf32> to vector<1x1x16xf32>
        tpu.vector_store %arg9[%swap3A_642, %swap3A_643, %swap3A_644], %swap3A_647 {strides = array<i32>} : memref<3x128x16xf32, #tpu.memory_space<vmem>>, vector<1x1x16xf32>,
        %mul3A_648 = arith.constant 16 : i32
        %mul3A_649 = arith.muli %add3A_238, %mul3A_648 : i32
        %add3A_650 = arith.constant 15 : i32
        %add3A_651 = arith.addi %mul3A_649, %add3A_650 : i32
        %swap3A_652 = arith.constant 2 : i32
        %swap3A_653 = arith.index_cast %swap3A_652 : i32 to index
        %swap3A_654 = arith.index_cast %add3A_651 : i32 to index
        %swap3A_655 = arith.constant 0 : index
        %swap3A_656 = tpu.vector_load %arg9[%swap3A_653, %swap3A_654, %swap3A_655] {strides = array<i32>} : memref<3x128x16xf32, #tpu.memory_space<vmem>>, vector<1x1x16xf32>,
        %swap3A_657 = vector.shape_cast %swap3A_656 : vector<1x1x16xf32> to vector<16xf32>
        %swap3A_658 = vector.shape_cast %mul3A_483 : vector<16xf32> to vector<1x1x16xf32>
        tpu.vector_store %arg9[%swap3A_653, %swap3A_654, %swap3A_655], %swap3A_658 {strides = array<i32>} : memref<3x128x16xf32, #tpu.memory_space<vmem>>, vector<1x1x16xf32>,
      }
      %scan3A_217 = arith.constant 8 : i32
      %dma_start3A_218 = arith.constant 2 : i32
      %dma_start3A_219 = arith.constant 0 : i32
      %dma_start3A_220 = arith.constant 0 : i32
      %dma_start3A_221 = tpu.memref_slice %arg9[%dma_start3A_218, %dma_start3A_219, %dma_start3A_220] : memref<3x128x16xf32, #tpu.memory_space<vmem>> -> memref<1x128x16xf32, #tpu.memory_space<vmem>>
      %dma_start3A_222 = tpu.memref_squeeze %dma_start3A_221 : memref<1x128x16xf32, #tpu.memory_space<vmem>> -> memref<128x16xf32, #tpu.memory_space<vmem>>
      %dma_start3A_223 = arith.constant 0 : i32
      %dma_start3A_224 = tpu.memref_slice %arg11[%add3A_201, %dma_start3A_223] : memref<159x128xi32, #tpu.memory_space<vmem>> -> memref<1x128xi32, #tpu.memory_space<vmem>>
      %dma_start3A_225 = tpu.memref_squeeze %dma_start3A_224 : memref<1x128xi32, #tpu.memory_space<vmem>> -> memref<128xi32, #tpu.memory_space<vmem>>
      %dma_start3A_226 = arith.constant 0 : i32
      %dma_start3A_227 = arith.constant 0 : i32
      %dma_start3A_228 = tpu.memref_slice %arg7[%dma_start3A_226, %dma_start3A_227] : memref<10240x16xf32, #tpu.memory_space<vmem_shared>> -> memref<10240x16xf32, #tpu.memory_space<vmem_shared>>
      tpu.enqueue_indirect_dma source(%dma_start3A_222 : memref<128x16xf32, #tpu.memory_space<vmem>>) target(%dma_start3A_228 : memref<10240x16xf32, #tpu.memory_space<vmem_shared>>) offsets(%dma_start3A_225 : memref<128xi32, #tpu.memory_space<vmem>>) semaphore(%arg19 : memref<!tpu.dma_semaphore, #tpu.memory_space<semaphore_mem>>) {add = true}
      %lt3A_229 = arith.constant 52 : i32
      %lt3A_230 = arith.cmpi slt, %add3A_116, %lt3A_229 : i32
      %convert_element_type3A_231 = arith.extui %lt3A_230 : i1 to i32
      %cond3A_232 = arith.constant 0 : i32
      %cond3A_233 = arith.cmpi ne, %convert_element_type3A_231, %cond3A_232 : i32
      scf.if %cond3A_233 {
        %sub3A = arith.constant 1 : i32
        %sub3A_234 = arith.subi %add3A_201, %sub3A : i32
        %dma_wait3A_235 = arith.constant 1 : i32
        %dma_wait3A_236 = arith.constant 0 : i32
        %dma_wait3A_237 = arith.constant 0 : i32
        %dma_wait3A_238 = tpu.memref_slice %arg9[%dma_wait3A_235, %dma_wait3A_236, %dma_wait3A_237] : memref<3x128x16xf32, #tpu.memory_space<vmem>> -> memref<1x128x16xf32, #tpu.memory_space<vmem>>
        %dma_wait3A_239 = tpu.memref_squeeze %dma_wait3A_238 : memref<1x128x16xf32, #tpu.memory_space<vmem>> -> memref<128x16xf32, #tpu.memory_space<vmem>>
        %dma_wait3A_240 = arith.constant 0 : i32
        %dma_wait3A_241 = tpu.memref_slice %arg11[%sub3A_234, %dma_wait3A_240] : memref<159x128xi32, #tpu.memory_space<vmem>> -> memref<1x128xi32, #tpu.memory_space<vmem>>
        %dma_wait3A_242 = tpu.memref_squeeze %dma_wait3A_241 : memref<1x128xi32, #tpu.memory_space<vmem>> -> memref<128xi32, #tpu.memory_space<vmem>>
        %dma_wait3A_243 = arith.constant 0 : i32
        %dma_wait3A_244 = arith.constant 0 : i32
        %dma_wait3A_245 = tpu.memref_slice %arg7[%dma_wait3A_243, %dma_wait3A_244] : memref<10240x16xf32, #tpu.memory_space<vmem_shared>> -> memref<10240x16xf32, #tpu.memory_space<vmem_shared>>
        tpu.wait_indirect_dma semaphore(%arg18 : memref<!tpu.dma_semaphore, #tpu.memory_space<semaphore_mem>>) src(%dma_wait3A_239 : memref<128x16xf32, #tpu.memory_space<vmem>>) dst(%dma_wait3A_245 : memref<10240x16xf32, #tpu.memory_space<vmem_shared>>)
        %add3A_246 = arith.constant 2 : i32
        %add3A_247 = arith.addi %add3A_201, %add3A_246 : i32
        %dma_start3A_248 = arith.constant 1 : i32
        %dma_start3A_249 = arith.constant 0 : i32
        %dma_start3A_250 = arith.constant 0 : i32
        %dma_start3A_251 = tpu.memref_slice %arg9[%dma_start3A_248, %dma_start3A_249, %dma_start3A_250] : memref<3x128x16xf32, #tpu.memory_space<vmem>> -> memref<1x128x16xf32, #tpu.memory_space<vmem>>
        %dma_start3A_252 = tpu.memref_squeeze %dma_start3A_251 : memref<1x128x16xf32, #tpu.memory_space<vmem>> -> memref<128x16xf32, #tpu.memory_space<vmem>>
        %dma_start3A_253 = arith.constant 0 : i32
        %dma_start3A_254 = tpu.memref_slice %arg10[%add3A_247, %dma_start3A_253] : memref<159x128xi32, #tpu.memory_space<vmem>> -> memref<1x128xi32, #tpu.memory_space<vmem>>
        %dma_start3A_255 = tpu.memref_squeeze %dma_start3A_254 : memref<1x128xi32, #tpu.memory_space<vmem>> -> memref<128xi32, #tpu.memory_space<vmem>>
        %dma_start3A_256 = arith.constant 0 : i32
        %dma_start3A_257 = arith.constant 0 : i32
        %dma_start3A_258 = tpu.memref_slice %arg8[%dma_start3A_256, %dma_start3A_257] : memref<10240x16xf32, #tpu.memory_space<vmem_shared>> -> memref<10240x16xf32, #tpu.memory_space<vmem_shared>>
        tpu.enqueue_indirect_dma source(%dma_start3A_258 : memref<10240x16xf32, #tpu.memory_space<vmem_shared>>) target(%dma_start3A_252 : memref<128x16xf32, #tpu.memory_space<vmem>>) offsets(%dma_start3A_255 : memref<128xi32, #tpu.memory_space<vmem>>) semaphore(%arg15 : memref<!tpu.dma_semaphore, #tpu.memory_space<semaphore_mem>>)
      } else {
      }
    }
    %scan3A_70 = arith.constant 53 : i32
    %dma_wait3A_71 = arith.constant 0 : i32
    %dma_wait3A_72 = arith.constant 156 : i32
    %dma_wait3A_73 = arith.constant 0 : i32
    %dma_wait3A_74 = arith.constant 0 : i32
    %dma_wait3A_75 = tpu.memref_slice %arg9[%dma_wait3A_71, %dma_wait3A_73, %dma_wait3A_74] : memref<3x128x16xf32, #tpu.memory_space<vmem>> -> memref<1x128x16xf32, #tpu.memory_space<vmem>>
    %dma_wait3A_76 = tpu.memref_squeeze %dma_wait3A_75 : memref<1x128x16xf32, #tpu.memory_space<vmem>> -> memref<128x16xf32, #tpu.memory_space<vmem>>
    %dma_wait3A_77 = arith.constant 0 : i32
    %dma_wait3A_78 = tpu.memref_slice %arg11[%dma_wait3A_72, %dma_wait3A_77] : memref<159x128xi32, #tpu.memory_space<vmem>> -> memref<1x128xi32, #tpu.memory_space<vmem>>
    %dma_wait3A_79 = tpu.memref_squeeze %dma_wait3A_78 : memref<1x128xi32, #tpu.memory_space<vmem>> -> memref<128xi32, #tpu.memory_space<vmem>>
    %dma_wait3A_80 = arith.constant 0 : i32
    %dma_wait3A_81 = arith.constant 0 : i32
    %dma_wait3A_82 = tpu.memref_slice %arg7[%dma_wait3A_80, %dma_wait3A_81] : memref<10240x16xf32, #tpu.memory_space<vmem_shared>> -> memref<10240x16xf32, #tpu.memory_space<vmem_shared>>
    tpu.wait_indirect_dma semaphore(%arg17 : memref<!tpu.dma_semaphore, #tpu.memory_space<semaphore_mem>>) src(%dma_wait3A_76 : memref<128x16xf32, #tpu.memory_space<vmem>>) dst(%dma_wait3A_82 : memref<10240x16xf32, #tpu.memory_space<vmem_shared>>)
    %dma_wait3A_83 = arith.constant 1 : i32
    %dma_wait3A_84 = arith.constant 157 : i32
    %dma_wait3A_85 = arith.constant 0 : i32
    %dma_wait3A_86 = arith.constant 0 : i32
    %dma_wait3A_87 = tpu.memref_slice %arg9[%dma_wait3A_83, %dma_wait3A_85, %dma_wait3A_86] : memref<3x128x16xf32, #tpu.memory_space<vmem>> -> memref<1x128x16xf32, #tpu.memory_space<vmem>>
    %dma_wait3A_88 = tpu.memref_squeeze %dma_wait3A_87 : memref<1x128x16xf32, #tpu.memory_space<vmem>> -> memref<128x16xf32, #tpu.memory_space<vmem>>
    %dma_wait3A_89 = arith.constant 0 : i32
    %dma_wait3A_90 = tpu.memref_slice %arg11[%dma_wait3A_84, %dma_wait3A_89] : memref<159x128xi32, #tpu.memory_space<vmem>> -> memref<1x128xi32, #tpu.memory_space<vmem>>
    %dma_wait3A_91 = tpu.memref_squeeze %dma_wait3A_90 : memref<1x128xi32, #tpu.memory_space<vmem>> -> memref<128xi32, #tpu.memory_space<vmem>>
    %dma_wait3A_92 = arith.constant 0 : i32
    %dma_wait3A_93 = arith.constant 0 : i32
    %dma_wait3A_94 = tpu.memref_slice %arg7[%dma_wait3A_92, %dma_wait3A_93] : memref<10240x16xf32, #tpu.memory_space<vmem_shared>> -> memref<10240x16xf32, #tpu.memory_space<vmem_shared>>
    tpu.wait_indirect_dma semaphore(%arg18 : memref<!tpu.dma_semaphore, #tpu.memory_space<semaphore_mem>>) src(%dma_wait3A_88 : memref<128x16xf32, #tpu.memory_space<vmem>>) dst(%dma_wait3A_94 : memref<10240x16xf32, #tpu.memory_space<vmem_shared>>)
    %dma_wait3A_95 = arith.constant 2 : i32
    %dma_wait3A_96 = arith.constant 158 : i32
    %dma_wait3A_97 = arith.constant 0 : i32
    %dma_wait3A_98 = arith.constant 0 : i32
    %dma_wait3A_99 = tpu.memref_slice %arg9[%dma_wait3A_95, %dma_wait3A_97, %dma_wait3A_98] : memref<3x128x16xf32, #tpu.memory_space<vmem>> -> memref<1x128x16xf32, #tpu.memory_space<vmem>>
    %dma_wait3A_100 = tpu.memref_squeeze %dma_wait3A_99 : memref<1x128x16xf32, #tpu.memory_space<vmem>> -> memref<128x16xf32, #tpu.memory_space<vmem>>
    %dma_wait3A_101 = arith.constant 0 : i32
    %dma_wait3A_102 = tpu.memref_slice %arg11[%dma_wait3A_96, %dma_wait3A_101] : memref<159x128xi32, #tpu.memory_space<vmem>> -> memref<1x128xi32, #tpu.memory_space<vmem>>
    %dma_wait3A_103 = tpu.memref_squeeze %dma_wait3A_102 : memref<1x128xi32, #tpu.memory_space<vmem>> -> memref<128xi32, #tpu.memory_space<vmem>>
    %dma_wait3A_104 = arith.constant 0 : i32
    %dma_wait3A_105 = arith.constant 0 : i32
    %dma_wait3A_106 = tpu.memref_slice %arg7[%dma_wait3A_104, %dma_wait3A_105] : memref<10240x16xf32, #tpu.memory_space<vmem_shared>> -> memref<10240x16xf32, #tpu.memory_space<vmem_shared>>
    tpu.wait_indirect_dma semaphore(%arg19 : memref<!tpu.dma_semaphore, #tpu.memory_space<semaphore_mem>>) src(%dma_wait3A_100 : memref<128x16xf32, #tpu.memory_space<vmem>>) dst(%dma_wait3A_106 : memref<10240x16xf32, #tpu.memory_space<vmem_shared>>)
    %barrier3A_107 = arith.constant 0 : index
    tpu.barrier barrier_id(%barrier3A_107)
    %scan3A_108 = arith.constant 0 : i32
    %scan3A_109 = arith.constant 5 : i32
    %scan3A_110 = arith.addi %scan3A_108, %scan3A_109 : i32
    %scan3A_111 = arith.constant 1 : i32
    scf.for %scan3A_113 = %scan3A_108 to %scan3A_110 step %scan3A_111  : i32 {
      %mul3A_114 = arith.constant 1 : i32
      %mul3A_115 = arith.muli %scan3A_113, %mul3A_114 : i32
      %add3A = arith.constant 0 : i32
      %add3A_116 = arith.addi %add3A, %mul3A_115 : i32
      %mul3A_117 = arith.constant 640 : i32
      %mul3A_118 = arith.muli %arg1, %mul3A_117 : i32
      %mul3A_119 = arith.constant 128 : i32
      %mul3A_120 = arith.muli %add3A_116, %mul3A_119 : i32
      %add3A_121 = arith.addi %mul3A_118, %mul3A_120 : i32
      %run_scoped3A = arith.constant 0 : i32
      "tpu.region"() ({
        %run_scoped3A_130 = tpu.sem_alloc : memref<!tpu.dma_semaphore, #tpu.memory_space<semaphore_mem>>
        %dma_start3A_131 = arith.constant 0 : i32
        %dma_start3A_132 = arith.constant 0 : i32
        %dma_start3A_133 = tpu.memref_slice %arg9[%run_scoped3A, %dma_start3A_131, %dma_start3A_132] : memref<3x128x16xf32, #tpu.memory_space<vmem>> -> memref<1x128x16xf32, #tpu.memory_space<vmem>>
        %dma_start3A_134 = tpu.memref_squeeze %dma_start3A_133 : memref<1x128x16xf32, #tpu.memory_space<vmem>> -> memref<128x16xf32, #tpu.memory_space<vmem>>
        %dma_start3A_135 = arith.constant 0 : i32
        %dma_start3A_136 = tpu.memref_slice %arg7[%add3A_121, %dma_start3A_135] : memref<10240x16xf32, #tpu.memory_space<vmem_shared>> -> memref<128x16xf32, #tpu.memory_space<vmem_shared>>
        %dma_start3A_137 = arith.constant 0 : i32
        %dma_start3A_138 = arith.constant 0 : i32
        %dma_start3A_139 = tpu.memref_slice %arg9[%run_scoped3A, %dma_start3A_137, %dma_start3A_138] : memref<3x128x16xf32, #tpu.memory_space<vmem>> -> memref<1x128x16xf32, #tpu.memory_space<vmem>>
        %dma_start3A_140 = tpu.memref_squeeze %dma_start3A_139 : memref<1x128x16xf32, #tpu.memory_space<vmem>> -> memref<128x16xf32, #tpu.memory_space<vmem>>
        %dma_start3A_141 = arith.constant 0 : i32
        %dma_start3A_142 = tpu.memref_slice %arg7[%add3A_121, %dma_start3A_141] : memref<10240x16xf32, #tpu.memory_space<vmem_shared>> -> memref<128x16xf32, #tpu.memory_space<vmem_shared>>
        tpu.enqueue_dma source(%dma_start3A_142 : memref<128x16xf32, #tpu.memory_space<vmem_shared>>) target(%dma_start3A_140 : memref<128x16xf32, #tpu.memory_space<vmem>>) target_semaphore(%run_scoped3A_130 : memref<!tpu.dma_semaphore, #tpu.memory_space<semaphore_mem>>)
        %dma_wait3A_143 = arith.constant 0 : i32
        %dma_wait3A_144 = arith.constant 0 : i32
        %dma_wait3A_145 = tpu.memref_slice %arg9[%run_scoped3A, %dma_wait3A_143, %dma_wait3A_144] : memref<3x128x16xf32, #tpu.memory_space<vmem>> -> memref<1x128x16xf32, #tpu.memory_space<vmem>>
        %dma_wait3A_146 = tpu.memref_squeeze %dma_wait3A_145 : memref<1x128x16xf32, #tpu.memory_space<vmem>> -> memref<128x16xf32, #tpu.memory_space<vmem>>
        %dma_wait3A_147 = arith.constant 0 : i32
        %dma_wait3A_148 = tpu.memref_slice %arg7[%add3A_121, %dma_wait3A_147] : memref<10240x16xf32, #tpu.memory_space<vmem_shared>> -> memref<128x16xf32, #tpu.memory_space<vmem_shared>>
        %dma_wait3A_149 = arith.constant 0 : i32
        %dma_wait3A_150 = arith.constant 0 : i32
        %dma_wait3A_151 = tpu.memref_slice %arg9[%run_scoped3A, %dma_wait3A_149, %dma_wait3A_150] : memref<3x128x16xf32, #tpu.memory_space<vmem>> -> memref<1x128x16xf32, #tpu.memory_space<vmem>>
        %dma_wait3A_152 = tpu.memref_squeeze %dma_wait3A_151 : memref<1x128x16xf32, #tpu.memory_space<vmem>> -> memref<128x16xf32, #tpu.memory_space<vmem>>
        %dma_wait3A_153 = arith.constant 0 : i32
        %dma_wait3A_154 = tpu.memref_slice %arg7[%add3A_121, %dma_wait3A_153] : memref<10240x16xf32, #tpu.memory_space<vmem_shared>> -> memref<128x16xf32, #tpu.memory_space<vmem_shared>>
        tpu.wait_dma2 semaphore(%run_scoped3A_130 : memref<!tpu.dma_semaphore, #tpu.memory_space<semaphore_mem>>) src(%dma_wait3A_154 : memref<128x16xf32, #tpu.memory_space<vmem_shared>>) dst(%dma_wait3A_152 : memref<128x16xf32, #tpu.memory_space<vmem>>)
        tpu.yield
      }) : () -> ()
      %scan3A_122 = arith.constant 0 : i32
      %scan3A_123 = arith.constant 16 : i32
      %scan3A_124 = arith.addi %scan3A_122, %scan3A_123 : i32
      %scan3A_125 = arith.constant 1 : i32
      scf.for %scan3A_130 = %scan3A_122 to %scan3A_124 step %scan3A_125  : i32 {
        %mul3A_131 = arith.constant 1 : i32
        %mul3A_132 = arith.muli %scan3A_130, %mul3A_131 : i32
        %add3A_133 = arith.constant 0 : i32
        %add3A_134 = arith.addi %add3A_133, %mul3A_132 : i32
        %mul3A_135 = arith.constant 8 : i32
        %mul3A_136 = arith.muli %add3A_134, %mul3A_135 : i32
        %add3A_137 = arith.constant 0 : i32
        %add3A_138 = arith.addi %mul3A_136, %add3A_137 : i32
        %get3A = arith.constant 0 : i32
        %get3A_139 = arith.index_cast %get3A : i32 to index
        %get3A_140 = arith.index_cast %add3A_138 : i32 to index
        %get3A_141 = arith.constant 0 : index
        %get3A_142 = tpu.vector_load %arg9[%get3A_139, %get3A_140, %get3A_141] {strides = array<i32>} : memref<3x128x16xf32, #tpu.memory_space<vmem>>, vector<1x1x16xf32>,
        %get3A_143 = vector.shape_cast %get3A_142 : vector<1x1x16xf32> to vector<16xf32>
        %mul3A_144 = arith.constant 2.000000e+00 : f32
        %mul3A_145 = vector.broadcast %mul3A_144 : f32 to vector<16xf32>
        %mul3A_146 = arith.mulf %get3A_143, %mul3A_145 : vector<16xf32>
        %exp3A = math.exp %mul3A_146 : vector<16xf32>
        %add3A_147 = arith.constant 1.000000e+00 : f32
        %add3A_148 = vector.broadcast %add3A_147 : f32 to vector<16xf32>
        %add3A_149 = arith.addf %exp3A, %add3A_148 : vector<16xf32>
        %div3A = arith.constant 2.000000e+00 : f32
        %div3A_150 = vector.broadcast %div3A : f32 to vector<16xf32>
        %div3A_151 = arith.divf %div3A_150, %add3A_149 : vector<16xf32>
        %sub3A = arith.constant 1.000000e+00 : f32
        %sub3A_152 = vector.broadcast %sub3A : f32 to vector<16xf32>
        %sub3A_153 = arith.subf %sub3A_152, %div3A_151 : vector<16xf32>
        %swap3A = arith.constant 0 : i32
        %swap3A_154 = arith.index_cast %swap3A : i32 to index
        %swap3A_155 = arith.index_cast %add3A_138 : i32 to index
        %swap3A_156 = arith.constant 0 : index
        %swap3A_157 = tpu.vector_load %arg9[%swap3A_154, %swap3A_155, %swap3A_156] {strides = array<i32>} : memref<3x128x16xf32, #tpu.memory_space<vmem>>, vector<1x1x16xf32>,
        %swap3A_158 = vector.shape_cast %swap3A_157 : vector<1x1x16xf32> to vector<16xf32>
        %swap3A_159 = vector.shape_cast %sub3A_153 : vector<16xf32> to vector<1x1x16xf32>
        tpu.vector_store %arg9[%swap3A_154, %swap3A_155, %swap3A_156], %swap3A_159 {strides = array<i32>} : memref<3x128x16xf32, #tpu.memory_space<vmem>>, vector<1x1x16xf32>,
        %mul3A_160 = arith.constant 8 : i32
        %mul3A_161 = arith.muli %add3A_134, %mul3A_160 : i32
        %add3A_162 = arith.constant 1 : i32
        %add3A_163 = arith.addi %mul3A_161, %add3A_162 : i32
        %get3A_164 = arith.constant 0 : i32
        %get3A_165 = arith.index_cast %get3A_164 : i32 to index
        %get3A_166 = arith.index_cast %add3A_163 : i32 to index
        %get3A_167 = arith.constant 0 : index
        %get3A_168 = tpu.vector_load %arg9[%get3A_165, %get3A_166, %get3A_167] {strides = array<i32>} : memref<3x128x16xf32, #tpu.memory_space<vmem>>, vector<1x1x16xf32>,
        %get3A_169 = vector.shape_cast %get3A_168 : vector<1x1x16xf32> to vector<16xf32>
        %mul3A_170 = arith.constant 2.000000e+00 : f32
        %mul3A_171 = vector.broadcast %mul3A_170 : f32 to vector<16xf32>
        %mul3A_172 = arith.mulf %get3A_169, %mul3A_171 : vector<16xf32>
        %exp3A_173 = math.exp %mul3A_172 : vector<16xf32>
        %add3A_174 = arith.constant 1.000000e+00 : f32
        %add3A_175 = vector.broadcast %add3A_174 : f32 to vector<16xf32>
        %add3A_176 = arith.addf %exp3A_173, %add3A_175 : vector<16xf32>
        %div3A_177 = arith.constant 2.000000e+00 : f32
        %div3A_178 = vector.broadcast %div3A_177 : f32 to vector<16xf32>
        %div3A_179 = arith.divf %div3A_178, %add3A_176 : vector<16xf32>
        %sub3A_180 = arith.constant 1.000000e+00 : f32
        %sub3A_181 = vector.broadcast %sub3A_180 : f32 to vector<16xf32>
        %sub3A_182 = arith.subf %sub3A_181, %div3A_179 : vector<16xf32>
        %swap3A_183 = arith.constant 0 : i32
        %swap3A_184 = arith.index_cast %swap3A_183 : i32 to index
        %swap3A_185 = arith.index_cast %add3A_163 : i32 to index
        %swap3A_186 = arith.constant 0 : index
        %swap3A_187 = tpu.vector_load %arg9[%swap3A_184, %swap3A_185, %swap3A_186] {strides = array<i32>} : memref<3x128x16xf32, #tpu.memory_space<vmem>>, vector<1x1x16xf32>,
        %swap3A_188 = vector.shape_cast %swap3A_187 : vector<1x1x16xf32> to vector<16xf32>
        %swap3A_189 = vector.shape_cast %sub3A_182 : vector<16xf32> to vector<1x1x16xf32>
        tpu.vector_store %arg9[%swap3A_184, %swap3A_185, %swap3A_186], %swap3A_189 {strides = array<i32>} : memref<3x128x16xf32, #tpu.memory_space<vmem>>, vector<1x1x16xf32>,
        %mul3A_190 = arith.constant 8 : i32
        %mul3A_191 = arith.muli %add3A_134, %mul3A_190 : i32
        %add3A_192 = arith.constant 2 : i32
        %add3A_193 = arith.addi %mul3A_191, %add3A_192 : i32
        %get3A_194 = arith.constant 0 : i32
        %get3A_195 = arith.index_cast %get3A_194 : i32 to index
        %get3A_196 = arith.index_cast %add3A_193 : i32 to index
        %get3A_197 = arith.constant 0 : index
        %get3A_198 = tpu.vector_load %arg9[%get3A_195, %get3A_196, %get3A_197] {strides = array<i32>} : memref<3x128x16xf32, #tpu.memory_space<vmem>>, vector<1x1x16xf32>,
        %get3A_199 = vector.shape_cast %get3A_198 : vector<1x1x16xf32> to vector<16xf32>
        %mul3A_200 = arith.constant 2.000000e+00 : f32
        %mul3A_201 = vector.broadcast %mul3A_200 : f32 to vector<16xf32>
        %mul3A_202 = arith.mulf %get3A_199, %mul3A_201 : vector<16xf32>
        %exp3A_203 = math.exp %mul3A_202 : vector<16xf32>
        %add3A_204 = arith.constant 1.000000e+00 : f32
        %add3A_205 = vector.broadcast %add3A_204 : f32 to vector<16xf32>
        %add3A_206 = arith.addf %exp3A_203, %add3A_205 : vector<16xf32>
        %div3A_207 = arith.constant 2.000000e+00 : f32
        %div3A_208 = vector.broadcast %div3A_207 : f32 to vector<16xf32>
        %div3A_209 = arith.divf %div3A_208, %add3A_206 : vector<16xf32>
        %sub3A_210 = arith.constant 1.000000e+00 : f32
        %sub3A_211 = vector.broadcast %sub3A_210 : f32 to vector<16xf32>
        %sub3A_212 = arith.subf %sub3A_211, %div3A_209 : vector<16xf32>
        %swap3A_213 = arith.constant 0 : i32
        %swap3A_214 = arith.index_cast %swap3A_213 : i32 to index
        %swap3A_215 = arith.index_cast %add3A_193 : i32 to index
        %swap3A_216 = arith.constant 0 : index
        %swap3A_217 = tpu.vector_load %arg9[%swap3A_214, %swap3A_215, %swap3A_216] {strides = array<i32>} : memref<3x128x16xf32, #tpu.memory_space<vmem>>, vector<1x1x16xf32>,
        %swap3A_218 = vector.shape_cast %swap3A_217 : vector<1x1x16xf32> to vector<16xf32>
        %swap3A_219 = vector.shape_cast %sub3A_212 : vector<16xf32> to vector<1x1x16xf32>
        tpu.vector_store %arg9[%swap3A_214, %swap3A_215, %swap3A_216], %swap3A_219 {strides = array<i32>} : memref<3x128x16xf32, #tpu.memory_space<vmem>>, vector<1x1x16xf32>,
        %mul3A_220 = arith.constant 8 : i32
        %mul3A_221 = arith.muli %add3A_134, %mul3A_220 : i32
        %add3A_222 = arith.constant 3 : i32
        %add3A_223 = arith.addi %mul3A_221, %add3A_222 : i32
        %get3A_224 = arith.constant 0 : i32
        %get3A_225 = arith.index_cast %get3A_224 : i32 to index
        %get3A_226 = arith.index_cast %add3A_223 : i32 to index
        %get3A_227 = arith.constant 0 : index
        %get3A_228 = tpu.vector_load %arg9[%get3A_225, %get3A_226, %get3A_227] {strides = array<i32>} : memref<3x128x16xf32, #tpu.memory_space<vmem>>, vector<1x1x16xf32>,
        %get3A_229 = vector.shape_cast %get3A_228 : vector<1x1x16xf32> to vector<16xf32>
        %mul3A_230 = arith.constant 2.000000e+00 : f32
        %mul3A_231 = vector.broadcast %mul3A_230 : f32 to vector<16xf32>
        %mul3A_232 = arith.mulf %get3A_229, %mul3A_231 : vector<16xf32>
        %exp3A_233 = math.exp %mul3A_232 : vector<16xf32>
        %add3A_234 = arith.constant 1.000000e+00 : f32
        %add3A_235 = vector.broadcast %add3A_234 : f32 to vector<16xf32>
        %add3A_236 = arith.addf %exp3A_233, %add3A_235 : vector<16xf32>
        %div3A_237 = arith.constant 2.000000e+00 : f32
        %div3A_238 = vector.broadcast %div3A_237 : f32 to vector<16xf32>
        %div3A_239 = arith.divf %div3A_238, %add3A_236 : vector<16xf32>
        %sub3A_240 = arith.constant 1.000000e+00 : f32
        %sub3A_241 = vector.broadcast %sub3A_240 : f32 to vector<16xf32>
        %sub3A_242 = arith.subf %sub3A_241, %div3A_239 : vector<16xf32>
        %swap3A_243 = arith.constant 0 : i32
        %swap3A_244 = arith.index_cast %swap3A_243 : i32 to index
        %swap3A_245 = arith.index_cast %add3A_223 : i32 to index
        %swap3A_246 = arith.constant 0 : index
        %swap3A_247 = tpu.vector_load %arg9[%swap3A_244, %swap3A_245, %swap3A_246] {strides = array<i32>} : memref<3x128x16xf32, #tpu.memory_space<vmem>>, vector<1x1x16xf32>,
        %swap3A_248 = vector.shape_cast %swap3A_247 : vector<1x1x16xf32> to vector<16xf32>
        %swap3A_249 = vector.shape_cast %sub3A_242 : vector<16xf32> to vector<1x1x16xf32>
        tpu.vector_store %arg9[%swap3A_244, %swap3A_245, %swap3A_246], %swap3A_249 {strides = array<i32>} : memref<3x128x16xf32, #tpu.memory_space<vmem>>, vector<1x1x16xf32>,
        %mul3A_250 = arith.constant 8 : i32
        %mul3A_251 = arith.muli %add3A_134, %mul3A_250 : i32
        %add3A_252 = arith.constant 4 : i32
        %add3A_253 = arith.addi %mul3A_251, %add3A_252 : i32
        %get3A_254 = arith.constant 0 : i32
        %get3A_255 = arith.index_cast %get3A_254 : i32 to index
        %get3A_256 = arith.index_cast %add3A_253 : i32 to index
        %get3A_257 = arith.constant 0 : index
        %get3A_258 = tpu.vector_load %arg9[%get3A_255, %get3A_256, %get3A_257] {strides = array<i32>} : memref<3x128x16xf32, #tpu.memory_space<vmem>>, vector<1x1x16xf32>,
        %get3A_259 = vector.shape_cast %get3A_258 : vector<1x1x16xf32> to vector<16xf32>
        %mul3A_260 = arith.constant 2.000000e+00 : f32
        %mul3A_261 = vector.broadcast %mul3A_260 : f32 to vector<16xf32>
        %mul3A_262 = arith.mulf %get3A_259, %mul3A_261 : vector<16xf32>
        %exp3A_263 = math.exp %mul3A_262 : vector<16xf32>
        %add3A_264 = arith.constant 1.000000e+00 : f32
        %add3A_265 = vector.broadcast %add3A_264 : f32 to vector<16xf32>
        %add3A_266 = arith.addf %exp3A_263, %add3A_265 : vector<16xf32>
        %div3A_267 = arith.constant 2.000000e+00 : f32
        %div3A_268 = vector.broadcast %div3A_267 : f32 to vector<16xf32>
        %div3A_269 = arith.divf %div3A_268, %add3A_266 : vector<16xf32>
        %sub3A_270 = arith.constant 1.000000e+00 : f32
        %sub3A_271 = vector.broadcast %sub3A_270 : f32 to vector<16xf32>
        %sub3A_272 = arith.subf %sub3A_271, %div3A_269 : vector<16xf32>
        %swap3A_273 = arith.constant 0 : i32
        %swap3A_274 = arith.index_cast %swap3A_273 : i32 to index
        %swap3A_275 = arith.index_cast %add3A_253 : i32 to index
        %swap3A_276 = arith.constant 0 : index
        %swap3A_277 = tpu.vector_load %arg9[%swap3A_274, %swap3A_275, %swap3A_276] {strides = array<i32>} : memref<3x128x16xf32, #tpu.memory_space<vmem>>, vector<1x1x16xf32>,
        %swap3A_278 = vector.shape_cast %swap3A_277 : vector<1x1x16xf32> to vector<16xf32>
        %swap3A_279 = vector.shape_cast %sub3A_272 : vector<16xf32> to vector<1x1x16xf32>
        tpu.vector_store %arg9[%swap3A_274, %swap3A_275, %swap3A_276], %swap3A_279 {strides = array<i32>} : memref<3x128x16xf32, #tpu.memory_space<vmem>>, vector<1x1x16xf32>,
        %mul3A_280 = arith.constant 8 : i32
        %mul3A_281 = arith.muli %add3A_134, %mul3A_280 : i32
        %add3A_282 = arith.constant 5 : i32
        %add3A_283 = arith.addi %mul3A_281, %add3A_282 : i32
        %get3A_284 = arith.constant 0 : i32
        %get3A_285 = arith.index_cast %get3A_284 : i32 to index
        %get3A_286 = arith.index_cast %add3A_283 : i32 to index
        %get3A_287 = arith.constant 0 : index
        %get3A_288 = tpu.vector_load %arg9[%get3A_285, %get3A_286, %get3A_287] {strides = array<i32>} : memref<3x128x16xf32, #tpu.memory_space<vmem>>, vector<1x1x16xf32>,
        %get3A_289 = vector.shape_cast %get3A_288 : vector<1x1x16xf32> to vector<16xf32>
        %mul3A_290 = arith.constant 2.000000e+00 : f32
        %mul3A_291 = vector.broadcast %mul3A_290 : f32 to vector<16xf32>
        %mul3A_292 = arith.mulf %get3A_289, %mul3A_291 : vector<16xf32>
        %exp3A_293 = math.exp %mul3A_292 : vector<16xf32>
        %add3A_294 = arith.constant 1.000000e+00 : f32
        %add3A_295 = vector.broadcast %add3A_294 : f32 to vector<16xf32>
        %add3A_296 = arith.addf %exp3A_293, %add3A_295 : vector<16xf32>
        %div3A_297 = arith.constant 2.000000e+00 : f32
        %div3A_298 = vector.broadcast %div3A_297 : f32 to vector<16xf32>
        %div3A_299 = arith.divf %div3A_298, %add3A_296 : vector<16xf32>
        %sub3A_300 = arith.constant 1.000000e+00 : f32
        %sub3A_301 = vector.broadcast %sub3A_300 : f32 to vector<16xf32>
        %sub3A_302 = arith.subf %sub3A_301, %div3A_299 : vector<16xf32>
        %swap3A_303 = arith.constant 0 : i32
        %swap3A_304 = arith.index_cast %swap3A_303 : i32 to index
        %swap3A_305 = arith.index_cast %add3A_283 : i32 to index
        %swap3A_306 = arith.constant 0 : index
        %swap3A_307 = tpu.vector_load %arg9[%swap3A_304, %swap3A_305, %swap3A_306] {strides = array<i32>} : memref<3x128x16xf32, #tpu.memory_space<vmem>>, vector<1x1x16xf32>,
        %swap3A_308 = vector.shape_cast %swap3A_307 : vector<1x1x16xf32> to vector<16xf32>
        %swap3A_309 = vector.shape_cast %sub3A_302 : vector<16xf32> to vector<1x1x16xf32>
        tpu.vector_store %arg9[%swap3A_304, %swap3A_305, %swap3A_306], %swap3A_309 {strides = array<i32>} : memref<3x128x16xf32, #tpu.memory_space<vmem>>, vector<1x1x16xf32>,
        %mul3A_310 = arith.constant 8 : i32
        %mul3A_311 = arith.muli %add3A_134, %mul3A_310 : i32
        %add3A_312 = arith.constant 6 : i32
        %add3A_313 = arith.addi %mul3A_311, %add3A_312 : i32
        %get3A_314 = arith.constant 0 : i32
        %get3A_315 = arith.index_cast %get3A_314 : i32 to index
        %get3A_316 = arith.index_cast %add3A_313 : i32 to index
        %get3A_317 = arith.constant 0 : index
        %get3A_318 = tpu.vector_load %arg9[%get3A_315, %get3A_316, %get3A_317] {strides = array<i32>} : memref<3x128x16xf32, #tpu.memory_space<vmem>>, vector<1x1x16xf32>,
        %get3A_319 = vector.shape_cast %get3A_318 : vector<1x1x16xf32> to vector<16xf32>
        %mul3A_320 = arith.constant 2.000000e+00 : f32
        %mul3A_321 = vector.broadcast %mul3A_320 : f32 to vector<16xf32>
        %mul3A_322 = arith.mulf %get3A_319, %mul3A_321 : vector<16xf32>
        %exp3A_323 = math.exp %mul3A_322 : vector<16xf32>
        %add3A_324 = arith.constant 1.000000e+00 : f32
        %add3A_325 = vector.broadcast %add3A_324 : f32 to vector<16xf32>
        %add3A_326 = arith.addf %exp3A_323, %add3A_325 : vector<16xf32>
        %div3A_327 = arith.constant 2.000000e+00 : f32
        %div3A_328 = vector.broadcast %div3A_327 : f32 to vector<16xf32>
        %div3A_329 = arith.divf %div3A_328, %add3A_326 : vector<16xf32>
        %sub3A_330 = arith.constant 1.000000e+00 : f32
        %sub3A_331 = vector.broadcast %sub3A_330 : f32 to vector<16xf32>
        %sub3A_332 = arith.subf %sub3A_331, %div3A_329 : vector<16xf32>
        %swap3A_333 = arith.constant 0 : i32
        %swap3A_334 = arith.index_cast %swap3A_333 : i32 to index
        %swap3A_335 = arith.index_cast %add3A_313 : i32 to index
        %swap3A_336 = arith.constant 0 : index
        %swap3A_337 = tpu.vector_load %arg9[%swap3A_334, %swap3A_335, %swap3A_336] {strides = array<i32>} : memref<3x128x16xf32, #tpu.memory_space<vmem>>, vector<1x1x16xf32>,
        %swap3A_338 = vector.shape_cast %swap3A_337 : vector<1x1x16xf32> to vector<16xf32>
        %swap3A_339 = vector.shape_cast %sub3A_332 : vector<16xf32> to vector<1x1x16xf32>
        tpu.vector_store %arg9[%swap3A_334, %swap3A_335, %swap3A_336], %swap3A_339 {strides = array<i32>} : memref<3x128x16xf32, #tpu.memory_space<vmem>>, vector<1x1x16xf32>,
        %mul3A_340 = arith.constant 8 : i32
        %mul3A_341 = arith.muli %add3A_134, %mul3A_340 : i32
        %add3A_342 = arith.constant 7 : i32
        %add3A_343 = arith.addi %mul3A_341, %add3A_342 : i32
        %get3A_344 = arith.constant 0 : i32
        %get3A_345 = arith.index_cast %get3A_344 : i32 to index
        %get3A_346 = arith.index_cast %add3A_343 : i32 to index
        %get3A_347 = arith.constant 0 : index
        %get3A_348 = tpu.vector_load %arg9[%get3A_345, %get3A_346, %get3A_347] {strides = array<i32>} : memref<3x128x16xf32, #tpu.memory_space<vmem>>, vector<1x1x16xf32>,
        %get3A_349 = vector.shape_cast %get3A_348 : vector<1x1x16xf32> to vector<16xf32>
        %mul3A_350 = arith.constant 2.000000e+00 : f32
        %mul3A_351 = vector.broadcast %mul3A_350 : f32 to vector<16xf32>
        %mul3A_352 = arith.mulf %get3A_349, %mul3A_351 : vector<16xf32>
        %exp3A_353 = math.exp %mul3A_352 : vector<16xf32>
        %add3A_354 = arith.constant 1.000000e+00 : f32
        %add3A_355 = vector.broadcast %add3A_354 : f32 to vector<16xf32>
        %add3A_356 = arith.addf %exp3A_353, %add3A_355 : vector<16xf32>
        %div3A_357 = arith.constant 2.000000e+00 : f32
        %div3A_358 = vector.broadcast %div3A_357 : f32 to vector<16xf32>
        %div3A_359 = arith.divf %div3A_358, %add3A_356 : vector<16xf32>
        %sub3A_360 = arith.constant 1.000000e+00 : f32
        %sub3A_361 = vector.broadcast %sub3A_360 : f32 to vector<16xf32>
        %sub3A_362 = arith.subf %sub3A_361, %div3A_359 : vector<16xf32>
        %swap3A_363 = arith.constant 0 : i32
        %swap3A_364 = arith.index_cast %swap3A_363 : i32 to index
        %swap3A_365 = arith.index_cast %add3A_343 : i32 to index
        %swap3A_366 = arith.constant 0 : index
        %swap3A_367 = tpu.vector_load %arg9[%swap3A_364, %swap3A_365, %swap3A_366] {strides = array<i32>} : memref<3x128x16xf32, #tpu.memory_space<vmem>>, vector<1x1x16xf32>,
        %swap3A_368 = vector.shape_cast %swap3A_367 : vector<1x1x16xf32> to vector<16xf32>
        %swap3A_369 = vector.shape_cast %sub3A_362 : vector<16xf32> to vector<1x1x16xf32>
        tpu.vector_store %arg9[%swap3A_364, %swap3A_365, %swap3A_366], %swap3A_369 {strides = array<i32>} : memref<3x128x16xf32, #tpu.memory_space<vmem>>, vector<1x1x16xf32>,
      }
      %scan3A_126 = arith.constant 16 : i32
      %mul3A_127 = arith.constant 16 : i32
      %mul3A_128 = arith.muli %arg0, %mul3A_127 : i32
      %run_scoped3A_129 = arith.constant 0 : i32
      "tpu.region"() ({
        %run_scoped3A_130 = tpu.sem_alloc : memref<!tpu.dma_semaphore, #tpu.memory_space<semaphore_mem>>
        %dma_start3A_131 = arith.constant 0 : i32
        %dma_start3A_132 = arith.constant 0 : i32
        %dma_start3A_133 = tpu.memref_slice %arg9[%run_scoped3A_129, %dma_start3A_131, %dma_start3A_132] : memref<3x128x16xf32, #tpu.memory_space<vmem>> -> memref<1x128x16xf32, #tpu.memory_space<vmem>>
        %dma_start3A_134 = tpu.memref_squeeze %dma_start3A_133 : memref<1x128x16xf32, #tpu.memory_space<vmem>> -> memref<128x16xf32, #tpu.memory_space<vmem>>
        %dma_start3A_135 = tpu.memref_slice %arg6[%add3A_121, %mul3A_128] : memref<10240x32xf32, #tpu.memory_space<hbm>> -> memref<128x16xf32, #tpu.memory_space<hbm>>
        %dma_start3A_136 = tpu.memref_slice %arg6[%add3A_121, %mul3A_128] : memref<10240x32xf32, #tpu.memory_space<hbm>> -> memref<128x16xf32, #tpu.memory_space<hbm>>
        %dma_start3A_137 = arith.constant 0 : i32
        %dma_start3A_138 = arith.constant 0 : i32
        %dma_start3A_139 = tpu.memref_slice %arg9[%run_scoped3A_129, %dma_start3A_137, %dma_start3A_138] : memref<3x128x16xf32, #tpu.memory_space<vmem>> -> memref<1x128x16xf32, #tpu.memory_space<vmem>>
        %dma_start3A_140 = tpu.memref_squeeze %dma_start3A_139 : memref<1x128x16xf32, #tpu.memory_space<vmem>> -> memref<128x16xf32, #tpu.memory_space<vmem>>
        tpu.enqueue_dma source(%dma_start3A_140 : memref<128x16xf32, #tpu.memory_space<vmem>>) target(%dma_start3A_136 : memref<128x16xf32, #tpu.memory_space<hbm>>) target_semaphore(%run_scoped3A_130 : memref<!tpu.dma_semaphore, #tpu.memory_space<semaphore_mem>>)
        %dma_wait3A_141 = arith.constant 0 : i32
        %dma_wait3A_142 = arith.constant 0 : i32
        %dma_wait3A_143 = tpu.memref_slice %arg9[%run_scoped3A_129, %dma_wait3A_141, %dma_wait3A_142] : memref<3x128x16xf32, #tpu.memory_space<vmem>> -> memref<1x128x16xf32, #tpu.memory_space<vmem>>
        %dma_wait3A_144 = tpu.memref_squeeze %dma_wait3A_143 : memref<1x128x16xf32, #tpu.memory_space<vmem>> -> memref<128x16xf32, #tpu.memory_space<vmem>>
        %dma_wait3A_145 = tpu.memref_slice %arg6[%add3A_121, %mul3A_128] : memref<10240x32xf32, #tpu.memory_space<hbm>> -> memref<128x16xf32, #tpu.memory_space<hbm>>
        %dma_wait3A_146 = tpu.memref_slice %arg6[%add3A_121, %mul3A_128] : memref<10240x32xf32, #tpu.memory_space<hbm>> -> memref<128x16xf32, #tpu.memory_space<hbm>>
        %dma_wait3A_147 = arith.constant 0 : i32
        %dma_wait3A_148 = arith.constant 0 : i32
        %dma_wait3A_149 = tpu.memref_slice %arg9[%run_scoped3A_129, %dma_wait3A_147, %dma_wait3A_148] : memref<3x128x16xf32, #tpu.memory_space<vmem>> -> memref<1x128x16xf32, #tpu.memory_space<vmem>>
        %dma_wait3A_150 = tpu.memref_squeeze %dma_wait3A_149 : memref<1x128x16xf32, #tpu.memory_space<vmem>> -> memref<128x16xf32, #tpu.memory_space<vmem>>
        tpu.wait_dma2 semaphore(%run_scoped3A_130 : memref<!tpu.dma_semaphore, #tpu.memory_space<semaphore_mem>>) src(%dma_wait3A_150 : memref<128x16xf32, #tpu.memory_space<vmem>>) dst(%dma_wait3A_146 : memref<128x16xf32, #tpu.memory_space<hbm>>)
        tpu.yield
      }) : () -> ()
    }
    %scan3A_112 = arith.constant 5 : i32
    return
  }
}

module attributes {stable_mosaic.version = 14 : i64} {
  func.func @body(%arg0: memref<10240x128xf32, #tpu.memory_space<vmem>>, %arg1: memref<128x64xf32, #tpu.memory_space<vmem>>, %arg2: memref<10240x32xf32, #tpu.memory_space<vmem>>, %arg3: memref<10240x32xf32, #tpu.memory_space<vmem>>) attributes {dimension_semantics = [], scalar_prefetch = 0 : i64, scratch_operands = 0 : i64, tpu.core_type = #tpu.core_type<tc>} {
    %get3A = arith.constant 0 : index
    %get3A_0 = arith.constant 0 : index
    %get3A_1 = vector.load %arg0[%get3A, %get3A_0] : memref<10240x128xf32, #tpu.memory_space<vmem>>, vector<10240x128xf32>
    %get3A_2 = arith.constant 0 : index
    %get3A_3 = arith.constant 0 : index
    %get3A_4 = vector.load %arg1[%get3A_2, %get3A_3] : memref<128x64xf32, #tpu.memory_space<vmem>>, vector<128x64xf32>
    %dot_general3A = arith.constant dense<0.000000e+00> : vector<10240x64xf32>
    %dot_general3A_5 = tpu.matmul %get3A_1, %get3A_4, %dot_general3A {dimension_numbers = #tpu.dot_dimension_numbers<[1], [0], [0], [1], [0, 0, 1, 1], [], []>, transpose_lhs_hint = false} : vector<10240x128xf32>, vector<128x64xf32>, vector<10240x64xf32> -> vector<10240x64xf32>
    %slice3A = vector.extract_strided_slice %dot_general3A_5 {offsets = [0, 0], sizes = [10240, 32], strides = [1, 1]} : vector<10240x64xf32> to vector<10240x32xf32>
    %swap3A = arith.constant 0 : index
    %swap3A_6 = arith.constant 0 : index
    %swap3A_7 = vector.load %arg2[%swap3A, %swap3A_6] : memref<10240x32xf32, #tpu.memory_space<vmem>>, vector<10240x32xf32>
    tpu.vector_store %arg2[%swap3A, %swap3A_6], %slice3A {strides = array<i32>} : memref<10240x32xf32, #tpu.memory_space<vmem>>, vector<10240x32xf32>,
    %slice3A_8 = vector.extract_strided_slice %dot_general3A_5 {offsets = [0, 32], sizes = [10240, 32], strides = [1, 1]} : vector<10240x64xf32> to vector<10240x32xf32>
    %swap3A_9 = arith.constant 0 : index
    %swap3A_10 = arith.constant 0 : index
    %swap3A_11 = vector.load %arg3[%swap3A_9, %swap3A_10] : memref<10240x32xf32, #tpu.memory_space<vmem>>, vector<10240x32xf32>
    tpu.vector_store %arg3[%swap3A_9, %swap3A_10], %slice3A_8 {strides = array<i32>} : memref<10240x32xf32, #tpu.memory_space<vmem>>, vector<10240x32xf32>,
    return
  }
}

module attributes {stable_mosaic.version = 14 : i64} {
  func.func @body(%arg0: memref<2x10240x32xf32, #tpu.memory_space<vmem>>, %arg1: memref<64x32xf32, #tpu.memory_space<vmem>>, %arg2: memref<10240x16xf32, #tpu.memory_space<vmem>>, %arg3: memref<10240x16xf32, #tpu.memory_space<vmem>>) attributes {dimension_semantics = [], scalar_prefetch = 0 : i64, scratch_operands = 0 : i64, tpu.core_type = #tpu.core_type<tc>} {
    %get3A = arith.constant 0 : index
    %get3A_0 = arith.constant 0 : index
    %get3A_1 = arith.constant 0 : index
    %get3A_2 = vector.load %arg0[%get3A, %get3A_0, %get3A_1] : memref<2x10240x32xf32, #tpu.memory_space<vmem>>, vector<1x10240x32xf32>
    %get3A_3 = vector.shape_cast %get3A_2 : vector<1x10240x32xf32> to vector<10240x32xf32>
    %max3A = arith.constant 0.000000e+00 : f32
    %max3A_4 = vector.broadcast %max3A : f32 to vector<10240x32xf32>
    %max3A_5 = arith.maximumf %get3A_3, %max3A_4 : vector<10240x32xf32>
    %get3A_6 = arith.constant 1 : index
    %get3A_7 = arith.constant 0 : index
    %get3A_8 = arith.constant 0 : index
    %get3A_9 = vector.load %arg0[%get3A_6, %get3A_7, %get3A_8] : memref<2x10240x32xf32, #tpu.memory_space<vmem>>, vector<1x10240x32xf32>
    %get3A_10 = vector.shape_cast %get3A_9 : vector<1x10240x32xf32> to vector<10240x32xf32>
    %max3A_11 = arith.constant 0.000000e+00 : f32
    %max3A_12 = vector.broadcast %max3A_11 : f32 to vector<10240x32xf32>
    %max3A_13 = arith.maximumf %get3A_10, %max3A_12 : vector<10240x32xf32>
    %get3A_14 = arith.constant 0 : index
    %get3A_15 = arith.constant 0 : index
    %get3A_16 = vector.load %arg1[%get3A_14, %get3A_15] : memref<64x32xf32, #tpu.memory_space<vmem>>, vector<32x32xf32>
    %dot_general3A = arith.constant dense<0.000000e+00> : vector<10240x32xf32>
    %dot_general3A_17 = tpu.matmul %max3A_5, %get3A_16, %dot_general3A {dimension_numbers = #tpu.dot_dimension_numbers<[1], [0], [0], [1], [0, 0, 1, 1], [], []>, transpose_lhs_hint = false} : vector<10240x32xf32>, vector<32x32xf32>, vector<10240x32xf32> -> vector<10240x32xf32>
    %get3A_18 = arith.constant 32 : index
    %get3A_19 = arith.constant 0 : index
    %get3A_20 = vector.load %arg1[%get3A_18, %get3A_19] : memref<64x32xf32, #tpu.memory_space<vmem>>, vector<32x32xf32>
    %dot_general3A_21 = arith.constant dense<0.000000e+00> : vector<10240x32xf32>
    %dot_general3A_22 = tpu.matmul %max3A_13, %get3A_20, %dot_general3A_21 {dimension_numbers = #tpu.dot_dimension_numbers<[1], [0], [0], [1], [0, 0, 1, 1], [], []>, transpose_lhs_hint = false} : vector<10240x32xf32>, vector<32x32xf32>, vector<10240x32xf32> -> vector<10240x32xf32>
    %add3A = arith.addf %dot_general3A_17, %dot_general3A_22 : vector<10240x32xf32>
    %slice3A = vector.extract_strided_slice %add3A {offsets = [0, 0], sizes = [10240, 16], strides = [1, 1]} : vector<10240x32xf32> to vector<10240x16xf32>
    %swap3A = arith.constant 0 : index
    %swap3A_23 = arith.constant 0 : index
    %swap3A_24 = vector.load %arg2[%swap3A, %swap3A_23] : memref<10240x16xf32, #tpu.memory_space<vmem>>, vector<10240x16xf32>
    tpu.vector_store %arg2[%swap3A, %swap3A_23], %slice3A {strides = array<i32>} : memref<10240x16xf32, #tpu.memory_space<vmem>>, vector<10240x16xf32>,
    %slice3A_25 = vector.extract_strided_slice %add3A {offsets = [0, 16], sizes = [10240, 16], strides = [1, 1]} : vector<10240x32xf32> to vector<10240x16xf32>
    %swap3A_26 = arith.constant 0 : index
    %swap3A_27 = arith.constant 0 : index
    %swap3A_28 = vector.load %arg3[%swap3A_26, %swap3A_27] : memref<10240x16xf32, #tpu.memory_space<vmem>>, vector<10240x16xf32>
    tpu.vector_store %arg3[%swap3A_26, %swap3A_27], %slice3A_25 {strides = array<i32>} : memref<10240x16xf32, #tpu.memory_space<vmem>>, vector<10240x16xf32>,
    return
  }
}

</mosaic_0001>

<sc_bundles>
// kernel: kernel.6.cloned.1.call-start
scs
__scs_entry_jumppad:
0x0: {  	(pc) =	sbr.rel $0x88, $3  }
0x1: {  	(tag) =	ssettag $0x0;
	lr =	simm.s32 $0x1  }
0x2: {  	[smem:$0x3F9C] =	sst lr;
	_ =	strace $0xD0000000  }
0x3: {  	_ = 	snop  }
0x4: {  	_ = 	snop  }
0x5: {  	_ = 	snop  }
0x6: {  	_ = 	snop  }
0x7: {  	_ = 	snop  }
__scs_overlays_trampoline_lowered:
0x8: {  	[smem:$0x3FAB] =	sst s0  }
0x9: {  	[smem:$0x3FAC] =	sst s1  }
0xa: {  	[smem:$0x3FAD] =	sst s2  }
0xb: {  	[smem:$0x3FAE] =	sst s3  }
0xc: {  	[smem:$0x3FAF] =	sst s4  }
0xd: {  	[smem:$0x3FB0] =	sst s5  }
0xe: {  	[smem:$0x3FB1] =	sst s6  }
0xf: {  	[smem:$0x3FB2] =	sst s7  }
0x10: {  	[smem:$0x3FB3] =	sst s8  }
0x11: {  	[smem:$0x3FB4] =	sst s9;
	s0 =	simm.s32 @!p0 $0x0  }
0x12: {  	s1 =	sld [smem:$0x3F9A];
	s0 =	simm.s32 @p0 $0x1  }
0x13: {  	[smem:$0x3FB5] =	sst s0;
	s0 =	simm.s32 @!p1 $0x0  }
0x14: {  	s2 =	sld [smem:$0x3F99];
	s0 =	simm.s32 @p1 $0x1  }
0x15: {  	[smem:$0x3FB6] =	sst s0;
	s0 =	simm.s32 @!p2 $0x0  }
0x16: {  	s3 =	sld [smem:$0x3FDB];
	s0 =	simm.s32 @p2 $0x1  }
0x17: {  	s4 =	simm.s32 $0x1BF5;
	[smem:$0x3FB8] =	sst s0  }
0x18: {  	s0 =	sld [smem:$0x3F9B];
	_ =	swait.ge [sflag:s4], $0x0  }
0x19: {  	s7 =	sld [smem:$0x3F9C]  }
0x1a: {  	s8 =	sadd.s32 $0xFFFFE003, lr  }
0x1b: {  	s9 =	sadd.s32 $0xFFFFFEF7, lr;
	s5 =	simm.s32 $0xFFFFFFFF;
	p2 =	slt.u32 s8, $0xFFFFF086  }
0x1c: {  	p1 =	slt.u32 s9, $0xF7A;
	s5 =	simm.s32 @!p2 $0x0  }
0x1d: {  	s5 =	simm.s32 @p1 $0x1;
	p0 =	seq.s32 s7, s2  }
0x1e: {  	s7 =	smul.u32 @!p0 $0xF7A, s2;
	p2 =	seq.s32 @!p0 s5, $0x0  }
0x1f: {  	s9 =	smul.u32 $0xF7A, s1;
	s8 =	simm.s32 @!p0 $0x1BF5;
	p2 =	por !p2, p0  }
0x20: {  	[sflag:s8] =	ssyncset.s32 @!p0 $0xFFFFF086;
	s6 =	sadd.s32 @!p0 s3, s7;
	s7 =	simm.s32 @!p0 $0x108  }
0x21: {  	s3 =	sadd.s32 s3, s9;
	s6 =	sadd.s32 @!p0 $0x88, s6;
	s7 =	simm.s32 @p2 $0x1082  }
0x22: {  	[simem:s7], [sflag:s8] =	dma.local @!p0 [hbm:s6], $0xF7A  }
0x23: {  	s9 =	sor.u32 $0xD0000000, s2;
	s6 =	simm.s32 $0x108;
	_ =	swait.ge @!p0 [sflag:s8], $0x0  }
0x24: {  	s3 =	sadd.s32 $0x88, s3;
	s6 =	simm.s32 @!p1 $0x1082;
	[sflag:s4] =	ssyncset.s32 $0xFFFFF086  }
0x25: {  	[simem:s6], [sflag:s4] =	dma.local [hbm:s3], $0xF7A  }
0x26: {  	[smem:$0x3F9C] =	sst s1;
	(tag) =	ssettag s2;
	_ =	strace s9  }
0x27: {  	s1 =	sld [smem:$0x3FAC]  }
0x28: {  	s2 =	sld [smem:$0x3FAD]  }
0x29: {  	s4 =	sld [smem:$0x3FAF]  }
0x2a: {  	p0 =	seq.s32 s5, $0x0;
	s5 =	sld [smem:$0x3FB0]  }
0x2b: {  	s6 =	sld [smem:$0x3FB1]  }
0x2c: {  	s7 =	sld [smem:$0x3FB2]  }
0x2d: {  	s3 =	simm.s32 $0x108;
	s8 =	sld [smem:$0x3FB3]  }
0x2e: {  	s3 =	simm.s32 @!p0 $0x1082;
	s9 =	sld [smem:$0x3FB4]  }
0x2f: {  	lr =	sadd.s32 s0, s3;
	s0 =	sld [smem:$0x3FAB]  }
0x30: {  	s3 =	sld [smem:$0x3FAE]  }
0x31: {  	[smem:$0x3FB7] =	sst s10  }
0x32: {  	s10 =	sld [smem:$0x3FB5];
	_ =	sdelay $0x3  }
0x33: {  	p0 =	seq.s32 s10, $0x1;
	s10 =	sld [smem:$0x3FB7];
	_ =	sdelay $0x3  }
0x34: {  	[smem:$0x3FB7] =	sst s10  }
0x35: {  	s10 =	sld [smem:$0x3FB6];
	_ =	sdelay $0x3  }
0x36: {  	p1 =	seq.s32 s10, $0x1;
	s10 =	sld [smem:$0x3FB7];
	_ =	sdelay $0x3  }
0x37: {  	[smem:$0x3FB7] =	sst s10  }
0x38: {  	s10 =	sld [smem:$0x3FB8]  }
0x39: {  	_ = 	snop;
	(pc) =	sbr.ind lr, $3  }
0x3a: {  	_ = 	snop  }
0x3b: {  	_ = 	snop  }
0x3c: {  	p2 =	seq.s32 s10, $0x1;
	s10 =	sld [smem:$0x3FB7]  }
0x3d: {  	_ =	shalt  }
0x3e: {  	_ =	shalt  }
0x3f: {  	_ =	shalt  }
0x40: {  	_ =	shalt  }
0x41: {  	_ =	shalt  }
0x42: {  	_ =	shalt  }
0x43: {  	_ =	shalt  }
0x44: {  	_ =	shalt  }
0x45: {  	_ =	shalt  }
0x46: {  	_ =	shalt  }
0x47: {  	_ =	shalt  }
0x48: {  	_ =	shalt  }
0x49: {  	_ =	shalt  }
0x4a: {  	_ =	shalt  }
0x4b: {  	_ =	shalt  }
0x4c: {  	_ =	shalt  }
0x4d: {  	_ =	shalt  }
0x4e: {  	_ =	shalt  }
0x4f: {  	_ =	shalt  }
0x50: {  	_ =	shalt  }
0x51: {  	_ =	shalt  }
0x52: {  	_ =	shalt  }
0x53: {  	_ =	shalt  }
0x54: {  	_ =	shalt  }
0x55: {  	_ =	shalt  }
0x56: {  	_ =	shalt  }
0x57: {  	_ =	shalt  }
0x58: {  	_ =	shalt  }
0x59: {  	_ =	shalt  }
0x5a: {  	_ =	shalt  }
0x5b: {  	_ =	shalt  }
0x5c: {  	_ =	shalt  }
0x5d: {  	_ =	shalt  }
0x5e: {  	_ =	shalt  }
0x5f: {  	_ =	shalt  }
0x60: {  	_ =	shalt  }
0x61: {  	_ =	shalt  }
0x62: {  	_ =	shalt  }
0x63: {  	_ =	shalt  }
0x64: {  	_ =	shalt  }
0x65: {  	_ =	shalt  }
0x66: {  	_ =	shalt  }
0x67: {  	_ =	shalt  }
0x68: {  	_ =	shalt  }
0x69: {  	_ =	shalt  }
0x6a: {  	_ =	shalt  }
0x6b: {  	_ =	shalt  }
0x6c: {  	_ =	shalt  }
0x6d: {  	_ =	shalt  }
0x6e: {  	_ =	shalt  }
0x6f: {  	_ =	shalt  }
0x70: {  	_ =	shalt  }
0x71: {  	_ =	shalt  }
0x72: {  	_ =	shalt  }
0x73: {  	_ =	shalt  }
0x74: {  	_ =	shalt  }
0x75: {  	_ =	shalt  }
0x76: {  	_ =	shalt  }
0x77: {  	_ =	shalt  }
0x78: {  	_ =	shalt  }
0x79: {  	_ =	shalt  }
0x7a: {  	_ =	shalt  }
0x7b: {  	_ =	shalt  }
0x7c: {  	_ =	shalt  }
0x7d: {  	_ =	shalt  }
0x7e: {  	_ =	shalt  }
0x7f: {  	_ =	shalt  }
0x80: {  	_ =	shalt  }
0x81: {  	_ =	shalt  }
0x82: {  	_ =	shalt  }
0x83: {  	_ =	shalt  }
0x84: {  	_ =	shalt  }
0x85: {  	_ =	shalt  }
0x86: {  	_ =	shalt  }
0x87: {  	_ =	shalt  }
.Lfunc_end0:
.L_simem_size_0:
called_computation_lowered:
.L_overlay_start_0:
0x88: {  	s2 =	sld [smem:$0x3FD9]  }
0x89: {  	s3 =	sld [smem:$0x3FFE];
	_ =	sdelay $0x1  }
0x8a: {  	s1 =	srdreg.scid  }
0x8b: {  	s0 =	sand.u32 $0x1, s1  }
0x8c: {  	s16 =	sshll.u32 s0, $0xA;
	s2 =	sadd.s32 s3, s2  }
0x8d: {  	s2 =	sadd.s32 s2, s16  }
0x8e: {  	[smem:$0x3FC3] =	sst s2  }
0x8f: {  	_ = 	snop  }
0x90: {  	(tm) =	ssettm $0x1  }
0x91: {  	s17 =	sld [smem:$0x3FFB];
	_ =	sdelay $0x3  }
0x92: {  	_ =	strace s17  }
0x93: {  	s2 =	sld [smem:$0x3FFC];
	_ =	sdelay $0x3  }
0x94: {  	_ =	strace s2  }
0x95: {  	s2 =	sld [smem:$0x3FFD];
	_ =	sdelay $0x3  }
0x96: {  	_ =	strace s2  }
0x97: {  	_ =	strace $0x8FFFFFFF  }
0x98: {  	s18 =	sld [smem:$0x3FDB];
	_ =	sdelay $0x1  }
0x99: {  	s19 =	simm.s32 $_scs_section_size  }
0x9a: {  	s4 =	simm.s32 $_size__tile_overlayer_lowered;
	s5 =	simm.s32 $_tile_overlayer_lowered  }
0x9b: {  	s22 =	simm.s32 $0x1BFF;
	s21 =	sshll.u32 s5, $0x1;
	s2 =	sadd.s32 s19, s18  }
0x9c: {  	s6 =	simm.s32 $0x0;
	s20 =	sshll.u32 s4, $0x1;
	s4 =	sadd.s32 s21, s2  }
0x9d: {  	[timem:s6], [sflag:s22] =	dma.local [hbm:s4], s20  }
0x9e: {  	_ =	swait.ge [sflag:s22], s20  }
0x9f: {  	s3 =	ssub.s32 $0x0, s20;
	[sflag:s22] =	ssyncset.done $0x0  }
0xa0: {  	[sflag:s22] =	ssyncadd.s32 s3;
	_ =	sdelay $0x1  }
0xa1: {  	s23 =	simm.s32 $0x1B8B  }
0xa2: {  	_ =	swait.ge [sflag:s23], $0x1  }
0xa3: {  	[sflag:s23] =	ssyncset.done $0x0  }
0xa4: {  	s25 =	simm.s32 $0x1B8E;
	s24 =	sld [smem:$0x3FFE];
	[sflag:s23] =	ssyncadd.s32 $0xFFFFFFFF  }
0xa5: {  	s26 =	simm.s32 $execute0_lowered;
	[smem:$0x3FD2] =	sst s25  }
0xa6: {  	s4 =	sshll.u32 s26, $0x1;
	_ =	strace $0x80000046;
	[dreg:$0x1] =	wrdreg $0xFFFFFFFF  }
0xa7: {  	s28 =	simm.s32 $_size_execute0_lowered;
	s2 =	sadd.s32 s2, s4;
	[dreg:$0x0] =	wrdreg $0x0  }
0xa8: {  	s4 =	sshll.u32 s28, $0x1;
	[dreg:$0x2] =	wrdreg s2  }
0xa9: {  	[dreg:$0x3] =	wrdreg s4  }
0xaa: {  	[dreg:$0x4] =	wrdreg $0xC0  }
0xab: {  	_ =	task [dreg:s6], $0x5FFFF  }
0xac: {  	[dreg:$0x1] =	wrdreg $0xFFFFFFFF  }
0xad: {  	[dreg:$0x0] =	wrdreg $0x60  }
0xae: {  	[dreg:$0x2] =	wrdreg s24  }
0xaf: {  	[dreg:$0x3] =	wrdreg $0x0  }
0xb0: {  	[dreg:$0x4] =	wrdreg $0x50000  }
0xb1: {  	[dreg:$0x5] =	wrdreg $0x9  }
0xb2: {  	_ =	task.clear_ibuf [dreg:s6], $0x6FFFF;
	_ =	strace $0x90000046  }
0xb3: {  	s29 =	simm.s32 $0x9;
	_ =	strace $0x80000048  }
0xb4: {  	_ =	swait.ge [sflag:s29], $0x1  }
0xb5: {  	[sflag:s29] =	ssyncadd.s32 $0xFFFFFFFF  }
0xb6: {  	_ =	strace $0x90000048  }
0xb7: {  	_ =	sfence  }
0xb8: {  	s30 =	sld [smem:$0x0];
	_ =	sdelay $0x2  }
0xb9: {  	s31 =	sshll.u32 s1, $0xD;
	s1 =	sshrl.u32 s1, $0x2  }
0xba: {  	s3 =	sand.u32 $0x4000, s31;
	s1 =	sadd.s32 s1, s30  }
0xbb: {  	s0 =	sor.u32 s3, s0;
	s1 =	sshll.u32 s1, $0x11  }
0xbc: {  	s0 =	sor.u32 s1, s0  }
0xbd: {  	s0 =	sadd.s32 $0x8F2B, s0  }
0xbe: {  	[sflag:s0] =	ssyncadd.remote.s32 $0x1  }
0xbf: {  	_ =	sfence.sel $0xFFFF  }
0xc0: {  	[dreg:$0x0] =	wrdreg $0xFFFFFFFF;
	(pc) =	sbr.abs _section_cstart, $3  }
0xc1: {  	[dreg:$0x1] =	wrdreg $0xFFFFFFFF  }
0xc2: {  	_ =	task.clear_ibuf [dreg:s6], $0x2FFFF;
	_ =	strace $0x9FFFFFFF  }
0xc3: {  	(tm) =	ssettm $0x7FFFFFFF  }
tec
execute0_lowered:
.L_overlay_start_1:
0x0: {  	(tag) =	ssettag $0x1  }
0x1: {  	s0 =	simm.s32 $0x0  }
0x2: {  	[smem:$0x7FF] =	sst s0;
	s0 =	stileid.u32  }
0x3: {  	s1 =	rddreg [dreg:$0x0];
	s3 =	smul.u32 $0x4F80, s0  }
0x4: {  	s4 =	srdreg.scid;
	s2 =	sadd.s32 $0x1F600, s1;
	s6 =	smul.u32 $0x9F0, s0  }
0x5: {  	s5 =	sadd.s32 $0x29600, s1;
	s4 =	sand.u32 $0x1, s4;
	s8 =	smul.u32 $0x5000, s0  }
0x6: {  	s7 =	ssub.s32 $0x2, s4;
	s10 =	smul.u32 $0x50000, s4;
	p0 =	sne.s32 s4, $0x0  }
0x7: {  	p1 =	seq.s32 s4, $0x0;
	s4 =	simm.s32 $0x8;
	s9 =	sshrl.u32 s7, $0x1  }
0x8: {  	s3 =	sshrl.u32 s3, $0x3;
	s6 =	sadd.s32 s6, s1;
	s7 =	ssub.s32 s7, s9  }
0x9: {  	s24 =	sadd.s32 s10, s8;
	s11 =	sshrl.u32 s8, $0x3;
	s12 =	sadd.s32 $0x1000, s8  }
0xa: {  	s14 =	sadd.s32 $0x3000, s8;
	s17 =	sadd.s32 $0x4000, s8;
	s3 =	sadd.s32 s3, s1  }
0xb: {  	s1 =	sadd.s32 $0x33600, s1;
	s9 =	sshrl.u32 s24, $0x3;
	s13 =	sadd.s32 s5, s11  }
0xc: {  	s25 =	sshrl.u32 s12, $0x3;
	s11 =	sadd.s32 s2, s11;
	[dreg:$0x4] =	wrdreg s13  }
0xd: {  	s29 =	sshrl.u32 s14, $0x3;
	[dreg:$0x5] =	wrdreg s11;
	s26 =	sadd.s32 s5, s25  }
0xe: {  	s31 =	sshrl.u32 s17, $0x3;
	s13 =	sadd.s32 s2, s25;
	[dreg:$0x6] =	wrdreg s26  }
0xf: {  	s11 =	sadd.s32 $0x2000, s8;
	s30 =	sadd.s32 s5, s29;
	[dreg:$0x7] =	wrdreg s13  }
0x10: {  	s9 =	sadd.s32 s1, s9;
	s28 =	sshrl.u32 s11, $0x3;
	[dreg:$0xa] =	wrdreg s30  }
0x11: {  	s20 =	sadd.s32 s10, s14;
	[dreg:$0xe] =	wrdreg s9;
	s15 =	sadd.s32 s5, s28  }
0x12: {  	s21 =	sadd.s32 s10, s17;
	s13 =	sadd.s32 s2, s28;
	[dreg:$0x8] =	wrdreg s15  }
0x13: {  	s24 =	sadd.s32 $0x15600, s6;
	s5 =	sadd.s32 s5, s31;
	[dreg:$0x9] =	wrdreg s13  }
0x14: {  	s6 =	simm.s32 $0x9;
	s15 =	sadd.s32 s2, s29;
	[dreg:$0xc] =	wrdreg s5  }
0x15: {  	s2 =	sadd.s32 s2, s31;
	[dreg:$0xb] =	wrdreg s15;
	s15 =	sadd.s32 s10, s12  }
0x16: {  	s18 =	sadd.s32 s10, s11;
	[dreg:$0xd] =	wrdreg s2;
	s16 =	sshrl.u32 s15, $0x3  }
0x17: {  	s19 =	sshrl.u32 s18, $0x3;
	s2 =	sadd.s32 s1, s16;
	s16 =	rddreg [dreg:$0x1]  }
0x18: {  	s22 =	sadd.s32 $0x1800, s3;
	[dreg:$0xf] =	wrdreg s2;
	s2 =	sadd.s32 s1, s19  }
0x19: {  	s23 =	sadd.s32 $0xB700, s3;
	[dreg:$0x10] =	wrdreg s2;
	s2 =	sshrl.u32 s20, $0x3  }
0x1a: {  	s5 =	sshrl.u32 s21, $0x3;
	s19 =	rddreg [dreg:$0x2];
	s2 =	sadd.s32 s1, s2  }
0x1b: {  	s25 =	smax.u32 s7, $0x1;
	s1 =	sadd.s32 s1, s5;
	[dreg:$0x11] =	wrdreg s2  }
0x1c: {  	s7 =	simm.s32 $0x1;
	s9 =	simm.s32 $0xB000;
	[dreg:$0x12] =	wrdreg s1  }
0x1d: {  	s13 =	simm.s32 $0x4;
	_ =	strace $0x80000047;
	[dreg:$0x13] =	wrdreg s22  }
0x1e: {  	s10 =	simm.s32 $0x2;
	s21 =	sadd.s32 s8, s16;
	[dreg:$0x14] =	wrdreg s23  }
0x1f: {  	s26 =	sadd.s32 s8, s19;
	s28 =	sadd.s32 s12, s19;
	[dreg:$0x15] =	wrdreg s24  }
0x20: {  	s29 =	sadd.s32 s11, s19;
	s30 =	sadd.s32 s14, s19;
	[dreg:$0x16] =	wrdreg s25  }
0x21: {  	v0 =	vimm.f32 $0.0e+00;
	v1 =	vimm.s32 $0x0;
	s31 =	sadd.s32 s17, s19;
	s8 =	simm.s32 $0x80;
	[dreg:$0x17] =	wrdreg s26  }
.Ltmp0:
0x22: {  	v2 =	vimm.s32 $0x1;
	v3 =	vimm.s32 $0x2;
	v4 =	vimm.s32 $0x3;
	s20 =	simm.s32 $0x0;
	[dreg:$0x18] =	wrdreg s28;
	(pc) =	sbr.rel .LBB2_1-.Ltmp0, $4  }
0x23: {  	v5 =	vimm.s32 $0x4;
	v6 =	vimm.s32 $0x5;
	v7 =	vimm.s32 $0x6;
	s5 =	simm.s32 $0xA000;
	s22 =	sadd.s32 s12, s16;
	[dreg:$0x19] =	wrdreg s29  }
0x24: {  	v8 =	vimm.s32 $0x7;
	v9 =	vimm.s32 $0x8;
	v10 =	vimm.s32 $0x9;
	s23 =	sadd.s32 s11, s16;
	s25 =	sadd.s32 s14, s16;
	[dreg:$0x1a] =	wrdreg s30  }
0x25: {  	v11 =	vimm.s32 $0xA;
	v12 =	vimm.s32 $0xB;
	v13 =	vimm.s32 $0xC;
	s26 =	sadd.s32 s17, s16;
	[dreg:$0x1c] =	wrdreg s31;
	s11 =	simm.s32 $0xC000  }
0x26: {  	v14 =	vimm.s32 $0xD;
	v15 =	vimm.s32 $0xE;
	v16 =	vimm.s32 $0xF;
	s12 =	simm.s32 $0x3;
	s17 =	simm.s32 $0x6;
	[dreg:$0x1b] =	wrdreg s21  }
.LBB2_12:
0x27: {  	s1 =	simm.s32 $0x5  }
0x28: {  	_ =	swait.ge [sflag:s1], $0x1000  }
0x29: {  	[sflag:s1] =	ssyncset.done $0x0  }
0x2a: {  	[sflag:s1] =	ssyncadd.s32 $0xFFFFF000  }
0x2b: {  	_ =	swait.ge [sflag:s17], $0x1000  }
0x2c: {  	[sflag:s17] =	ssyncset.done $0x0  }
0x2d: {  	s30 =	simm.s32 $0x7;
	[sflag:s17] =	ssyncadd.s32 $0xFFFFF000  }
0x2e: {  	_ =	swait.ge [sflag:s30], $0x1000  }
0x2f: {  	[sflag:s30] =	ssyncset.done $0x0  }
0x30: {  	[sflag:s30] =	ssyncadd.s32 $0xFFFFF000  }
0x31: {  	[bflag:$0x0] =	sbarrier.arrive $0xFFFF  }
0x32: {  	s14 =	sshll.u32 s0, $0x6;
	s21 =	rddreg [dreg:$0x1b]  }
0x33: {  	s1 =	sor.u32 $0x1C08, s14;
	s18 =	rddreg [dreg:$0xe];
	s14 =	sshrl.u32 s21, $0x3  }
0x34: {  	[hbm:s18], [sflag:s1] =	dma.local [spmem:s14], $0x200  }
0x35: {  	_ =	swait.ge [sflag:s4], $0x200  }
0x36: {  	[sflag:s4] =	ssyncset.done $0x0  }
0x37: {  	s18 =	sshrl.u32 s15, $0x3;
	s23 =	rddreg [dreg:$0xf];
	[sflag:s4] =	ssyncadd.s32 $0xFFFFFE00  }
0x38: {  	[hbm:s23], [sflag:s1] =	dma.local [spmem:s18], $0x200  }
0x39: {  	_ =	swait.ge [sflag:s4], $0x200  }
0x3a: {  	[sflag:s4] =	ssyncset.done $0x0  }
0x3b: {  	s24 =	sshrl.u32 s2, $0x3;
	s25 =	rddreg [dreg:$0x10];
	[sflag:s4] =	ssyncadd.s32 $0xFFFFFE00  }
0x3c: {  	[hbm:s25], [sflag:s1] =	dma.local [spmem:s24], $0x200  }
0x3d: {  	_ =	swait.ge [sflag:s4], $0x200  }
0x3e: {  	[sflag:s4] =	ssyncset.done $0x0  }
0x3f: {  	s26 =	sshrl.u32 s3, $0x3;
	s28 =	rddreg [dreg:$0x11];
	[sflag:s4] =	ssyncadd.s32 $0xFFFFFE00  }
0x40: {  	[hbm:s28], [sflag:s1] =	dma.local [spmem:s26], $0x200  }
0x41: {  	_ =	swait.ge [sflag:s4], $0x200  }
0x42: {  	[sflag:s4] =	ssyncset.done $0x0  }
0x43: {  	s29 =	sshrl.u32 s31, $0x3;
	s30 =	rddreg [dreg:$0x12];
	[sflag:s4] =	ssyncadd.s32 $0xFFFFFE00  }
0x44: {  	[hbm:s30], [sflag:s1] =	dma.local [spmem:s29], $0x200  }
0x45: {  	_ =	swait.ge [sflag:s4], $0x200  }
0x46: {  	s20 =	sadd.s32 $0x1, s20;
	s26 =	smov.u32 s31;
	s31 =	rddreg [dreg:$0x16]  }
0x47: {  	p2 =	sne.s32 s20, s31  }
.Ltmp1:
0x48: {  	_ = 	snop;
	(pc) =	sbr.rel @!p2 .LBB2_13-.Ltmp1, $3  }
0x49: {  	_ =	sdelay $0x1  }
0x4a: {  	s22 =	smov.u32 s15;
	[sflag:s4] =	ssyncset.done $0x0  }
0x4b: {  	s23 =	smov.u32 s2;
	s25 =	smov.u32 s3;
	[sflag:s4] =	ssyncadd.s32 $0xFFFFFE00  }
.LBB2_1:
0x4c: {  	s1 =	simm.s32 $0x0;
	s14 =	rddreg [dreg:$0x13];
	s2 =	simm.s32 $0xD000  }
0x4d: {  	[tilespmem:s2], [sflag:$0x1] =	stream.linear.gather [hbm4b:s14+s1], $0x4F80, $0x38;
	[tilespmem:$0x1BE80] =	vst v63  }
0x4e: {  	s28 =	rddreg [dreg:$0x14];
	s29 =	simm.s32 $0x11F80  }
0x4f: {  	[tilespmem:s29], [sflag:$0x1] =	stream.linear.gather [hbm4b:s28+s1], $0x4F80, $0x38;
	[tilespmem:$0x1BE80] =	vst v63  }
0x50: {  	s30 =	rddreg [dreg:$0x15];
	s31 =	simm.s32 $0x16F00  }
0x51: {  	[tilespmem:s31], [sflag:$0x1] =	stream.linear.gather [hbm4b:s30+s1], $0x4F80, $0x38;
	[tilespmem:$0x1BE80] =	vst v63  }
0x52: {  	s14 =	simm.s32 $0x0;
	s1 =	simm.s32 $0x80  }
.LBB2_2:
0x53: {  	p2 =	sne.s32 s1, $0x3F80;
	[tilespmem:s14+$0xA000] =	vst v0;
	s18 =	smov.u32 s1;
	s1 =	sadd.s32 $0x80, s1  }
.Ltmp2:
0x54: {  	[tilespmem:s14+$0xA010] =	vst v0;
	(pc) =	sbr.rel @p2 .LBB2_2-.Ltmp2, $2  }
0x55: {  	_ =	sdelay $0x2  }
0x56: {  	s14 =	sshra.s32 s18, $0x2  }
0x57: {  	[tilespmem:s14+$0xA000] =	vst v0  }
0x58: {  	[tilespmem:s14+$0xA010] =	vst v0  }
0x59: {  	[spmem:s21] =	stream.linear.scatter [tilespmem:s5], [sflag:$0x9], $0x1000, $0x38;
	[tilespmem:$0x1BE80] =	vst v63  }
0x5a: {  	s1 =	sshll.u32 @p0 s0, $0x6;
	_ =	swait.ge [sflag:s6], $0x1000  }
0x5b: {  	s1 =	sor.u32 @p0 $0x1C08, s1;
	[sflag:s6] =	ssyncset.done $0x0;
	s21 =	rddreg [dreg:$0x17]  }
0x5c: {  	s18 =	rddreg [dreg:$0x4];
	[sflag:s6] =	ssyncadd.s32 $0xFFFFF000;
	s14 =	sshrl.u32 @p0 s21, $0x3  }
0x5d: {  	[spmem:s14], [sflag:s1] =	dma.local @p0 [hbm:s18], $0x200  }
0x5e: {  	s1 =	simm.s32 @p0 $0x8  }
0x5f: {  	_ =	swait.ge @p0 [sflag:s1], $0x200  }
0x60: {  	s14 =	sshll.u32 @!p0 s0, $0x6;
	[sflag:s1] =	ssyncset.done @p0 $0x0;
	s18 =	rddreg [dreg:$0x5]  }
0x61: {  	[sflag:s1] =	ssyncadd.s32 @p0 $0xFFFFFE00;
	s1 =	sor.u32 @!p0 $0x1C09, s14;
	s14 =	sshrl.u32 @!p0 s21, $0x3  }
0x62: {  	[spmem:s14], [sflag:s1] =	dma.local @!p0 [hbm:s18], $0x200  }
0x63: {  	s1 =	simm.s32 @!p0 $0x9  }
0x64: {  	_ =	swait.ge @!p0 [sflag:s1], $0x200  }
0x65: {  	[sflag:s1] =	ssyncset.done @!p0 $0x0  }
0x66: {  	[sflag:s1] =	ssyncadd.s32 @!p0 $0xFFFFFE00  }
0x67: {  	[spmem:s22] =	stream.linear.scatter [tilespmem:s5], [sflag:$0x9], $0x1000, $0x38;
	[tilespmem:$0x1BE80] =	vst v63  }
0x68: {  	s1 =	sshll.u32 @p1 s0, $0x6;
	_ =	swait.ge [sflag:s6], $0x1000  }
0x69: {  	s1 =	sor.u32 @p1 $0x1C09, s1;
	[sflag:s6] =	ssyncset.done $0x0;
	s21 =	rddreg [dreg:$0x18]  }
0x6a: {  	s18 =	rddreg [dreg:$0x7];
	[sflag:s6] =	ssyncadd.s32 $0xFFFFF000;
	s14 =	sshrl.u32 @p1 s21, $0x3  }
0x6b: {  	[spmem:s14], [sflag:s1] =	dma.local @p1 [hbm:s18], $0x200  }
0x6c: {  	s14 =	simm.s32 @p1 $0x9  }
0x6d: {  	s15 =	smov.u32 s22;
	_ =	swait.ge @p1 [sflag:s14], $0x200  }
0x6e: {  	s21 =	sshrl.u32 @!p1 s21, $0x3;
	s18 =	sshll.u32 @!p1 s0, $0x6;
	[sflag:s14] =	ssyncset.done @p1 $0x0  }
0x6f: {  	s18 =	sor.u32 @!p1 $0x1C08, s18;
	s22 =	rddreg [dreg:$0x6];
	[sflag:s14] =	ssyncadd.s32 @p1 $0xFFFFFE00  }
0x70: {  	[spmem:s21], [sflag:s18] =	dma.local @!p1 [hbm:s22], $0x200  }
0x71: {  	s21 =	simm.s32 @!p1 $0x8  }
0x72: {  	_ =	swait.ge @!p1 [sflag:s21], $0x200  }
0x73: {  	[sflag:s21] =	ssyncset.done @!p1 $0x0  }
0x74: {  	[sflag:s21] =	ssyncadd.s32 @!p1 $0xFFFFFE00  }
0x75: {  	[spmem:s23] =	stream.linear.scatter [tilespmem:s5], [sflag:$0x9], $0x1000, $0x38;
	[tilespmem:$0x1BE80] =	vst v63  }
0x76: {  	_ =	swait.ge [sflag:s6], $0x1000  }
0x77: {  	s2 =	smov.u32 s23;
	[sflag:s6] =	ssyncset.done $0x0;
	s24 =	rddreg [dreg:$0x19]  }
0x78: {  	s23 =	rddreg [dreg:$0x9];
	[sflag:s6] =	ssyncadd.s32 $0xFFFFF000;
	s22 =	sshrl.u32 @p1 s24, $0x3  }
0x79: {  	[spmem:s22], [sflag:s1] =	dma.local @p1 [hbm:s23], $0x200  }
0x7a: {  	_ =	swait.ge @p1 [sflag:s14], $0x200  }
0x7b: {  	[sflag:s14] =	ssyncset.done @p1 $0x0  }
0x7c: {  	s22 =	sshrl.u32 @!p1 s24, $0x3;
	s23 =	rddreg [dreg:$0x8];
	[sflag:s14] =	ssyncadd.s32 @p1 $0xFFFFFE00  }
0x7d: {  	[spmem:s22], [sflag:s18] =	dma.local @!p1 [hbm:s23], $0x200  }
0x7e: {  	_ =	swait.ge @!p1 [sflag:s21], $0x200  }
0x7f: {  	[sflag:s21] =	ssyncset.done @!p1 $0x0  }
0x80: {  	[sflag:s21] =	ssyncadd.s32 @!p1 $0xFFFFFE00  }
0x81: {  	[spmem:s25] =	stream.linear.scatter [tilespmem:s5], [sflag:$0x9], $0x1000, $0x38;
	[tilespmem:$0x1BE80] =	vst v63  }
0x82: {  	_ =	swait.ge [sflag:s6], $0x1000  }
0x83: {  	[sflag:s6] =	ssyncset.done $0x0;
	s24 =	rddreg [dreg:$0x1a]  }
0x84: {  	s23 =	rddreg [dreg:$0xb];
	[sflag:s6] =	ssyncadd.s32 $0xFFFFF000;
	s22 =	sshrl.u32 @p1 s24, $0x3  }
0x85: {  	[spmem:s22], [sflag:s1] =	dma.local @p1 [hbm:s23], $0x200  }
0x86: {  	_ =	swait.ge @p1 [sflag:s14], $0x200  }
0x87: {  	[sflag:s14] =	ssyncset.done @p1 $0x0  }
0x88: {  	s22 =	sshrl.u32 @!p1 s24, $0x3;
	s23 =	rddreg [dreg:$0xa];
	[sflag:s14] =	ssyncadd.s32 @p1 $0xFFFFFE00  }
0x89: {  	[spmem:s22], [sflag:s18] =	dma.local @!p1 [hbm:s23], $0x200  }
0x8a: {  	_ =	swait.ge @!p1 [sflag:s21], $0x200  }
0x8b: {  	[sflag:s21] =	ssyncset.done @!p1 $0x0  }
0x8c: {  	[sflag:s21] =	ssyncadd.s32 @!p1 $0xFFFFFE00  }
0x8d: {  	[spmem:s26] =	stream.linear.scatter [tilespmem:s5], [sflag:$0x9], $0x1000, $0x38;
	[tilespmem:$0x1BE80] =	vst v63  }
0x8e: {  	_ =	swait.ge [sflag:s6], $0x1000  }
0x8f: {  	[sflag:s6] =	ssyncset.done $0x0;
	s24 =	rddreg [dreg:$0x1c]  }
0x90: {  	s23 =	rddreg [dreg:$0xd];
	[sflag:s6] =	ssyncadd.s32 $0xFFFFF000;
	s22 =	sshrl.u32 @p1 s24, $0x3  }
0x91: {  	[spmem:s22], [sflag:s1] =	dma.local @p1 [hbm:s23], $0x200  }
0x92: {  	_ =	swait.ge @p1 [sflag:s14], $0x200  }
0x93: {  	[sflag:s14] =	ssyncset.done @p1 $0x0  }
0x94: {  	s1 =	sshrl.u32 @!p1 s24, $0x3;
	[sflag:s14] =	ssyncadd.s32 @p1 $0xFFFFFE00;
	s14 =	rddreg [dreg:$0xc]  }
0x95: {  	[spmem:s1], [sflag:s18] =	dma.local @!p1 [hbm:s14], $0x200  }
0x96: {  	_ =	swait.ge @!p1 [sflag:s21], $0x200  }
0x97: {  	[sflag:s21] =	ssyncset.done @!p1 $0x0  }
0x98: {  	[sflag:s21] =	ssyncadd.s32 @!p1 $0xFFFFFE00  }
0x99: {  	_ =	swait.ge [sflag:s7], $0x4F80  }
0x9a: {  	[sflag:s7] =	ssyncset.done $0x0  }
0x9b: {  	[sflag:s7] =	ssyncadd.s32 $0xFFFFB080  }
0x9c: {  	_ =	swait.ge [sflag:s7], $0x4F80  }
0x9d: {  	[sflag:s7] =	ssyncset.done $0x0  }
0x9e: {  	[sflag:s7] =	ssyncadd.s32 $0xFFFFB080  }
0x9f: {  	_ =	swait.ge [sflag:s7], $0x4F80  }
0xa0: {  	s3 =	smov.u32 s25;
	[sflag:s7] =	ssyncset.done $0x0  }
0xa1: {  	s31 =	smov.u32 s26;
	s29 =	simm.s32 $0xD000;
	[sflag:s7] =	ssyncadd.s32 $0xFFFFB080  }
0xa2: {  	s30 =	simm.s32 $0xD080;
	s22 =	simm.s32 $0x16F00;
	[bflag:$0x0] =	sbarrier.arrive $0xFFFF  }
0xa3: {  	[tilespmem:s5], [sflag:$0x2] =	stream.indirect.gather [spmem:s19], $0x20, s29, s8, $0xb8;
	[tilespmem:$0x1BE80] =	vst v63  }
0xa4: {  	s23 =	simm.s32 $0x16F80;
	s1 =	simm.s32 $0x17000;
	s21 =	simm.s32 $0x0  }
0xa5: {  	[tilespmem:s9], [sflag:$0x3] =	stream.indirect.gather [spmem:s19], $0x20, s30, s8, $0xb8;
	[tilespmem:$0x1BE80] =	vst v63  }
.LBB2_4:
0xa6: {  	_ =	swait.ge [sflag:s10], $0x1000  }
0xa7: {  	[sflag:s10] =	ssyncset.done $0x0  }
0xa8: {  	s24 =	simm.s32 $0xA100;
	[sflag:s10] =	ssyncadd.s32 $0xFFFFF000  }
0xa9: {  	v23 =	vld [tilespmem:s24+$0x30]  }
0xaa: {  	v26 =	vld [tilespmem:s24+$0xFFFFFF10]  }
0xab: {  	v21 =	vld [tilespmem:s24+$0xFFFFFFF0]  }
0xac: {  	v17 =	vld [tilespmem:s24+$0xC0]  }
0xad: {  	v18 =	vld [tilespmem:s24+$0xF0]  }
0xae: {  	v22 =	vmov s22;
	v27 =	vld [tilespmem:s24+$0x90]  }
0xaf: {  	v29 =	vld [tilespmem:s24+$0x20]  }
0xb0: {  	v31 =	vld [tilespmem:s24+$0xE0]  }
0xb1: {  	v28 =	vld [tilespmem:s24+$0xFFFFFF40]  }
0xb2: {  	s14 =	simm.s32 $0x0;
	v35 =	vld [tilespmem:s24+$0xFFFFFF00]  }
0xb3: {  	v19 =	vld.idx.msk [tilespmem:v22+s14+$0x0 ss:$0x1], $0xffff  }
0xb4: {  	v20 =	vld [tilespmem:s24+$0xFFFFFFA0]  }
0xb5: {  	v25 =	vld [tilespmem:s24+$0x70]  }
0xb6: {  	v36 =	vld [tilespmem:s24+$0x0]  }
0xb7: {  	v38 =	vld [tilespmem:s24+$0xFFFFFF50]  }
0xb8: {  	v37 =	vld [tilespmem:s24+$0xFFFFFF90];
	v30 =	vperm.xlane v19, v1;
	v24 =	vperm.xlane v19, v16  }
0xb9: {  	v33 =	vld [tilespmem:s24+$0x10];
	v39 =	vperm.xlane v19, v3;
	v32 =	vperm.xlane v19, v9  }
0xba: {  	v34 =	vperm.xlane v19, v5;
	v41 =	vmul.f32 v35, v30;
	v35 =	vld [tilespmem:s24+$0xFFFFFF80]  }
0xbb: {  	s18 =	smul.u32 $0x600, s21;
	s25 =	simm.s32 $0xA100;
	s14 =	simm.s32 $0x40;
	v40 =	vmul.f32 v28, v39;
	v36 =	vmul.f32 v36, v32;
	v28 =	vld [tilespmem:s24+$0x50]  }
.LBB2_5:
0xbc: {  	p2 =	sne.s32 s14, $0x1C0  }
0xbd: {  	v42 =	vperm.xlane v19, v13;
	[tilespmem:s24+$0xFFFFFF00] =	vst v41;
	v38 =	vmul.f32 v38, v39;
	v39 =	vld [tilespmem:s24+$0xFFFFFFB0];
	s25 =	sadd.s32 $0x200, s25;
	s26 =	smov.u32 s14;
	s14 =	sadd.s32 $0x40, s14  }
0xbe: {  	v41 =	vperm.xlane v19, v2;
	v31 =	vmul.f32 v31, v24;
	v43 =	vld [tilespmem:s24+$0xFFFFFFC0];
	[tilespmem:s24+$0xFFFFFF40] =	vst v40  }
0xbf: {  	v40 =	vperm.xlane v19, v10;
	v37 =	vmul.f32 v37, v34;
	v44 =	vld [tilespmem:s24+$0xA0];
	[tilespmem:s24+$0xFFFFFF50] =	vst v38  }
0xc0: {  	v38 =	vld [tilespmem:s24+$0xFFFFFF60];
	v34 =	vmul.f32 v35, v34;
	[tilespmem:s24+$0xE0] =	vst v31;
	v31 =	vmul.f32 v33, v32  }
0xc1: {  	v32 =	vperm.xlane v19, v7;
	v29 =	vmul.f32 v29, v40;
	v33 =	vld [tilespmem:s24+$0x80];
	[tilespmem:s24+$0xFFFFFF90] =	vst v37  }
0xc2: {  	v26 =	vmul.f32 v26, v30;
	v23 =	vmul.f32 v23, v40;
	v35 =	vld [tilespmem:s24+$0xFFFFFFE0];
	[tilespmem:s24+$0x0] =	vst v36  }
0xc3: {  	v30 =	vperm.xlane v19, v4;
	v36 =	vperm.xlane v19, v6;
	[tilespmem:s24+$0x20] =	vst v29;
	v29 =	vld [tilespmem:s24+$0xFFFFFF70]  }
0xc4: {  	v27 =	vmul.f32 v27, v42;
	v37 =	vperm.xlane v19, v11;
	v40 =	vld [tilespmem:s24+$0x40];
	[tilespmem:s24+$0xFFFFFF10] =	vst v26  }
0xc5: {  	v26 =	vperm.xlane v19, v8;
	v38 =	vmul.f32 v38, v30;
	[tilespmem:s24+$0xFFFFFF80] =	vst v34;
	v34 =	vld [tilespmem:s24+$0xFFFFFFD0]  }
0xc6: {  	v43 =	vmul.f32 v43, v32;
	v39 =	vmul.f32 v39, v36;
	v45 =	vld [tilespmem:s24+$0xFFFFFF20];
	[tilespmem:s24+$0x90] =	vst v27  }
0xc7: {  	v27 =	vperm.xlane v19, v14;
	v35 =	vmul.f32 v35, v26;
	v46 =	vld [tilespmem:s24+$0x60];
	[tilespmem:s24+$0x30] =	vst v23  }
0xc8: {  	v47 =	vperm.xlane v19, v12;
	v30 =	vmul.f32 v29, v30;
	v29 =	vld [tilespmem:s24+$0xB0];
	[tilespmem:s24+$0x10] =	vst v31  }
0xc9: {  	v21 =	vmul.f32 v21, v26;
	v31 =	vmul.f32 v40, v37;
	v40 =	vld [tilespmem:s24+$0xFFFFFF30];
	[tilespmem:s24+$0xFFFFFFB0] =	vst v39  }
0xca: {  	v28 =	vmul.f32 v28, v37;
	v23 =	vld [tilespmem:s25+$0x30];
	[tilespmem:s24+$0xFFFFFFC0] =	vst v43;
	v32 =	vmul.f32 v34, v32  }
0xcb: {  	v37 =	vmul.f32 v44, v27;
	v26 =	vld [tilespmem:s25+$0xFFFFFF10];
	v34 =	vmul.f32 v45, v41;
	[tilespmem:s24+$0x40] =	vst v31  }
0xcc: {  	v25 =	vmul.f32 v25, v47;
	v31 =	vmul.f32 v46, v47;
	v39 =	vld [tilespmem:s24+$0xD0];
	[tilespmem:s24+$0xFFFFFFF0] =	vst v21  }
0xcd: {  	v21 =	vmul.f32 v33, v42;
	[tilespmem:s24+$0xA0] =	vst v37;
	v27 =	vmul.f32 v29, v27  }
0xce: {  	v20 =	vmul.f32 v20, v36;
	v29 =	vmul.f32 v40, v41;
	[tilespmem:s24+$0x50] =	vst v28  }
0xcf: {  	v18 =	vmul.f32 v18, v24;
	v19 =	vperm.xlane v19, v15;
	[tilespmem:s24+$0xB0] =	vst v27  }
0xd0: {  	[tilespmem:s24+$0x70] =	vst v25  }
0xd1: {  	v17 =	vmul.f32 v17, v19;
	v19 =	vmul.f32 v39, v19;
	[tilespmem:s24+$0xF0] =	vst v18  }
0xd2: {  	[tilespmem:s24+$0xFFFFFFA0] =	vst v20  }
0xd3: {  	[tilespmem:s24+$0xC0] =	vst v17  }
0xd4: {  	[tilespmem:s24+$0x80] =	vst v21  }
0xd5: {  	[tilespmem:s24+$0xFFFFFF30] =	vst v29  }
0xd6: {  	v21 =	vld [tilespmem:s25+$0xFFFFFFF0];
	[tilespmem:s24+$0x60] =	vst v31  }
0xd7: {  	v17 =	vld [tilespmem:s25+$0xC0];
	[tilespmem:s24+$0xFFFFFF20] =	vst v34  }
0xd8: {  	v18 =	vld [tilespmem:s25+$0xF0];
	[tilespmem:s24+$0xFFFFFF60] =	vst v38  }
0xd9: {  	v27 =	vld [tilespmem:s25+$0x90];
	[tilespmem:s24+$0xFFFFFFD0] =	vst v32  }
0xda: {  	v29 =	vld [tilespmem:s25+$0x20];
	[tilespmem:s24+$0xD0] =	vst v19  }
0xdb: {  	v31 =	vld [tilespmem:s25+$0xE0];
	[tilespmem:s24+$0xFFFFFFE0] =	vst v35  }
0xdc: {  	s26 =	sshra.s32 s26, $0x2;
	v28 =	vld [tilespmem:s25+$0xFFFFFF40];
	[tilespmem:s24+$0xFFFFFF70] =	vst v30;
	s24 =	smov.u32 s25  }
0xdd: {  	v19 =	vld.idx.msk [tilespmem:v22+s26+$0x0 ss:$0x1], $0xffff  }
0xde: {  	v35 =	vld [tilespmem:s25+$0xFFFFFF00]  }
0xdf: {  	v20 =	vld [tilespmem:s25+$0xFFFFFFA0]  }
0xe0: {  	v25 =	vld [tilespmem:s25+$0x70]  }
0xe1: {  	v36 =	vld [tilespmem:s25+$0x0]  }
.Ltmp3:
0xe2: {  	v38 =	vld [tilespmem:s25+$0xFFFFFF50];
	(pc) =	sbr.rel @p2 .LBB2_5-.Ltmp3, $4  }
0xe3: {  	v30 =	vperm.xlane v19, v1;
	v24 =	vperm.xlane v19, v16;
	v37 =	vld [tilespmem:s25+$0xFFFFFF90]  }
0xe4: {  	v39 =	vperm.xlane v19, v3;
	v32 =	vperm.xlane v19, v9;
	v33 =	vld [tilespmem:s25+$0x10]  }
0xe5: {  	v34 =	vperm.xlane v19, v5;
	v41 =	vmul.f32 v35, v30;
	v35 =	vld [tilespmem:s25+$0xFFFFFF80]  }
0xe6: {  	v40 =	vmul.f32 v28, v39;
	v36 =	vmul.f32 v36, v32;
	v28 =	vld [tilespmem:s25+$0x50]  }
0xe7: {  	[tilespmem:s24+$0xFFFFFF00] =	vst v41  }
0xe8: {  	v22 =	vmul.f32 v38, v39;
	[tilespmem:s24+$0xFFFFFF40] =	vst v40  }
0xe9: {  	v31 =	vmul.f32 v31, v24;
	[tilespmem:s24+$0x0] =	vst v36  }
0xea: {  	v26 =	vmul.f32 v26, v30;
	[tilespmem:s24+$0xFFFFFF50] =	vst v22  }
0xeb: {  	v50 =	vperm.xlane v19, v10;
	v18 =	vmul.f32 v18, v24;
	[tilespmem:s24+$0xE0] =	vst v31  }
0xec: {  	v37 =	vmul.f32 v37, v34;
	[tilespmem:s24+$0xFFFFFF10] =	vst v26  }
0xed: {  	v60 =	vperm.xlane v19, v12;
	v29 =	vmul.f32 v29, v50;
	[tilespmem:s24+$0xF0] =	vst v18  }
0xee: {  	v31 =	vperm.xlane v19, v13;
	v23 =	vmul.f32 v23, v50;
	[tilespmem:s24+$0xFFFFFF90] =	vst v37  }
0xef: {  	v48 =	vld [tilespmem:s24+$0xFFFFFFB0];
	v25 =	vmul.f32 v25, v60;
	[tilespmem:s24+$0x20] =	vst v29  }
0xf0: {  	v56 =	vperm.xlane v19, v11;
	v27 =	vmul.f32 v27, v31;
	[tilespmem:s24+$0x30] =	vst v23  }
0xf1: {  	v49 =	vld [tilespmem:s24+$0xFFFFFFC0];
	v26 =	vperm.xlane v19, v6;
	v29 =	vmul.f32 v35, v34;
	[tilespmem:s24+$0x70] =	vst v25  }
0xf2: {  	v28 =	vmul.f32 v28, v56;
	[tilespmem:s24+$0x90] =	vst v27  }
0xf3: {  	v53 =	vld [tilespmem:s24+$0x40];
	v20 =	vmul.f32 v20, v26;
	[tilespmem:s24+$0xFFFFFF80] =	vst v29  }
0xf4: {  	v55 =	vperm.xlane v19, v7;
	v58 =	vld [tilespmem:s24+$0xB0];
	v38 =	vmul.f32 v48, v26;
	[tilespmem:s24+$0x50] =	vst v28  }
0xf5: {  	v52 =	vld [tilespmem:s24+$0xA0];
	v23 =	vperm.xlane v19, v8;
	v27 =	vmul.f32 v33, v32;
	[tilespmem:s24+$0xFFFFFFA0] =	vst v20  }
0xf6: {  	v30 =	vld [tilespmem:s24+$0x80];
	v39 =	vmul.f32 v49, v55;
	[tilespmem:s24+$0xFFFFFFB0] =	vst v38  }
0xf7: {  	v29 =	vld [tilespmem:s24+$0x60];
	v21 =	vmul.f32 v21, v23;
	[tilespmem:s24+$0x10] =	vst v27;
	v27 =	vperm.xlane v19, v14  }
0xf8: {  	v34 =	vmul.f32 v53, v56;
	v28 =	vperm.xlane v19, v15;
	[tilespmem:s24+$0xFFFFFFC0] =	vst v39  }
0xf9: {  	v57 =	vld [tilespmem:s24+$0xFFFFFFD0];
	[tilespmem:s24+$0xFFFFFFF0] =	vst v21;
	v21 =	vmul.f32 v58, v27  }
0xfa: {  	[tilespmem:s24+$0x40] =	vst v34;
	v17 =	vmul.f32 v17, v28;
	v59 =	vmul.f32 v52, v27;
	v27 =	vld [tilespmem:s24+$0xFFFFFF30]  }
0xfb: {  	v24 =	vperm.xlane v19, v2;
	v18 =	vmul.f32 v30, v31;
	[tilespmem:s24+$0xB0] =	vst v21;
	v21 =	vld [tilespmem:s24+$0xFFFFFF20]  }
0xfc: {  	v22 =	vld [tilespmem:s24+$0xFFFFFF60];
	[tilespmem:s24+$0xC0] =	vst v17;
	v17 =	vperm.xlane v19, v4;
	v19 =	vmul.f32 v29, v60  }
0xfd: {  	v54 =	vld [tilespmem:s24+$0xFFFFFF70];
	[tilespmem:s24+$0x80] =	vst v18  }
0xfe: {  	v61 =	vld [tilespmem:s24+$0xD0];
	[tilespmem:s24+$0x60] =	vst v19;
	v19 =	vmul.f32 v57, v55  }
0xff: {  	v51 =	vld [tilespmem:s24+$0xFFFFFFE0];
	[tilespmem:s24+$0xA0] =	vst v59;
	v20 =	vmul.f32 v27, v24  }
0x100: {  	[tilespmem:s24+$0xFFFFFFD0] =	vst v19;
	v18 =	vmul.f32 v21, v24  }
0x101: {  	[tilespmem:s24+$0xFFFFFF30] =	vst v20;
	v20 =	vmul.f32 v22, v17  }
0x102: {  	v17 =	vmul.f32 v54, v17;
	[tilespmem:s24+$0xFFFFFF20] =	vst v18  }
0x103: {  	v18 =	vmul.f32 v61, v28;
	[tilespmem:s24+$0xFFFFFF60] =	vst v20  }
0x104: {  	v20 =	vmul.f32 v51, v23;
	[tilespmem:s24+$0xFFFFFF70] =	vst v17  }
0x105: {  	s14 =	sshra.s32 s18, $0x2;
	p2 =	seq.s32 s21, $0x0;
	[tilespmem:s24+$0xD0] =	vst v18  }
0x106: {  	s30 =	sadd.s32 $0x11F80, s14;
	[tilespmem:s24+$0xFFFFFFE0] =	vst v20;
	s24 =	simm.s32 @!p2 $0x7  }
0x107: {  	[spmem:s16] =	stream.indirect.scatter.add.f32 [tilespmem:s5], [sflag:$0x5], $0x20, s30, s8, $0xb8;
	[tilespmem:$0x1BE80] =	vst v63  }
0x108: {  	s26 =	smul.u32 $0x180, s21;
	_ =	swait.ge @!p2 [sflag:s24], $0x1000  }
0x109: {  	[sflag:s24] =	ssyncset.done @!p2 $0x0  }
0x10a: {  	s25 =	sadd.s32 $0xD100, s26;
	[sflag:s24] =	ssyncadd.s32 @!p2 $0xFFFFF000  }
0x10b: {  	[tilespmem:s11], [sflag:$0x4] =	stream.indirect.gather [spmem:s19], $0x20, s25, s8, $0xb8;
	[tilespmem:$0x1BE80] =	vst v63  }
0x10c: {  	_ =	swait.ge [sflag:s12], $0x1000  }
0x10d: {  	[sflag:s12] =	ssyncset.done $0x0  }
0x10e: {  	s25 =	simm.s32 $0xB1F0;
	[sflag:s12] =	ssyncadd.s32 $0xFFFFF000  }
0x10f: {  	v22 =	vld [tilespmem:s25+$0xFFFFFF40]  }
0x110: {  	v25 =	vld [tilespmem:s25+$0xFFFFFE20]  }
0x111: {  	v30 =	vld [tilespmem:s25+$0xFFFFFFF0]  }
0x112: {  	v17 =	vld [tilespmem:s25+$0xFFFFFFD0]  }
0x113: {  	v21 =	vmov s23;
	v18 =	vld [tilespmem:s25+$0x0]  }
0x114: {  	v27 =	vld [tilespmem:s25+$0xFFFFFFA0]  }
0x115: {  	v29 =	vld [tilespmem:s25+$0xFFFFFF30]  }
0x116: {  	v28 =	vld [tilespmem:s25+$0xFFFFFE50]  }
0x117: {  	s30 =	simm.s32 $0x0;
	v62 =	vld [tilespmem:s25+$0xFFFFFE10]  }
0x118: {  	v19 =	vld.idx.msk [tilespmem:v21+s30+$0x0 ss:$0x1], $0xffff  }
0x119: {  	v26 =	vld [tilespmem:s25+$0xFFFFFF00]  }
0x11a: {  	v20 =	vld [tilespmem:s25+$0xFFFFFEB0]  }
0x11b: {  	v24 =	vld [tilespmem:s25+$0xFFFFFF80]  }
0x11c: {  	v63 =	vld [tilespmem:s25+$0xFFFFFF10]  }
0x11d: {  	v38 =	vld [tilespmem:s25+$0xFFFFFE60]  }
0x11e: {  	v37 =	vld [tilespmem:s25+$0xFFFFFEA0];
	v31 =	vperm.xlane v19, v1;
	v23 =	vperm.xlane v19, v16  }
0x11f: {  	v33 =	vld [tilespmem:s25+$0xFFFFFF20];
	v39 =	vperm.xlane v19, v3;
	v32 =	vperm.xlane v19, v9  }
0x120: {  	s28 =	simm.s32 $0x40;
	v35 =	vld [tilespmem:s25+$0xFFFFFE90];
	v34 =	vperm.xlane v19, v5;
	v41 =	vmul.f32 v62, v31  }
0x121: {  	s29 =	simm.s32 $0xB1F0;
	s24 =	sadd.s32 $0x100, s26;
	s26 =	sadd.s32 $0x200, s18;
	v40 =	vmul.f32 v28, v39;
	v36 =	vmul.f32 v63, v32;
	v28 =	vld [tilespmem:s25+$0xFFFFFF60]  }
.LBB2_7:
0x122: {  	p2 =	sne.s32 s28, $0x1C0  }
0x123: {  	v42 =	vperm.xlane v19, v13;
	[tilespmem:s25+$0xFFFFFE10] =	vst v41;
	v38 =	vmul.f32 v38, v39;
	v39 =	vld [tilespmem:s25+$0xFFFFFEC0];
	s29 =	sadd.s32 $0x200, s29;
	s30 =	smov.u32 s28;
	s28 =	sadd.s32 $0x40, s28  }
0x124: {  	v41 =	vperm.xlane v19, v2;
	v30 =	vmul.f32 v30, v23;
	v43 =	vld [tilespmem:s25+$0xFFFFFED0];
	[tilespmem:s25+$0xFFFFFE50] =	vst v40  }
0x125: {  	v40 =	vperm.xlane v19, v10;
	v37 =	vmul.f32 v37, v34;
	v44 =	vld [tilespmem:s25+$0xFFFFFFB0];
	[tilespmem:s25+$0xFFFFFE60] =	vst v38  }
0x126: {  	v38 =	vld [tilespmem:s25+$0xFFFFFE70];
	v34 =	vmul.f32 v35, v34;
	[tilespmem:s25+$0xFFFFFFF0] =	vst v30;
	v30 =	vmul.f32 v33, v32  }
0x127: {  	v32 =	vperm.xlane v19, v7;
	v29 =	vmul.f32 v29, v40;
	v33 =	vld [tilespmem:s25+$0xFFFFFF90];
	[tilespmem:s25+$0xFFFFFEA0] =	vst v37  }
0x128: {  	v25 =	vmul.f32 v25, v31;
	v22 =	vmul.f32 v22, v40;
	v35 =	vld [tilespmem:s25+$0xFFFFFEF0];
	[tilespmem:s25+$0xFFFFFF10] =	vst v36  }
0x129: {  	v31 =	vperm.xlane v19, v4;
	v36 =	vperm.xlane v19, v6;
	[tilespmem:s25+$0xFFFFFF30] =	vst v29;
	v29 =	vld [tilespmem:s25+$0xFFFFFE80]  }
0x12a: {  	v27 =	vmul.f32 v27, v42;
	v37 =	vperm.xlane v19, v11;
	v40 =	vld [tilespmem:s25+$0xFFFFFF50];
	[tilespmem:s25+$0xFFFFFE20] =	vst v25  }
0x12b: {  	v25 =	vperm.xlane v19, v8;
	v38 =	vmul.f32 v38, v31;
	[tilespmem:s25+$0xFFFFFE90] =	vst v34;
	v34 =	vld [tilespmem:s25+$0xFFFFFEE0]  }
0x12c: {  	v43 =	vmul.f32 v43, v32;
	v39 =	vmul.f32 v39, v36;
	v45 =	vld [tilespmem:s25+$0xFFFFFE30];
	[tilespmem:s25+$0xFFFFFFA0] =	vst v27  }
0x12d: {  	v27 =	vperm.xlane v19, v14;
	v35 =	vmul.f32 v35, v25;
	v46 =	vld [tilespmem:s25+$0xFFFFFF70];
	[tilespmem:s25+$0xFFFFFF40] =	vst v22  }
0x12e: {  	v47 =	vperm.xlane v19, v12;
	v31 =	vmul.f32 v29, v31;
	v29 =	vld [tilespmem:s25+$0xFFFFFFC0];
	[tilespmem:s25+$0xFFFFFF20] =	vst v30  }
0x12f: {  	v26 =	vmul.f32 v26, v25;
	v30 =	vmul.f32 v40, v37;
	v40 =	vld [tilespmem:s25+$0xFFFFFE40];
	[tilespmem:s25+$0xFFFFFEC0] =	vst v39  }
0x130: {  	v28 =	vmul.f32 v28, v37;
	v22 =	vld [tilespmem:s29+$0xFFFFFF40];
	[tilespmem:s25+$0xFFFFFED0] =	vst v43;
	v32 =	vmul.f32 v34, v32  }
0x131: {  	v37 =	vmul.f32 v44, v27;
	v25 =	vld [tilespmem:s29+$0xFFFFFE20];
	v34 =	vmul.f32 v45, v41;
	[tilespmem:s25+$0xFFFFFF50] =	vst v30  }
0x132: {  	v24 =	vmul.f32 v24, v47;
	v39 =	vmul.f32 v46, v47;
	v30 =	vld [tilespmem:s25+$0xFFFFFFE0];
	[tilespmem:s25+$0xFFFFFF00] =	vst v26  }
0x133: {  	v26 =	vmul.f32 v33, v42;
	[tilespmem:s25+$0xFFFFFFB0] =	vst v37;
	v27 =	vmul.f32 v29, v27  }
0x134: {  	v20 =	vmul.f32 v20, v36;
	v29 =	vmul.f32 v40, v41;
	[tilespmem:s25+$0xFFFFFF60] =	vst v28  }
0x135: {  	v18 =	vmul.f32 v18, v23;
	v19 =	vperm.xlane v19, v15;
	[tilespmem:s25+$0xFFFFFFC0] =	vst v27  }
0x136: {  	[tilespmem:s25+$0xFFFFFF80] =	vst v24  }
0x137: {  	v17 =	vmul.f32 v17, v19;
	v19 =	vmul.f32 v30, v19;
	[tilespmem:s25+$0x0] =	vst v18  }
0x138: {  	[tilespmem:s25+$0xFFFFFEB0] =	vst v20  }
0x139: {  	[tilespmem:s25+$0xFFFFFFD0] =	vst v17  }
0x13a: {  	[tilespmem:s25+$0xFFFFFF90] =	vst v26  }
0x13b: {  	[tilespmem:s25+$0xFFFFFE40] =	vst v29  }
0x13c: {  	v30 =	vld [tilespmem:s29+$0xFFFFFFF0];
	[tilespmem:s25+$0xFFFFFF70] =	vst v39  }
0x13d: {  	v17 =	vld [tilespmem:s29+$0xFFFFFFD0];
	[tilespmem:s25+$0xFFFFFE30] =	vst v34  }
0x13e: {  	v18 =	vld [tilespmem:s29+$0x0];
	[tilespmem:s25+$0xFFFFFE70] =	vst v38  }
0x13f: {  	v27 =	vld [tilespmem:s29+$0xFFFFFFA0];
	[tilespmem:s25+$0xFFFFFEE0] =	vst v32  }
0x140: {  	v29 =	vld [tilespmem:s29+$0xFFFFFF30];
	[tilespmem:s25+$0xFFFFFFE0] =	vst v19  }
0x141: {  	v28 =	vld [tilespmem:s29+$0xFFFFFE50];
	[tilespmem:s25+$0xFFFFFEF0] =	vst v35  }
0x142: {  	s30 =	sshra.s32 s30, $0x2;
	v35 =	vld [tilespmem:s29+$0xFFFFFE10];
	[tilespmem:s25+$0xFFFFFE80] =	vst v31;
	s25 =	smov.u32 s29  }
0x143: {  	v19 =	vld.idx.msk [tilespmem:v21+s30+$0x0 ss:$0x1], $0xffff  }
0x144: {  	v26 =	vld [tilespmem:s29+$0xFFFFFF00]  }
0x145: {  	v20 =	vld [tilespmem:s29+$0xFFFFFEB0]  }
0x146: {  	v24 =	vld [tilespmem:s29+$0xFFFFFF80]  }
0x147: {  	v36 =	vld [tilespmem:s29+$0xFFFFFF10]  }
.Ltmp4:
0x148: {  	v38 =	vld [tilespmem:s29+$0xFFFFFE60];
	(pc) =	sbr.rel @p2 .LBB2_7-.Ltmp4, $4  }
0x149: {  	v31 =	vperm.xlane v19, v1;
	v23 =	vperm.xlane v19, v16;
	v37 =	vld [tilespmem:s29+$0xFFFFFEA0]  }
0x14a: {  	v39 =	vperm.xlane v19, v3;
	v32 =	vperm.xlane v19, v9;
	v33 =	vld [tilespmem:s29+$0xFFFFFF20]  }
0x14b: {  	v34 =	vperm.xlane v19, v5;
	v41 =	vmul.f32 v35, v31;
	v35 =	vld [tilespmem:s29+$0xFFFFFE90]  }
0x14c: {  	v40 =	vmul.f32 v28, v39;
	v36 =	vmul.f32 v36, v32;
	v28 =	vld [tilespmem:s29+$0xFFFFFF60]  }
0x14d: {  	[tilespmem:s25+$0xFFFFFE10] =	vst v41  }
0x14e: {  	v21 =	vmul.f32 v38, v39;
	[tilespmem:s25+$0xFFFFFE50] =	vst v40  }
0x14f: {  	v30 =	vmul.f32 v30, v23;
	[tilespmem:s25+$0xFFFFFF10] =	vst v36  }
0x150: {  	v25 =	vmul.f32 v25, v31;
	[tilespmem:s25+$0xFFFFFE60] =	vst v21  }
0x151: {  	v50 =	vperm.xlane v19, v10;
	v18 =	vmul.f32 v18, v23;
	[tilespmem:s25+$0xFFFFFFF0] =	vst v30  }
0x152: {  	v37 =	vmul.f32 v37, v34;
	[tilespmem:s25+$0xFFFFFE20] =	vst v25  }
0x153: {  	v60 =	vperm.xlane v19, v12;
	v29 =	vmul.f32 v29, v50;
	[tilespmem:s25+$0x0] =	vst v18  }
0x154: {  	v30 =	vperm.xlane v19, v13;
	v22 =	vmul.f32 v22, v50;
	[tilespmem:s25+$0xFFFFFEA0] =	vst v37  }
0x155: {  	v48 =	vld [tilespmem:s25+$0xFFFFFEC0];
	v24 =	vmul.f32 v24, v60;
	[tilespmem:s25+$0xFFFFFF30] =	vst v29  }
0x156: {  	v49 =	vld [tilespmem:s25+$0xFFFFFED0];
	v56 =	vperm.xlane v19, v11;
	v27 =	vmul.f32 v27, v30;
	[tilespmem:s25+$0xFFFFFF40] =	vst v22  }
0x157: {  	v53 =	vld [tilespmem:s25+$0xFFFFFF50];
	v25 =	vperm.xlane v19, v6;
	v29 =	vmul.f32 v35, v34;
	[tilespmem:s25+$0xFFFFFF80] =	vst v24  }
0x158: {  	v28 =	vmul.f32 v28, v56;
	[tilespmem:s25+$0xFFFFFFA0] =	vst v27  }
0x159: {  	v31 =	vld [tilespmem:s25+$0xFFFFFF90];
	v55 =	vperm.xlane v19, v7;
	v20 =	vmul.f32 v20, v25;
	[tilespmem:s25+$0xFFFFFE90] =	vst v29  }
0x15a: {  	v52 =	vld [tilespmem:s25+$0xFFFFFFB0];
	v38 =	vmul.f32 v48, v25;
	[tilespmem:s25+$0xFFFFFF60] =	vst v28  }
0x15b: {  	v23 =	vld [tilespmem:s25+$0xFFFFFE30];
	v39 =	vmul.f32 v49, v55;
	[tilespmem:s25+$0xFFFFFEB0] =	vst v20  }
0x15c: {  	v58 =	vld [tilespmem:s25+$0xFFFFFFC0];
	v22 =	vperm.xlane v19, v8;
	v34 =	vmul.f32 v53, v56;
	[tilespmem:s25+$0xFFFFFEC0] =	vst v38  }
0x15d: {  	v61 =	vld [tilespmem:s25+$0xFFFFFFE0];
	v24 =	vperm.xlane v19, v2;
	v27 =	vmul.f32 v33, v32;
	[tilespmem:s25+$0xFFFFFED0] =	vst v39  }
0x15e: {  	v18 =	vmul.f32 v31, v30;
	v28 =	vperm.xlane v19, v15;
	[tilespmem:s25+$0xFFFFFF50] =	vst v34  }
0x15f: {  	v26 =	vmul.f32 v26, v22;
	[tilespmem:s25+$0xFFFFFF20] =	vst v27;
	v27 =	vperm.xlane v19, v14  }
0x160: {  	v29 =	vld [tilespmem:s25+$0xFFFFFF70];
	[tilespmem:s25+$0xFFFFFF90] =	vst v18;
	v18 =	vmul.f32 v23, v24;
	v17 =	vmul.f32 v17, v28  }
0x161: {  	[tilespmem:s25+$0xFFFFFF00] =	vst v26;
	v59 =	vmul.f32 v52, v27;
	v26 =	vmul.f32 v58, v27;
	v27 =	vld [tilespmem:s25+$0xFFFFFE40]  }
0x162: {  	v57 =	vld [tilespmem:s25+$0xFFFFFEE0];
	[tilespmem:s25+$0xFFFFFE30] =	vst v18;
	v18 =	vmul.f32 v61, v28  }
0x163: {  	v21 =	vld [tilespmem:s25+$0xFFFFFE70];
	[tilespmem:s25+$0xFFFFFFD0] =	vst v17  }
0x164: {  	v54 =	vld [tilespmem:s25+$0xFFFFFE80];
	[tilespmem:s25+$0xFFFFFFE0] =	vst v18  }
0x165: {  	v51 =	vld [tilespmem:s25+$0xFFFFFEF0];
	v17 =	vperm.xlane v19, v4;
	v19 =	vmul.f32 v29, v60;
	[tilespmem:s25+$0xFFFFFFB0] =	vst v59  }
0x166: {  	[tilespmem:s25+$0xFFFFFFC0] =	vst v26;
	v20 =	vmul.f32 v27, v24  }
0x167: {  	[tilespmem:s25+$0xFFFFFF70] =	vst v19;
	v19 =	vmul.f32 v57, v55  }
0x168: {  	[tilespmem:s25+$0xFFFFFE40] =	vst v20;
	v20 =	vmul.f32 v21, v17  }
0x169: {  	[tilespmem:s25+$0xFFFFFEE0] =	vst v19;
	v17 =	vmul.f32 v54, v17  }
0x16a: {  	[tilespmem:s25+$0xFFFFFE70] =	vst v20;
	v20 =	vmul.f32 v51, v22  }
0x16b: {  	s26 =	sshra.s32 s26, $0x2;
	p2 =	seq.s32 s21, $0x34;
	[tilespmem:s25+$0xFFFFFE80] =	vst v17  }
0x16c: {  	s29 =	sadd.s32 $0x11F80, s26;
	[tilespmem:s25+$0xFFFFFEF0] =	vst v20;
	s25 =	simm.s32 @!p2 $0x5  }
0x16d: {  	[spmem:s16] =	stream.indirect.scatter.add.f32 [tilespmem:s9], [sflag:$0x6], $0x20, s29, s8, $0xb8;
	[tilespmem:$0x1BE80] =	vst v63  }
0x16e: {  	_ =	swait.ge @!p2 [sflag:s25], $0x1000  }
0x16f: {  	s18 =	sshra.s32 @!p2 s18, $0x2;
	s26 =	simm.s32 @!p2 $0xA000;
	[sflag:s25] =	ssyncset.done @!p2 $0x0  }
0x170: {  	s18 =	sadd.s32 @!p2 $0xD180, s18;
	[sflag:s25] =	ssyncadd.s32 @!p2 $0xFFFFF000;
	s25 =	simm.s32 @!p2 $0x80  }
0x171: {  	[tilespmem:s26], [sflag:$0x2] =	stream.indirect.gather @!p2 [spmem:s19], $0x20, s18, s25, $0xb8;
	[tilespmem:$0x1BE80] =	vst v63  }
0x172: {  	_ =	swait.ge [sflag:s13], $0x1000  }
0x173: {  	[sflag:s13] =	ssyncset.done $0x0  }
0x174: {  	s18 =	simm.s32 $0xC1F0;
	[sflag:s13] =	ssyncadd.s32 $0xFFFFF000  }
0x175: {  	v22 =	vld [tilespmem:s18+$0xFFFFFF40]  }
0x176: {  	v25 =	vld [tilespmem:s18+$0xFFFFFE20]  }
0x177: {  	v30 =	vld [tilespmem:s18+$0xFFFFFFF0]  }
0x178: {  	v17 =	vld [tilespmem:s18+$0xFFFFFFD0]  }
0x179: {  	v21 =	vmov s1;
	v18 =	vld [tilespmem:s18+$0x0]  }
0x17a: {  	v27 =	vld [tilespmem:s18+$0xFFFFFFA0]  }
0x17b: {  	v29 =	vld [tilespmem:s18+$0xFFFFFF30]  }
0x17c: {  	v28 =	vld [tilespmem:s18+$0xFFFFFE50]  }
0x17d: {  	s30 =	simm.s32 $0x0;
	v62 =	vld [tilespmem:s18+$0xFFFFFE10]  }
0x17e: {  	v19 =	vld.idx.msk [tilespmem:v21+s30+$0x0 ss:$0x1], $0xffff  }
0x17f: {  	v26 =	vld [tilespmem:s18+$0xFFFFFF00]  }
0x180: {  	v20 =	vld [tilespmem:s18+$0xFFFFFEB0]  }
0x181: {  	v24 =	vld [tilespmem:s18+$0xFFFFFF80]  }
0x182: {  	v63 =	vld [tilespmem:s18+$0xFFFFFF10]  }
0x183: {  	v38 =	vld [tilespmem:s18+$0xFFFFFE60]  }
0x184: {  	v37 =	vld [tilespmem:s18+$0xFFFFFEA0];
	v31 =	vperm.xlane v19, v1;
	v23 =	vperm.xlane v19, v16  }
0x185: {  	v33 =	vld [tilespmem:s18+$0xFFFFFF20];
	v39 =	vperm.xlane v19, v3;
	v32 =	vperm.xlane v19, v9  }
0x186: {  	v35 =	vld [tilespmem:s18+$0xFFFFFE90];
	v34 =	vperm.xlane v19, v5;
	v41 =	vmul.f32 v62, v31  }
0x187: {  	s25 =	simm.s32 $0x40;
	s26 =	simm.s32 $0xC1F0;
	v40 =	vmul.f32 v28, v39;
	v36 =	vmul.f32 v63, v32;
	v28 =	vld [tilespmem:s18+$0xFFFFFF60]  }
.LBB2_9:
0x188: {  	p3 =	sne.s32 s25, $0x1C0  }
0x189: {  	v42 =	vperm.xlane v19, v13;
	[tilespmem:s18+$0xFFFFFE10] =	vst v41;
	v38 =	vmul.f32 v38, v39;
	v39 =	vld [tilespmem:s18+$0xFFFFFEC0];
	s26 =	sadd.s32 $0x200, s26;
	s28 =	smov.u32 s25;
	s25 =	sadd.s32 $0x40, s25  }
0x18a: {  	v41 =	vperm.xlane v19, v2;
	v30 =	vmul.f32 v30, v23;
	v43 =	vld [tilespmem:s18+$0xFFFFFED0];
	[tilespmem:s18+$0xFFFFFE50] =	vst v40  }
0x18b: {  	v40 =	vperm.xlane v19, v10;
	v37 =	vmul.f32 v37, v34;
	v44 =	vld [tilespmem:s18+$0xFFFFFFB0];
	[tilespmem:s18+$0xFFFFFE60] =	vst v38  }
0x18c: {  	v38 =	vld [tilespmem:s18+$0xFFFFFE70];
	v34 =	vmul.f32 v35, v34;
	[tilespmem:s18+$0xFFFFFFF0] =	vst v30;
	v30 =	vmul.f32 v33, v32  }
0x18d: {  	v32 =	vperm.xlane v19, v7;
	v29 =	vmul.f32 v29, v40;
	v33 =	vld [tilespmem:s18+$0xFFFFFF90];
	[tilespmem:s18+$0xFFFFFEA0] =	vst v37  }
0x18e: {  	v25 =	vmul.f32 v25, v31;
	v22 =	vmul.f32 v22, v40;
	v35 =	vld [tilespmem:s18+$0xFFFFFEF0];
	[tilespmem:s18+$0xFFFFFF10] =	vst v36  }
0x18f: {  	v31 =	vperm.xlane v19, v4;
	v36 =	vperm.xlane v19, v6;
	[tilespmem:s18+$0xFFFFFF30] =	vst v29;
	v29 =	vld [tilespmem:s18+$0xFFFFFE80]  }
0x190: {  	v27 =	vmul.f32 v27, v42;
	v37 =	vperm.xlane v19, v11;
	v40 =	vld [tilespmem:s18+$0xFFFFFF50];
	[tilespmem:s18+$0xFFFFFE20] =	vst v25  }
0x191: {  	v25 =	vperm.xlane v19, v8;
	v38 =	vmul.f32 v38, v31;
	[tilespmem:s18+$0xFFFFFE90] =	vst v34;
	v34 =	vld [tilespmem:s18+$0xFFFFFEE0]  }
0x192: {  	v43 =	vmul.f32 v43, v32;
	v39 =	vmul.f32 v39, v36;
	v45 =	vld [tilespmem:s18+$0xFFFFFE30];
	[tilespmem:s18+$0xFFFFFFA0] =	vst v27  }
0x193: {  	v27 =	vperm.xlane v19, v14;
	v35 =	vmul.f32 v35, v25;
	v46 =	vld [tilespmem:s18+$0xFFFFFF70];
	[tilespmem:s18+$0xFFFFFF40] =	vst v22  }
0x194: {  	v47 =	vperm.xlane v19, v12;
	v31 =	vmul.f32 v29, v31;
	v29 =	vld [tilespmem:s18+$0xFFFFFFC0];
	[tilespmem:s18+$0xFFFFFF20] =	vst v30  }
0x195: {  	v26 =	vmul.f32 v26, v25;
	v30 =	vmul.f32 v40, v37;
	v40 =	vld [tilespmem:s18+$0xFFFFFE40];
	[tilespmem:s18+$0xFFFFFEC0] =	vst v39  }
0x196: {  	v28 =	vmul.f32 v28, v37;
	v22 =	vld [tilespmem:s26+$0xFFFFFF40];
	[tilespmem:s18+$0xFFFFFED0] =	vst v43;
	v32 =	vmul.f32 v34, v32  }
0x197: {  	v37 =	vmul.f32 v44, v27;
	v25 =	vld [tilespmem:s26+$0xFFFFFE20];
	v34 =	vmul.f32 v45, v41;
	[tilespmem:s18+$0xFFFFFF50] =	vst v30  }
0x198: {  	v24 =	vmul.f32 v24, v47;
	v39 =	vmul.f32 v46, v47;
	v30 =	vld [tilespmem:s18+$0xFFFFFFE0];
	[tilespmem:s18+$0xFFFFFF00] =	vst v26  }
0x199: {  	v26 =	vmul.f32 v33, v42;
	[tilespmem:s18+$0xFFFFFFB0] =	vst v37;
	v27 =	vmul.f32 v29, v27  }
0x19a: {  	v20 =	vmul.f32 v20, v36;
	v29 =	vmul.f32 v40, v41;
	[tilespmem:s18+$0xFFFFFF60] =	vst v28  }
0x19b: {  	v18 =	vmul.f32 v18, v23;
	v19 =	vperm.xlane v19, v15;
	[tilespmem:s18+$0xFFFFFFC0] =	vst v27  }
0x19c: {  	[tilespmem:s18+$0xFFFFFF80] =	vst v24  }
0x19d: {  	v17 =	vmul.f32 v17, v19;
	v19 =	vmul.f32 v30, v19;
	[tilespmem:s18+$0x0] =	vst v18  }
0x19e: {  	[tilespmem:s18+$0xFFFFFEB0] =	vst v20  }
0x19f: {  	[tilespmem:s18+$0xFFFFFFD0] =	vst v17  }
0x1a0: {  	[tilespmem:s18+$0xFFFFFF90] =	vst v26  }
0x1a1: {  	[tilespmem:s18+$0xFFFFFE40] =	vst v29  }
0x1a2: {  	v30 =	vld [tilespmem:s26+$0xFFFFFFF0];
	[tilespmem:s18+$0xFFFFFF70] =	vst v39  }
0x1a3: {  	v17 =	vld [tilespmem:s26+$0xFFFFFFD0];
	[tilespmem:s18+$0xFFFFFE30] =	vst v34  }
0x1a4: {  	v18 =	vld [tilespmem:s26+$0x0];
	[tilespmem:s18+$0xFFFFFE70] =	vst v38  }
0x1a5: {  	v27 =	vld [tilespmem:s26+$0xFFFFFFA0];
	[tilespmem:s18+$0xFFFFFEE0] =	vst v32  }
0x1a6: {  	v29 =	vld [tilespmem:s26+$0xFFFFFF30];
	[tilespmem:s18+$0xFFFFFFE0] =	vst v19  }
0x1a7: {  	v28 =	vld [tilespmem:s26+$0xFFFFFE50];
	[tilespmem:s18+$0xFFFFFEF0] =	vst v35  }
0x1a8: {  	s28 =	sshra.s32 s28, $0x2;
	v35 =	vld [tilespmem:s26+$0xFFFFFE10];
	[tilespmem:s18+$0xFFFFFE80] =	vst v31;
	s18 =	smov.u32 s26  }
0x1a9: {  	v19 =	vld.idx.msk [tilespmem:v21+s28+$0x0 ss:$0x1], $0xffff  }
0x1aa: {  	v26 =	vld [tilespmem:s26+$0xFFFFFF00]  }
0x1ab: {  	v20 =	vld [tilespmem:s26+$0xFFFFFEB0]  }
0x1ac: {  	v24 =	vld [tilespmem:s26+$0xFFFFFF80]  }
0x1ad: {  	v36 =	vld [tilespmem:s26+$0xFFFFFF10]  }
.Ltmp5:
0x1ae: {  	v38 =	vld [tilespmem:s26+$0xFFFFFE60];
	(pc) =	sbr.rel @p3 .LBB2_9-.Ltmp5, $4  }
0x1af: {  	v31 =	vperm.xlane v19, v1;
	v23 =	vperm.xlane v19, v16;
	v37 =	vld [tilespmem:s26+$0xFFFFFEA0]  }
0x1b0: {  	v39 =	vperm.xlane v19, v3;
	v32 =	vperm.xlane v19, v9;
	v33 =	vld [tilespmem:s26+$0xFFFFFF20]  }
0x1b1: {  	v34 =	vperm.xlane v19, v5;
	v41 =	vmul.f32 v35, v31;
	v35 =	vld [tilespmem:s26+$0xFFFFFE90]  }
0x1b2: {  	v40 =	vmul.f32 v28, v39;
	v36 =	vmul.f32 v36, v32;
	v28 =	vld [tilespmem:s26+$0xFFFFFF60]  }
0x1b3: {  	[tilespmem:s18+$0xFFFFFE10] =	vst v41  }
0x1b4: {  	v21 =	vmul.f32 v38, v39;
	[tilespmem:s18+$0xFFFFFE50] =	vst v40  }
0x1b5: {  	v30 =	vmul.f32 v30, v23;
	[tilespmem:s18+$0xFFFFFF10] =	vst v36  }
0x1b6: {  	v25 =	vmul.f32 v25, v31;
	[tilespmem:s18+$0xFFFFFE60] =	vst v21  }
0x1b7: {  	v59 =	vperm.xlane v19, v10;
	v18 =	vmul.f32 v18, v23;
	[tilespmem:s18+$0xFFFFFFF0] =	vst v30  }
0x1b8: {  	v37 =	vmul.f32 v37, v34;
	[tilespmem:s18+$0xFFFFFE20] =	vst v25  }
0x1b9: {  	v29 =	vmul.f32 v29, v59;
	[tilespmem:s18+$0x0] =	vst v18  }
0x1ba: {  	v50 =	vperm.xlane v19, v8;
	v22 =	vmul.f32 v22, v59;
	[tilespmem:s18+$0xFFFFFEA0] =	vst v37  }
0x1bb: {  	v54 =	vperm.xlane v19, v12;
	v45 =	vmul.f32 v33, v32;
	[tilespmem:s18+$0xFFFFFF30] =	vst v29  }
0x1bc: {  	v63 =	vperm.xlane v19, v6;
	v26 =	vmul.f32 v26, v50;
	[tilespmem:s18+$0xFFFFFF40] =	vst v22  }
0x1bd: {  	v57 =	vld [tilespmem:s18+$0xFFFFFEC0];
	v24 =	vmul.f32 v24, v54;
	[tilespmem:s18+$0xFFFFFF20] =	vst v45  }
0x1be: {  	v58 =	vld [tilespmem:s18+$0xFFFFFED0];
	v30 =	vperm.xlane v19, v13;
	v20 =	vmul.f32 v20, v63;
	[tilespmem:s18+$0xFFFFFF00] =	vst v26  }
0x1bf: {  	v62 =	vld [tilespmem:s18+$0xFFFFFF50];
	v48 =	vperm.xlane v19, v11;
	v61 =	vmul.f32 v35, v34;
	[tilespmem:s18+$0xFFFFFF80] =	vst v24  }
0x1c0: {  	v60 =	vld [tilespmem:s18+$0xFFFFFFB0];
	v27 =	vmul.f32 v27, v30;
	[tilespmem:s18+$0xFFFFFEB0] =	vst v20  }
0x1c1: {  	v46 =	vperm.xlane v19, v7;
	v51 =	vld [tilespmem:s18+$0xFFFFFFC0];
	v28 =	vmul.f32 v28, v48;
	[tilespmem:s18+$0xFFFFFE90] =	vst v61  }
0x1c2: {  	v31 =	vld [tilespmem:s18+$0xFFFFFF90];
	v38 =	vmul.f32 v57, v63;
	[tilespmem:s18+$0xFFFFFFA0] =	vst v27  }
0x1c3: {  	v52 =	vperm.xlane v19, v14;
	v39 =	vmul.f32 v58, v46;
	[tilespmem:s18+$0xFFFFFF60] =	vst v28  }
0x1c4: {  	v59 =	vld [tilespmem:s18+$0xFFFFFE30];
	v34 =	vmul.f32 v62, v48;
	[tilespmem:s18+$0xFFFFFEC0] =	vst v38  }
0x1c5: {  	v37 =	vld [tilespmem:s18+$0xFFFFFEF0];
	v53 =	vmul.f32 v60, v52;
	[tilespmem:s18+$0xFFFFFED0] =	vst v39  }
0x1c6: {  	v47 =	vld [tilespmem:s18+$0xFFFFFF70];
	v56 =	vmul.f32 v51, v52;
	v58 =	vperm.xlane v19, v15;
	[tilespmem:s18+$0xFFFFFF50] =	vst v34  }
0x1c7: {  	v55 =	vld [tilespmem:s18+$0xFFFFFFE0];
	v60 =	vperm.xlane v19, v2;
	v18 =	vmul.f32 v31, v30;
	[tilespmem:s18+$0xFFFFFFB0] =	vst v53  }
0x1c8: {  	v57 =	vld [tilespmem:s18+$0xFFFFFE40];
	[tilespmem:s18+$0xFFFFFFC0] =	vst v56;
	v17 =	vmul.f32 v17, v58  }
0x1c9: {  	v21 =	vld [tilespmem:s18+$0xFFFFFE70];
	[tilespmem:s18+$0xFFFFFF90] =	vst v18;
	v18 =	vmul.f32 v59, v60  }
0x1ca: {  	v49 =	vld [tilespmem:s18+$0xFFFFFEE0];
	v63 =	vmul.f32 v37, v50;
	[tilespmem:s18+$0xFFFFFFD0] =	vst v17  }
0x1cb: {  	v44 =	vld [tilespmem:s18+$0xFFFFFE80];
	v17 =	vperm.xlane v19, v4;
	v19 =	vmul.f32 v47, v54;
	[tilespmem:s18+$0xFFFFFE30] =	vst v18  }
0x1cc: {  	v18 =	vmul.f32 v55, v58;
	[tilespmem:s18+$0xFFFFFEF0] =	vst v63  }
0x1cd: {  	v61 =	vmul.f32 v57, v60;
	[tilespmem:s18+$0xFFFFFF70] =	vst v19  }
0x1ce: {  	v62 =	vmul.f32 v21, v17;
	[tilespmem:s18+$0xFFFFFFE0] =	vst v18  }
.Ltmp6:
0x1cf: {  	v19 =	vmul.f32 v49, v46;
	[tilespmem:s18+$0xFFFFFE40] =	vst v61;
	(pc) =	sbr.rel @p2 .LBB2_12-.Ltmp6, $4  }
0x1d0: {  	v17 =	vmul.f32 v44, v17;
	[tilespmem:s18+$0xFFFFFE70] =	vst v62  }
0x1d1: {  	[tilespmem:s18+$0xFFFFFEE0] =	vst v19  }
0x1d2: {  	s30 =	sadd.s32 $0x11F80, s24;
	[tilespmem:s18+$0xFFFFFE80] =	vst v17  }
0x1d3: {  	[spmem:s16] =	stream.indirect.scatter.add.f32 [tilespmem:s11], [sflag:$0x7], $0x20, s30, s8, $0xb8;
	[tilespmem:$0x1BE80] =	vst v63  }
.Ltmp7:
0x1d4: {  	(pc) =	sbr.rel .LBB2_4-.Ltmp7, $4  }
0x1d5: {  	_ =	swait.ge [sflag:s17], $0x1000;
	s14 =	sadd.s32 $0xD200, s14  }
0x1d6: {  	s21 =	sadd.s32 $0x1, s21;
	s22 =	sadd.s32 $0x180, s22;
	[sflag:s17] =	ssyncset.done $0x0  }
0x1d7: {  	s23 =	sadd.s32 $0x180, s23;
	s1 =	sadd.s32 $0x180, s1;
	[sflag:s17] =	ssyncadd.s32 $0xFFFFF000  }
0x1d8: {  	[tilespmem:s9], [sflag:$0x3] =	stream.indirect.gather [spmem:s19], $0x20, s14, s8, $0xb8;
	[tilespmem:$0x1BE80] =	vst v63  }
.LBB2_13:
0x1d9: {  	_ =	sfence.sel $0x180000  }
0x1da: {  	[bflag:$0x0] =	sbarrier.arrive $0xFFFF  }
0x1db: {  	_ =	strace $0x90000047  }
0x1dc: {  	[bflag:$0x2] =	sbarrier.arrive $0xFFFF  }
0x1dd: {  	p0 =	sne.s32 s0, $0x0;
	s0 =	rddreg [dreg:$0x3]  }
0x1de: {  	s0 =	sadd.s32 @!p0 $0x100000, s0  }
0x1df: {  	[sflag:s0] =	ssyncadd.tile.s32 @!p0 $0x1;
	_ =	shalt  }
.Lfunc_end2:
_tile_overlayer_lowered:
.L_overlay_start_2:
0x1e0: {  	(tag) =	ssettag $0x2  }
0x1e1: {  	s0 =	rddreg [dreg:$0x0];
	s2 =	stileid.u32  }
0x1e2: {  	s1 =	rddreg [dreg:$0x1];
	p0 =	sne.s32 s2, $0x0  }
0x1e3: {  	s3 =	rddreg [dreg:$0x2];
	[bflag:$0x3] =	sbarrier.arrive $0xFFFF;
	s2 =	simm.s32 @!p0 $0x1C08  }
0x1e4: {  	[timem:s3], [sflag:s2] =	dma.local @!p0 [hbm:s0], s1  }
0x1e5: {  	s0 =	simm.s32 @!p0 $0x8  }
0x1e6: {  	_ =	swait.ge @!p0 [sflag:s0], s1  }
0x1e7: {  	s1 =	ssub.s32 @!p0 $0x0, s1;
	[sflag:s0] =	ssyncset.done @!p0 $0x0  }
0x1e8: {  	[sflag:s0] =	ssyncadd.s32 @!p0 s1  }
0x1e9: {  	[bflag:$0x3] =	sbarrier.arrive $0xFFFF  }
0x1ea: {  	_ =	shalt  }

// kernel: kernel.9.cloned.1.call-start
scs
__scs_entry_jumppad:
0x0: {  	(pc) =	sbr.rel $0x88, $3  }
0x1: {  	(tag) =	ssettag $0x0;
	lr =	simm.s32 $0x1  }
0x2: {  	[smem:$0x3F9C] =	sst lr;
	_ =	strace $0xD0000000  }
0x3: {  	_ = 	snop  }
0x4: {  	_ = 	snop  }
0x5: {  	_ = 	snop  }
0x6: {  	_ = 	snop  }
0x7: {  	_ = 	snop  }
__scs_overlays_trampoline_lowered:
0x8: {  	[smem:$0x3FAB] =	sst s0  }
0x9: {  	[smem:$0x3FAC] =	sst s1  }
0xa: {  	[smem:$0x3FAD] =	sst s2  }
0xb: {  	[smem:$0x3FAE] =	sst s3  }
0xc: {  	[smem:$0x3FAF] =	sst s4  }
0xd: {  	[smem:$0x3FB0] =	sst s5  }
0xe: {  	[smem:$0x3FB1] =	sst s6  }
0xf: {  	[smem:$0x3FB2] =	sst s7  }
0x10: {  	[smem:$0x3FB3] =	sst s8  }
0x11: {  	[smem:$0x3FB4] =	sst s9;
	s0 =	simm.s32 @!p0 $0x0  }
0x12: {  	s1 =	sld [smem:$0x3F9A];
	s0 =	simm.s32 @p0 $0x1  }
0x13: {  	[smem:$0x3FB5] =	sst s0;
	s0 =	simm.s32 @!p1 $0x0  }
0x14: {  	s2 =	sld [smem:$0x3F99];
	s0 =	simm.s32 @p1 $0x1  }
0x15: {  	[smem:$0x3FB6] =	sst s0;
	s0 =	simm.s32 @!p2 $0x0  }
0x16: {  	s3 =	sld [smem:$0x3FDB];
	s0 =	simm.s32 @p2 $0x1  }
0x17: {  	s4 =	simm.s32 $0x1BF5;
	[smem:$0x3FB8] =	sst s0  }
0x18: {  	s0 =	sld [smem:$0x3F9B];
	_ =	swait.ge [sflag:s4], $0x0  }
0x19: {  	s7 =	sld [smem:$0x3F9C]  }
0x1a: {  	s8 =	sadd.s32 $0xFFFFE003, lr  }
0x1b: {  	s9 =	sadd.s32 $0xFFFFFEF7, lr;
	s5 =	simm.s32 $0xFFFFFFFF;
	p2 =	slt.u32 s8, $0xFFFFF086  }
0x1c: {  	p1 =	slt.u32 s9, $0xF7A;
	s5 =	simm.s32 @!p2 $0x0  }
0x1d: {  	s5 =	simm.s32 @p1 $0x1;
	p0 =	seq.s32 s7, s2  }
0x1e: {  	s7 =	smul.u32 @!p0 $0xF7A, s2;
	p2 =	seq.s32 @!p0 s5, $0x0  }
0x1f: {  	s9 =	smul.u32 $0xF7A, s1;
	s8 =	simm.s32 @!p0 $0x1BF5;
	p2 =	por !p2, p0  }
0x20: {  	[sflag:s8] =	ssyncset.s32 @!p0 $0xFFFFF086;
	s6 =	sadd.s32 @!p0 s3, s7;
	s7 =	simm.s32 @!p0 $0x108  }
0x21: {  	s3 =	sadd.s32 s3, s9;
	s6 =	sadd.s32 @!p0 $0x88, s6;
	s7 =	simm.s32 @p2 $0x1082  }
0x22: {  	[simem:s7], [sflag:s8] =	dma.local @!p0 [hbm:s6], $0xF7A  }
0x23: {  	s9 =	sor.u32 $0xD0000000, s2;
	s6 =	simm.s32 $0x108;
	_ =	swait.ge @!p0 [sflag:s8], $0x0  }
0x24: {  	s3 =	sadd.s32 $0x88, s3;
	s6 =	simm.s32 @!p1 $0x1082;
	[sflag:s4] =	ssyncset.s32 $0xFFFFF086  }
0x25: {  	[simem:s6], [sflag:s4] =	dma.local [hbm:s3], $0xF7A  }
0x26: {  	[smem:$0x3F9C] =	sst s1;
	(tag) =	ssettag s2;
	_ =	strace s9  }
0x27: {  	s1 =	sld [smem:$0x3FAC]  }
0x28: {  	s2 =	sld [smem:$0x3FAD]  }
0x29: {  	s4 =	sld [smem:$0x3FAF]  }
0x2a: {  	p0 =	seq.s32 s5, $0x0;
	s5 =	sld [smem:$0x3FB0]  }
0x2b: {  	s6 =	sld [smem:$0x3FB1]  }
0x2c: {  	s7 =	sld [smem:$0x3FB2]  }
0x2d: {  	s3 =	simm.s32 $0x108;
	s8 =	sld [smem:$0x3FB3]  }
0x2e: {  	s3 =	simm.s32 @!p0 $0x1082;
	s9 =	sld [smem:$0x3FB4]  }
0x2f: {  	lr =	sadd.s32 s0, s3;
	s0 =	sld [smem:$0x3FAB]  }
0x30: {  	s3 =	sld [smem:$0x3FAE]  }
0x31: {  	[smem:$0x3FB7] =	sst s10  }
0x32: {  	s10 =	sld [smem:$0x3FB5];
	_ =	sdelay $0x3  }
0x33: {  	p0 =	seq.s32 s10, $0x1;
	s10 =	sld [smem:$0x3FB7];
	_ =	sdelay $0x3  }
0x34: {  	[smem:$0x3FB7] =	sst s10  }
0x35: {  	s10 =	sld [smem:$0x3FB6];
	_ =	sdelay $0x3  }
0x36: {  	p1 =	seq.s32 s10, $0x1;
	s10 =	sld [smem:$0x3FB7];
	_ =	sdelay $0x3  }
0x37: {  	[smem:$0x3FB7] =	sst s10  }
0x38: {  	s10 =	sld [smem:$0x3FB8]  }
0x39: {  	_ = 	snop;
	(pc) =	sbr.ind lr, $3  }
0x3a: {  	_ = 	snop  }
0x3b: {  	_ = 	snop  }
0x3c: {  	p2 =	seq.s32 s10, $0x1;
	s10 =	sld [smem:$0x3FB7]  }
0x3d: {  	_ =	shalt  }
0x3e: {  	_ =	shalt  }
0x3f: {  	_ =	shalt  }
0x40: {  	_ =	shalt  }
0x41: {  	_ =	shalt  }
0x42: {  	_ =	shalt  }
0x43: {  	_ =	shalt  }
0x44: {  	_ =	shalt  }
0x45: {  	_ =	shalt  }
0x46: {  	_ =	shalt  }
0x47: {  	_ =	shalt  }
0x48: {  	_ =	shalt  }
0x49: {  	_ =	shalt  }
0x4a: {  	_ =	shalt  }
0x4b: {  	_ =	shalt  }
0x4c: {  	_ =	shalt  }
0x4d: {  	_ =	shalt  }
0x4e: {  	_ =	shalt  }
0x4f: {  	_ =	shalt  }
0x50: {  	_ =	shalt  }
0x51: {  	_ =	shalt  }
0x52: {  	_ =	shalt  }
0x53: {  	_ =	shalt  }
0x54: {  	_ =	shalt  }
0x55: {  	_ =	shalt  }
0x56: {  	_ =	shalt  }
0x57: {  	_ =	shalt  }
0x58: {  	_ =	shalt  }
0x59: {  	_ =	shalt  }
0x5a: {  	_ =	shalt  }
0x5b: {  	_ =	shalt  }
0x5c: {  	_ =	shalt  }
0x5d: {  	_ =	shalt  }
0x5e: {  	_ =	shalt  }
0x5f: {  	_ =	shalt  }
0x60: {  	_ =	shalt  }
0x61: {  	_ =	shalt  }
0x62: {  	_ =	shalt  }
0x63: {  	_ =	shalt  }
0x64: {  	_ =	shalt  }
0x65: {  	_ =	shalt  }
0x66: {  	_ =	shalt  }
0x67: {  	_ =	shalt  }
0x68: {  	_ =	shalt  }
0x69: {  	_ =	shalt  }
0x6a: {  	_ =	shalt  }
0x6b: {  	_ =	shalt  }
0x6c: {  	_ =	shalt  }
0x6d: {  	_ =	shalt  }
0x6e: {  	_ =	shalt  }
0x6f: {  	_ =	shalt  }
0x70: {  	_ =	shalt  }
0x71: {  	_ =	shalt  }
0x72: {  	_ =	shalt  }
0x73: {  	_ =	shalt  }
0x74: {  	_ =	shalt  }
0x75: {  	_ =	shalt  }
0x76: {  	_ =	shalt  }
0x77: {  	_ =	shalt  }
0x78: {  	_ =	shalt  }
0x79: {  	_ =	shalt  }
0x7a: {  	_ =	shalt  }
0x7b: {  	_ =	shalt  }
0x7c: {  	_ =	shalt  }
0x7d: {  	_ =	shalt  }
0x7e: {  	_ =	shalt  }
0x7f: {  	_ =	shalt  }
0x80: {  	_ =	shalt  }
0x81: {  	_ =	shalt  }
0x82: {  	_ =	shalt  }
0x83: {  	_ =	shalt  }
0x84: {  	_ =	shalt  }
0x85: {  	_ =	shalt  }
0x86: {  	_ =	shalt  }
0x87: {  	_ =	shalt  }
.Lfunc_end0:
.L_simem_size_0:
called_computation.1_lowered:
.L_overlay_start_0:
0x88: {  	s2 =	sld [smem:$0x3FD9]  }
0x89: {  	s3 =	sld [smem:$0x3FFE];
	_ =	sdelay $0x1  }
0x8a: {  	s1 =	srdreg.scid  }
0x8b: {  	s0 =	sand.u32 $0x1, s1  }
0x8c: {  	s17 =	sshll.u32 s0, $0xA;
	s2 =	sadd.s32 s3, s2  }
0x8d: {  	s2 =	sadd.s32 s2, s17  }
0x8e: {  	[smem:$0x3FC3] =	sst s2  }
0x8f: {  	_ = 	snop  }
0x90: {  	s2 =	sld [smem:$0x3FD0];
	(tm) =	ssettm $0x1  }
0x91: {  	s18 =	sld [smem:$0x3FFB];
	_ =	sdelay $0x3  }
0x92: {  	_ =	strace s18  }
0x93: {  	s3 =	sld [smem:$0x3FFC];
	_ =	sdelay $0x3  }
0x94: {  	_ =	strace s3  }
0x95: {  	s3 =	sld [smem:$0x3FFD];
	_ =	sdelay $0x3  }
0x96: {  	_ =	strace s3  }
0x97: {  	_ =	strace $0x8FFFFFFF  }
0x98: {  	s19 =	sld [smem:$0x3FDB];
	_ =	sdelay $0x1  }
0x99: {  	s4 =	simm.s32 $_scs_section_size  }
0x9a: {  	s5 =	simm.s32 $_size__tile_overlayer_lowered;
	s6 =	simm.s32 $_tile_overlayer_lowered  }
0x9b: {  	s22 =	simm.s32 $0x1BFF;
	s21 =	sshll.u32 s6, $0x1;
	s3 =	sadd.s32 s4, s19  }
0x9c: {  	s7 =	simm.s32 $0x0;
	s20 =	sshll.u32 s5, $0x1;
	s5 =	sadd.s32 s21, s3  }
0x9d: {  	[timem:s7], [sflag:s22] =	dma.local [hbm:s5], s20  }
0x9e: {  	_ =	swait.ge [sflag:s22], s20  }
0x9f: {  	s4 =	ssub.s32 $0x0, s20;
	[sflag:s22] =	ssyncset.done $0x0  }
0xa0: {  	[sflag:s22] =	ssyncadd.s32 s4;
	_ =	sdelay $0x1  }
0xa1: {  	s23 =	simm.s32 $0x1B8B  }
0xa2: {  	_ =	swait.ge [sflag:s23], $0x1  }
0xa3: {  	[sflag:s23] =	ssyncset.done $0x0  }
0xa4: {  	s25 =	simm.s32 $0x1B8E;
	s24 =	sld [smem:$0x3FFE];
	[sflag:s23] =	ssyncadd.s32 $0xFFFFFFFF  }
0xa5: {  	s26 =	simm.s32 $execute0_lowered;
	[smem:$0x3FD2] =	sst s25  }
0xa6: {  	s5 =	sshll.u32 s26, $0x1;
	_ =	strace $0x80000049;
	[dreg:$0x1] =	wrdreg $0xFFFFFFFF  }
0xa7: {  	s28 =	simm.s32 $_size_execute0_lowered;
	s3 =	sadd.s32 s3, s5;
	[dreg:$0x0] =	wrdreg $0x0  }
0xa8: {  	s5 =	sshll.u32 s28, $0x1;
	[dreg:$0x2] =	wrdreg s3  }
0xa9: {  	[dreg:$0x3] =	wrdreg s5  }
0xaa: {  	[dreg:$0x4] =	wrdreg $0xC0  }
0xab: {  	_ =	task [dreg:s7], $0x5FFFF  }
0xac: {  	[dreg:$0x1] =	wrdreg $0xFFFFFFFF  }
0xad: {  	[dreg:$0x0] =	wrdreg $0x60  }
0xae: {  	[dreg:$0x2] =	wrdreg s2  }
0xaf: {  	[dreg:$0x3] =	wrdreg s24  }
0xb0: {  	[dreg:$0x4] =	wrdreg $0x0  }
0xb1: {  	[dreg:$0x5] =	wrdreg $0x28000  }
0xb2: {  	[dreg:$0x6] =	wrdreg $0x9  }
0xb3: {  	_ =	task.clear_ibuf [dreg:s7], $0x7FFFF;
	_ =	strace $0x90000049  }
0xb4: {  	s29 =	simm.s32 $0x9;
	_ =	strace $0x8000004B  }
0xb5: {  	_ =	swait.ge [sflag:s29], $0x1  }
0xb6: {  	[sflag:s29] =	ssyncadd.s32 $0xFFFFFFFF  }
0xb7: {  	_ =	strace $0x9000004B  }
0xb8: {  	_ =	sfence  }
0xb9: {  	s30 =	sld [smem:$0x0];
	_ =	sdelay $0x2  }
0xba: {  	s31 =	sshll.u32 s1, $0xD;
	s1 =	sshrl.u32 s1, $0x2  }
0xbb: {  	s3 =	sand.u32 $0x4000, s31;
	s1 =	sadd.s32 s1, s30  }
0xbc: {  	s0 =	sor.u32 s3, s0;
	s1 =	sshll.u32 s1, $0x11  }
0xbd: {  	s0 =	sor.u32 s1, s0  }
0xbe: {  	s0 =	sadd.s32 $0x8F2B, s0  }
0xbf: {  	[sflag:s0] =	ssyncadd.remote.s32 $0x1  }
0xc0: {  	_ =	sfence.sel $0xFFFF  }
0xc1: {  	[dreg:$0x0] =	wrdreg $0xFFFFFFFF;
	(pc) =	sbr.abs _section_cstart, $3  }
0xc2: {  	[dreg:$0x1] =	wrdreg $0xFFFFFFFF  }
0xc3: {  	_ =	task.clear_ibuf [dreg:s7], $0x2FFFF;
	_ =	strace $0x9FFFFFFF  }
0xc4: {  	(tm) =	ssettm $0x7FFFFFFF  }
0xc5: {  	_ =	shalt  }
tec
execute0_lowered:
.L_overlay_start_1:
0x0: {  	(tag) =	ssettag $0x1  }
0x1: {  	s0 =	rddreg [dreg:$0x0]  }
0x2: {  	s1 =	rddreg [dreg:$0x1]  }
0x3: {  	s2 =	rddreg [dreg:$0x2];
	s16 =	stileid.u32  }
0x4: {  	s3 =	rddreg [dreg:$0x3];
	s20 =	smul.u32 $0x4F80, s16  }
0x5: {  	s4 =	simm.s32 $0x0;
	s7 =	srdreg.scid;
	s6 =	smul.u32 $0x9F0, s16  }
0x6: {  	[smem:$0x7FF] =	sst s4;
	s5 =	sadd.s32 $0x1F600, s1;
	s8 =	smul.u32 $0x2800, s16  }
0x7: {  	s7 =	sand.u32 $0x1, s7;
	s31 =	smul.u32 $0x280, s16;
	s16 =	simm.s32 $0x8  }
0x8: {  	_ =	strace $0x8000004A;
	s9 =	sshll.u32 s7, $0x1;
	s10 =	ssub.s32 $0x2, s7  }
0x9: {  	p0 =	sne.s32 s7, $0x0;
	p1 =	seq.s32 s7, $0x0;
	s7 =	simm.s32 $0x1  }
0xa: {  	s4 =	sshrl.u32 s20, $0x3;
	s6 =	sadd.s32 s6, s1;
	s21 =	sshrl.u32 s10, $0x1  }
0xb: {  	s11 =	sshrl.u32 s8, $0x3;
	s23 =	sadd.s32 $0x800, s8;
	s12 =	sadd.s32 $0x1000, s8  }
0xc: {  	s14 =	sadd.s32 $0x2000, s8;
	s20 =	sadd.s32 s8, s2;
	s4 =	sadd.s32 s4, s1  }
0xd: {  	s1 =	sadd.s32 s9, s1;
	s22 =	sadd.s32 s5, s11;
	[dreg:$0x13] =	wrdreg s20  }
0xe: {  	s9 =	ssub.s32 s10, s21;
	s11 =	sadd.s32 s0, s11;
	[dreg:$0x5] =	wrdreg s22  }
0xf: {  	s24 =	sshrl.u32 s23, $0x3;
	s18 =	sadd.s32 $0x15600, s6;
	[dreg:$0x6] =	wrdreg s11  }
0x10: {  	s25 =	sshrl.u32 s12, $0x3;
	s21 =	sadd.s32 s8, s3;
	[dreg:$0x11] =	wrdreg s18  }
0x11: {  	s15 =	sshrl.u32 s14, $0x3;
	s13 =	sadd.s32 s5, s24;
	[dreg:$0x14] =	wrdreg s21  }
0x12: {  	s30 =	sadd.s32 s14, s3;
	s11 =	sadd.s32 s0, s24;
	[dreg:$0x7] =	wrdreg s13  }
0x13: {  	s6 =	simm.s32 $0x9;
	s26 =	sadd.s32 s5, s25;
	[dreg:$0x8] =	wrdreg s11  }
0x14: {  	s10 =	simm.s32 $0x2;
	s19 =	smax.u32 s9, $0x1;
	[dreg:$0x9] =	wrdreg s26  }
0x15: {  	s20 =	simm.s32 $0x0;
	s22 =	sadd.s32 s23, s2;
	[dreg:$0x12] =	wrdreg s19  }
0x16: {  	s18 =	sadd.s32 $0x24600, s1;
	s23 =	sadd.s32 s23, s3;
	[dreg:$0x15] =	wrdreg s22  }
0x17: {  	s24 =	sadd.s32 s12, s2;
	s9 =	simm.s32 $0x5800;
	[dreg:$0x16] =	wrdreg s23  }
0x18: {  	s13 =	sadd.s32 $0x1800, s8;
	s11 =	sadd.s32 s0, s25;
	[dreg:$0x17] =	wrdreg s24  }
0x19: {  	s25 =	sadd.s32 s12, s3;
	s24 =	simm.s32 $0x6800;
	[dreg:$0xa] =	wrdreg s11  }
0x1a: {  	s29 =	sshrl.u32 s13, $0x3;
	[dreg:$0x18] =	wrdreg s25;
	s26 =	sadd.s32 s13, s2  }
0x1b: {  	s8 =	simm.s32 $0x80;
	s17 =	sadd.s32 s5, s29;
	[dreg:$0x19] =	wrdreg s26  }
0x1c: {  	s12 =	simm.s32 $0x3;
	s11 =	sadd.s32 s0, s29;
	[dreg:$0xb] =	wrdreg s17  }
0x1d: {  	v0 =	vimm.f32 $0.0e+00;
	v1 =	vimm.s32 $0x0;
	s19 =	simm.s32 $0x20;
	s5 =	sadd.s32 s5, s15;
	[dreg:$0xc] =	wrdreg s11  }
0x1e: {  	v2 =	vimm.s32 $0x1;
	v3 =	vimm.s32 $0x2;
	v4 =	vimm.s32 $0x3;
	s28 =	sadd.s32 s13, s3;
	s0 =	sadd.s32 s0, s15;
	[dreg:$0xd] =	wrdreg s5  }
0x1f: {  	v5 =	vimm.s32 $0x4;
	v6 =	vimm.s32 $0x5;
	v7 =	vimm.s32 $0x6;
	s13 =	simm.s32 $0x4;
	s15 =	sadd.s32 $0x1800, s4;
	[dreg:$0xe] =	wrdreg s0  }
0x20: {  	v8 =	vimm.s32 $0x7;
	v9 =	vimm.s32 $0x8;
	v10 =	vimm.s32 $0x9;
	s29 =	sadd.s32 s14, s2;
	[dreg:$0xf] =	wrdreg s15;
	s17 =	sadd.s32 $0xB700, s4  }
0x21: {  	v11 =	vimm.s32 $0xA;
	v12 =	vimm.s32 $0xB;
	v13 =	vimm.s32 $0xC;
	[dreg:$0x1a] =	wrdreg s29;
	s5 =	simm.s32 $0x5000;
	s11 =	simm.s32 $0x6000  }
0x22: {  	v14 =	vimm.s32 $0xD;
	v15 =	vimm.s32 $0xE;
	v16 =	vimm.s32 $0xF;
	s0 =	simm.s32 $0x6;
	[dreg:$0x10] =	wrdreg s17;
	s17 =	simm.s32 $0x10  }
.LBB2_1:
0x23: {  	s1 =	simm.s32 $0x0;
	s4 =	rddreg [dreg:$0xf]  }
0x24: {  	[tilespmem:s24], [sflag:$0x1] =	stream.linear.gather [hbm4b:s4+s1], $0x4F80, $0x38;
	[tilespmem:$0x15680] =	vst v63  }
0x25: {  	s25 =	rddreg [dreg:$0x10];
	s14 =	simm.s32 $0xB780  }
0x26: {  	[tilespmem:s14], [sflag:$0x1] =	stream.linear.gather [hbm4b:s25+s1], $0x4F80, $0x38;
	[tilespmem:$0x15680] =	vst v63  }
0x27: {  	s26 =	rddreg [dreg:$0x11];
	s29 =	simm.s32 $0x10700  }
0x28: {  	[tilespmem:s29], [sflag:$0x1] =	stream.linear.gather [hbm4b:s26+s1], $0x4F80, $0x38;
	[tilespmem:$0x15680] =	vst v63  }
0x29: {  	s4 =	simm.s32 $0x0;
	s1 =	simm.s32 $0x40  }
.LBB2_2:
0x2a: {  	p2 =	sne.s32 s1, $0x1FC0;
	[tilespmem:s4+$0x5000] =	vst v0;
	s4 =	smov.u32 s1;
	s1 =	sadd.s32 $0x40, s1  }
.Ltmp0:
0x2b: {  	(pc) =	sbr.rel @p2 .LBB2_2-.Ltmp0, $2  }
0x2c: {  	_ =	sdelay $0x2  }
0x2d: {  	s4 =	sshra.s32 s4, $0x2  }
0x2e: {  	[tilespmem:s4+$0x5000] =	vst v0;
	s1 =	rddreg [dreg:$0x13];
	s14 =	stileid.u32  }
0x2f: {  	[spmem:s1] =	stream.linear.scatter [tilespmem:s5], [sflag:$0x9], $0x800, $0x38;
	[tilespmem:$0x15680] =	vst v63  }
0x30: {  	s1 =	sshll.u32 @p0 s14, $0x6;
	_ =	swait.ge [sflag:s6], $0x800  }
0x31: {  	s1 =	sor.u32 @p0 $0x1C08, s1;
	[sflag:s6] =	ssyncset.done $0x0;
	s21 =	rddreg [dreg:$0x14]  }
0x32: {  	s15 =	rddreg [dreg:$0x5];
	[sflag:s6] =	ssyncadd.s32 $0xFFFFF800;
	s4 =	sshrl.u32 @p0 s21, $0x3  }
0x33: {  	[spmem:s4], [sflag:s1] =	dma.local @p0 [hbm:s15], $0x100  }
0x34: {  	s1 =	simm.s32 @p0 $0x8  }
0x35: {  	_ =	swait.ge @p0 [sflag:s1], $0x100  }
0x36: {  	s4 =	sshll.u32 @!p0 s14, $0x6;
	[sflag:s1] =	ssyncset.done @p0 $0x0;
	s15 =	rddreg [dreg:$0x6]  }
0x37: {  	[sflag:s1] =	ssyncadd.s32 @p0 $0xFFFFFF00;
	s1 =	sor.u32 @!p0 $0x1C09, s4;
	s4 =	sshrl.u32 @!p0 s21, $0x3  }
0x38: {  	[spmem:s4], [sflag:s1] =	dma.local @!p0 [hbm:s15], $0x100  }
0x39: {  	s1 =	simm.s32 @!p0 $0x9  }
0x3a: {  	_ =	swait.ge @!p0 [sflag:s1], $0x100  }
0x3b: {  	[sflag:s1] =	ssyncset.done @!p0 $0x0  }
0x3c: {  	s21 =	rddreg [dreg:$0x15];
	[sflag:s1] =	ssyncadd.s32 @!p0 $0xFFFFFF00  }
0x3d: {  	[spmem:s21] =	stream.linear.scatter [tilespmem:s5], [sflag:$0x9], $0x800, $0x38;
	[tilespmem:$0x15680] =	vst v63  }
0x3e: {  	s1 =	sshll.u32 @p1 s14, $0x6;
	_ =	swait.ge [sflag:s6], $0x800  }
0x3f: {  	s1 =	sor.u32 @p1 $0x1C09, s1;
	[sflag:s6] =	ssyncset.done $0x0;
	s21 =	rddreg [dreg:$0x16]  }
0x40: {  	s15 =	rddreg [dreg:$0x8];
	[sflag:s6] =	ssyncadd.s32 $0xFFFFF800;
	s4 =	sshrl.u32 @p1 s21, $0x3  }
0x41: {  	[spmem:s4], [sflag:s1] =	dma.local @p1 [hbm:s15], $0x100  }
0x42: {  	s4 =	simm.s32 @p1 $0x9  }
0x43: {  	s14 =	sshll.u32 @!p1 s14, $0x6;
	_ =	swait.ge @p1 [sflag:s4], $0x100  }
0x44: {  	s14 =	sor.u32 @!p1 $0x1C08, s14;
	[sflag:s4] =	ssyncset.done @p1 $0x0  }
0x45: {  	s15 =	sshrl.u32 @!p1 s21, $0x3;
	s21 =	rddreg [dreg:$0x7];
	[sflag:s4] =	ssyncadd.s32 @p1 $0xFFFFFF00  }
0x46: {  	[spmem:s15], [sflag:s14] =	dma.local @!p1 [hbm:s21], $0x100  }
0x47: {  	s15 =	simm.s32 @!p1 $0x8  }
0x48: {  	_ =	swait.ge @!p1 [sflag:s15], $0x100  }
0x49: {  	[sflag:s15] =	ssyncset.done @!p1 $0x0  }
0x4a: {  	s22 =	rddreg [dreg:$0x17];
	[sflag:s15] =	ssyncadd.s32 @!p1 $0xFFFFFF00  }
0x4b: {  	[spmem:s22] =	stream.linear.scatter [tilespmem:s5], [sflag:$0x9], $0x800, $0x38;
	[tilespmem:$0x15680] =	vst v63  }
0x4c: {  	_ =	swait.ge [sflag:s6], $0x800  }
0x4d: {  	[sflag:s6] =	ssyncset.done $0x0;
	s23 =	rddreg [dreg:$0x18]  }
0x4e: {  	s22 =	rddreg [dreg:$0xa];
	[sflag:s6] =	ssyncadd.s32 $0xFFFFF800;
	s21 =	sshrl.u32 @p1 s23, $0x3  }
0x4f: {  	[spmem:s21], [sflag:s1] =	dma.local @p1 [hbm:s22], $0x100  }
0x50: {  	_ =	swait.ge @p1 [sflag:s4], $0x100  }
0x51: {  	[sflag:s4] =	ssyncset.done @p1 $0x0  }
0x52: {  	s21 =	sshrl.u32 @!p1 s23, $0x3;
	s22 =	rddreg [dreg:$0x9];
	[sflag:s4] =	ssyncadd.s32 @p1 $0xFFFFFF00  }
0x53: {  	[spmem:s21], [sflag:s14] =	dma.local @!p1 [hbm:s22], $0x100  }
0x54: {  	_ =	swait.ge @!p1 [sflag:s15], $0x100  }
0x55: {  	[sflag:s15] =	ssyncset.done @!p1 $0x0  }
0x56: {  	s23 =	rddreg [dreg:$0x19];
	[sflag:s15] =	ssyncadd.s32 @!p1 $0xFFFFFF00  }
0x57: {  	[spmem:s23] =	stream.linear.scatter [tilespmem:s5], [sflag:$0x9], $0x800, $0x38;
	[tilespmem:$0x15680] =	vst v63  }
0x58: {  	_ =	swait.ge [sflag:s6], $0x800  }
0x59: {  	[sflag:s6] =	ssyncset.done $0x0  }
0x5a: {  	s21 =	sshrl.u32 @p1 s28, $0x3;
	s22 =	rddreg [dreg:$0xc];
	[sflag:s6] =	ssyncadd.s32 $0xFFFFF800  }
0x5b: {  	[spmem:s21], [sflag:s1] =	dma.local @p1 [hbm:s22], $0x100  }
0x5c: {  	_ =	swait.ge @p1 [sflag:s4], $0x100  }
0x5d: {  	[sflag:s4] =	ssyncset.done @p1 $0x0  }
0x5e: {  	s21 =	sshrl.u32 @!p1 s28, $0x3;
	s22 =	rddreg [dreg:$0xb];
	[sflag:s4] =	ssyncadd.s32 @p1 $0xFFFFFF00  }
0x5f: {  	[spmem:s21], [sflag:s14] =	dma.local @!p1 [hbm:s22], $0x100  }
0x60: {  	_ =	swait.ge @!p1 [sflag:s15], $0x100  }
0x61: {  	[sflag:s15] =	ssyncset.done @!p1 $0x0  }
0x62: {  	s25 =	rddreg [dreg:$0x1a];
	[sflag:s15] =	ssyncadd.s32 @!p1 $0xFFFFFF00  }
0x63: {  	[spmem:s25] =	stream.linear.scatter [tilespmem:s5], [sflag:$0x9], $0x800, $0x38;
	[tilespmem:$0x15680] =	vst v63  }
0x64: {  	_ =	swait.ge [sflag:s6], $0x800  }
0x65: {  	[sflag:s6] =	ssyncset.done $0x0  }
0x66: {  	s21 =	sshrl.u32 @p1 s30, $0x3;
	s22 =	rddreg [dreg:$0xe];
	[sflag:s6] =	ssyncadd.s32 $0xFFFFF800  }
0x67: {  	[spmem:s21], [sflag:s1] =	dma.local @p1 [hbm:s22], $0x100  }
0x68: {  	_ =	swait.ge @p1 [sflag:s4], $0x100  }
0x69: {  	[sflag:s4] =	ssyncset.done @p1 $0x0  }
0x6a: {  	s1 =	sshrl.u32 @!p1 s30, $0x3;
	[sflag:s4] =	ssyncadd.s32 @p1 $0xFFFFFF00;
	s4 =	rddreg [dreg:$0xd]  }
0x6b: {  	[spmem:s1], [sflag:s14] =	dma.local @!p1 [hbm:s4], $0x100  }
0x6c: {  	_ =	swait.ge @!p1 [sflag:s15], $0x100  }
0x6d: {  	[sflag:s15] =	ssyncset.done @!p1 $0x0  }
0x6e: {  	[sflag:s15] =	ssyncadd.s32 @!p1 $0xFFFFFF00  }
0x6f: {  	_ =	swait.ge [sflag:s7], $0x4F80  }
0x70: {  	[sflag:s7] =	ssyncset.done $0x0  }
0x71: {  	[sflag:s7] =	ssyncadd.s32 $0xFFFFB080  }
0x72: {  	_ =	swait.ge [sflag:s7], $0x4F80  }
0x73: {  	[sflag:s7] =	ssyncset.done $0x0  }
0x74: {  	[sflag:s7] =	ssyncadd.s32 $0xFFFFB080  }
0x75: {  	_ =	swait.ge [sflag:s7], $0x4F80  }
0x76: {  	[sflag:s7] =	ssyncset.done $0x0  }
0x77: {  	[sflag:s7] =	ssyncadd.s32 $0xFFFFB080  }
0x78: {  	[bflag:$0x0] =	sbarrier.arrive $0xFFFF  }
0x79: {  	[tilespmem:s5], [sflag:$0x2] =	stream.indirect.gather [spmem:s3], $0x10, s24, s8, $0xb8;
	[tilespmem:$0x15680] =	vst v63  }
0x7a: {  	s26 =	simm.s32 $0x6880;
	s29 =	simm.s32 $0x10800  }
0x7b: {  	[tilespmem:s9], [sflag:$0x3] =	stream.indirect.gather [spmem:s3], $0x10, s26, s8, $0xb8;
	[tilespmem:$0x15680] =	vst v63  }
0x7c: {  	s22 =	simm.s32 $0x0;
	s24 =	simm.s32 $0x10700;
	s26 =	simm.s32 $0x10780  }
.LBB2_4:
0x7d: {  	v17 =	vmov s24;
	_ =	sdelay $0x1  }
0x7e: {  	_ =	swait.ge [sflag:s10], $0x800  }
0x7f: {  	[sflag:s10] =	ssyncset.done $0x0  }
0x80: {  	s1 =	simm.s32 $0x0;
	[sflag:s10] =	ssyncadd.s32 $0xFFFFF800  }
0x81: {  	v18 =	vld.idx.msk [tilespmem:v17+s1+$0x0 ss:$0x1], $0xffff;
	_ =	sdelay $0x3  }
0x82: {  	s1 =	simm.s32 $0x5080  }
0x83: {  	v19 =	vld [tilespmem:s1+$0xFFFFFF80];
	v23 =	vperm.xlane v18, v1  }
0x84: {  	v20 =	vld [tilespmem:s1+$0xFFFFFF90];
	v24 =	vperm.xlane v18, v2;
	v27 =	vperm.xlane v18, v3  }
0x85: {  	v21 =	vld [tilespmem:s1+$0xFFFFFFA0];
	v44 =	vperm.xlane v18, v4;
	v46 =	vperm.xlane v18, v5  }
0x86: {  	v25 =	vld [tilespmem:s1+$0xFFFFFFC0];
	v47 =	vperm.xlane v18, v6;
	v29 =	vperm.xlane v18, v7  }
0x87: {  	v45 =	vld [tilespmem:s1+$0xFFFFFFE0];
	v50 =	vperm.xlane v18, v8;
	v52 =	vperm.xlane v18, v9  }
0x88: {  	v48 =	vld [tilespmem:s1+$0x0];
	v53 =	vperm.xlane v18, v10;
	v19 =	vmul.f32 v19, v23  }
0x89: {  	v22 =	vld [tilespmem:s1+$0xFFFFFFB0];
	v56 =	vperm.xlane v18, v11;
	v20 =	vmul.f32 v20, v24  }
0x8a: {  	v54 =	vld [tilespmem:s1+$0x40];
	v57 =	vperm.xlane v18, v12;
	v21 =	vmul.f32 v21, v27;
	[tilespmem:s1+$0xFFFFFF80] =	vst v19  }
0x8b: {  	v59 =	vld [tilespmem:s1+$0x70];
	v60 =	vperm.xlane v18, v13;
	v25 =	vmul.f32 v25, v46;
	[tilespmem:s1+$0xFFFFFF90] =	vst v20  }
0x8c: {  	v26 =	vld [tilespmem:s1+$0xFFFFFFD0];
	v61 =	vperm.xlane v18, v14;
	v24 =	vmul.f32 v45, v29;
	[tilespmem:s1+$0xFFFFFFA0] =	vst v21  }
0x8d: {  	v28 =	vld [tilespmem:s1+$0xFFFFFFF0];
	v62 =	vperm.xlane v18, v15;
	v23 =	vmul.f32 v48, v52;
	[tilespmem:s1+$0xFFFFFFC0] =	vst v25  }
0x8e: {  	v49 =	vld [tilespmem:s1+$0x10];
	v18 =	vperm.xlane v18, v16;
	v19 =	vmul.f32 v22, v44;
	[tilespmem:s1+$0xFFFFFFE0] =	vst v24  }
0x8f: {  	v51 =	vld [tilespmem:s1+$0x20];
	v63 =	vmul.f32 v54, v60;
	[tilespmem:s1+$0x0] =	vst v23  }
0x90: {  	v18 =	vmul.f32 v59, v18;
	[tilespmem:s1+$0xFFFFFFB0] =	vst v19;
	v19 =	vld [tilespmem:s1+$0x30]  }
0x91: {  	v55 =	vld [tilespmem:s1+$0x50];
	v22 =	vmul.f32 v26, v47;
	[tilespmem:s1+$0x40] =	vst v63  }
0x92: {  	v58 =	vld [tilespmem:s1+$0x60];
	v21 =	vmul.f32 v28, v50;
	[tilespmem:s1+$0x70] =	vst v18  }
0x93: {  	v20 =	vmul.f32 v49, v53;
	[tilespmem:s1+$0xFFFFFFD0] =	vst v22  }
0x94: {  	v26 =	vmul.f32 v51, v56;
	[tilespmem:s1+$0xFFFFFFF0] =	vst v21  }
0x95: {  	[tilespmem:s1+$0x10] =	vst v20;
	v19 =	vmul.f32 v19, v57  }
0x96: {  	[tilespmem:s1+$0x20] =	vst v26;
	v22 =	vmul.f32 v55, v61  }
0x97: {  	[tilespmem:s1+$0x30] =	vst v19;
	v19 =	vmul.f32 v58, v62  }
0x98: {  	[tilespmem:s1+$0x50] =	vst v22  }
0x99: {  	s14 =	smul.u32 $0x600, s22;
	s15 =	simm.s32 $0x10;
	s4 =	simm.s32 $0x80;
	[tilespmem:s1+$0x60] =	vst v19  }
.LBB2_5:
0x9a: {  	p2 =	sne.s32 s4, $0x1C0;
	v18 =	vld.idx.msk [tilespmem:v17+s15+$0x0 ss:$0x1], $0xffff;
	s1 =	sadd.s32 $0x100, s1  }
0x9b: {  	v19 =	vld [tilespmem:s1+$0xFFFFFFB0]  }
0x9c: {  	v20 =	vld [tilespmem:s1+$0xFFFFFF90]  }
0x9d: {  	v21 =	vld [tilespmem:s1+$0xFFFFFF80]  }
0x9e: {  	v22 =	vld [tilespmem:s1+$0xFFFFFFA0]  }
0x9f: {  	v23 =	vld [tilespmem:s1+$0xFFFFFFF0]  }
0xa0: {  	v24 =	vperm.xlane v18, v1;
	v25 =	vperm.xlane v18, v2;
	v26 =	vld [tilespmem:s1+$0xFFFFFFD0]  }
0xa1: {  	v27 =	vperm.xlane v18, v3;
	v28 =	vperm.xlane v18, v4;
	v29 =	vld [tilespmem:s1+$0xFFFFFFC0]  }
0xa2: {  	v20 =	vmul.f32 v20, v25;
	v21 =	vmul.f32 v21, v24;
	v24 =	vld [tilespmem:s1+$0xFFFFFFE0]  }
0xa3: {  	v19 =	vmul.f32 v19, v28;
	v22 =	vmul.f32 v22, v27;
	v25 =	vld [tilespmem:s1+$0x30]  }
0xa4: {  	v28 =	vperm.xlane v18, v6;
	v27 =	vperm.xlane v18, v5;
	v30 =	vld [tilespmem:s1+$0x10];
	[tilespmem:s1+$0xFFFFFF80] =	vst v21  }
0xa5: {  	v31 =	vperm.xlane v18, v8;
	v21 =	vperm.xlane v18, v7;
	v32 =	vld [tilespmem:s1+$0x0];
	[tilespmem:s1+$0xFFFFFF90] =	vst v20  }
0xa6: {  	v26 =	vmul.f32 v26, v28;
	v20 =	vmul.f32 v29, v27;
	v27 =	vld [tilespmem:s1+$0x20];
	[tilespmem:s1+$0xFFFFFFA0] =	vst v22  }
0xa7: {  	v22 =	vmul.f32 v23, v31;
	v21 =	vmul.f32 v24, v21;
	v23 =	vld [tilespmem:s1+$0x70];
	[tilespmem:s1+$0xFFFFFFB0] =	vst v19  }
0xa8: {  	v19 =	vperm.xlane v18, v9;
	v24 =	vperm.xlane v18, v10;
	v28 =	vld [tilespmem:s1+$0x50];
	[tilespmem:s1+$0xFFFFFFC0] =	vst v20  }
0xa9: {  	v29 =	vperm.xlane v18, v12;
	v20 =	vperm.xlane v18, v11;
	v31 =	vld [tilespmem:s1+$0x40];
	[tilespmem:s1+$0xFFFFFFD0] =	vst v26  }
0xaa: {  	v24 =	vmul.f32 v30, v24;
	v19 =	vmul.f32 v32, v19;
	v26 =	vld [tilespmem:s1+$0x60];
	[tilespmem:s1+$0xFFFFFFE0] =	vst v21  }
0xab: {  	v21 =	vmul.f32 v25, v29;
	v20 =	vmul.f32 v27, v20;
	[tilespmem:s1+$0xFFFFFFF0] =	vst v22  }
0xac: {  	v25 =	vperm.xlane v18, v14;
	v22 =	vperm.xlane v18, v13;
	[tilespmem:s1+$0x0] =	vst v19  }
0xad: {  	v19 =	vperm.xlane v18, v15;
	v18 =	vperm.xlane v18, v16;
	[tilespmem:s1+$0x10] =	vst v24  }
0xae: {  	v24 =	vmul.f32 v28, v25;
	v22 =	vmul.f32 v31, v22;
	[tilespmem:s1+$0x20] =	vst v20  }
.Ltmp1:
0xaf: {  	v18 =	vmul.f32 v23, v18;
	v19 =	vmul.f32 v26, v19;
	[tilespmem:s1+$0x30] =	vst v21;
	(pc) =	sbr.rel @p2 .LBB2_5-.Ltmp1, $4  }
0xb0: {  	[tilespmem:s1+$0x40] =	vst v22  }
0xb1: {  	[tilespmem:s1+$0x50] =	vst v24  }
0xb2: {  	[tilespmem:s1+$0x60] =	vst v19  }
0xb3: {  	s15 =	sshra.s32 s4, $0x2;
	s4 =	sadd.s32 $0x40, s4;
	[tilespmem:s1+$0x70] =	vst v18  }
0xb4: {  	_ =	sdelay $0x3  }
0xb5: {  	v17 =	vld.idx.msk [tilespmem:v17+s15+$0x0 ss:$0x1], $0xffff  }
0xb6: {  	s1 =	sadd.s32 $0x100, s1  }
0xb7: {  	v18 =	vld [tilespmem:s1+$0xFFFFFF80]  }
0xb8: {  	v19 =	vld [tilespmem:s1+$0xFFFFFF90]  }
0xb9: {  	v20 =	vld [tilespmem:s1+$0xFFFFFFA0]  }
0xba: {  	v24 =	vld [tilespmem:s1+$0xFFFFFFC0];
	v22 =	vperm.xlane v17, v1  }
0xbb: {  	v53 =	vld [tilespmem:s1+$0xFFFFFFE0];
	v23 =	vperm.xlane v17, v2  }
0xbc: {  	v21 =	vld [tilespmem:s1+$0xFFFFFFB0];
	v26 =	vperm.xlane v17, v3;
	v18 =	vmul.f32 v18, v22  }
0xbd: {  	v56 =	vld [tilespmem:s1+$0x0];
	v54 =	vperm.xlane v17, v5;
	v19 =	vmul.f32 v19, v23  }
0xbe: {  	v61 =	vld [tilespmem:s1+$0x40];
	v28 =	vperm.xlane v17, v7;
	v20 =	vmul.f32 v20, v26;
	[tilespmem:s1+$0xFFFFFF80] =	vst v18  }
0xbf: {  	v25 =	vld [tilespmem:s1+$0xFFFFFFD0];
	v52 =	vperm.xlane v17, v4;
	v24 =	vmul.f32 v24, v54;
	[tilespmem:s1+$0xFFFFFF90] =	vst v19  }
0xc0: {  	v27 =	vld [tilespmem:s1+$0xFFFFFFF0];
	v59 =	vperm.xlane v17, v9;
	v23 =	vmul.f32 v53, v28;
	[tilespmem:s1+$0xFFFFFFA0] =	vst v20  }
0xc1: {  	v32 =	vperm.xlane v17, v13;
	v18 =	vmul.f32 v21, v52;
	v19 =	vld [tilespmem:s1+$0x10];
	[tilespmem:s1+$0xFFFFFFC0] =	vst v24  }
0xc2: {  	v58 =	vld [tilespmem:s1+$0x20];
	v55 =	vperm.xlane v17, v6;
	v22 =	vmul.f32 v56, v59;
	[tilespmem:s1+$0xFFFFFFE0] =	vst v23  }
0xc3: {  	v57 =	vperm.xlane v17, v8;
	v34 =	vmul.f32 v61, v32;
	[tilespmem:s1+$0xFFFFFFB0] =	vst v18;
	v18 =	vld [tilespmem:s1+$0x30]  }
0xc4: {  	v62 =	vld [tilespmem:s1+$0x50];
	v60 =	vperm.xlane v17, v10;
	v21 =	vmul.f32 v25, v55;
	[tilespmem:s1+$0x0] =	vst v22  }
0xc5: {  	v30 =	vld [tilespmem:s1+$0x60];
	v63 =	vperm.xlane v17, v11;
	v20 =	vmul.f32 v27, v57;
	[tilespmem:s1+$0x40] =	vst v34  }
0xc6: {  	v31 =	vld [tilespmem:s1+$0x70];
	v29 =	vperm.xlane v17, v12;
	[tilespmem:s1+$0xFFFFFFD0] =	vst v21;
	v19 =	vmul.f32 v19, v60  }
0xc7: {  	v33 =	vperm.xlane v17, v14;
	v25 =	vmul.f32 v58, v63;
	[tilespmem:s1+$0xFFFFFFF0] =	vst v20  }
0xc8: {  	v18 =	vmul.f32 v18, v29;
	[tilespmem:s1+$0x10] =	vst v19;
	v19 =	vperm.xlane v17, v15  }
0xc9: {  	[tilespmem:s1+$0x20] =	vst v25;
	v21 =	vmul.f32 v62, v33;
	v17 =	vperm.xlane v17, v16  }
0xca: {  	[tilespmem:s1+$0x30] =	vst v18;
	v18 =	vmul.f32 v30, v19  }
0xcb: {  	[tilespmem:s1+$0x50] =	vst v21;
	v17 =	vmul.f32 v31, v17  }
0xcc: {  	s4 =	sshra.s32 s14, $0x2;
	p2 =	seq.s32 s22, $0x0;
	[tilespmem:s1+$0x60] =	vst v18  }
0xcd: {  	s15 =	sadd.s32 $0xB780, s4;
	[tilespmem:s1+$0x70] =	vst v17;
	s1 =	simm.s32 @!p2 $0x7  }
0xce: {  	[spmem:s2] =	stream.indirect.scatter.add.f32 [tilespmem:s5], [sflag:$0x5], $0x10, s15, s8, $0xb8;
	[tilespmem:$0x15680] =	vst v63  }
0xcf: {  	s21 =	smul.u32 $0x180, s22;
	_ =	swait.ge @!p2 [sflag:s1], $0x800  }
0xd0: {  	[sflag:s1] =	ssyncset.done @!p2 $0x0  }
0xd1: {  	s23 =	sadd.s32 $0x6900, s21;
	v17 =	vmov s26;
	[sflag:s1] =	ssyncadd.s32 @!p2 $0xFFFFF800  }
0xd2: {  	[tilespmem:s11], [sflag:$0x4] =	stream.indirect.gather [spmem:s3], $0x10, s23, s8, $0xb8;
	[tilespmem:$0x15680] =	vst v63  }
0xd3: {  	_ =	swait.ge [sflag:s12], $0x800  }
0xd4: {  	[sflag:s12] =	ssyncset.done $0x0  }
0xd5: {  	s25 =	simm.s32 $0x0;
	[sflag:s12] =	ssyncadd.s32 $0xFFFFF800  }
0xd6: {  	v18 =	vld.idx.msk [tilespmem:v17+s25+$0x0 ss:$0x1], $0xffff;
	_ =	sdelay $0x2  }
0xd7: {  	s1 =	simm.s32 $0x58F0  }
0xd8: {  	v19 =	vld [tilespmem:s1+$0xFFFFFF10]  }
0xd9: {  	v35 =	vld [tilespmem:s1+$0xFFFFFF20];
	v38 =	vperm.xlane v18, v1  }
0xda: {  	v36 =	vld [tilespmem:s1+$0xFFFFFF30];
	v39 =	vperm.xlane v18, v2;
	v42 =	vperm.xlane v18, v3  }
0xdb: {  	v40 =	vld [tilespmem:s1+$0xFFFFFF50];
	v43 =	vperm.xlane v18, v4;
	v46 =	vperm.xlane v18, v5  }
0xdc: {  	v41 =	vld [tilespmem:s1+$0xFFFFFF60];
	v47 =	vperm.xlane v18, v6;
	v29 =	vperm.xlane v18, v7  }
0xdd: {  	v44 =	vld [tilespmem:s1+$0xFFFFFF70];
	v50 =	vperm.xlane v18, v8;
	v19 =	vmul.f32 v19, v38  }
0xde: {  	v37 =	vld [tilespmem:s1+$0xFFFFFF40];
	v52 =	vperm.xlane v18, v9;
	v20 =	vmul.f32 v35, v39  }
0xdf: {  	v48 =	vld [tilespmem:s1+$0xFFFFFF90];
	v53 =	vperm.xlane v18, v10;
	v21 =	vmul.f32 v36, v42;
	[tilespmem:s1+$0xFFFFFF10] =	vst v19  }
0xe0: {  	v51 =	vld [tilespmem:s1+$0xFFFFFFB0];
	v56 =	vperm.xlane v18, v11;
	v25 =	vmul.f32 v40, v46;
	[tilespmem:s1+$0xFFFFFF20] =	vst v20  }
0xe1: {  	v54 =	vld [tilespmem:s1+$0xFFFFFFD0];
	v58 =	vperm.xlane v18, v12;
	v22 =	vmul.f32 v41, v47;
	[tilespmem:s1+$0xFFFFFF30] =	vst v21  }
0xe2: {  	v59 =	vld [tilespmem:s1+$0x0];
	v61 =	vperm.xlane v18, v13;
	v24 =	vmul.f32 v44, v29;
	[tilespmem:s1+$0xFFFFFF50] =	vst v25  }
0xe3: {  	v45 =	vld [tilespmem:s1+$0xFFFFFF80];
	v62 =	vperm.xlane v18, v14;
	v19 =	vmul.f32 v37, v43;
	[tilespmem:s1+$0xFFFFFF60] =	vst v22  }
0xe4: {  	v49 =	vld [tilespmem:s1+$0xFFFFFFA0];
	v63 =	vperm.xlane v18, v15;
	v23 =	vmul.f32 v48, v52;
	[tilespmem:s1+$0xFFFFFF70] =	vst v24  }
0xe5: {  	v18 =	vperm.xlane v18, v16;
	v60 =	vmul.f32 v51, v56;
	[tilespmem:s1+$0xFFFFFF40] =	vst v19;
	v19 =	vld [tilespmem:s1+$0xFFFFFFC0]  }
0xe6: {  	v55 =	vld [tilespmem:s1+$0xFFFFFFE0];
	v26 =	vmul.f32 v54, v61;
	[tilespmem:s1+$0xFFFFFF90] =	vst v23  }
0xe7: {  	v57 =	vld [tilespmem:s1+$0xFFFFFFF0];
	v18 =	vmul.f32 v59, v18;
	[tilespmem:s1+$0xFFFFFFB0] =	vst v60  }
0xe8: {  	v21 =	vmul.f32 v45, v50;
	[tilespmem:s1+$0xFFFFFFD0] =	vst v26  }
0xe9: {  	v20 =	vmul.f32 v49, v53;
	[tilespmem:s1+$0x0] =	vst v18  }
0xea: {  	[tilespmem:s1+$0xFFFFFF80] =	vst v21;
	v19 =	vmul.f32 v19, v58  }
0xeb: {  	v22 =	vmul.f32 v55, v62;
	[tilespmem:s1+$0xFFFFFFA0] =	vst v20  }
0xec: {  	[tilespmem:s1+$0xFFFFFFC0] =	vst v19;
	v19 =	vmul.f32 v57, v63  }
0xed: {  	s15 =	sadd.s32 $0x100, s21;
	[tilespmem:s1+$0xFFFFFFE0] =	vst v22  }
0xee: {  	s21 =	sadd.s32 $0x200, s14;
	s23 =	simm.s32 $0x80;
	s25 =	simm.s32 $0x10;
	[tilespmem:s1+$0xFFFFFFF0] =	vst v19  }
.LBB2_7:
0xef: {  	p2 =	sne.s32 s23, $0x1C0;
	v18 =	vld.idx.msk [tilespmem:v17+s25+$0x0 ss:$0x1], $0xffff;
	s1 =	sadd.s32 $0x100, s1  }
0xf0: {  	v19 =	vld [tilespmem:s1+$0xFFFFFF40]  }
0xf1: {  	v20 =	vld [tilespmem:s1+$0xFFFFFF20]  }
0xf2: {  	v21 =	vld [tilespmem:s1+$0xFFFFFF10]  }
0xf3: {  	v22 =	vld [tilespmem:s1+$0xFFFFFF30]  }
0xf4: {  	v23 =	vld [tilespmem:s1+$0xFFFFFF80]  }
0xf5: {  	v24 =	vperm.xlane v18, v1;
	v25 =	vperm.xlane v18, v2;
	v26 =	vld [tilespmem:s1+$0xFFFFFF60]  }
0xf6: {  	v27 =	vperm.xlane v18, v3;
	v28 =	vperm.xlane v18, v4;
	v29 =	vld [tilespmem:s1+$0xFFFFFF50]  }
0xf7: {  	v20 =	vmul.f32 v20, v25;
	v21 =	vmul.f32 v21, v24;
	v24 =	vld [tilespmem:s1+$0xFFFFFF70]  }
0xf8: {  	v19 =	vmul.f32 v19, v28;
	v22 =	vmul.f32 v22, v27;
	v25 =	vld [tilespmem:s1+$0xFFFFFFC0]  }
0xf9: {  	v28 =	vperm.xlane v18, v6;
	v27 =	vperm.xlane v18, v5;
	v30 =	vld [tilespmem:s1+$0xFFFFFFA0];
	[tilespmem:s1+$0xFFFFFF10] =	vst v21  }
0xfa: {  	v31 =	vperm.xlane v18, v8;
	v21 =	vperm.xlane v18, v7;
	v32 =	vld [tilespmem:s1+$0xFFFFFF90];
	[tilespmem:s1+$0xFFFFFF20] =	vst v20  }
0xfb: {  	v26 =	vmul.f32 v26, v28;
	v20 =	vmul.f32 v29, v27;
	v27 =	vld [tilespmem:s1+$0xFFFFFFB0];
	[tilespmem:s1+$0xFFFFFF30] =	vst v22  }
0xfc: {  	v22 =	vmul.f32 v23, v31;
	v21 =	vmul.f32 v24, v21;
	v23 =	vld [tilespmem:s1+$0xFFFFFFF0];
	[tilespmem:s1+$0xFFFFFF40] =	vst v19  }
0xfd: {  	v19 =	vperm.xlane v18, v9;
	v24 =	vperm.xlane v18, v10;
	v28 =	vld [tilespmem:s1+$0xFFFFFFE0];
	[tilespmem:s1+$0xFFFFFF50] =	vst v20  }
0xfe: {  	v29 =	vperm.xlane v18, v12;
	v20 =	vperm.xlane v18, v11;
	v31 =	vld [tilespmem:s1+$0xFFFFFFD0];
	[tilespmem:s1+$0xFFFFFF60] =	vst v26  }
0xff: {  	v24 =	vmul.f32 v30, v24;
	v19 =	vmul.f32 v32, v19;
	v26 =	vld [tilespmem:s1+$0x0];
	[tilespmem:s1+$0xFFFFFF70] =	vst v21  }
0x100: {  	v21 =	vmul.f32 v25, v29;
	v20 =	vmul.f32 v27, v20;
	[tilespmem:s1+$0xFFFFFF80] =	vst v22  }
0x101: {  	v25 =	vperm.xlane v18, v14;
	v22 =	vperm.xlane v18, v13;
	[tilespmem:s1+$0xFFFFFF90] =	vst v19  }
0x102: {  	v19 =	vperm.xlane v18, v15;
	v18 =	vperm.xlane v18, v16;
	[tilespmem:s1+$0xFFFFFFA0] =	vst v24  }
0x103: {  	v24 =	vmul.f32 v28, v25;
	v22 =	vmul.f32 v31, v22;
	[tilespmem:s1+$0xFFFFFFB0] =	vst v20  }
.Ltmp2:
0x104: {  	v19 =	vmul.f32 v23, v19;
	v18 =	vmul.f32 v26, v18;
	[tilespmem:s1+$0xFFFFFFC0] =	vst v21;
	(pc) =	sbr.rel @p2 .LBB2_7-.Ltmp2, $4  }
0x105: {  	[tilespmem:s1+$0xFFFFFFD0] =	vst v22  }
0x106: {  	[tilespmem:s1+$0xFFFFFFE0] =	vst v24  }
0x107: {  	[tilespmem:s1+$0xFFFFFFF0] =	vst v19  }
0x108: {  	s25 =	sshra.s32 s23, $0x2;
	s23 =	sadd.s32 $0x40, s23;
	[tilespmem:s1+$0x0] =	vst v18  }
0x109: {  	_ =	sdelay $0x3  }
0x10a: {  	v17 =	vld.idx.msk [tilespmem:v17+s25+$0x0 ss:$0x1], $0xffff  }
0x10b: {  	s1 =	sadd.s32 $0x100, s1  }
0x10c: {  	v18 =	vld [tilespmem:s1+$0xFFFFFF10]  }
0x10d: {  	v19 =	vld [tilespmem:s1+$0xFFFFFF20]  }
0x10e: {  	v20 =	vld [tilespmem:s1+$0xFFFFFF30]  }
0x10f: {  	v24 =	vld [tilespmem:s1+$0xFFFFFF50];
	v22 =	vperm.xlane v17, v1  }
0x110: {  	v53 =	vld [tilespmem:s1+$0xFFFFFF70];
	v23 =	vperm.xlane v17, v2  }
0x111: {  	v21 =	vld [tilespmem:s1+$0xFFFFFF40];
	v26 =	vperm.xlane v17, v3;
	v18 =	vmul.f32 v18, v22  }
0x112: {  	v56 =	vld [tilespmem:s1+$0xFFFFFF90];
	v54 =	vperm.xlane v17, v5;
	v19 =	vmul.f32 v19, v23  }
0x113: {  	v58 =	vld [tilespmem:s1+$0xFFFFFFB0];
	v28 =	vperm.xlane v17, v7;
	v20 =	vmul.f32 v20, v26;
	[tilespmem:s1+$0xFFFFFF10] =	vst v18  }
0x114: {  	v25 =	vld [tilespmem:s1+$0xFFFFFF60];
	v52 =	vperm.xlane v17, v4;
	v24 =	vmul.f32 v24, v54;
	[tilespmem:s1+$0xFFFFFF20] =	vst v19  }
0x115: {  	v27 =	vld [tilespmem:s1+$0xFFFFFF80];
	v59 =	vperm.xlane v17, v9;
	v23 =	vmul.f32 v53, v28;
	[tilespmem:s1+$0xFFFFFF30] =	vst v20  }
0x116: {  	v63 =	vperm.xlane v17, v11;
	v18 =	vmul.f32 v21, v52;
	v19 =	vld [tilespmem:s1+$0xFFFFFFA0];
	[tilespmem:s1+$0xFFFFFF50] =	vst v24  }
0x117: {  	v61 =	vld [tilespmem:s1+$0xFFFFFFD0];
	v55 =	vperm.xlane v17, v6;
	v22 =	vmul.f32 v56, v59;
	[tilespmem:s1+$0xFFFFFF70] =	vst v23  }
0x118: {  	v57 =	vperm.xlane v17, v8;
	v32 =	vmul.f32 v58, v63;
	[tilespmem:s1+$0xFFFFFF40] =	vst v18;
	v18 =	vld [tilespmem:s1+$0xFFFFFFC0]  }
0x119: {  	v62 =	vld [tilespmem:s1+$0xFFFFFFE0];
	v60 =	vperm.xlane v17, v10;
	v21 =	vmul.f32 v25, v55;
	[tilespmem:s1+$0xFFFFFF90] =	vst v22  }
0x11a: {  	v29 =	vld [tilespmem:s1+$0xFFFFFFF0];
	v33 =	vperm.xlane v17, v13;
	v20 =	vmul.f32 v27, v57;
	[tilespmem:s1+$0xFFFFFFB0] =	vst v32  }
0x11b: {  	v31 =	vld [tilespmem:s1+$0x0];
	v30 =	vperm.xlane v17, v12;
	[tilespmem:s1+$0xFFFFFF60] =	vst v21;
	v19 =	vmul.f32 v19, v60  }
0x11c: {  	v34 =	vperm.xlane v17, v14;
	v25 =	vmul.f32 v61, v33;
	[tilespmem:s1+$0xFFFFFF80] =	vst v20  }
0x11d: {  	v18 =	vmul.f32 v18, v30;
	[tilespmem:s1+$0xFFFFFFA0] =	vst v19;
	v19 =	vperm.xlane v17, v15  }
0x11e: {  	v21 =	vmul.f32 v62, v34;
	[tilespmem:s1+$0xFFFFFFD0] =	vst v25;
	v17 =	vperm.xlane v17, v16  }
0x11f: {  	[tilespmem:s1+$0xFFFFFFC0] =	vst v18;
	v18 =	vmul.f32 v29, v19  }
0x120: {  	[tilespmem:s1+$0xFFFFFFE0] =	vst v21;
	v17 =	vmul.f32 v31, v17  }
0x121: {  	s21 =	sshra.s32 s21, $0x2;
	p2 =	seq.s32 s22, $0x34;
	[tilespmem:s1+$0xFFFFFFF0] =	vst v18  }
0x122: {  	s23 =	sadd.s32 $0xB780, s21;
	[tilespmem:s1+$0x0] =	vst v17;
	s1 =	simm.s32 @!p2 $0x5  }
0x123: {  	[spmem:s2] =	stream.indirect.scatter.add.f32 [tilespmem:s9], [sflag:$0x6], $0x10, s23, s8, $0xb8;
	[tilespmem:$0x15680] =	vst v63  }
0x124: {  	_ =	swait.ge @!p2 [sflag:s1], $0x800  }
0x125: {  	[sflag:s1] =	ssyncset.done @!p2 $0x0  }
0x126: {  	[sflag:s1] =	ssyncadd.s32 @!p2 $0xFFFFF800;
	s1 =	sshra.s32 @!p2 s14, $0x2  }
0x127: {  	s21 =	simm.s32 @!p2 $0x5000;
	v17 =	vmov s29;
	s14 =	simm.s32 @!p2 $0x80;
	s1 =	sadd.s32 @!p2 $0x6980, s1  }
0x128: {  	[tilespmem:s21], [sflag:$0x2] =	stream.indirect.gather @!p2 [spmem:s3], $0x10, s1, s14, $0xb8;
	[tilespmem:$0x15680] =	vst v63  }
0x129: {  	_ =	swait.ge [sflag:s13], $0x800  }
0x12a: {  	[sflag:s13] =	ssyncset.done $0x0  }
0x12b: {  	s25 =	simm.s32 $0x0;
	[sflag:s13] =	ssyncadd.s32 $0xFFFFF800  }
0x12c: {  	v18 =	vld.idx.msk [tilespmem:v17+s25+$0x0 ss:$0x1], $0xffff;
	_ =	sdelay $0x2  }
0x12d: {  	s1 =	simm.s32 $0x60F0  }
0x12e: {  	v19 =	vld [tilespmem:s1+$0xFFFFFF10]  }
0x12f: {  	v35 =	vld [tilespmem:s1+$0xFFFFFF20];
	v38 =	vperm.xlane v18, v1  }
0x130: {  	v36 =	vld [tilespmem:s1+$0xFFFFFF30];
	v39 =	vperm.xlane v18, v2;
	v42 =	vperm.xlane v18, v3  }
0x131: {  	v40 =	vld [tilespmem:s1+$0xFFFFFF50];
	v43 =	vperm.xlane v18, v4;
	v46 =	vperm.xlane v18, v5  }
0x132: {  	v41 =	vld [tilespmem:s1+$0xFFFFFF60];
	v47 =	vperm.xlane v18, v6;
	v29 =	vperm.xlane v18, v7  }
0x133: {  	v44 =	vld [tilespmem:s1+$0xFFFFFF70];
	v50 =	vperm.xlane v18, v8;
	v19 =	vmul.f32 v19, v38  }
0x134: {  	v37 =	vld [tilespmem:s1+$0xFFFFFF40];
	v52 =	vperm.xlane v18, v9;
	v20 =	vmul.f32 v35, v39  }
0x135: {  	v48 =	vld [tilespmem:s1+$0xFFFFFF90];
	v53 =	vperm.xlane v18, v10;
	v21 =	vmul.f32 v36, v42;
	[tilespmem:s1+$0xFFFFFF10] =	vst v19  }
0x136: {  	v51 =	vld [tilespmem:s1+$0xFFFFFFB0];
	v56 =	vperm.xlane v18, v11;
	v25 =	vmul.f32 v40, v46;
	[tilespmem:s1+$0xFFFFFF20] =	vst v20  }
0x137: {  	v54 =	vld [tilespmem:s1+$0xFFFFFFD0];
	v58 =	vperm.xlane v18, v12;
	v22 =	vmul.f32 v41, v47;
	[tilespmem:s1+$0xFFFFFF30] =	vst v21  }
0x138: {  	v59 =	vld [tilespmem:s1+$0x0];
	v61 =	vperm.xlane v18, v13;
	v24 =	vmul.f32 v44, v29;
	[tilespmem:s1+$0xFFFFFF50] =	vst v25  }
0x139: {  	v45 =	vld [tilespmem:s1+$0xFFFFFF80];
	v62 =	vperm.xlane v18, v14;
	v19 =	vmul.f32 v37, v43;
	[tilespmem:s1+$0xFFFFFF60] =	vst v22  }
0x13a: {  	v49 =	vld [tilespmem:s1+$0xFFFFFFA0];
	v63 =	vperm.xlane v18, v15;
	v23 =	vmul.f32 v48, v52;
	[tilespmem:s1+$0xFFFFFF70] =	vst v24  }
0x13b: {  	v18 =	vperm.xlane v18, v16;
	v60 =	vmul.f32 v51, v56;
	[tilespmem:s1+$0xFFFFFF40] =	vst v19;
	v19 =	vld [tilespmem:s1+$0xFFFFFFC0]  }
0x13c: {  	v55 =	vld [tilespmem:s1+$0xFFFFFFE0];
	v26 =	vmul.f32 v54, v61;
	[tilespmem:s1+$0xFFFFFF90] =	vst v23  }
0x13d: {  	v57 =	vld [tilespmem:s1+$0xFFFFFFF0];
	v18 =	vmul.f32 v59, v18;
	[tilespmem:s1+$0xFFFFFFB0] =	vst v60  }
0x13e: {  	v21 =	vmul.f32 v45, v50;
	[tilespmem:s1+$0xFFFFFFD0] =	vst v26  }
0x13f: {  	v20 =	vmul.f32 v49, v53;
	[tilespmem:s1+$0x0] =	vst v18  }
0x140: {  	[tilespmem:s1+$0xFFFFFF80] =	vst v21;
	v19 =	vmul.f32 v19, v58  }
0x141: {  	v22 =	vmul.f32 v55, v62;
	[tilespmem:s1+$0xFFFFFFA0] =	vst v20  }
0x142: {  	[tilespmem:s1+$0xFFFFFFC0] =	vst v19;
	v19 =	vmul.f32 v57, v63  }
0x143: {  	[tilespmem:s1+$0xFFFFFFE0] =	vst v22  }
0x144: {  	s21 =	simm.s32 $0x10;
	s14 =	simm.s32 $0x80;
	[tilespmem:s1+$0xFFFFFFF0] =	vst v19  }
.LBB2_9:
0x145: {  	p3 =	sne.s32 s14, $0x1C0;
	v18 =	vld.idx.msk [tilespmem:v17+s21+$0x0 ss:$0x1], $0xffff;
	s1 =	sadd.s32 $0x100, s1  }
0x146: {  	v19 =	vld [tilespmem:s1+$0xFFFFFF40]  }
0x147: {  	v20 =	vld [tilespmem:s1+$0xFFFFFF20]  }
0x148: {  	v21 =	vld [tilespmem:s1+$0xFFFFFF10]  }
0x149: {  	v22 =	vld [tilespmem:s1+$0xFFFFFF30]  }
0x14a: {  	v23 =	vld [tilespmem:s1+$0xFFFFFF80]  }
0x14b: {  	v24 =	vperm.xlane v18, v1;
	v25 =	vperm.xlane v18, v2;
	v26 =	vld [tilespmem:s1+$0xFFFFFF60]  }
0x14c: {  	v27 =	vperm.xlane v18, v3;
	v28 =	vperm.xlane v18, v4;
	v29 =	vld [tilespmem:s1+$0xFFFFFF50]  }
0x14d: {  	v20 =	vmul.f32 v20, v25;
	v21 =	vmul.f32 v21, v24;
	v24 =	vld [tilespmem:s1+$0xFFFFFF70]  }
0x14e: {  	v19 =	vmul.f32 v19, v28;
	v22 =	vmul.f32 v22, v27;
	v25 =	vld [tilespmem:s1+$0xFFFFFFC0]  }
0x14f: {  	v28 =	vperm.xlane v18, v6;
	v27 =	vperm.xlane v18, v5;
	v30 =	vld [tilespmem:s1+$0xFFFFFFA0];
	[tilespmem:s1+$0xFFFFFF10] =	vst v21  }
0x150: {  	v31 =	vperm.xlane v18, v8;
	v21 =	vperm.xlane v18, v7;
	v32 =	vld [tilespmem:s1+$0xFFFFFF90];
	[tilespmem:s1+$0xFFFFFF20] =	vst v20  }
0x151: {  	v26 =	vmul.f32 v26, v28;
	v20 =	vmul.f32 v29, v27;
	v27 =	vld [tilespmem:s1+$0xFFFFFFB0];
	[tilespmem:s1+$0xFFFFFF30] =	vst v22  }
0x152: {  	v22 =	vmul.f32 v23, v31;
	v21 =	vmul.f32 v24, v21;
	v23 =	vld [tilespmem:s1+$0xFFFFFFF0];
	[tilespmem:s1+$0xFFFFFF40] =	vst v19  }
0x153: {  	v19 =	vperm.xlane v18, v9;
	v24 =	vperm.xlane v18, v10;
	v28 =	vld [tilespmem:s1+$0xFFFFFFE0];
	[tilespmem:s1+$0xFFFFFF50] =	vst v20  }
0x154: {  	v29 =	vperm.xlane v18, v12;
	v20 =	vperm.xlane v18, v11;
	v31 =	vld [tilespmem:s1+$0xFFFFFFD0];
	[tilespmem:s1+$0xFFFFFF60] =	vst v26  }
0x155: {  	v24 =	vmul.f32 v30, v24;
	v19 =	vmul.f32 v32, v19;
	v26 =	vld [tilespmem:s1+$0x0];
	[tilespmem:s1+$0xFFFFFF70] =	vst v21  }
0x156: {  	v21 =	vmul.f32 v25, v29;
	v20 =	vmul.f32 v27, v20;
	[tilespmem:s1+$0xFFFFFF80] =	vst v22  }
0x157: {  	v25 =	vperm.xlane v18, v14;
	v22 =	vperm.xlane v18, v13;
	[tilespmem:s1+$0xFFFFFF90] =	vst v19  }
0x158: {  	v19 =	vperm.xlane v18, v15;
	v18 =	vperm.xlane v18, v16;
	[tilespmem:s1+$0xFFFFFFA0] =	vst v24  }
0x159: {  	v24 =	vmul.f32 v28, v25;
	v22 =	vmul.f32 v31, v22;
	[tilespmem:s1+$0xFFFFFFB0] =	vst v20  }
.Ltmp3:
0x15a: {  	v19 =	vmul.f32 v23, v19;
	v18 =	vmul.f32 v26, v18;
	[tilespmem:s1+$0xFFFFFFC0] =	vst v21;
	(pc) =	sbr.rel @p3 .LBB2_9-.Ltmp3, $4  }
0x15b: {  	[tilespmem:s1+$0xFFFFFFD0] =	vst v22  }
0x15c: {  	[tilespmem:s1+$0xFFFFFFE0] =	vst v24  }
0x15d: {  	[tilespmem:s1+$0xFFFFFFF0] =	vst v19  }
0x15e: {  	s21 =	sshra.s32 s14, $0x2;
	s14 =	sadd.s32 $0x40, s14;
	[tilespmem:s1+$0x0] =	vst v18  }
0x15f: {  	_ =	sdelay $0x3  }
0x160: {  	v17 =	vld.idx.msk [tilespmem:v17+s21+$0x0 ss:$0x1], $0xffff  }
0x161: {  	s1 =	sadd.s32 $0x100, s1  }
0x162: {  	v18 =	vld [tilespmem:s1+$0xFFFFFF10]  }
0x163: {  	v19 =	vld [tilespmem:s1+$0xFFFFFF20]  }
0x164: {  	v20 =	vld [tilespmem:s1+$0xFFFFFF30]  }
0x165: {  	v24 =	vld [tilespmem:s1+$0xFFFFFF50];
	v22 =	vperm.xlane v17, v1  }
0x166: {  	v47 =	vld [tilespmem:s1+$0xFFFFFF70];
	v23 =	vperm.xlane v17, v2  }
0x167: {  	v21 =	vld [tilespmem:s1+$0xFFFFFF40];
	v26 =	vperm.xlane v17, v3;
	v18 =	vmul.f32 v18, v22  }
0x168: {  	v50 =	vld [tilespmem:s1+$0xFFFFFF90];
	v48 =	vperm.xlane v17, v5;
	v19 =	vmul.f32 v19, v23  }
0x169: {  	v52 =	vld [tilespmem:s1+$0xFFFFFFB0];
	v28 =	vperm.xlane v17, v7;
	v20 =	vmul.f32 v20, v26;
	[tilespmem:s1+$0xFFFFFF10] =	vst v18  }
0x16a: {  	v25 =	vld [tilespmem:s1+$0xFFFFFF60];
	v46 =	vperm.xlane v17, v4;
	v24 =	vmul.f32 v24, v48;
	[tilespmem:s1+$0xFFFFFF20] =	vst v19  }
0x16b: {  	v27 =	vld [tilespmem:s1+$0xFFFFFF80];
	v53 =	vperm.xlane v17, v9;
	v23 =	vmul.f32 v47, v28;
	[tilespmem:s1+$0xFFFFFF30] =	vst v20  }
0x16c: {  	v57 =	vperm.xlane v17, v11;
	v18 =	vmul.f32 v21, v46;
	v19 =	vld [tilespmem:s1+$0xFFFFFFA0];
	[tilespmem:s1+$0xFFFFFF50] =	vst v24  }
0x16d: {  	v55 =	vld [tilespmem:s1+$0xFFFFFFD0];
	v49 =	vperm.xlane v17, v6;
	v22 =	vmul.f32 v50, v53;
	[tilespmem:s1+$0xFFFFFF70] =	vst v23  }
0x16e: {  	v51 =	vperm.xlane v17, v8;
	v61 =	vmul.f32 v52, v57;
	[tilespmem:s1+$0xFFFFFF40] =	vst v18;
	v18 =	vld [tilespmem:s1+$0xFFFFFFC0]  }
0x16f: {  	v56 =	vld [tilespmem:s1+$0xFFFFFFE0];
	v54 =	vperm.xlane v17, v10;
	v21 =	vmul.f32 v25, v49;
	[tilespmem:s1+$0xFFFFFF90] =	vst v22  }
0x170: {  	v58 =	vld [tilespmem:s1+$0xFFFFFFF0];
	v62 =	vperm.xlane v17, v13;
	v20 =	vmul.f32 v27, v51;
	[tilespmem:s1+$0xFFFFFFB0] =	vst v61  }
0x171: {  	v60 =	vld [tilespmem:s1+$0x0];
	v59 =	vperm.xlane v17, v12;
	[tilespmem:s1+$0xFFFFFF60] =	vst v21;
	v19 =	vmul.f32 v19, v54  }
0x172: {  	v63 =	vperm.xlane v17, v14;
	v25 =	vmul.f32 v55, v62;
	[tilespmem:s1+$0xFFFFFF80] =	vst v20  }
0x173: {  	v18 =	vmul.f32 v18, v59;
	[tilespmem:s1+$0xFFFFFFA0] =	vst v19;
	v19 =	vperm.xlane v17, v15  }
0x174: {  	v21 =	vmul.f32 v56, v63;
	[tilespmem:s1+$0xFFFFFFD0] =	vst v25;
	v17 =	vperm.xlane v17, v16  }
.Ltmp4:
0x175: {  	[tilespmem:s1+$0xFFFFFFC0] =	vst v18;
	v18 =	vmul.f32 v58, v19;
	(pc) =	sbr.rel @p2 .LBB2_12-.Ltmp4, $4  }
0x176: {  	[tilespmem:s1+$0xFFFFFFE0] =	vst v21;
	v17 =	vmul.f32 v60, v17  }
0x177: {  	[tilespmem:s1+$0xFFFFFFF0] =	vst v18  }
0x178: {  	s25 =	sadd.s32 $0xB780, s15;
	[tilespmem:s1+$0x0] =	vst v17  }
0x179: {  	[spmem:s2] =	stream.indirect.scatter.add.f32 [tilespmem:s11], [sflag:$0x7], $0x10, s25, s8, $0xb8;
	[tilespmem:$0x15680] =	vst v63  }
.Ltmp5:
0x17a: {  	(pc) =	sbr.rel .LBB2_4-.Ltmp5, $4  }
0x17b: {  	_ =	swait.ge [sflag:s0], $0x800;
	s1 =	sadd.s32 $0x6A00, s4  }
0x17c: {  	s22 =	sadd.s32 $0x1, s22;
	s24 =	sadd.s32 $0x180, s24;
	[sflag:s0] =	ssyncset.done $0x0  }
0x17d: {  	s26 =	sadd.s32 $0x180, s26;
	s29 =	sadd.s32 $0x180, s29;
	[sflag:s0] =	ssyncadd.s32 $0xFFFFF800  }
0x17e: {  	[tilespmem:s9], [sflag:$0x3] =	stream.indirect.gather [spmem:s3], $0x10, s1, s8, $0xb8;
	[tilespmem:$0x15680] =	vst v63  }
.LBB2_12:
0x17f: {  	s1 =	simm.s32 $0x5  }
0x180: {  	_ =	swait.ge [sflag:s1], $0x800  }
0x181: {  	[sflag:s1] =	ssyncset.done $0x0  }
0x182: {  	[sflag:s1] =	ssyncadd.s32 $0xFFFFF800  }
0x183: {  	_ =	swait.ge [sflag:s0], $0x800  }
0x184: {  	[sflag:s0] =	ssyncset.done $0x0  }
0x185: {  	s29 =	simm.s32 $0x7;
	[sflag:s0] =	ssyncadd.s32 $0xFFFFF800  }
0x186: {  	_ =	swait.ge [sflag:s29], $0x800  }
0x187: {  	[sflag:s29] =	ssyncset.done $0x0  }
0x188: {  	[sflag:s29] =	ssyncadd.s32 $0xFFFFF800  }
0x189: {  	s4 =	simm.s32 $0x0;
	s24 =	simm.s32 $0x6800;
	[bflag:$0x0] =	sbarrier.arrive $0xFFFF  }
.LBB2_13:
0x18a: {  	s1 =	sshll.u32 s4, $0x7  }
0x18b: {  	s14 =	sadd.s32 s31, s1  }
0x18c: {  	s1 =	sshll.u32 s14, $0x4  }
0x18d: {  	s1 =	sand.u32 $0x3FFFFFF0, s1  }
0x18e: {  	s1 =	sadd.s32 s1, s2  }
0x18f: {  	[tilespmem:s5], [sflag:$0x8] =	stream.linear.gather [spmem:s1], $0x800, $0x38;
	[tilespmem:$0x15680] =	vst v63  }
0x190: {  	_ =	swait.ge [sflag:s16], $0x800  }
0x191: {  	[sflag:s16] =	ssyncset.done $0x0  }
0x192: {  	s15 =	simm.s32 $0x0;
	[sflag:s16] =	ssyncadd.s32 $0xFFFFF800  }
0x193: {  	v18 =	vld [tilespmem:s15+$0x5000]  }
0x194: {  	v22 =	vld [tilespmem:s15+$0x5010]  }
0x195: {  	v21 =	vld [tilespmem:s15+$0x5020]  }
0x196: {  	v19 =	vld [tilespmem:s15+$0x5030]  }
0x197: {  	v20 =	vld [tilespmem:s15+$0x5040]  }
0x198: {  	v17 =	vld [tilespmem:s15+$0x5050];
	v23 =	vadd.f32 v18, v18  }
0x199: {  	s1 =	simm.s32 $0x200;
	v22 =	vadd.f32 v22, v22;
	v18 =	vld [tilespmem:s15+$0x5060]  }
.LBB2_14:
0x19a: {  	p2 =	sne.s32 s1, $0x1E00;
	v23 =	vmul.f32 $1.442695020e+00, v23;
	v21 =	vadd.f32 v21, v21;
	v24 =	vld [tilespmem:s15+$0x5070]  }
0x19b: {  	v22 =	vmul.f32 $1.442695020e+00, v22;
	v19 =	vadd.f32 v19, v19  }
0x19c: {  	v21 =	vmul.f32 $1.442695020e+00, v21;
	v20 =	vadd.f32 v20, v20;
	(erf) = vpow2.f32 v23  }
0x19d: {  	v19 =	vmul.f32 $1.442695020e+00, v19;
	v17 =	vadd.f32 v17, v17;
	(erf) = vpow2.f32 v22  }
0x19e: {  	v20 =	vmul.f32 $1.442695020e+00, v20;
	v18 =	vadd.f32 v18, v18;
	(erf) = vpow2.f32 v21  }
0x19f: {  	v17 =	vmul.f32 $1.442695020e+00, v17;
	v21 =	vadd.f32 v24, v24;
	(erf) = vpow2.f32 v19  }
0x1a0: {  	v18 =	vmul.f32 $1.442695020e+00, v18;
	(erf) = vpow2.f32 v20  }
0x1a1: {  	v19 =	vmul.f32 $1.442695020e+00, v21;
	(erf) = vpow2.f32 v17  }
0x1a2: {  	(erf) = vpow2.f32 v18  }
0x1a3: {  	(erf) = vpow2.f32 v19;
	_ =	sdelay $0x1  }
0x1a4: {  	v17 =	vpop (erf)  }
0x1a5: {  	v20 =	vadd.f32 $1.000000000e+00, v17;
	v18 =	vpop (erf)  }
0x1a6: {  	v21 =	vadd.f32 $1.000000000e+00, v18;
	v19 =	vpop (erf)  }
0x1a7: {  	v22 =	vadd.f32 $1.000000000e+00, v19;
	(erf) = vrcp.f32 v20;
	v17 =	vpop (erf)  }
0x1a8: {  	v20 =	vadd.f32 $1.000000000e+00, v17;
	(erf) = vrcp.f32 v21;
	v18 =	vpop (erf)  }
0x1a9: {  	v21 =	vadd.f32 $1.000000000e+00, v18;
	(erf) = vrcp.f32 v22;
	v19 =	vpop (erf)  }
0x1aa: {  	v19 =	vadd.f32 $1.000000000e+00, v19;
	(erf) = vrcp.f32 v20;
	v17 =	vpop (erf)  }
0x1ab: {  	v17 =	vadd.f32 $1.000000000e+00, v17;
	(erf) = vrcp.f32 v21;
	v18 =	vpop (erf)  }
0x1ac: {  	v18 =	vadd.f32 $1.000000000e+00, v18;
	(erf) = vrcp.f32 v19  }
0x1ad: {  	(erf) = vrcp.f32 v17  }
0x1ae: {  	(erf) = vrcp.f32 v18;
	_ =	sdelay $0x1  }
0x1af: {  	v17 =	vpop (erf)  }
0x1b0: {  	v17 =	vadd.f32 v17, v17;
	v18 =	vpop (erf)  }
0x1b1: {  	v18 =	vadd.f32 v18, v18;
	v19 =	vpop (erf)  }
0x1b2: {  	v17 =	vsub.f32 $1.000000000e+00, v17;
	v19 =	vadd.f32 v19, v19;
	v20 =	vpop (erf)  }
0x1b3: {  	v18 =	vsub.f32 $1.000000000e+00, v18;
	v20 =	vadd.f32 v20, v20;
	v21 =	vpop (erf)  }
0x1b4: {  	s21 =	sshra.s32 s1, $0x2;
	[tilespmem:s15+$0x5000] =	vst v17;
	v17 =	vsub.f32 $1.000000000e+00, v19;
	v25 =	vadd.f32 v21, v21;
	v21 =	vpop (erf)  }
0x1b5: {  	v22 =	vld [tilespmem:s21+$0x5000];
	[tilespmem:s15+$0x5010] =	vst v18;
	v18 =	vsub.f32 $1.000000000e+00, v20;
	v20 =	vadd.f32 v21, v21;
	v21 =	vpop (erf)  }
0x1b6: {  	v24 =	vld [tilespmem:s21+$0x5010];
	[tilespmem:s15+$0x5020] =	vst v17;
	v17 =	vsub.f32 $1.000000000e+00, v25;
	v23 =	vadd.f32 v21, v21;
	v19 =	vpop (erf)  }
.Ltmp6:
0x1b7: {  	v21 =	vld [tilespmem:s21+$0x5020];
	[tilespmem:s15+$0x5030] =	vst v18;
	v18 =	vsub.f32 $1.000000000e+00, v20;
	v25 =	vadd.f32 v19, v19;
	(pc) =	sbr.rel @p2 .LBB2_14-.Ltmp6, $4  }
0x1b8: {  	v19 =	vld [tilespmem:s21+$0x5030];
	[tilespmem:s15+$0x5040] =	vst v17;
	v26 =	vsub.f32 $1.000000000e+00, v23  }
0x1b9: {  	v20 =	vld [tilespmem:s21+$0x5040];
	[tilespmem:s15+$0x5050] =	vst v18;
	v25 =	vsub.f32 $1.000000000e+00, v25  }
0x1ba: {  	v23 =	vadd.f32 v22, v22;
	v17 =	vld [tilespmem:s21+$0x5050];
	[tilespmem:s15+$0x5060] =	vst v26  }
0x1bb: {  	s1 =	sadd.s32 $0x200, s1;
	v22 =	vadd.f32 v24, v24;
	v18 =	vld [tilespmem:s21+$0x5060];
	[tilespmem:s15+$0x5070] =	vst v25;
	s15 =	smov.u32 s21  }
0x1bc: {  	v23 =	vmul.f32 $1.442695020e+00, v23  }
0x1bd: {  	v22 =	vmul.f32 $1.442695020e+00, v22  }
0x1be: {  	v21 =	vadd.f32 v21, v21;
	(erf) = vpow2.f32 v23  }
0x1bf: {  	v19 =	vadd.f32 v19, v19;
	(erf) = vpow2.f32 v22  }
0x1c0: {  	v24 =	vld [tilespmem:s15+$0x5070];
	v21 =	vmul.f32 $1.442695020e+00, v21;
	v20 =	vadd.f32 v20, v20  }
0x1c1: {  	v19 =	vmul.f32 $1.442695020e+00, v19;
	v17 =	vadd.f32 v17, v17  }
0x1c2: {  	v20 =	vmul.f32 $1.442695020e+00, v20;
	v18 =	vadd.f32 v18, v18;
	(erf) = vpow2.f32 v21  }
0x1c3: {  	v17 =	vmul.f32 $1.442695020e+00, v17;
	(erf) = vpow2.f32 v19  }
0x1c4: {  	v18 =	vmul.f32 $1.442695020e+00, v18;
	(erf) = vpow2.f32 v20  }
0x1c5: {  	v56 =	vadd.f32 v24, v24;
	_ =	sdelay $0x1  }
0x1c6: {  	v19 =	vmul.f32 $1.442695020e+00, v56;
	(erf) = vpow2.f32 v17;
	v17 =	vpop (erf)  }
0x1c7: {  	(erf) = vpow2.f32 v18;
	v17 =	vadd.f32 $1.000000000e+00, v17;
	v18 =	vpop (erf)  }
0x1c8: {  	(erf) = vpow2.f32 v19;
	v18 =	vadd.f32 $1.000000000e+00, v18;
	_ =	sdelay $0x1  }
0x1c9: {  	v19 =	vpop (erf)  }
0x1ca: {  	v19 =	vadd.f32 $1.000000000e+00, v19;
	(erf) = vrcp.f32 v17;
	v17 =	vpop (erf)  }
0x1cb: {  	(erf) = vrcp.f32 v18;
	v17 =	vadd.f32 $1.000000000e+00, v17;
	v18 =	vpop (erf)  }
0x1cc: {  	v18 =	vadd.f32 $1.000000000e+00, v18;
	_ =	sdelay $0x1  }
0x1cd: {  	(erf) = vrcp.f32 v19;
	v19 =	vpop (erf)  }
0x1ce: {  	v19 =	vadd.f32 $1.000000000e+00, v19;
	(erf) = vrcp.f32 v17;
	v17 =	vpop (erf)  }
0x1cf: {  	(erf) = vrcp.f32 v18;
	v17 =	vadd.f32 $1.000000000e+00, v17;
	v18 =	vpop (erf)  }
0x1d0: {  	(erf) = vrcp.f32 v19;
	v18 =	vadd.f32 $1.000000000e+00, v18  }
0x1d1: {  	(erf) = vrcp.f32 v17  }
0x1d2: {  	(erf) = vrcp.f32 v18;
	_ =	sdelay $0x1  }
0x1d3: {  	v17 =	vpop (erf)  }
0x1d4: {  	v17 =	vadd.f32 v17, v17;
	v18 =	vpop (erf)  }
0x1d5: {  	v18 =	vadd.f32 v18, v18;
	v19 =	vpop (erf)  }
0x1d6: {  	v17 =	vsub.f32 $1.000000000e+00, v17;
	v19 =	vadd.f32 v19, v19;
	v57 =	vpop (erf)  }
0x1d7: {  	v18 =	vsub.f32 $1.000000000e+00, v18;
	v20 =	vadd.f32 v57, v57;
	v58 =	vpop (erf)  }
0x1d8: {  	[tilespmem:s15+$0x5000] =	vst v17;
	v17 =	vsub.f32 $1.000000000e+00, v19;
	v19 =	vadd.f32 v58, v58;
	v59 =	vpop (erf)  }
0x1d9: {  	[tilespmem:s15+$0x5010] =	vst v18;
	v18 =	vsub.f32 $1.000000000e+00, v20;
	v60 =	vadd.f32 v59, v59;
	v61 =	vpop (erf)  }
0x1da: {  	[tilespmem:s15+$0x5020] =	vst v17;
	v17 =	vsub.f32 $1.000000000e+00, v19;
	v19 =	vadd.f32 v61, v61;
	v62 =	vpop (erf)  }
0x1db: {  	[tilespmem:s15+$0x5030] =	vst v18;
	v18 =	vsub.f32 $1.000000000e+00, v60;
	v63 =	vadd.f32 v62, v62  }
0x1dc: {  	[tilespmem:s15+$0x5040] =	vst v17;
	v17 =	vsub.f32 $1.000000000e+00, v19  }
0x1dd: {  	s4 =	sadd.s32 $0x1, s4;
	[tilespmem:s15+$0x5050] =	vst v18;
	v18 =	vsub.f32 $1.000000000e+00, v63  }
0x1de: {  	s1 =	sshll.u32 s14, $0x2;
	p2 =	sne.s32 s4, $0x5;
	[tilespmem:s15+$0x5060] =	vst v17  }
.Ltmp7:
0x1df: {  	s1 =	sadd.s32 s1, s18;
	[tilespmem:s15+$0x5070] =	vst v18;
	(pc) =	sbr.rel @p2 .LBB2_13-.Ltmp7, $4  }
0x1e0: {  	[hbm4b:s1+s17] =	stream.strided.scatter [tilespmem:s5], [sflag:$0x8], $0x800, s19, s17, $0x38;
	[tilespmem:$0x15680] =	vst v63  }
0x1e1: {  	_ =	swait.ge [sflag:s16], $0x800  }
0x1e2: {  	[sflag:s16] =	ssyncset.done $0x0  }
0x1e3: {  	[sflag:s16] =	ssyncadd.s32 $0xFFFFF800  }
0x1e4: {  	s20 =	sadd.s32 $0x1, s20;
	s1 =	rddreg [dreg:$0x12]  }
0x1e5: {  	p2 =	sne.s32 s20, s1  }
.Ltmp8:
0x1e6: {  	_ = 	snop;
	(pc) =	sbr.rel @p2 .LBB2_1-.Ltmp8, $1  }
0x1e7: {  	_ =	sdelay $0x3  }
0x1e8: {  	_ =	sfence.sel $0x180000  }
0x1e9: {  	[bflag:$0x0] =	sbarrier.arrive $0xFFFF  }
0x1ea: {  	_ =	strace $0x9000004A  }
0x1eb: {  	s0 =	stileid.u32;
	[bflag:$0x2] =	sbarrier.arrive $0xFFFF  }
0x1ec: {  	p0 =	sne.s32 s0, $0x0;
	s0 =	rddreg [dreg:$0x4]  }
0x1ed: {  	s0 =	sadd.s32 @!p0 $0x100000, s0  }
0x1ee: {  	[sflag:s0] =	ssyncadd.tile.s32 @!p0 $0x1;
	_ =	shalt  }
.Lfunc_end2:
_tile_overlayer_lowered:
.L_overlay_start_2:
0x1ef: {  	(tag) =	ssettag $0x2  }
0x1f0: {  	s0 =	rddreg [dreg:$0x0];
	s2 =	stileid.u32  }
0x1f1: {  	s1 =	rddreg [dreg:$0x1];
	p0 =	sne.s32 s2, $0x0  }
0x1f2: {  	s3 =	rddreg [dreg:$0x2];
	[bflag:$0x3] =	sbarrier.arrive $0xFFFF;
	s2 =	simm.s32 @!p0 $0x1C08  }
0x1f3: {  	[timem:s3], [sflag:s2] =	dma.local @!p0 [hbm:s0], s1  }
0x1f4: {  	s0 =	simm.s32 @!p0 $0x8  }
0x1f5: {  	_ =	swait.ge @!p0 [sflag:s0], s1  }
0x1f6: {  	s1 =	ssub.s32 @!p0 $0x0, s1;
	[sflag:s0] =	ssyncset.done @!p0 $0x0  }
0x1f7: {  	[sflag:s0] =	ssyncadd.s32 @!p0 s1  }
0x1f8: {  	[bflag:$0x3] =	sbarrier.arrive $0xFFFF  }
0x1f9: {  	_ =	shalt  }

</sc_bundles>
